<compile_context>
chip_gen: v7x
topology: tpu7x:2x2x1
jax: 0.10.2.dev20260603
libtpu: 0.0.44.dev20260713+nightly
codegen_flags: <defaults>
</compile_context>

<pallas_src>
import functools

import jax
import jax.numpy as jnp
from jax import lax
from jax.experimental import pallas as pl
from jax.experimental.pallas import tpu as pltpu
from jax.experimental.pallas import tpu_sc as plsc

_NC = 2
_NS = 16
_NW = _NC * _NS
_CHUNK = 80
_LANES = 16


def _proj_body(h_ref, w1_ref, b1_ref, w2_ref, q_ref):
    w2 = w2_ref[...]
    wc = jnp.dot(w2, w1_ref[...], preferred_element_type=jnp.float32)
    bc = jnp.dot(b1_ref[...], w2.T, preferred_element_type=jnp.float32)
    h16 = h_ref[...].astype(jnp.bfloat16)
    q_ref[...] = (
        jnp.dot(h16, wc.T.astype(jnp.bfloat16),
                preferred_element_type=jnp.float32)
        + bc
    )


def _project(hidden, w1, b1r, w2):
    n, h = hidden.shape
    s = w1.shape[0]
    br = 2000
    return pl.pallas_call(
        _proj_body,
        grid=(n // br,),
        in_specs=[
            pl.BlockSpec((br, h), lambda i: (i, 0)),
            pl.BlockSpec((s, h), lambda i: (0, 0)),
            pl.BlockSpec((1, s), lambda i: (0, 0)),
            pl.BlockSpec((s, s), lambda i: (0, 0)),
        ],
        out_specs=pl.BlockSpec((br, s), lambda i: (i, 0)),
        out_shape=jax.ShapeDtypeStruct((n, s), jnp.float32),
    )(hidden, w1, b1r, w2)


@functools.partial(jax.jit, static_argnums=(3, 4, 5, 6))
def _sc_pool_call(q, idx_prep, b2, n, npad, k, s):
    bw = npad // _NW
    nchunks = bw // _CHUNK
    rem = n - (_NW - 1) * bw
    mesh = plsc.VectorSubcoreMesh(core_axis_name="c", subcore_axis_name="s")
    inv = 1.0 / k

    @functools.partial(
        pl.kernel,
        out_type=jax.ShapeDtypeStruct((n, s), jnp.float32),
        mesh=mesh,
        scratch_types=[
            pltpu.VMEM((k * nchunks, _CHUNK), jnp.int32),
            pltpu.VMEM((bw, s), jnp.float32),
            pltpu.VMEM((bw, s), jnp.float32),
            pltpu.VMEM((bw, s), jnp.float32),
            pltpu.VMEM((s,), jnp.float32),
            pltpu.VMEM_SHARED((q.shape[0], s), jnp.float32),
            pltpu.SemaphoreType.DMA,
            pltpu.SemaphoreType.DMA,
        ],
        compiler_params=pltpu.CompilerParams(use_tc_tiling_on_sc=False),
    )
    def sc_pool(q_hbm, idx_hbm, b2_hbm, out_hbm, idx_v, acc_v,
                rows_a, rows_b, b2_v, q_sp, sem_a, sem_b):
        cid = lax.axis_index("c")
        sid = lax.axis_index("s")
        wid = sid * _NC + cid
        base = wid * bw

        @pl.when(sid == 0)
        def _():
            pltpu.sync_copy(q_hbm, q_sp)

        pltpu.sync_copy(idx_hbm.at[wid], idx_v)
        pltpu.sync_copy(b2_hbm, b2_v)
        plsc.subcore_barrier()

        bufs = (rows_a, rows_b)
        sems = (sem_a, sem_b)

        def fire(kk, dst, sem):
            return [
                pltpu.async_copy(
                    q_sp.at[idx_v.at[kk * nchunks + j]],
                    dst.at[pl.ds(j * _CHUNK, _CHUNK)],
                    sem,
                )
                for j in range(nchunks)
            ]

        def accum(src):
            @plsc.parallel_loop(0, bw, unroll=8)
            def _(a):
                for h2 in range(s // _LANES):
                    sl = pl.ds(h2 * _LANES, _LANES)
                    plsc.addupdate(acc_v.at[a, sl], src[a, sl])

        d0 = fire(0, acc_v, sem_a)
        d1 = fire(1, rows_b, sem_b)
        for d in d0:
            d.wait()
        prev = d1
        for kk in range(2, k + 1):
            cur = None
            if kk < k:
                cur = fire(kk, bufs[kk % 2], sems[kk % 2])
            for d in prev:
                d.wait()
            accum(bufs[(kk - 1) % 2])
            prev = cur

        @plsc.parallel_loop(0, bw, unroll=8)
        def _(a):
            for h2 in range(s // _LANES):
                sl = pl.ds(h2 * _LANES, _LANES)
                v = acc_v[a, sl] * inv + b2_v[sl]
                rows_a[a, sl] = jnp.maximum(v, 0.0)

        @pl.when(wid < _NW - 1)
        def _():
            pltpu.sync_copy(rows_a, out_hbm.at[pl.ds(base, bw)])

        @pl.when(wid == _NW - 1)
        def _():
            pltpu.sync_copy(
                rows_a.at[pl.ds(0, rem)],
                out_hbm.at[pl.ds((_NW - 1) * bw, rem)],
            )

    return sc_pool(q, idx_prep, b2)


def kernel(hidden_states, neighbor_indices, W1, b1, W2, b2):
    n, _ = hidden_states.shape
    k = neighbor_indices.shape[1]
    s = W1.shape[0]
    bw = -(-(-(-n // _NW)) // _CHUNK) * _CHUNK
    npad = bw * _NW

    q = _project(hidden_states, W1, b1.reshape(1, s), W2)

    idx = neighbor_indices.astype(jnp.int32)
    idx = jnp.pad(idx, ((0, npad - n), (0, 0)))
    idx_prep = (
        idx.T.reshape(k, _NW, bw)
        .transpose(1, 0, 2)
        .reshape(_NW, k * (bw // _CHUNK), _CHUNK)
    )
    return _sc_pool_call(q, idx_prep, b2, n, npad, k, s)

# --- scband reference (transcript-rebuilt; emitter-appended) ---
"""Pipeline reference for scband-social-pooling-58591943852123 (READ-ONLY COPY).

The authoritative reference and input builder live on the scoring server;
editing this copy changes nothing except your own understanding.
"""

import jax, jax.numpy as jnp
import numpy as np

N = 10000
K = 16
HIDDEN_DIM = 128
SOCIAL_DIM = 32


def setup_inputs(seed: int = 0) -> dict:
    key = jax.random.key(seed)
    k1, k2, k3, k4, k5, k6 = jax.random.split(key, 6)
    hidden_states = jax.random.normal(k1, (N, HIDDEN_DIM), dtype=jnp.float32)
    neighbor_indices = jax.random.randint(k2, (N, K), 0, N, dtype=jnp.int64) if jax.config.jax_enable_x64 else jax.random.randint(k2, (N, K), 0, N).astype(jnp.int32)
    # neighbor_proj: Linear(hidden_dim, social_dim)
    bound1 = 1.0 / np.sqrt(HIDDEN_DIM)
    W1 = jax.random.uniform(k3, (SOCIAL_DIM, HIDDEN_DIM), minval=-bound1, maxval=bound1, dtype=jnp.float32)
    b1 = jax.random.uniform(k4, (SOCIAL_DIM,), minval=-bound1, maxval=bound1, dtype=jnp.float32)
    # proj: Linear(social_dim, social_dim)
    bound2 = 1.0 / np.sqrt(SOCIAL_DIM)
    W2 = jax.random.uniform(k5, (SOCIAL_DIM, SOCIAL_DIM), minval=-bound2, maxval=bound2, dtype=jnp.float32)
    b2 = jax.random.uniform(k6, (SOCIAL_DIM,), minval=-bound2, maxval=bound2, dtype=jnp.float32)
    return {"hidden_states": hidden_states, "neighbor_indices": neighbor_indices, "W1": W1, "b1": b1, "W2": W2, "b2": b2}


def reference(hidden_states, neighbor_indices, W1, b1, W2, b2):
    num_agents = hidden_states.shape[0]
    k = neighbor_indices.shape[1]
    # projected neighbor features
    projected_hidden = hidden_states @ W1.T + b1
    # build dense adjacency via scatter-add (duplicates accumulate, matching sparse_coo to_dense)
    dst = jnp.repeat(jnp.arange(num_agents, dtype=neighbor_indices.dtype), k)
    src = neighbor_indices.reshape(-1)
    adjacency = jnp.zeros((num_agents, num_agents), dtype=jnp.float32).at[dst, src].add(1.0)
    counts = adjacency.sum(axis=1, keepdims=True)
    pooled_sum = adjacency @ projected_hidden
    pooled = jnp.where(counts > 0, pooled_sum / jnp.maximum(counts, 1.0), jnp.zeros_like(pooled_sum))
    social_features = jax.nn.relu(pooled @ W2.T + b2)
    return social_features

if __name__ == "__main__":
    import jax
    _d = setup_inputs()
    print(jax.jit(kernel)(*tuple(_d.values())))

</pallas_src>

<mosaic_0001>
#map = affine_map<(d0, d1) -> (0, 0)>
#map1 = affine_map<(d0, d1) -> (0, 0, 0)>
#map2 = affine_map<(d0, d1) -> (0)>
module attributes {stable_mosaic.version = 14 : i64} {
  func.func @sc_pool(%arg0: i32, %arg1: i32, %arg2: memref<10000x32xf32, #tpu.memory_space<hbm>>, %arg3: memref<32x64x80xi32, #tpu.memory_space<hbm>>, %arg4: memref<32xf32, #tpu.memory_space<hbm>>, %arg5: memref<10000x32xf32, #tpu.memory_space<hbm>>, %arg6: memref<64x80xi32, #tpu.memory_space<vmem>>, %arg7: memref<320x32xf32, #tpu.memory_space<vmem>>, %arg8: memref<320x32xf32, #tpu.memory_space<vmem>>, %arg9: memref<320x32xf32, #tpu.memory_space<vmem>>, %arg10: memref<32xf32, #tpu.memory_space<vmem>>, %arg11: memref<10000x32xf32, #tpu.memory_space<vmem_shared>>, %arg12: memref<!tpu.dma_semaphore, #tpu.memory_space<semaphore_mem>>, %arg13: memref<!tpu.dma_semaphore, #tpu.memory_space<semaphore_mem>>) attributes {dimension_semantics = [#tpu.dimension_semantics<core_parallel>, #tpu.dimension_semantics<subcore_parallel>], iteration_bounds = array<i64: 2, 16>, scalar_prefetch = 0 : i64, scratch_operands = 8 : i64, tpu.core_type = #tpu.core_type<sc_vector_subcore>, window_params = [{transform_indices = #map}, {transform_indices = #map1}, {transform_indices = #map2}, {transform_indices = #map}]} {
    %mul3A = arith.constant 2 : i32
    %mul3A_0 = arith.muli %arg1, %mul3A : i32
    %add3A = arith.addi %mul3A_0, %arg0 : i32
    %mul3A_1 = arith.constant 320 : i32
    %mul3A_2 = arith.muli %add3A, %mul3A_1 : i32
    %eq3A = arith.constant 0 : i32
    %eq3A_3 = arith.cmpi eq, %arg1, %eq3A : i32
    %convert_element_type3A = arith.extui %eq3A_3 : i1 to i32
    %cond3A = arith.constant 0 : i32
    %cond3A_4 = arith.cmpi ne, %convert_element_type3A, %cond3A : i32
    scf.if %cond3A_4 {
      "tpu.region"() ({
        %run_scoped3A = tpu.sem_alloc : memref<!tpu.dma_semaphore, #tpu.memory_space<semaphore_mem>>
        tpu.enqueue_dma source(%arg2 : memref<10000x32xf32, #tpu.memory_space<hbm>>) target(%arg11 : memref<10000x32xf32, #tpu.memory_space<vmem_shared>>) target_semaphore(%run_scoped3A : memref<!tpu.dma_semaphore, #tpu.memory_space<semaphore_mem>>)
        tpu.wait_dma2 semaphore(%run_scoped3A : memref<!tpu.dma_semaphore, #tpu.memory_space<semaphore_mem>>) src(%arg2 : memref<10000x32xf32, #tpu.memory_space<hbm>>) dst(%arg11 : memref<10000x32xf32, #tpu.memory_space<vmem_shared>>)
        tpu.yield
      }) : () -> ()
    } else {
    }
    "tpu.region"() ({
      %run_scoped3A = tpu.sem_alloc : memref<!tpu.dma_semaphore, #tpu.memory_space<semaphore_mem>>
      %dma_start3A_1339 = arith.constant 0 : i32
      %dma_start3A_1340 = arith.constant 0 : i32
      %dma_start3A_1341 = tpu.memref_slice %arg3[%add3A, %dma_start3A_1339, %dma_start3A_1340] : memref<32x64x80xi32, #tpu.memory_space<hbm>> -> memref<1x64x80xi32, #tpu.memory_space<hbm>>
      %dma_start3A_1342 = tpu.memref_squeeze %dma_start3A_1341 : memref<1x64x80xi32, #tpu.memory_space<hbm>> -> memref<64x80xi32, #tpu.memory_space<hbm>>
      %dma_start3A_1343 = arith.constant 0 : i32
      %dma_start3A_1344 = arith.constant 0 : i32
      %dma_start3A_1345 = tpu.memref_slice %arg3[%add3A, %dma_start3A_1343, %dma_start3A_1344] : memref<32x64x80xi32, #tpu.memory_space<hbm>> -> memref<1x64x80xi32, #tpu.memory_space<hbm>>
      %dma_start3A_1346 = tpu.memref_squeeze %dma_start3A_1345 : memref<1x64x80xi32, #tpu.memory_space<hbm>> -> memref<64x80xi32, #tpu.memory_space<hbm>>
      tpu.enqueue_dma source(%dma_start3A_1346 : memref<64x80xi32, #tpu.memory_space<hbm>>) target(%arg6 : memref<64x80xi32, #tpu.memory_space<vmem>>) target_semaphore(%run_scoped3A : memref<!tpu.dma_semaphore, #tpu.memory_space<semaphore_mem>>)
      %dma_wait3A_1347 = arith.constant 0 : i32
      %dma_wait3A_1348 = arith.constant 0 : i32
      %dma_wait3A_1349 = tpu.memref_slice %arg3[%add3A, %dma_wait3A_1347, %dma_wait3A_1348] : memref<32x64x80xi32, #tpu.memory_space<hbm>> -> memref<1x64x80xi32, #tpu.memory_space<hbm>>
      %dma_wait3A_1350 = tpu.memref_squeeze %dma_wait3A_1349 : memref<1x64x80xi32, #tpu.memory_space<hbm>> -> memref<64x80xi32, #tpu.memory_space<hbm>>
      %dma_wait3A_1351 = arith.constant 0 : i32
      %dma_wait3A_1352 = arith.constant 0 : i32
      %dma_wait3A_1353 = tpu.memref_slice %arg3[%add3A, %dma_wait3A_1351, %dma_wait3A_1352] : memref<32x64x80xi32, #tpu.memory_space<hbm>> -> memref<1x64x80xi32, #tpu.memory_space<hbm>>
      %dma_wait3A_1354 = tpu.memref_squeeze %dma_wait3A_1353 : memref<1x64x80xi32, #tpu.memory_space<hbm>> -> memref<64x80xi32, #tpu.memory_space<hbm>>
      tpu.wait_dma2 semaphore(%run_scoped3A : memref<!tpu.dma_semaphore, #tpu.memory_space<semaphore_mem>>) src(%dma_wait3A_1354 : memref<64x80xi32, #tpu.memory_space<hbm>>) dst(%arg6 : memref<64x80xi32, #tpu.memory_space<vmem>>)
      tpu.yield
    }) : () -> ()
    "tpu.region"() ({
      %run_scoped3A = tpu.sem_alloc : memref<!tpu.dma_semaphore, #tpu.memory_space<semaphore_mem>>
      tpu.enqueue_dma source(%arg4 : memref<32xf32, #tpu.memory_space<hbm>>) target(%arg10 : memref<32xf32, #tpu.memory_space<vmem>>) target_semaphore(%run_scoped3A : memref<!tpu.dma_semaphore, #tpu.memory_space<semaphore_mem>>)
      tpu.wait_dma2 semaphore(%run_scoped3A : memref<!tpu.dma_semaphore, #tpu.memory_space<semaphore_mem>>) src(%arg4 : memref<32xf32, #tpu.memory_space<hbm>>) dst(%arg10 : memref<32xf32, #tpu.memory_space<vmem>>)
      tpu.yield
    }) : () -> ()
    %barrier3A = arith.constant 0 : index
    tpu.barrier barrier_id(%barrier3A)
    %dma_start3A = arith.constant 0 : i32
    %dma_start3A_5 = arith.constant 0 : i32
    %dma_start3A_6 = arith.constant 0 : i32
    %dma_start3A_7 = tpu.memref_slice %arg7[%dma_start3A_5, %dma_start3A_6] : memref<320x32xf32, #tpu.memory_space<vmem>> -> memref<80x32xf32, #tpu.memory_space<vmem>>
    %dma_start3A_8 = arith.constant 0 : i32
    %dma_start3A_9 = tpu.memref_slice %arg6[%dma_start3A, %dma_start3A_8] : memref<64x80xi32, #tpu.memory_space<vmem>> -> memref<1x80xi32, #tpu.memory_space<vmem>>
    %dma_start3A_10 = tpu.memref_squeeze %dma_start3A_9 : memref<1x80xi32, #tpu.memory_space<vmem>> -> memref<80xi32, #tpu.memory_space<vmem>>
    %dma_start3A_11 = arith.constant 0 : i32
    %dma_start3A_12 = arith.constant 0 : i32
    %dma_start3A_13 = tpu.memref_slice %arg11[%dma_start3A_11, %dma_start3A_12] : memref<10000x32xf32, #tpu.memory_space<vmem_shared>> -> memref<10000x32xf32, #tpu.memory_space<vmem_shared>>
    tpu.enqueue_indirect_dma source(%dma_start3A_13 : memref<10000x32xf32, #tpu.memory_space<vmem_shared>>) target(%dma_start3A_7 : memref<80x32xf32, #tpu.memory_space<vmem>>) offsets(%dma_start3A_10 : memref<80xi32, #tpu.memory_space<vmem>>) semaphore(%arg12 : memref<!tpu.dma_semaphore, #tpu.memory_space<semaphore_mem>>)
    %dma_start3A_14 = arith.constant 1 : i32
    %dma_start3A_15 = arith.constant 80 : i32
    %dma_start3A_16 = arith.constant 0 : i32
    %dma_start3A_17 = tpu.memref_slice %arg7[%dma_start3A_15, %dma_start3A_16] : memref<320x32xf32, #tpu.memory_space<vmem>> -> memref<80x32xf32, #tpu.memory_space<vmem>>
    %dma_start3A_18 = arith.constant 0 : i32
    %dma_start3A_19 = tpu.memref_slice %arg6[%dma_start3A_14, %dma_start3A_18] : memref<64x80xi32, #tpu.memory_space<vmem>> -> memref<1x80xi32, #tpu.memory_space<vmem>>
    %dma_start3A_20 = tpu.memref_squeeze %dma_start3A_19 : memref<1x80xi32, #tpu.memory_space<vmem>> -> memref<80xi32, #tpu.memory_space<vmem>>
    %dma_start3A_21 = arith.constant 0 : i32
    %dma_start3A_22 = arith.constant 0 : i32
    %dma_start3A_23 = tpu.memref_slice %arg11[%dma_start3A_21, %dma_start3A_22] : memref<10000x32xf32, #tpu.memory_space<vmem_shared>> -> memref<10000x32xf32, #tpu.memory_space<vmem_shared>>
    tpu.enqueue_indirect_dma source(%dma_start3A_23 : memref<10000x32xf32, #tpu.memory_space<vmem_shared>>) target(%dma_start3A_17 : memref<80x32xf32, #tpu.memory_space<vmem>>) offsets(%dma_start3A_20 : memref<80xi32, #tpu.memory_space<vmem>>) semaphore(%arg12 : memref<!tpu.dma_semaphore, #tpu.memory_space<semaphore_mem>>)
    %dma_start3A_24 = arith.constant 2 : i32
    %dma_start3A_25 = arith.constant 160 : i32
    %dma_start3A_26 = arith.constant 0 : i32
    %dma_start3A_27 = tpu.memref_slice %arg7[%dma_start3A_25, %dma_start3A_26] : memref<320x32xf32, #tpu.memory_space<vmem>> -> memref<80x32xf32, #tpu.memory_space<vmem>>
    %dma_start3A_28 = arith.constant 0 : i32
    %dma_start3A_29 = tpu.memref_slice %arg6[%dma_start3A_24, %dma_start3A_28] : memref<64x80xi32, #tpu.memory_space<vmem>> -> memref<1x80xi32, #tpu.memory_space<vmem>>
    %dma_start3A_30 = tpu.memref_squeeze %dma_start3A_29 : memref<1x80xi32, #tpu.memory_space<vmem>> -> memref<80xi32, #tpu.memory_space<vmem>>
    %dma_start3A_31 = arith.constant 0 : i32
    %dma_start3A_32 = arith.constant 0 : i32
    %dma_start3A_33 = tpu.memref_slice %arg11[%dma_start3A_31, %dma_start3A_32] : memref<10000x32xf32, #tpu.memory_space<vmem_shared>> -> memref<10000x32xf32, #tpu.memory_space<vmem_shared>>
    tpu.enqueue_indirect_dma source(%dma_start3A_33 : memref<10000x32xf32, #tpu.memory_space<vmem_shared>>) target(%dma_start3A_27 : memref<80x32xf32, #tpu.memory_space<vmem>>) offsets(%dma_start3A_30 : memref<80xi32, #tpu.memory_space<vmem>>) semaphore(%arg12 : memref<!tpu.dma_semaphore, #tpu.memory_space<semaphore_mem>>)
    %dma_start3A_34 = arith.constant 3 : i32
    %dma_start3A_35 = arith.constant 240 : i32
    %dma_start3A_36 = arith.constant 0 : i32
    %dma_start3A_37 = tpu.memref_slice %arg7[%dma_start3A_35, %dma_start3A_36] : memref<320x32xf32, #tpu.memory_space<vmem>> -> memref<80x32xf32, #tpu.memory_space<vmem>>
    %dma_start3A_38 = arith.constant 0 : i32
    %dma_start3A_39 = tpu.memref_slice %arg6[%dma_start3A_34, %dma_start3A_38] : memref<64x80xi32, #tpu.memory_space<vmem>> -> memref<1x80xi32, #tpu.memory_space<vmem>>
    %dma_start3A_40 = tpu.memref_squeeze %dma_start3A_39 : memref<1x80xi32, #tpu.memory_space<vmem>> -> memref<80xi32, #tpu.memory_space<vmem>>
    %dma_start3A_41 = arith.constant 0 : i32
    %dma_start3A_42 = arith.constant 0 : i32
    %dma_start3A_43 = tpu.memref_slice %arg11[%dma_start3A_41, %dma_start3A_42] : memref<10000x32xf32, #tpu.memory_space<vmem_shared>> -> memref<10000x32xf32, #tpu.memory_space<vmem_shared>>
    tpu.enqueue_indirect_dma source(%dma_start3A_43 : memref<10000x32xf32, #tpu.memory_space<vmem_shared>>) target(%dma_start3A_37 : memref<80x32xf32, #tpu.memory_space<vmem>>) offsets(%dma_start3A_40 : memref<80xi32, #tpu.memory_space<vmem>>) semaphore(%arg12 : memref<!tpu.dma_semaphore, #tpu.memory_space<semaphore_mem>>)
    %dma_start3A_44 = arith.constant 4 : i32
    %dma_start3A_45 = arith.constant 0 : i32
    %dma_start3A_46 = arith.constant 0 : i32
    %dma_start3A_47 = tpu.memref_slice %arg9[%dma_start3A_45, %dma_start3A_46] : memref<320x32xf32, #tpu.memory_space<vmem>> -> memref<80x32xf32, #tpu.memory_space<vmem>>
    %dma_start3A_48 = arith.constant 0 : i32
    %dma_start3A_49 = tpu.memref_slice %arg6[%dma_start3A_44, %dma_start3A_48] : memref<64x80xi32, #tpu.memory_space<vmem>> -> memref<1x80xi32, #tpu.memory_space<vmem>>
    %dma_start3A_50 = tpu.memref_squeeze %dma_start3A_49 : memref<1x80xi32, #tpu.memory_space<vmem>> -> memref<80xi32, #tpu.memory_space<vmem>>
    %dma_start3A_51 = arith.constant 0 : i32
    %dma_start3A_52 = arith.constant 0 : i32
    %dma_start3A_53 = tpu.memref_slice %arg11[%dma_start3A_51, %dma_start3A_52] : memref<10000x32xf32, #tpu.memory_space<vmem_shared>> -> memref<10000x32xf32, #tpu.memory_space<vmem_shared>>
    tpu.enqueue_indirect_dma source(%dma_start3A_53 : memref<10000x32xf32, #tpu.memory_space<vmem_shared>>) target(%dma_start3A_47 : memref<80x32xf32, #tpu.memory_space<vmem>>) offsets(%dma_start3A_50 : memref<80xi32, #tpu.memory_space<vmem>>) semaphore(%arg13 : memref<!tpu.dma_semaphore, #tpu.memory_space<semaphore_mem>>)
    %dma_start3A_54 = arith.constant 5 : i32
    %dma_start3A_55 = arith.constant 80 : i32
    %dma_start3A_56 = arith.constant 0 : i32
    %dma_start3A_57 = tpu.memref_slice %arg9[%dma_start3A_55, %dma_start3A_56] : memref<320x32xf32, #tpu.memory_space<vmem>> -> memref<80x32xf32, #tpu.memory_space<vmem>>
    %dma_start3A_58 = arith.constant 0 : i32
    %dma_start3A_59 = tpu.memref_slice %arg6[%dma_start3A_54, %dma_start3A_58] : memref<64x80xi32, #tpu.memory_space<vmem>> -> memref<1x80xi32, #tpu.memory_space<vmem>>
    %dma_start3A_60 = tpu.memref_squeeze %dma_start3A_59 : memref<1x80xi32, #tpu.memory_space<vmem>> -> memref<80xi32, #tpu.memory_space<vmem>>
    %dma_start3A_61 = arith.constant 0 : i32
    %dma_start3A_62 = arith.constant 0 : i32
    %dma_start3A_63 = tpu.memref_slice %arg11[%dma_start3A_61, %dma_start3A_62] : memref<10000x32xf32, #tpu.memory_space<vmem_shared>> -> memref<10000x32xf32, #tpu.memory_space<vmem_shared>>
    tpu.enqueue_indirect_dma source(%dma_start3A_63 : memref<10000x32xf32, #tpu.memory_space<vmem_shared>>) target(%dma_start3A_57 : memref<80x32xf32, #tpu.memory_space<vmem>>) offsets(%dma_start3A_60 : memref<80xi32, #tpu.memory_space<vmem>>) semaphore(%arg13 : memref<!tpu.dma_semaphore, #tpu.memory_space<semaphore_mem>>)
    %dma_start3A_64 = arith.constant 6 : i32
    %dma_start3A_65 = arith.constant 160 : i32
    %dma_start3A_66 = arith.constant 0 : i32
    %dma_start3A_67 = tpu.memref_slice %arg9[%dma_start3A_65, %dma_start3A_66] : memref<320x32xf32, #tpu.memory_space<vmem>> -> memref<80x32xf32, #tpu.memory_space<vmem>>
    %dma_start3A_68 = arith.constant 0 : i32
    %dma_start3A_69 = tpu.memref_slice %arg6[%dma_start3A_64, %dma_start3A_68] : memref<64x80xi32, #tpu.memory_space<vmem>> -> memref<1x80xi32, #tpu.memory_space<vmem>>
    %dma_start3A_70 = tpu.memref_squeeze %dma_start3A_69 : memref<1x80xi32, #tpu.memory_space<vmem>> -> memref<80xi32, #tpu.memory_space<vmem>>
    %dma_start3A_71 = arith.constant 0 : i32
    %dma_start3A_72 = arith.constant 0 : i32
    %dma_start3A_73 = tpu.memref_slice %arg11[%dma_start3A_71, %dma_start3A_72] : memref<10000x32xf32, #tpu.memory_space<vmem_shared>> -> memref<10000x32xf32, #tpu.memory_space<vmem_shared>>
    tpu.enqueue_indirect_dma source(%dma_start3A_73 : memref<10000x32xf32, #tpu.memory_space<vmem_shared>>) target(%dma_start3A_67 : memref<80x32xf32, #tpu.memory_space<vmem>>) offsets(%dma_start3A_70 : memref<80xi32, #tpu.memory_space<vmem>>) semaphore(%arg13 : memref<!tpu.dma_semaphore, #tpu.memory_space<semaphore_mem>>)
    %dma_start3A_74 = arith.constant 7 : i32
    %dma_start3A_75 = arith.constant 240 : i32
    %dma_start3A_76 = arith.constant 0 : i32
    %dma_start3A_77 = tpu.memref_slice %arg9[%dma_start3A_75, %dma_start3A_76] : memref<320x32xf32, #tpu.memory_space<vmem>> -> memref<80x32xf32, #tpu.memory_space<vmem>>
    %dma_start3A_78 = arith.constant 0 : i32
    %dma_start3A_79 = tpu.memref_slice %arg6[%dma_start3A_74, %dma_start3A_78] : memref<64x80xi32, #tpu.memory_space<vmem>> -> memref<1x80xi32, #tpu.memory_space<vmem>>
    %dma_start3A_80 = tpu.memref_squeeze %dma_start3A_79 : memref<1x80xi32, #tpu.memory_space<vmem>> -> memref<80xi32, #tpu.memory_space<vmem>>
    %dma_start3A_81 = arith.constant 0 : i32
    %dma_start3A_82 = arith.constant 0 : i32
    %dma_start3A_83 = tpu.memref_slice %arg11[%dma_start3A_81, %dma_start3A_82] : memref<10000x32xf32, #tpu.memory_space<vmem_shared>> -> memref<10000x32xf32, #tpu.memory_space<vmem_shared>>
    tpu.enqueue_indirect_dma source(%dma_start3A_83 : memref<10000x32xf32, #tpu.memory_space<vmem_shared>>) target(%dma_start3A_77 : memref<80x32xf32, #tpu.memory_space<vmem>>) offsets(%dma_start3A_80 : memref<80xi32, #tpu.memory_space<vmem>>) semaphore(%arg13 : memref<!tpu.dma_semaphore, #tpu.memory_space<semaphore_mem>>)
    %dma_wait3A = arith.constant 0 : i32
    %dma_wait3A_84 = arith.constant 0 : i32
    %dma_wait3A_85 = arith.constant 0 : i32
    %dma_wait3A_86 = tpu.memref_slice %arg7[%dma_wait3A_84, %dma_wait3A_85] : memref<320x32xf32, #tpu.memory_space<vmem>> -> memref<80x32xf32, #tpu.memory_space<vmem>>
    %dma_wait3A_87 = arith.constant 0 : i32
    %dma_wait3A_88 = tpu.memref_slice %arg6[%dma_wait3A, %dma_wait3A_87] : memref<64x80xi32, #tpu.memory_space<vmem>> -> memref<1x80xi32, #tpu.memory_space<vmem>>
    %dma_wait3A_89 = tpu.memref_squeeze %dma_wait3A_88 : memref<1x80xi32, #tpu.memory_space<vmem>> -> memref<80xi32, #tpu.memory_space<vmem>>
    %dma_wait3A_90 = arith.constant 0 : i32
    %dma_wait3A_91 = arith.constant 0 : i32
    %dma_wait3A_92 = tpu.memref_slice %arg11[%dma_wait3A_90, %dma_wait3A_91] : memref<10000x32xf32, #tpu.memory_space<vmem_shared>> -> memref<10000x32xf32, #tpu.memory_space<vmem_shared>>
    tpu.wait_indirect_dma semaphore(%arg12 : memref<!tpu.dma_semaphore, #tpu.memory_space<semaphore_mem>>) src(%dma_wait3A_92 : memref<10000x32xf32, #tpu.memory_space<vmem_shared>>) dst(%dma_wait3A_86 : memref<80x32xf32, #tpu.memory_space<vmem>>)
    %dma_wait3A_93 = arith.constant 1 : i32
    %dma_wait3A_94 = arith.constant 80 : i32
    %dma_wait3A_95 = arith.constant 0 : i32
    %dma_wait3A_96 = tpu.memref_slice %arg7[%dma_wait3A_94, %dma_wait3A_95] : memref<320x32xf32, #tpu.memory_space<vmem>> -> memref<80x32xf32, #tpu.memory_space<vmem>>
    %dma_wait3A_97 = arith.constant 0 : i32
    %dma_wait3A_98 = tpu.memref_slice %arg6[%dma_wait3A_93, %dma_wait3A_97] : memref<64x80xi32, #tpu.memory_space<vmem>> -> memref<1x80xi32, #tpu.memory_space<vmem>>
    %dma_wait3A_99 = tpu.memref_squeeze %dma_wait3A_98 : memref<1x80xi32, #tpu.memory_space<vmem>> -> memref<80xi32, #tpu.memory_space<vmem>>
    %dma_wait3A_100 = arith.constant 0 : i32
    %dma_wait3A_101 = arith.constant 0 : i32
    %dma_wait3A_102 = tpu.memref_slice %arg11[%dma_wait3A_100, %dma_wait3A_101] : memref<10000x32xf32, #tpu.memory_space<vmem_shared>> -> memref<10000x32xf32, #tpu.memory_space<vmem_shared>>
    tpu.wait_indirect_dma semaphore(%arg12 : memref<!tpu.dma_semaphore, #tpu.memory_space<semaphore_mem>>) src(%dma_wait3A_102 : memref<10000x32xf32, #tpu.memory_space<vmem_shared>>) dst(%dma_wait3A_96 : memref<80x32xf32, #tpu.memory_space<vmem>>)
    %dma_wait3A_103 = arith.constant 2 : i32
    %dma_wait3A_104 = arith.constant 160 : i32
    %dma_wait3A_105 = arith.constant 0 : i32
    %dma_wait3A_106 = tpu.memref_slice %arg7[%dma_wait3A_104, %dma_wait3A_105] : memref<320x32xf32, #tpu.memory_space<vmem>> -> memref<80x32xf32, #tpu.memory_space<vmem>>
    %dma_wait3A_107 = arith.constant 0 : i32
    %dma_wait3A_108 = tpu.memref_slice %arg6[%dma_wait3A_103, %dma_wait3A_107] : memref<64x80xi32, #tpu.memory_space<vmem>> -> memref<1x80xi32, #tpu.memory_space<vmem>>
    %dma_wait3A_109 = tpu.memref_squeeze %dma_wait3A_108 : memref<1x80xi32, #tpu.memory_space<vmem>> -> memref<80xi32, #tpu.memory_space<vmem>>
    %dma_wait3A_110 = arith.constant 0 : i32
    %dma_wait3A_111 = arith.constant 0 : i32
    %dma_wait3A_112 = tpu.memref_slice %arg11[%dma_wait3A_110, %dma_wait3A_111] : memref<10000x32xf32, #tpu.memory_space<vmem_shared>> -> memref<10000x32xf32, #tpu.memory_space<vmem_shared>>
    tpu.wait_indirect_dma semaphore(%arg12 : memref<!tpu.dma_semaphore, #tpu.memory_space<semaphore_mem>>) src(%dma_wait3A_112 : memref<10000x32xf32, #tpu.memory_space<vmem_shared>>) dst(%dma_wait3A_106 : memref<80x32xf32, #tpu.memory_space<vmem>>)
    %dma_wait3A_113 = arith.constant 3 : i32
    %dma_wait3A_114 = arith.constant 240 : i32
    %dma_wait3A_115 = arith.constant 0 : i32
    %dma_wait3A_116 = tpu.memref_slice %arg7[%dma_wait3A_114, %dma_wait3A_115] : memref<320x32xf32, #tpu.memory_space<vmem>> -> memref<80x32xf32, #tpu.memory_space<vmem>>
    %dma_wait3A_117 = arith.constant 0 : i32
    %dma_wait3A_118 = tpu.memref_slice %arg6[%dma_wait3A_113, %dma_wait3A_117] : memref<64x80xi32, #tpu.memory_space<vmem>> -> memref<1x80xi32, #tpu.memory_space<vmem>>
    %dma_wait3A_119 = tpu.memref_squeeze %dma_wait3A_118 : memref<1x80xi32, #tpu.memory_space<vmem>> -> memref<80xi32, #tpu.memory_space<vmem>>
    %dma_wait3A_120 = arith.constant 0 : i32
    %dma_wait3A_121 = arith.constant 0 : i32
    %dma_wait3A_122 = tpu.memref_slice %arg11[%dma_wait3A_120, %dma_wait3A_121] : memref<10000x32xf32, #tpu.memory_space<vmem_shared>> -> memref<10000x32xf32, #tpu.memory_space<vmem_shared>>
    tpu.wait_indirect_dma semaphore(%arg12 : memref<!tpu.dma_semaphore, #tpu.memory_space<semaphore_mem>>) src(%dma_wait3A_122 : memref<10000x32xf32, #tpu.memory_space<vmem_shared>>) dst(%dma_wait3A_116 : memref<80x32xf32, #tpu.memory_space<vmem>>)
    %dma_start3A_123 = arith.constant 8 : i32
    %dma_start3A_124 = arith.constant 0 : i32
    %dma_start3A_125 = arith.constant 0 : i32
    %dma_start3A_126 = tpu.memref_slice %arg8[%dma_start3A_124, %dma_start3A_125] : memref<320x32xf32, #tpu.memory_space<vmem>> -> memref<80x32xf32, #tpu.memory_space<vmem>>
    %dma_start3A_127 = arith.constant 0 : i32
    %dma_start3A_128 = tpu.memref_slice %arg6[%dma_start3A_123, %dma_start3A_127] : memref<64x80xi32, #tpu.memory_space<vmem>> -> memref<1x80xi32, #tpu.memory_space<vmem>>
    %dma_start3A_129 = tpu.memref_squeeze %dma_start3A_128 : memref<1x80xi32, #tpu.memory_space<vmem>> -> memref<80xi32, #tpu.memory_space<vmem>>
    %dma_start3A_130 = arith.constant 0 : i32
    %dma_start3A_131 = arith.constant 0 : i32
    %dma_start3A_132 = tpu.memref_slice %arg11[%dma_start3A_130, %dma_start3A_131] : memref<10000x32xf32, #tpu.memory_space<vmem_shared>> -> memref<10000x32xf32, #tpu.memory_space<vmem_shared>>
    tpu.enqueue_indirect_dma source(%dma_start3A_132 : memref<10000x32xf32, #tpu.memory_space<vmem_shared>>) target(%dma_start3A_126 : memref<80x32xf32, #tpu.memory_space<vmem>>) offsets(%dma_start3A_129 : memref<80xi32, #tpu.memory_space<vmem>>) semaphore(%arg12 : memref<!tpu.dma_semaphore, #tpu.memory_space<semaphore_mem>>)
    %dma_start3A_133 = arith.constant 9 : i32
    %dma_start3A_134 = arith.constant 80 : i32
    %dma_start3A_135 = arith.constant 0 : i32
    %dma_start3A_136 = tpu.memref_slice %arg8[%dma_start3A_134, %dma_start3A_135] : memref<320x32xf32, #tpu.memory_space<vmem>> -> memref<80x32xf32, #tpu.memory_space<vmem>>
    %dma_start3A_137 = arith.constant 0 : i32
    %dma_start3A_138 = tpu.memref_slice %arg6[%dma_start3A_133, %dma_start3A_137] : memref<64x80xi32, #tpu.memory_space<vmem>> -> memref<1x80xi32, #tpu.memory_space<vmem>>
    %dma_start3A_139 = tpu.memref_squeeze %dma_start3A_138 : memref<1x80xi32, #tpu.memory_space<vmem>> -> memref<80xi32, #tpu.memory_space<vmem>>
    %dma_start3A_140 = arith.constant 0 : i32
    %dma_start3A_141 = arith.constant 0 : i32
    %dma_start3A_142 = tpu.memref_slice %arg11[%dma_start3A_140, %dma_start3A_141] : memref<10000x32xf32, #tpu.memory_space<vmem_shared>> -> memref<10000x32xf32, #tpu.memory_space<vmem_shared>>
    tpu.enqueue_indirect_dma source(%dma_start3A_142 : memref<10000x32xf32, #tpu.memory_space<vmem_shared>>) target(%dma_start3A_136 : memref<80x32xf32, #tpu.memory_space<vmem>>) offsets(%dma_start3A_139 : memref<80xi32, #tpu.memory_space<vmem>>) semaphore(%arg12 : memref<!tpu.dma_semaphore, #tpu.memory_space<semaphore_mem>>)
    %dma_start3A_143 = arith.constant 10 : i32
    %dma_start3A_144 = arith.constant 160 : i32
    %dma_start3A_145 = arith.constant 0 : i32
    %dma_start3A_146 = tpu.memref_slice %arg8[%dma_start3A_144, %dma_start3A_145] : memref<320x32xf32, #tpu.memory_space<vmem>> -> memref<80x32xf32, #tpu.memory_space<vmem>>
    %dma_start3A_147 = arith.constant 0 : i32
    %dma_start3A_148 = tpu.memref_slice %arg6[%dma_start3A_143, %dma_start3A_147] : memref<64x80xi32, #tpu.memory_space<vmem>> -> memref<1x80xi32, #tpu.memory_space<vmem>>
    %dma_start3A_149 = tpu.memref_squeeze %dma_start3A_148 : memref<1x80xi32, #tpu.memory_space<vmem>> -> memref<80xi32, #tpu.memory_space<vmem>>
    %dma_start3A_150 = arith.constant 0 : i32
    %dma_start3A_151 = arith.constant 0 : i32
    %dma_start3A_152 = tpu.memref_slice %arg11[%dma_start3A_150, %dma_start3A_151] : memref<10000x32xf32, #tpu.memory_space<vmem_shared>> -> memref<10000x32xf32, #tpu.memory_space<vmem_shared>>
    tpu.enqueue_indirect_dma source(%dma_start3A_152 : memref<10000x32xf32, #tpu.memory_space<vmem_shared>>) target(%dma_start3A_146 : memref<80x32xf32, #tpu.memory_space<vmem>>) offsets(%dma_start3A_149 : memref<80xi32, #tpu.memory_space<vmem>>) semaphore(%arg12 : memref<!tpu.dma_semaphore, #tpu.memory_space<semaphore_mem>>)
    %dma_start3A_153 = arith.constant 11 : i32
    %dma_start3A_154 = arith.constant 240 : i32
    %dma_start3A_155 = arith.constant 0 : i32
    %dma_start3A_156 = tpu.memref_slice %arg8[%dma_start3A_154, %dma_start3A_155] : memref<320x32xf32, #tpu.memory_space<vmem>> -> memref<80x32xf32, #tpu.memory_space<vmem>>
    %dma_start3A_157 = arith.constant 0 : i32
    %dma_start3A_158 = tpu.memref_slice %arg6[%dma_start3A_153, %dma_start3A_157] : memref<64x80xi32, #tpu.memory_space<vmem>> -> memref<1x80xi32, #tpu.memory_space<vmem>>
    %dma_start3A_159 = tpu.memref_squeeze %dma_start3A_158 : memref<1x80xi32, #tpu.memory_space<vmem>> -> memref<80xi32, #tpu.memory_space<vmem>>
    %dma_start3A_160 = arith.constant 0 : i32
    %dma_start3A_161 = arith.constant 0 : i32
    %dma_start3A_162 = tpu.memref_slice %arg11[%dma_start3A_160, %dma_start3A_161] : memref<10000x32xf32, #tpu.memory_space<vmem_shared>> -> memref<10000x32xf32, #tpu.memory_space<vmem_shared>>
    tpu.enqueue_indirect_dma source(%dma_start3A_162 : memref<10000x32xf32, #tpu.memory_space<vmem_shared>>) target(%dma_start3A_156 : memref<80x32xf32, #tpu.memory_space<vmem>>) offsets(%dma_start3A_159 : memref<80xi32, #tpu.memory_space<vmem>>) semaphore(%arg12 : memref<!tpu.dma_semaphore, #tpu.memory_space<semaphore_mem>>)
    %dma_wait3A_163 = arith.constant 4 : i32
    %dma_wait3A_164 = arith.constant 0 : i32
    %dma_wait3A_165 = arith.constant 0 : i32
    %dma_wait3A_166 = tpu.memref_slice %arg9[%dma_wait3A_164, %dma_wait3A_165] : memref<320x32xf32, #tpu.memory_space<vmem>> -> memref<80x32xf32, #tpu.memory_space<vmem>>
    %dma_wait3A_167 = arith.constant 0 : i32
    %dma_wait3A_168 = tpu.memref_slice %arg6[%dma_wait3A_163, %dma_wait3A_167] : memref<64x80xi32, #tpu.memory_space<vmem>> -> memref<1x80xi32, #tpu.memory_space<vmem>>
    %dma_wait3A_169 = tpu.memref_squeeze %dma_wait3A_168 : memref<1x80xi32, #tpu.memory_space<vmem>> -> memref<80xi32, #tpu.memory_space<vmem>>
    %dma_wait3A_170 = arith.constant 0 : i32
    %dma_wait3A_171 = arith.constant 0 : i32
    %dma_wait3A_172 = tpu.memref_slice %arg11[%dma_wait3A_170, %dma_wait3A_171] : memref<10000x32xf32, #tpu.memory_space<vmem_shared>> -> memref<10000x32xf32, #tpu.memory_space<vmem_shared>>
    tpu.wait_indirect_dma semaphore(%arg13 : memref<!tpu.dma_semaphore, #tpu.memory_space<semaphore_mem>>) src(%dma_wait3A_172 : memref<10000x32xf32, #tpu.memory_space<vmem_shared>>) dst(%dma_wait3A_166 : memref<80x32xf32, #tpu.memory_space<vmem>>)
    %dma_wait3A_173 = arith.constant 5 : i32
    %dma_wait3A_174 = arith.constant 80 : i32
    %dma_wait3A_175 = arith.constant 0 : i32
    %dma_wait3A_176 = tpu.memref_slice %arg9[%dma_wait3A_174, %dma_wait3A_175] : memref<320x32xf32, #tpu.memory_space<vmem>> -> memref<80x32xf32, #tpu.memory_space<vmem>>
    %dma_wait3A_177 = arith.constant 0 : i32
    %dma_wait3A_178 = tpu.memref_slice %arg6[%dma_wait3A_173, %dma_wait3A_177] : memref<64x80xi32, #tpu.memory_space<vmem>> -> memref<1x80xi32, #tpu.memory_space<vmem>>
    %dma_wait3A_179 = tpu.memref_squeeze %dma_wait3A_178 : memref<1x80xi32, #tpu.memory_space<vmem>> -> memref<80xi32, #tpu.memory_space<vmem>>
    %dma_wait3A_180 = arith.constant 0 : i32
    %dma_wait3A_181 = arith.constant 0 : i32
    %dma_wait3A_182 = tpu.memref_slice %arg11[%dma_wait3A_180, %dma_wait3A_181] : memref<10000x32xf32, #tpu.memory_space<vmem_shared>> -> memref<10000x32xf32, #tpu.memory_space<vmem_shared>>
    tpu.wait_indirect_dma semaphore(%arg13 : memref<!tpu.dma_semaphore, #tpu.memory_space<semaphore_mem>>) src(%dma_wait3A_182 : memref<10000x32xf32, #tpu.memory_space<vmem_shared>>) dst(%dma_wait3A_176 : memref<80x32xf32, #tpu.memory_space<vmem>>)
    %dma_wait3A_183 = arith.constant 6 : i32
    %dma_wait3A_184 = arith.constant 160 : i32
    %dma_wait3A_185 = arith.constant 0 : i32
    %dma_wait3A_186 = tpu.memref_slice %arg9[%dma_wait3A_184, %dma_wait3A_185] : memref<320x32xf32, #tpu.memory_space<vmem>> -> memref<80x32xf32, #tpu.memory_space<vmem>>
    %dma_wait3A_187 = arith.constant 0 : i32
    %dma_wait3A_188 = tpu.memref_slice %arg6[%dma_wait3A_183, %dma_wait3A_187] : memref<64x80xi32, #tpu.memory_space<vmem>> -> memref<1x80xi32, #tpu.memory_space<vmem>>
    %dma_wait3A_189 = tpu.memref_squeeze %dma_wait3A_188 : memref<1x80xi32, #tpu.memory_space<vmem>> -> memref<80xi32, #tpu.memory_space<vmem>>
    %dma_wait3A_190 = arith.constant 0 : i32
    %dma_wait3A_191 = arith.constant 0 : i32
    %dma_wait3A_192 = tpu.memref_slice %arg11[%dma_wait3A_190, %dma_wait3A_191] : memref<10000x32xf32, #tpu.memory_space<vmem_shared>> -> memref<10000x32xf32, #tpu.memory_space<vmem_shared>>
    tpu.wait_indirect_dma semaphore(%arg13 : memref<!tpu.dma_semaphore, #tpu.memory_space<semaphore_mem>>) src(%dma_wait3A_192 : memref<10000x32xf32, #tpu.memory_space<vmem_shared>>) dst(%dma_wait3A_186 : memref<80x32xf32, #tpu.memory_space<vmem>>)
    %dma_wait3A_193 = arith.constant 7 : i32
    %dma_wait3A_194 = arith.constant 240 : i32
    %dma_wait3A_195 = arith.constant 0 : i32
    %dma_wait3A_196 = tpu.memref_slice %arg9[%dma_wait3A_194, %dma_wait3A_195] : memref<320x32xf32, #tpu.memory_space<vmem>> -> memref<80x32xf32, #tpu.memory_space<vmem>>
    %dma_wait3A_197 = arith.constant 0 : i32
    %dma_wait3A_198 = tpu.memref_slice %arg6[%dma_wait3A_193, %dma_wait3A_197] : memref<64x80xi32, #tpu.memory_space<vmem>> -> memref<1x80xi32, #tpu.memory_space<vmem>>
    %dma_wait3A_199 = tpu.memref_squeeze %dma_wait3A_198 : memref<1x80xi32, #tpu.memory_space<vmem>> -> memref<80xi32, #tpu.memory_space<vmem>>
    %dma_wait3A_200 = arith.constant 0 : i32
    %dma_wait3A_201 = arith.constant 0 : i32
    %dma_wait3A_202 = tpu.memref_slice %arg11[%dma_wait3A_200, %dma_wait3A_201] : memref<10000x32xf32, #tpu.memory_space<vmem_shared>> -> memref<10000x32xf32, #tpu.memory_space<vmem_shared>>
    tpu.wait_indirect_dma semaphore(%arg13 : memref<!tpu.dma_semaphore, #tpu.memory_space<semaphore_mem>>) src(%dma_wait3A_202 : memref<10000x32xf32, #tpu.memory_space<vmem_shared>>) dst(%dma_wait3A_196 : memref<80x32xf32, #tpu.memory_space<vmem>>)
    %parallel_loop3A = arith.constant 0 : i32
    %parallel_loop3A_203 = arith.constant 320 : i32
    %parallel_loop3A_204 = arith.constant 1 : i32
    scf.for %parallel_loop3A_1339 = %parallel_loop3A to %parallel_loop3A_203 step %parallel_loop3A_204  : i32 {
      %parallel_loop3A_1340 = arith.index_cast %parallel_loop3A_1339 : i32 to index
      %parallel_loop3A_1341 = arith.constant 0 : index
      %parallel_loop3A_1342 = tpu.vector_load %arg9[%parallel_loop3A_1340, %parallel_loop3A_1341] {strides = array<i32>} : memref<320x32xf32, #tpu.memory_space<vmem>>, vector<1x16xf32>,
      %parallel_loop3A_1343 = vector.shape_cast %parallel_loop3A_1342 : vector<1x16xf32> to vector<16xf32>
      %parallel_loop3A_1344 = arith.index_cast %parallel_loop3A_1339 : i32 to index
      %parallel_loop3A_1345 = arith.constant 0 : index
      %parallel_loop3A_1346 = tpu.vector_load %arg7[%parallel_loop3A_1344, %parallel_loop3A_1345] {strides = array<i32>} : memref<320x32xf32, #tpu.memory_space<vmem>>, vector<1x16xf32>,
      %parallel_loop3A_1347 = vector.shape_cast %parallel_loop3A_1346 : vector<1x16xf32> to vector<16xf32>
      %parallel_loop3A_1348 = vector.shape_cast %parallel_loop3A_1343 : vector<16xf32> to vector<1x16xf32>
      tpu.vector_store %arg7[%parallel_loop3A_1344, %parallel_loop3A_1345], %parallel_loop3A_1348 {add = true, strides = array<i32>} : memref<320x32xf32, #tpu.memory_space<vmem>>, vector<1x16xf32>,
      %parallel_loop3A_1349 = arith.index_cast %parallel_loop3A_1339 : i32 to index
      %parallel_loop3A_1350 = arith.constant 16 : index
      %parallel_loop3A_1351 = tpu.vector_load %arg9[%parallel_loop3A_1349, %parallel_loop3A_1350] {strides = array<i32>} : memref<320x32xf32, #tpu.memory_space<vmem>>, vector<1x16xf32>,
      %parallel_loop3A_1352 = vector.shape_cast %parallel_loop3A_1351 : vector<1x16xf32> to vector<16xf32>
      %parallel_loop3A_1353 = arith.index_cast %parallel_loop3A_1339 : i32 to index
      %parallel_loop3A_1354 = arith.constant 16 : index
      %parallel_loop3A_1355 = tpu.vector_load %arg7[%parallel_loop3A_1353, %parallel_loop3A_1354] {strides = array<i32>} : memref<320x32xf32, #tpu.memory_space<vmem>>, vector<1x16xf32>,
      %parallel_loop3A_1356 = vector.shape_cast %parallel_loop3A_1355 : vector<1x16xf32> to vector<16xf32>
      %parallel_loop3A_1357 = vector.shape_cast %parallel_loop3A_1352 : vector<16xf32> to vector<1x16xf32>
      tpu.vector_store %arg7[%parallel_loop3A_1353, %parallel_loop3A_1354], %parallel_loop3A_1357 {add = true, strides = array<i32>} : memref<320x32xf32, #tpu.memory_space<vmem>>, vector<1x16xf32>,
    } {sc.loop_unroll_factor = 8 : i64, sc.parallel_access}
    %dma_start3A_205 = arith.constant 12 : i32
    %dma_start3A_206 = arith.constant 0 : i32
    %dma_start3A_207 = arith.constant 0 : i32
    %dma_start3A_208 = tpu.memref_slice %arg9[%dma_start3A_206, %dma_start3A_207] : memref<320x32xf32, #tpu.memory_space<vmem>> -> memref<80x32xf32, #tpu.memory_space<vmem>>
    %dma_start3A_209 = arith.constant 0 : i32
    %dma_start3A_210 = tpu.memref_slice %arg6[%dma_start3A_205, %dma_start3A_209] : memref<64x80xi32, #tpu.memory_space<vmem>> -> memref<1x80xi32, #tpu.memory_space<vmem>>
    %dma_start3A_211 = tpu.memref_squeeze %dma_start3A_210 : memref<1x80xi32, #tpu.memory_space<vmem>> -> memref<80xi32, #tpu.memory_space<vmem>>
    %dma_start3A_212 = arith.constant 0 : i32
    %dma_start3A_213 = arith.constant 0 : i32
    %dma_start3A_214 = tpu.memref_slice %arg11[%dma_start3A_212, %dma_start3A_213] : memref<10000x32xf32, #tpu.memory_space<vmem_shared>> -> memref<10000x32xf32, #tpu.memory_space<vmem_shared>>
    tpu.enqueue_indirect_dma source(%dma_start3A_214 : memref<10000x32xf32, #tpu.memory_space<vmem_shared>>) target(%dma_start3A_208 : memref<80x32xf32, #tpu.memory_space<vmem>>) offsets(%dma_start3A_211 : memref<80xi32, #tpu.memory_space<vmem>>) semaphore(%arg13 : memref<!tpu.dma_semaphore, #tpu.memory_space<semaphore_mem>>)
    %dma_start3A_215 = arith.constant 13 : i32
    %dma_start3A_216 = arith.constant 80 : i32
    %dma_start3A_217 = arith.constant 0 : i32
    %dma_start3A_218 = tpu.memref_slice %arg9[%dma_start3A_216, %dma_start3A_217] : memref<320x32xf32, #tpu.memory_space<vmem>> -> memref<80x32xf32, #tpu.memory_space<vmem>>
    %dma_start3A_219 = arith.constant 0 : i32
    %dma_start3A_220 = tpu.memref_slice %arg6[%dma_start3A_215, %dma_start3A_219] : memref<64x80xi32, #tpu.memory_space<vmem>> -> memref<1x80xi32, #tpu.memory_space<vmem>>
    %dma_start3A_221 = tpu.memref_squeeze %dma_start3A_220 : memref<1x80xi32, #tpu.memory_space<vmem>> -> memref<80xi32, #tpu.memory_space<vmem>>
    %dma_start3A_222 = arith.constant 0 : i32
    %dma_start3A_223 = arith.constant 0 : i32
    %dma_start3A_224 = tpu.memref_slice %arg11[%dma_start3A_222, %dma_start3A_223] : memref<10000x32xf32, #tpu.memory_space<vmem_shared>> -> memref<10000x32xf32, #tpu.memory_space<vmem_shared>>
    tpu.enqueue_indirect_dma source(%dma_start3A_224 : memref<10000x32xf32, #tpu.memory_space<vmem_shared>>) target(%dma_start3A_218 : memref<80x32xf32, #tpu.memory_space<vmem>>) offsets(%dma_start3A_221 : memref<80xi32, #tpu.memory_space<vmem>>) semaphore(%arg13 : memref<!tpu.dma_semaphore, #tpu.memory_space<semaphore_mem>>)
    %dma_start3A_225 = arith.constant 14 : i32
    %dma_start3A_226 = arith.constant 160 : i32
    %dma_start3A_227 = arith.constant 0 : i32
    %dma_start3A_228 = tpu.memref_slice %arg9[%dma_start3A_226, %dma_start3A_227] : memref<320x32xf32, #tpu.memory_space<vmem>> -> memref<80x32xf32, #tpu.memory_space<vmem>>
    %dma_start3A_229 = arith.constant 0 : i32
    %dma_start3A_230 = tpu.memref_slice %arg6[%dma_start3A_225, %dma_start3A_229] : memref<64x80xi32, #tpu.memory_space<vmem>> -> memref<1x80xi32, #tpu.memory_space<vmem>>
    %dma_start3A_231 = tpu.memref_squeeze %dma_start3A_230 : memref<1x80xi32, #tpu.memory_space<vmem>> -> memref<80xi32, #tpu.memory_space<vmem>>
    %dma_start3A_232 = arith.constant 0 : i32
    %dma_start3A_233 = arith.constant 0 : i32
    %dma_start3A_234 = tpu.memref_slice %arg11[%dma_start3A_232, %dma_start3A_233] : memref<10000x32xf32, #tpu.memory_space<vmem_shared>> -> memref<10000x32xf32, #tpu.memory_space<vmem_shared>>
    tpu.enqueue_indirect_dma source(%dma_start3A_234 : memref<10000x32xf32, #tpu.memory_space<vmem_shared>>) target(%dma_start3A_228 : memref<80x32xf32, #tpu.memory_space<vmem>>) offsets(%dma_start3A_231 : memref<80xi32, #tpu.memory_space<vmem>>) semaphore(%arg13 : memref<!tpu.dma_semaphore, #tpu.memory_space<semaphore_mem>>)
    %dma_start3A_235 = arith.constant 15 : i32
    %dma_start3A_236 = arith.constant 240 : i32
    %dma_start3A_237 = arith.constant 0 : i32
    %dma_start3A_238 = tpu.memref_slice %arg9[%dma_start3A_236, %dma_start3A_237] : memref<320x32xf32, #tpu.memory_space<vmem>> -> memref<80x32xf32, #tpu.memory_space<vmem>>
    %dma_start3A_239 = arith.constant 0 : i32
    %dma_start3A_240 = tpu.memref_slice %arg6[%dma_start3A_235, %dma_start3A_239] : memref<64x80xi32, #tpu.memory_space<vmem>> -> memref<1x80xi32, #tpu.memory_space<vmem>>
    %dma_start3A_241 = tpu.memref_squeeze %dma_start3A_240 : memref<1x80xi32, #tpu.memory_space<vmem>> -> memref<80xi32, #tpu.memory_space<vmem>>
    %dma_start3A_242 = arith.constant 0 : i32
    %dma_start3A_243 = arith.constant 0 : i32
    %dma_start3A_244 = tpu.memref_slice %arg11[%dma_start3A_242, %dma_start3A_243] : memref<10000x32xf32, #tpu.memory_space<vmem_shared>> -> memref<10000x32xf32, #tpu.memory_space<vmem_shared>>
    tpu.enqueue_indirect_dma source(%dma_start3A_244 : memref<10000x32xf32, #tpu.memory_space<vmem_shared>>) target(%dma_start3A_238 : memref<80x32xf32, #tpu.memory_space<vmem>>) offsets(%dma_start3A_241 : memref<80xi32, #tpu.memory_space<vmem>>) semaphore(%arg13 : memref<!tpu.dma_semaphore, #tpu.memory_space<semaphore_mem>>)
    %dma_wait3A_245 = arith.constant 8 : i32
    %dma_wait3A_246 = arith.constant 0 : i32
    %dma_wait3A_247 = arith.constant 0 : i32
    %dma_wait3A_248 = tpu.memref_slice %arg8[%dma_wait3A_246, %dma_wait3A_247] : memref<320x32xf32, #tpu.memory_space<vmem>> -> memref<80x32xf32, #tpu.memory_space<vmem>>
    %dma_wait3A_249 = arith.constant 0 : i32
    %dma_wait3A_250 = tpu.memref_slice %arg6[%dma_wait3A_245, %dma_wait3A_249] : memref<64x80xi32, #tpu.memory_space<vmem>> -> memref<1x80xi32, #tpu.memory_space<vmem>>
    %dma_wait3A_251 = tpu.memref_squeeze %dma_wait3A_250 : memref<1x80xi32, #tpu.memory_space<vmem>> -> memref<80xi32, #tpu.memory_space<vmem>>
    %dma_wait3A_252 = arith.constant 0 : i32
    %dma_wait3A_253 = arith.constant 0 : i32
    %dma_wait3A_254 = tpu.memref_slice %arg11[%dma_wait3A_252, %dma_wait3A_253] : memref<10000x32xf32, #tpu.memory_space<vmem_shared>> -> memref<10000x32xf32, #tpu.memory_space<vmem_shared>>
    tpu.wait_indirect_dma semaphore(%arg12 : memref<!tpu.dma_semaphore, #tpu.memory_space<semaphore_mem>>) src(%dma_wait3A_254 : memref<10000x32xf32, #tpu.memory_space<vmem_shared>>) dst(%dma_wait3A_248 : memref<80x32xf32, #tpu.memory_space<vmem>>)
    %dma_wait3A_255 = arith.constant 9 : i32
    %dma_wait3A_256 = arith.constant 80 : i32
    %dma_wait3A_257 = arith.constant 0 : i32
    %dma_wait3A_258 = tpu.memref_slice %arg8[%dma_wait3A_256, %dma_wait3A_257] : memref<320x32xf32, #tpu.memory_space<vmem>> -> memref<80x32xf32, #tpu.memory_space<vmem>>
    %dma_wait3A_259 = arith.constant 0 : i32
    %dma_wait3A_260 = tpu.memref_slice %arg6[%dma_wait3A_255, %dma_wait3A_259] : memref<64x80xi32, #tpu.memory_space<vmem>> -> memref<1x80xi32, #tpu.memory_space<vmem>>
    %dma_wait3A_261 = tpu.memref_squeeze %dma_wait3A_260 : memref<1x80xi32, #tpu.memory_space<vmem>> -> memref<80xi32, #tpu.memory_space<vmem>>
    %dma_wait3A_262 = arith.constant 0 : i32
    %dma_wait3A_263 = arith.constant 0 : i32
    %dma_wait3A_264 = tpu.memref_slice %arg11[%dma_wait3A_262, %dma_wait3A_263] : memref<10000x32xf32, #tpu.memory_space<vmem_shared>> -> memref<10000x32xf32, #tpu.memory_space<vmem_shared>>
    tpu.wait_indirect_dma semaphore(%arg12 : memref<!tpu.dma_semaphore, #tpu.memory_space<semaphore_mem>>) src(%dma_wait3A_264 : memref<10000x32xf32, #tpu.memory_space<vmem_shared>>) dst(%dma_wait3A_258 : memref<80x32xf32, #tpu.memory_space<vmem>>)
    %dma_wait3A_265 = arith.constant 10 : i32
    %dma_wait3A_266 = arith.constant 160 : i32
    %dma_wait3A_267 = arith.constant 0 : i32
    %dma_wait3A_268 = tpu.memref_slice %arg8[%dma_wait3A_266, %dma_wait3A_267] : memref<320x32xf32, #tpu.memory_space<vmem>> -> memref<80x32xf32, #tpu.memory_space<vmem>>
    %dma_wait3A_269 = arith.constant 0 : i32
    %dma_wait3A_270 = tpu.memref_slice %arg6[%dma_wait3A_265, %dma_wait3A_269] : memref<64x80xi32, #tpu.memory_space<vmem>> -> memref<1x80xi32, #tpu.memory_space<vmem>>
    %dma_wait3A_271 = tpu.memref_squeeze %dma_wait3A_270 : memref<1x80xi32, #tpu.memory_space<vmem>> -> memref<80xi32, #tpu.memory_space<vmem>>
    %dma_wait3A_272 = arith.constant 0 : i32
    %dma_wait3A_273 = arith.constant 0 : i32
    %dma_wait3A_274 = tpu.memref_slice %arg11[%dma_wait3A_272, %dma_wait3A_273] : memref<10000x32xf32, #tpu.memory_space<vmem_shared>> -> memref<10000x32xf32, #tpu.memory_space<vmem_shared>>
    tpu.wait_indirect_dma semaphore(%arg12 : memref<!tpu.dma_semaphore, #tpu.memory_space<semaphore_mem>>) src(%dma_wait3A_274 : memref<10000x32xf32, #tpu.memory_space<vmem_shared>>) dst(%dma_wait3A_268 : memref<80x32xf32, #tpu.memory_space<vmem>>)
    %dma_wait3A_275 = arith.constant 11 : i32
    %dma_wait3A_276 = arith.constant 240 : i32
    %dma_wait3A_277 = arith.constant 0 : i32
    %dma_wait3A_278 = tpu.memref_slice %arg8[%dma_wait3A_276, %dma_wait3A_277] : memref<320x32xf32, #tpu.memory_space<vmem>> -> memref<80x32xf32, #tpu.memory_space<vmem>>
    %dma_wait3A_279 = arith.constant 0 : i32
    %dma_wait3A_280 = tpu.memref_slice %arg6[%dma_wait3A_275, %dma_wait3A_279] : memref<64x80xi32, #tpu.memory_space<vmem>> -> memref<1x80xi32, #tpu.memory_space<vmem>>
    %dma_wait3A_281 = tpu.memref_squeeze %dma_wait3A_280 : memref<1x80xi32, #tpu.memory_space<vmem>> -> memref<80xi32, #tpu.memory_space<vmem>>
    %dma_wait3A_282 = arith.constant 0 : i32
    %dma_wait3A_283 = arith.constant 0 : i32
    %dma_wait3A_284 = tpu.memref_slice %arg11[%dma_wait3A_282, %dma_wait3A_283] : memref<10000x32xf32, #tpu.memory_space<vmem_shared>> -> memref<10000x32xf32, #tpu.memory_space<vmem_shared>>
    tpu.wait_indirect_dma semaphore(%arg12 : memref<!tpu.dma_semaphore, #tpu.memory_space<semaphore_mem>>) src(%dma_wait3A_284 : memref<10000x32xf32, #tpu.memory_space<vmem_shared>>) dst(%dma_wait3A_278 : memref<80x32xf32, #tpu.memory_space<vmem>>)
    %parallel_loop3A_285 = arith.constant 0 : i32
    %parallel_loop3A_286 = arith.constant 320 : i32
    %parallel_loop3A_287 = arith.constant 1 : i32
    scf.for %parallel_loop3A_1339 = %parallel_loop3A_285 to %parallel_loop3A_286 step %parallel_loop3A_287  : i32 {
      %parallel_loop3A_1340 = arith.index_cast %parallel_loop3A_1339 : i32 to index
      %parallel_loop3A_1341 = arith.constant 0 : index
      %parallel_loop3A_1342 = tpu.vector_load %arg8[%parallel_loop3A_1340, %parallel_loop3A_1341] {strides = array<i32>} : memref<320x32xf32, #tpu.memory_space<vmem>>, vector<1x16xf32>,
      %parallel_loop3A_1343 = vector.shape_cast %parallel_loop3A_1342 : vector<1x16xf32> to vector<16xf32>
      %parallel_loop3A_1344 = arith.index_cast %parallel_loop3A_1339 : i32 to index
      %parallel_loop3A_1345 = arith.constant 0 : index
      %parallel_loop3A_1346 = tpu.vector_load %arg7[%parallel_loop3A_1344, %parallel_loop3A_1345] {strides = array<i32>} : memref<320x32xf32, #tpu.memory_space<vmem>>, vector<1x16xf32>,
      %parallel_loop3A_1347 = vector.shape_cast %parallel_loop3A_1346 : vector<1x16xf32> to vector<16xf32>
      %parallel_loop3A_1348 = vector.shape_cast %parallel_loop3A_1343 : vector<16xf32> to vector<1x16xf32>
      tpu.vector_store %arg7[%parallel_loop3A_1344, %parallel_loop3A_1345], %parallel_loop3A_1348 {add = true, strides = array<i32>} : memref<320x32xf32, #tpu.memory_space<vmem>>, vector<1x16xf32>,
      %parallel_loop3A_1349 = arith.index_cast %parallel_loop3A_1339 : i32 to index
      %parallel_loop3A_1350 = arith.constant 16 : index
      %parallel_loop3A_1351 = tpu.vector_load %arg8[%parallel_loop3A_1349, %parallel_loop3A_1350] {strides = array<i32>} : memref<320x32xf32, #tpu.memory_space<vmem>>, vector<1x16xf32>,
      %parallel_loop3A_1352 = vector.shape_cast %parallel_loop3A_1351 : vector<1x16xf32> to vector<16xf32>
      %parallel_loop3A_1353 = arith.index_cast %parallel_loop3A_1339 : i32 to index
      %parallel_loop3A_1354 = arith.constant 16 : index
      %parallel_loop3A_1355 = tpu.vector_load %arg7[%parallel_loop3A_1353, %parallel_loop3A_1354] {strides = array<i32>} : memref<320x32xf32, #tpu.memory_space<vmem>>, vector<1x16xf32>,
      %parallel_loop3A_1356 = vector.shape_cast %parallel_loop3A_1355 : vector<1x16xf32> to vector<16xf32>
      %parallel_loop3A_1357 = vector.shape_cast %parallel_loop3A_1352 : vector<16xf32> to vector<1x16xf32>
      tpu.vector_store %arg7[%parallel_loop3A_1353, %parallel_loop3A_1354], %parallel_loop3A_1357 {add = true, strides = array<i32>} : memref<320x32xf32, #tpu.memory_space<vmem>>, vector<1x16xf32>,
    } {sc.loop_unroll_factor = 8 : i64, sc.parallel_access}
    %dma_start3A_288 = arith.constant 16 : i32
    %dma_start3A_289 = arith.constant 0 : i32
    %dma_start3A_290 = arith.constant 0 : i32
    %dma_start3A_291 = tpu.memref_slice %arg8[%dma_start3A_289, %dma_start3A_290] : memref<320x32xf32, #tpu.memory_space<vmem>> -> memref<80x32xf32, #tpu.memory_space<vmem>>
    %dma_start3A_292 = arith.constant 0 : i32
    %dma_start3A_293 = tpu.memref_slice %arg6[%dma_start3A_288, %dma_start3A_292] : memref<64x80xi32, #tpu.memory_space<vmem>> -> memref<1x80xi32, #tpu.memory_space<vmem>>
    %dma_start3A_294 = tpu.memref_squeeze %dma_start3A_293 : memref<1x80xi32, #tpu.memory_space<vmem>> -> memref<80xi32, #tpu.memory_space<vmem>>
    %dma_start3A_295 = arith.constant 0 : i32
    %dma_start3A_296 = arith.constant 0 : i32
    %dma_start3A_297 = tpu.memref_slice %arg11[%dma_start3A_295, %dma_start3A_296] : memref<10000x32xf32, #tpu.memory_space<vmem_shared>> -> memref<10000x32xf32, #tpu.memory_space<vmem_shared>>
    tpu.enqueue_indirect_dma source(%dma_start3A_297 : memref<10000x32xf32, #tpu.memory_space<vmem_shared>>) target(%dma_start3A_291 : memref<80x32xf32, #tpu.memory_space<vmem>>) offsets(%dma_start3A_294 : memref<80xi32, #tpu.memory_space<vmem>>) semaphore(%arg12 : memref<!tpu.dma_semaphore, #tpu.memory_space<semaphore_mem>>)
    %dma_start3A_298 = arith.constant 17 : i32
    %dma_start3A_299 = arith.constant 80 : i32
    %dma_start3A_300 = arith.constant 0 : i32
    %dma_start3A_301 = tpu.memref_slice %arg8[%dma_start3A_299, %dma_start3A_300] : memref<320x32xf32, #tpu.memory_space<vmem>> -> memref<80x32xf32, #tpu.memory_space<vmem>>
    %dma_start3A_302 = arith.constant 0 : i32
    %dma_start3A_303 = tpu.memref_slice %arg6[%dma_start3A_298, %dma_start3A_302] : memref<64x80xi32, #tpu.memory_space<vmem>> -> memref<1x80xi32, #tpu.memory_space<vmem>>
    %dma_start3A_304 = tpu.memref_squeeze %dma_start3A_303 : memref<1x80xi32, #tpu.memory_space<vmem>> -> memref<80xi32, #tpu.memory_space<vmem>>
    %dma_start3A_305 = arith.constant 0 : i32
    %dma_start3A_306 = arith.constant 0 : i32
    %dma_start3A_307 = tpu.memref_slice %arg11[%dma_start3A_305, %dma_start3A_306] : memref<10000x32xf32, #tpu.memory_space<vmem_shared>> -> memref<10000x32xf32, #tpu.memory_space<vmem_shared>>
    tpu.enqueue_indirect_dma source(%dma_start3A_307 : memref<10000x32xf32, #tpu.memory_space<vmem_shared>>) target(%dma_start3A_301 : memref<80x32xf32, #tpu.memory_space<vmem>>) offsets(%dma_start3A_304 : memref<80xi32, #tpu.memory_space<vmem>>) semaphore(%arg12 : memref<!tpu.dma_semaphore, #tpu.memory_space<semaphore_mem>>)
    %dma_start3A_308 = arith.constant 18 : i32
    %dma_start3A_309 = arith.constant 160 : i32
    %dma_start3A_310 = arith.constant 0 : i32
    %dma_start3A_311 = tpu.memref_slice %arg8[%dma_start3A_309, %dma_start3A_310] : memref<320x32xf32, #tpu.memory_space<vmem>> -> memref<80x32xf32, #tpu.memory_space<vmem>>
    %dma_start3A_312 = arith.constant 0 : i32
    %dma_start3A_313 = tpu.memref_slice %arg6[%dma_start3A_308, %dma_start3A_312] : memref<64x80xi32, #tpu.memory_space<vmem>> -> memref<1x80xi32, #tpu.memory_space<vmem>>
    %dma_start3A_314 = tpu.memref_squeeze %dma_start3A_313 : memref<1x80xi32, #tpu.memory_space<vmem>> -> memref<80xi32, #tpu.memory_space<vmem>>
    %dma_start3A_315 = arith.constant 0 : i32
    %dma_start3A_316 = arith.constant 0 : i32
    %dma_start3A_317 = tpu.memref_slice %arg11[%dma_start3A_315, %dma_start3A_316] : memref<10000x32xf32, #tpu.memory_space<vmem_shared>> -> memref<10000x32xf32, #tpu.memory_space<vmem_shared>>
    tpu.enqueue_indirect_dma source(%dma_start3A_317 : memref<10000x32xf32, #tpu.memory_space<vmem_shared>>) target(%dma_start3A_311 : memref<80x32xf32, #tpu.memory_space<vmem>>) offsets(%dma_start3A_314 : memref<80xi32, #tpu.memory_space<vmem>>) semaphore(%arg12 : memref<!tpu.dma_semaphore, #tpu.memory_space<semaphore_mem>>)
    %dma_start3A_318 = arith.constant 19 : i32
    %dma_start3A_319 = arith.constant 240 : i32
    %dma_start3A_320 = arith.constant 0 : i32
    %dma_start3A_321 = tpu.memref_slice %arg8[%dma_start3A_319, %dma_start3A_320] : memref<320x32xf32, #tpu.memory_space<vmem>> -> memref<80x32xf32, #tpu.memory_space<vmem>>
    %dma_start3A_322 = arith.constant 0 : i32
    %dma_start3A_323 = tpu.memref_slice %arg6[%dma_start3A_318, %dma_start3A_322] : memref<64x80xi32, #tpu.memory_space<vmem>> -> memref<1x80xi32, #tpu.memory_space<vmem>>
    %dma_start3A_324 = tpu.memref_squeeze %dma_start3A_323 : memref<1x80xi32, #tpu.memory_space<vmem>> -> memref<80xi32, #tpu.memory_space<vmem>>
    %dma_start3A_325 = arith.constant 0 : i32
    %dma_start3A_326 = arith.constant 0 : i32
    %dma_start3A_327 = tpu.memref_slice %arg11[%dma_start3A_325, %dma_start3A_326] : memref<10000x32xf32, #tpu.memory_space<vmem_shared>> -> memref<10000x32xf32, #tpu.memory_space<vmem_shared>>
    tpu.enqueue_indirect_dma source(%dma_start3A_327 : memref<10000x32xf32, #tpu.memory_space<vmem_shared>>) target(%dma_start3A_321 : memref<80x32xf32, #tpu.memory_space<vmem>>) offsets(%dma_start3A_324 : memref<80xi32, #tpu.memory_space<vmem>>) semaphore(%arg12 : memref<!tpu.dma_semaphore, #tpu.memory_space<semaphore_mem>>)
    %dma_wait3A_328 = arith.constant 12 : i32
    %dma_wait3A_329 = arith.constant 0 : i32
    %dma_wait3A_330 = arith.constant 0 : i32
    %dma_wait3A_331 = tpu.memref_slice %arg9[%dma_wait3A_329, %dma_wait3A_330] : memref<320x32xf32, #tpu.memory_space<vmem>> -> memref<80x32xf32, #tpu.memory_space<vmem>>
    %dma_wait3A_332 = arith.constant 0 : i32
    %dma_wait3A_333 = tpu.memref_slice %arg6[%dma_wait3A_328, %dma_wait3A_332] : memref<64x80xi32, #tpu.memory_space<vmem>> -> memref<1x80xi32, #tpu.memory_space<vmem>>
    %dma_wait3A_334 = tpu.memref_squeeze %dma_wait3A_333 : memref<1x80xi32, #tpu.memory_space<vmem>> -> memref<80xi32, #tpu.memory_space<vmem>>
    %dma_wait3A_335 = arith.constant 0 : i32
    %dma_wait3A_336 = arith.constant 0 : i32
    %dma_wait3A_337 = tpu.memref_slice %arg11[%dma_wait3A_335, %dma_wait3A_336] : memref<10000x32xf32, #tpu.memory_space<vmem_shared>> -> memref<10000x32xf32, #tpu.memory_space<vmem_shared>>
    tpu.wait_indirect_dma semaphore(%arg13 : memref<!tpu.dma_semaphore, #tpu.memory_space<semaphore_mem>>) src(%dma_wait3A_337 : memref<10000x32xf32, #tpu.memory_space<vmem_shared>>) dst(%dma_wait3A_331 : memref<80x32xf32, #tpu.memory_space<vmem>>)
    %dma_wait3A_338 = arith.constant 13 : i32
    %dma_wait3A_339 = arith.constant 80 : i32
    %dma_wait3A_340 = arith.constant 0 : i32
    %dma_wait3A_341 = tpu.memref_slice %arg9[%dma_wait3A_339, %dma_wait3A_340] : memref<320x32xf32, #tpu.memory_space<vmem>> -> memref<80x32xf32, #tpu.memory_space<vmem>>
    %dma_wait3A_342 = arith.constant 0 : i32
    %dma_wait3A_343 = tpu.memref_slice %arg6[%dma_wait3A_338, %dma_wait3A_342] : memref<64x80xi32, #tpu.memory_space<vmem>> -> memref<1x80xi32, #tpu.memory_space<vmem>>
    %dma_wait3A_344 = tpu.memref_squeeze %dma_wait3A_343 : memref<1x80xi32, #tpu.memory_space<vmem>> -> memref<80xi32, #tpu.memory_space<vmem>>
    %dma_wait3A_345 = arith.constant 0 : i32
    %dma_wait3A_346 = arith.constant 0 : i32
    %dma_wait3A_347 = tpu.memref_slice %arg11[%dma_wait3A_345, %dma_wait3A_346] : memref<10000x32xf32, #tpu.memory_space<vmem_shared>> -> memref<10000x32xf32, #tpu.memory_space<vmem_shared>>
    tpu.wait_indirect_dma semaphore(%arg13 : memref<!tpu.dma_semaphore, #tpu.memory_space<semaphore_mem>>) src(%dma_wait3A_347 : memref<10000x32xf32, #tpu.memory_space<vmem_shared>>) dst(%dma_wait3A_341 : memref<80x32xf32, #tpu.memory_space<vmem>>)
    %dma_wait3A_348 = arith.constant 14 : i32
    %dma_wait3A_349 = arith.constant 160 : i32
    %dma_wait3A_350 = arith.constant 0 : i32
    %dma_wait3A_351 = tpu.memref_slice %arg9[%dma_wait3A_349, %dma_wait3A_350] : memref<320x32xf32, #tpu.memory_space<vmem>> -> memref<80x32xf32, #tpu.memory_space<vmem>>
    %dma_wait3A_352 = arith.constant 0 : i32
    %dma_wait3A_353 = tpu.memref_slice %arg6[%dma_wait3A_348, %dma_wait3A_352] : memref<64x80xi32, #tpu.memory_space<vmem>> -> memref<1x80xi32, #tpu.memory_space<vmem>>
    %dma_wait3A_354 = tpu.memref_squeeze %dma_wait3A_353 : memref<1x80xi32, #tpu.memory_space<vmem>> -> memref<80xi32, #tpu.memory_space<vmem>>
    %dma_wait3A_355 = arith.constant 0 : i32
    %dma_wait3A_356 = arith.constant 0 : i32
    %dma_wait3A_357 = tpu.memref_slice %arg11[%dma_wait3A_355, %dma_wait3A_356] : memref<10000x32xf32, #tpu.memory_space<vmem_shared>> -> memref<10000x32xf32, #tpu.memory_space<vmem_shared>>
    tpu.wait_indirect_dma semaphore(%arg13 : memref<!tpu.dma_semaphore, #tpu.memory_space<semaphore_mem>>) src(%dma_wait3A_357 : memref<10000x32xf32, #tpu.memory_space<vmem_shared>>) dst(%dma_wait3A_351 : memref<80x32xf32, #tpu.memory_space<vmem>>)
    %dma_wait3A_358 = arith.constant 15 : i32
    %dma_wait3A_359 = arith.constant 240 : i32
    %dma_wait3A_360 = arith.constant 0 : i32
    %dma_wait3A_361 = tpu.memref_slice %arg9[%dma_wait3A_359, %dma_wait3A_360] : memref<320x32xf32, #tpu.memory_space<vmem>> -> memref<80x32xf32, #tpu.memory_space<vmem>>
    %dma_wait3A_362 = arith.constant 0 : i32
    %dma_wait3A_363 = tpu.memref_slice %arg6[%dma_wait3A_358, %dma_wait3A_362] : memref<64x80xi32, #tpu.memory_space<vmem>> -> memref<1x80xi32, #tpu.memory_space<vmem>>
    %dma_wait3A_364 = tpu.memref_squeeze %dma_wait3A_363 : memref<1x80xi32, #tpu.memory_space<vmem>> -> memref<80xi32, #tpu.memory_space<vmem>>
    %dma_wait3A_365 = arith.constant 0 : i32
    %dma_wait3A_366 = arith.constant 0 : i32
    %dma_wait3A_367 = tpu.memref_slice %arg11[%dma_wait3A_365, %dma_wait3A_366] : memref<10000x32xf32, #tpu.memory_space<vmem_shared>> -> memref<10000x32xf32, #tpu.memory_space<vmem_shared>>
    tpu.wait_indirect_dma semaphore(%arg13 : memref<!tpu.dma_semaphore, #tpu.memory_space<semaphore_mem>>) src(%dma_wait3A_367 : memref<10000x32xf32, #tpu.memory_space<vmem_shared>>) dst(%dma_wait3A_361 : memref<80x32xf32, #tpu.memory_space<vmem>>)
    %parallel_loop3A_368 = arith.constant 0 : i32
    %parallel_loop3A_369 = arith.constant 320 : i32
    %parallel_loop3A_370 = arith.constant 1 : i32
    scf.for %parallel_loop3A_1339 = %parallel_loop3A_368 to %parallel_loop3A_369 step %parallel_loop3A_370  : i32 {
      %parallel_loop3A_1340 = arith.index_cast %parallel_loop3A_1339 : i32 to index
      %parallel_loop3A_1341 = arith.constant 0 : index
      %parallel_loop3A_1342 = tpu.vector_load %arg9[%parallel_loop3A_1340, %parallel_loop3A_1341] {strides = array<i32>} : memref<320x32xf32, #tpu.memory_space<vmem>>, vector<1x16xf32>,
      %parallel_loop3A_1343 = vector.shape_cast %parallel_loop3A_1342 : vector<1x16xf32> to vector<16xf32>
      %parallel_loop3A_1344 = arith.index_cast %parallel_loop3A_1339 : i32 to index
      %parallel_loop3A_1345 = arith.constant 0 : index
      %parallel_loop3A_1346 = tpu.vector_load %arg7[%parallel_loop3A_1344, %parallel_loop3A_1345] {strides = array<i32>} : memref<320x32xf32, #tpu.memory_space<vmem>>, vector<1x16xf32>,
      %parallel_loop3A_1347 = vector.shape_cast %parallel_loop3A_1346 : vector<1x16xf32> to vector<16xf32>
      %parallel_loop3A_1348 = vector.shape_cast %parallel_loop3A_1343 : vector<16xf32> to vector<1x16xf32>
      tpu.vector_store %arg7[%parallel_loop3A_1344, %parallel_loop3A_1345], %parallel_loop3A_1348 {add = true, strides = array<i32>} : memref<320x32xf32, #tpu.memory_space<vmem>>, vector<1x16xf32>,
      %parallel_loop3A_1349 = arith.index_cast %parallel_loop3A_1339 : i32 to index
      %parallel_loop3A_1350 = arith.constant 16 : index
      %parallel_loop3A_1351 = tpu.vector_load %arg9[%parallel_loop3A_1349, %parallel_loop3A_1350] {strides = array<i32>} : memref<320x32xf32, #tpu.memory_space<vmem>>, vector<1x16xf32>,
      %parallel_loop3A_1352 = vector.shape_cast %parallel_loop3A_1351 : vector<1x16xf32> to vector<16xf32>
      %parallel_loop3A_1353 = arith.index_cast %parallel_loop3A_1339 : i32 to index
      %parallel_loop3A_1354 = arith.constant 16 : index
      %parallel_loop3A_1355 = tpu.vector_load %arg7[%parallel_loop3A_1353, %parallel_loop3A_1354] {strides = array<i32>} : memref<320x32xf32, #tpu.memory_space<vmem>>, vector<1x16xf32>,
      %parallel_loop3A_1356 = vector.shape_cast %parallel_loop3A_1355 : vector<1x16xf32> to vector<16xf32>
      %parallel_loop3A_1357 = vector.shape_cast %parallel_loop3A_1352 : vector<16xf32> to vector<1x16xf32>
      tpu.vector_store %arg7[%parallel_loop3A_1353, %parallel_loop3A_1354], %parallel_loop3A_1357 {add = true, strides = array<i32>} : memref<320x32xf32, #tpu.memory_space<vmem>>, vector<1x16xf32>,
    } {sc.loop_unroll_factor = 8 : i64, sc.parallel_access}
    %dma_start3A_371 = arith.constant 20 : i32
    %dma_start3A_372 = arith.constant 0 : i32
    %dma_start3A_373 = arith.constant 0 : i32
    %dma_start3A_374 = tpu.memref_slice %arg9[%dma_start3A_372, %dma_start3A_373] : memref<320x32xf32, #tpu.memory_space<vmem>> -> memref<80x32xf32, #tpu.memory_space<vmem>>
    %dma_start3A_375 = arith.constant 0 : i32
    %dma_start3A_376 = tpu.memref_slice %arg6[%dma_start3A_371, %dma_start3A_375] : memref<64x80xi32, #tpu.memory_space<vmem>> -> memref<1x80xi32, #tpu.memory_space<vmem>>
    %dma_start3A_377 = tpu.memref_squeeze %dma_start3A_376 : memref<1x80xi32, #tpu.memory_space<vmem>> -> memref<80xi32, #tpu.memory_space<vmem>>
    %dma_start3A_378 = arith.constant 0 : i32
    %dma_start3A_379 = arith.constant 0 : i32
    %dma_start3A_380 = tpu.memref_slice %arg11[%dma_start3A_378, %dma_start3A_379] : memref<10000x32xf32, #tpu.memory_space<vmem_shared>> -> memref<10000x32xf32, #tpu.memory_space<vmem_shared>>
    tpu.enqueue_indirect_dma source(%dma_start3A_380 : memref<10000x32xf32, #tpu.memory_space<vmem_shared>>) target(%dma_start3A_374 : memref<80x32xf32, #tpu.memory_space<vmem>>) offsets(%dma_start3A_377 : memref<80xi32, #tpu.memory_space<vmem>>) semaphore(%arg13 : memref<!tpu.dma_semaphore, #tpu.memory_space<semaphore_mem>>)
    %dma_start3A_381 = arith.constant 21 : i32
    %dma_start3A_382 = arith.constant 80 : i32
    %dma_start3A_383 = arith.constant 0 : i32
    %dma_start3A_384 = tpu.memref_slice %arg9[%dma_start3A_382, %dma_start3A_383] : memref<320x32xf32, #tpu.memory_space<vmem>> -> memref<80x32xf32, #tpu.memory_space<vmem>>
    %dma_start3A_385 = arith.constant 0 : i32
    %dma_start3A_386 = tpu.memref_slice %arg6[%dma_start3A_381, %dma_start3A_385] : memref<64x80xi32, #tpu.memory_space<vmem>> -> memref<1x80xi32, #tpu.memory_space<vmem>>
    %dma_start3A_387 = tpu.memref_squeeze %dma_start3A_386 : memref<1x80xi32, #tpu.memory_space<vmem>> -> memref<80xi32, #tpu.memory_space<vmem>>
    %dma_start3A_388 = arith.constant 0 : i32
    %dma_start3A_389 = arith.constant 0 : i32
    %dma_start3A_390 = tpu.memref_slice %arg11[%dma_start3A_388, %dma_start3A_389] : memref<10000x32xf32, #tpu.memory_space<vmem_shared>> -> memref<10000x32xf32, #tpu.memory_space<vmem_shared>>
    tpu.enqueue_indirect_dma source(%dma_start3A_390 : memref<10000x32xf32, #tpu.memory_space<vmem_shared>>) target(%dma_start3A_384 : memref<80x32xf32, #tpu.memory_space<vmem>>) offsets(%dma_start3A_387 : memref<80xi32, #tpu.memory_space<vmem>>) semaphore(%arg13 : memref<!tpu.dma_semaphore, #tpu.memory_space<semaphore_mem>>)
    %dma_start3A_391 = arith.constant 22 : i32
    %dma_start3A_392 = arith.constant 160 : i32
    %dma_start3A_393 = arith.constant 0 : i32
    %dma_start3A_394 = tpu.memref_slice %arg9[%dma_start3A_392, %dma_start3A_393] : memref<320x32xf32, #tpu.memory_space<vmem>> -> memref<80x32xf32, #tpu.memory_space<vmem>>
    %dma_start3A_395 = arith.constant 0 : i32
    %dma_start3A_396 = tpu.memref_slice %arg6[%dma_start3A_391, %dma_start3A_395] : memref<64x80xi32, #tpu.memory_space<vmem>> -> memref<1x80xi32, #tpu.memory_space<vmem>>
    %dma_start3A_397 = tpu.memref_squeeze %dma_start3A_396 : memref<1x80xi32, #tpu.memory_space<vmem>> -> memref<80xi32, #tpu.memory_space<vmem>>
    %dma_start3A_398 = arith.constant 0 : i32
    %dma_start3A_399 = arith.constant 0 : i32
    %dma_start3A_400 = tpu.memref_slice %arg11[%dma_start3A_398, %dma_start3A_399] : memref<10000x32xf32, #tpu.memory_space<vmem_shared>> -> memref<10000x32xf32, #tpu.memory_space<vmem_shared>>
    tpu.enqueue_indirect_dma source(%dma_start3A_400 : memref<10000x32xf32, #tpu.memory_space<vmem_shared>>) target(%dma_start3A_394 : memref<80x32xf32, #tpu.memory_space<vmem>>) offsets(%dma_start3A_397 : memref<80xi32, #tpu.memory_space<vmem>>) semaphore(%arg13 : memref<!tpu.dma_semaphore, #tpu.memory_space<semaphore_mem>>)
    %dma_start3A_401 = arith.constant 23 : i32
    %dma_start3A_402 = arith.constant 240 : i32
    %dma_start3A_403 = arith.constant 0 : i32
    %dma_start3A_404 = tpu.memref_slice %arg9[%dma_start3A_402, %dma_start3A_403] : memref<320x32xf32, #tpu.memory_space<vmem>> -> memref<80x32xf32, #tpu.memory_space<vmem>>
    %dma_start3A_405 = arith.constant 0 : i32
    %dma_start3A_406 = tpu.memref_slice %arg6[%dma_start3A_401, %dma_start3A_405] : memref<64x80xi32, #tpu.memory_space<vmem>> -> memref<1x80xi32, #tpu.memory_space<vmem>>
    %dma_start3A_407 = tpu.memref_squeeze %dma_start3A_406 : memref<1x80xi32, #tpu.memory_space<vmem>> -> memref<80xi32, #tpu.memory_space<vmem>>
    %dma_start3A_408 = arith.constant 0 : i32
    %dma_start3A_409 = arith.constant 0 : i32
    %dma_start3A_410 = tpu.memref_slice %arg11[%dma_start3A_408, %dma_start3A_409] : memref<10000x32xf32, #tpu.memory_space<vmem_shared>> -> memref<10000x32xf32, #tpu.memory_space<vmem_shared>>
    tpu.enqueue_indirect_dma source(%dma_start3A_410 : memref<10000x32xf32, #tpu.memory_space<vmem_shared>>) target(%dma_start3A_404 : memref<80x32xf32, #tpu.memory_space<vmem>>) offsets(%dma_start3A_407 : memref<80xi32, #tpu.memory_space<vmem>>) semaphore(%arg13 : memref<!tpu.dma_semaphore, #tpu.memory_space<semaphore_mem>>)
    %dma_wait3A_411 = arith.constant 16 : i32
    %dma_wait3A_412 = arith.constant 0 : i32
    %dma_wait3A_413 = arith.constant 0 : i32
    %dma_wait3A_414 = tpu.memref_slice %arg8[%dma_wait3A_412, %dma_wait3A_413] : memref<320x32xf32, #tpu.memory_space<vmem>> -> memref<80x32xf32, #tpu.memory_space<vmem>>
    %dma_wait3A_415 = arith.constant 0 : i32
    %dma_wait3A_416 = tpu.memref_slice %arg6[%dma_wait3A_411, %dma_wait3A_415] : memref<64x80xi32, #tpu.memory_space<vmem>> -> memref<1x80xi32, #tpu.memory_space<vmem>>
    %dma_wait3A_417 = tpu.memref_squeeze %dma_wait3A_416 : memref<1x80xi32, #tpu.memory_space<vmem>> -> memref<80xi32, #tpu.memory_space<vmem>>
    %dma_wait3A_418 = arith.constant 0 : i32
    %dma_wait3A_419 = arith.constant 0 : i32
    %dma_wait3A_420 = tpu.memref_slice %arg11[%dma_wait3A_418, %dma_wait3A_419] : memref<10000x32xf32, #tpu.memory_space<vmem_shared>> -> memref<10000x32xf32, #tpu.memory_space<vmem_shared>>
    tpu.wait_indirect_dma semaphore(%arg12 : memref<!tpu.dma_semaphore, #tpu.memory_space<semaphore_mem>>) src(%dma_wait3A_420 : memref<10000x32xf32, #tpu.memory_space<vmem_shared>>) dst(%dma_wait3A_414 : memref<80x32xf32, #tpu.memory_space<vmem>>)
    %dma_wait3A_421 = arith.constant 17 : i32
    %dma_wait3A_422 = arith.constant 80 : i32
    %dma_wait3A_423 = arith.constant 0 : i32
    %dma_wait3A_424 = tpu.memref_slice %arg8[%dma_wait3A_422, %dma_wait3A_423] : memref<320x32xf32, #tpu.memory_space<vmem>> -> memref<80x32xf32, #tpu.memory_space<vmem>>
    %dma_wait3A_425 = arith.constant 0 : i32
    %dma_wait3A_426 = tpu.memref_slice %arg6[%dma_wait3A_421, %dma_wait3A_425] : memref<64x80xi32, #tpu.memory_space<vmem>> -> memref<1x80xi32, #tpu.memory_space<vmem>>
    %dma_wait3A_427 = tpu.memref_squeeze %dma_wait3A_426 : memref<1x80xi32, #tpu.memory_space<vmem>> -> memref<80xi32, #tpu.memory_space<vmem>>
    %dma_wait3A_428 = arith.constant 0 : i32
    %dma_wait3A_429 = arith.constant 0 : i32
    %dma_wait3A_430 = tpu.memref_slice %arg11[%dma_wait3A_428, %dma_wait3A_429] : memref<10000x32xf32, #tpu.memory_space<vmem_shared>> -> memref<10000x32xf32, #tpu.memory_space<vmem_shared>>
    tpu.wait_indirect_dma semaphore(%arg12 : memref<!tpu.dma_semaphore, #tpu.memory_space<semaphore_mem>>) src(%dma_wait3A_430 : memref<10000x32xf32, #tpu.memory_space<vmem_shared>>) dst(%dma_wait3A_424 : memref<80x32xf32, #tpu.memory_space<vmem>>)
    %dma_wait3A_431 = arith.constant 18 : i32
    %dma_wait3A_432 = arith.constant 160 : i32
    %dma_wait3A_433 = arith.constant 0 : i32
    %dma_wait3A_434 = tpu.memref_slice %arg8[%dma_wait3A_432, %dma_wait3A_433] : memref<320x32xf32, #tpu.memory_space<vmem>> -> memref<80x32xf32, #tpu.memory_space<vmem>>
    %dma_wait3A_435 = arith.constant 0 : i32
    %dma_wait3A_436 = tpu.memref_slice %arg6[%dma_wait3A_431, %dma_wait3A_435] : memref<64x80xi32, #tpu.memory_space<vmem>> -> memref<1x80xi32, #tpu.memory_space<vmem>>
    %dma_wait3A_437 = tpu.memref_squeeze %dma_wait3A_436 : memref<1x80xi32, #tpu.memory_space<vmem>> -> memref<80xi32, #tpu.memory_space<vmem>>
    %dma_wait3A_438 = arith.constant 0 : i32
    %dma_wait3A_439 = arith.constant 0 : i32
    %dma_wait3A_440 = tpu.memref_slice %arg11[%dma_wait3A_438, %dma_wait3A_439] : memref<10000x32xf32, #tpu.memory_space<vmem_shared>> -> memref<10000x32xf32, #tpu.memory_space<vmem_shared>>
    tpu.wait_indirect_dma semaphore(%arg12 : memref<!tpu.dma_semaphore, #tpu.memory_space<semaphore_mem>>) src(%dma_wait3A_440 : memref<10000x32xf32, #tpu.memory_space<vmem_shared>>) dst(%dma_wait3A_434 : memref<80x32xf32, #tpu.memory_space<vmem>>)
    %dma_wait3A_441 = arith.constant 19 : i32
    %dma_wait3A_442 = arith.constant 240 : i32
    %dma_wait3A_443 = arith.constant 0 : i32
    %dma_wait3A_444 = tpu.memref_slice %arg8[%dma_wait3A_442, %dma_wait3A_443] : memref<320x32xf32, #tpu.memory_space<vmem>> -> memref<80x32xf32, #tpu.memory_space<vmem>>
    %dma_wait3A_445 = arith.constant 0 : i32
    %dma_wait3A_446 = tpu.memref_slice %arg6[%dma_wait3A_441, %dma_wait3A_445] : memref<64x80xi32, #tpu.memory_space<vmem>> -> memref<1x80xi32, #tpu.memory_space<vmem>>
    %dma_wait3A_447 = tpu.memref_squeeze %dma_wait3A_446 : memref<1x80xi32, #tpu.memory_space<vmem>> -> memref<80xi32, #tpu.memory_space<vmem>>
    %dma_wait3A_448 = arith.constant 0 : i32
    %dma_wait3A_449 = arith.constant 0 : i32
    %dma_wait3A_450 = tpu.memref_slice %arg11[%dma_wait3A_448, %dma_wait3A_449] : memref<10000x32xf32, #tpu.memory_space<vmem_shared>> -> memref<10000x32xf32, #tpu.memory_space<vmem_shared>>
    tpu.wait_indirect_dma semaphore(%arg12 : memref<!tpu.dma_semaphore, #tpu.memory_space<semaphore_mem>>) src(%dma_wait3A_450 : memref<10000x32xf32, #tpu.memory_space<vmem_shared>>) dst(%dma_wait3A_444 : memref<80x32xf32, #tpu.memory_space<vmem>>)
    %parallel_loop3A_451 = arith.constant 0 : i32
    %parallel_loop3A_452 = arith.constant 320 : i32
    %parallel_loop3A_453 = arith.constant 1 : i32
    scf.for %parallel_loop3A_1339 = %parallel_loop3A_451 to %parallel_loop3A_452 step %parallel_loop3A_453  : i32 {
      %parallel_loop3A_1340 = arith.index_cast %parallel_loop3A_1339 : i32 to index
      %parallel_loop3A_1341 = arith.constant 0 : index
      %parallel_loop3A_1342 = tpu.vector_load %arg8[%parallel_loop3A_1340, %parallel_loop3A_1341] {strides = array<i32>} : memref<320x32xf32, #tpu.memory_space<vmem>>, vector<1x16xf32>,
      %parallel_loop3A_1343 = vector.shape_cast %parallel_loop3A_1342 : vector<1x16xf32> to vector<16xf32>
      %parallel_loop3A_1344 = arith.index_cast %parallel_loop3A_1339 : i32 to index
      %parallel_loop3A_1345 = arith.constant 0 : index
      %parallel_loop3A_1346 = tpu.vector_load %arg7[%parallel_loop3A_1344, %parallel_loop3A_1345] {strides = array<i32>} : memref<320x32xf32, #tpu.memory_space<vmem>>, vector<1x16xf32>,
      %parallel_loop3A_1347 = vector.shape_cast %parallel_loop3A_1346 : vector<1x16xf32> to vector<16xf32>
      %parallel_loop3A_1348 = vector.shape_cast %parallel_loop3A_1343 : vector<16xf32> to vector<1x16xf32>
      tpu.vector_store %arg7[%parallel_loop3A_1344, %parallel_loop3A_1345], %parallel_loop3A_1348 {add = true, strides = array<i32>} : memref<320x32xf32, #tpu.memory_space<vmem>>, vector<1x16xf32>,
      %parallel_loop3A_1349 = arith.index_cast %parallel_loop3A_1339 : i32 to index
      %parallel_loop3A_1350 = arith.constant 16 : index
      %parallel_loop3A_1351 = tpu.vector_load %arg8[%parallel_loop3A_1349, %parallel_loop3A_1350] {strides = array<i32>} : memref<320x32xf32, #tpu.memory_space<vmem>>, vector<1x16xf32>,
      %parallel_loop3A_1352 = vector.shape_cast %parallel_loop3A_1351 : vector<1x16xf32> to vector<16xf32>
      %parallel_loop3A_1353 = arith.index_cast %parallel_loop3A_1339 : i32 to index
      %parallel_loop3A_1354 = arith.constant 16 : index
      %parallel_loop3A_1355 = tpu.vector_load %arg7[%parallel_loop3A_1353, %parallel_loop3A_1354] {strides = array<i32>} : memref<320x32xf32, #tpu.memory_space<vmem>>, vector<1x16xf32>,
      %parallel_loop3A_1356 = vector.shape_cast %parallel_loop3A_1355 : vector<1x16xf32> to vector<16xf32>
      %parallel_loop3A_1357 = vector.shape_cast %parallel_loop3A_1352 : vector<16xf32> to vector<1x16xf32>
      tpu.vector_store %arg7[%parallel_loop3A_1353, %parallel_loop3A_1354], %parallel_loop3A_1357 {add = true, strides = array<i32>} : memref<320x32xf32, #tpu.memory_space<vmem>>, vector<1x16xf32>,
    } {sc.loop_unroll_factor = 8 : i64, sc.parallel_access}
    %dma_start3A_454 = arith.constant 24 : i32
    %dma_start3A_455 = arith.constant 0 : i32
    %dma_start3A_456 = arith.constant 0 : i32
    %dma_start3A_457 = tpu.memref_slice %arg8[%dma_start3A_455, %dma_start3A_456] : memref<320x32xf32, #tpu.memory_space<vmem>> -> memref<80x32xf32, #tpu.memory_space<vmem>>
    %dma_start3A_458 = arith.constant 0 : i32
    %dma_start3A_459 = tpu.memref_slice %arg6[%dma_start3A_454, %dma_start3A_458] : memref<64x80xi32, #tpu.memory_space<vmem>> -> memref<1x80xi32, #tpu.memory_space<vmem>>
    %dma_start3A_460 = tpu.memref_squeeze %dma_start3A_459 : memref<1x80xi32, #tpu.memory_space<vmem>> -> memref<80xi32, #tpu.memory_space<vmem>>
    %dma_start3A_461 = arith.constant 0 : i32
    %dma_start3A_462 = arith.constant 0 : i32
    %dma_start3A_463 = tpu.memref_slice %arg11[%dma_start3A_461, %dma_start3A_462] : memref<10000x32xf32, #tpu.memory_space<vmem_shared>> -> memref<10000x32xf32, #tpu.memory_space<vmem_shared>>
    tpu.enqueue_indirect_dma source(%dma_start3A_463 : memref<10000x32xf32, #tpu.memory_space<vmem_shared>>) target(%dma_start3A_457 : memref<80x32xf32, #tpu.memory_space<vmem>>) offsets(%dma_start3A_460 : memref<80xi32, #tpu.memory_space<vmem>>) semaphore(%arg12 : memref<!tpu.dma_semaphore, #tpu.memory_space<semaphore_mem>>)
    %dma_start3A_464 = arith.constant 25 : i32
    %dma_start3A_465 = arith.constant 80 : i32
    %dma_start3A_466 = arith.constant 0 : i32
    %dma_start3A_467 = tpu.memref_slice %arg8[%dma_start3A_465, %dma_start3A_466] : memref<320x32xf32, #tpu.memory_space<vmem>> -> memref<80x32xf32, #tpu.memory_space<vmem>>
    %dma_start3A_468 = arith.constant 0 : i32
    %dma_start3A_469 = tpu.memref_slice %arg6[%dma_start3A_464, %dma_start3A_468] : memref<64x80xi32, #tpu.memory_space<vmem>> -> memref<1x80xi32, #tpu.memory_space<vmem>>
    %dma_start3A_470 = tpu.memref_squeeze %dma_start3A_469 : memref<1x80xi32, #tpu.memory_space<vmem>> -> memref<80xi32, #tpu.memory_space<vmem>>
    %dma_start3A_471 = arith.constant 0 : i32
    %dma_start3A_472 = arith.constant 0 : i32
    %dma_start3A_473 = tpu.memref_slice %arg11[%dma_start3A_471, %dma_start3A_472] : memref<10000x32xf32, #tpu.memory_space<vmem_shared>> -> memref<10000x32xf32, #tpu.memory_space<vmem_shared>>
    tpu.enqueue_indirect_dma source(%dma_start3A_473 : memref<10000x32xf32, #tpu.memory_space<vmem_shared>>) target(%dma_start3A_467 : memref<80x32xf32, #tpu.memory_space<vmem>>) offsets(%dma_start3A_470 : memref<80xi32, #tpu.memory_space<vmem>>) semaphore(%arg12 : memref<!tpu.dma_semaphore, #tpu.memory_space<semaphore_mem>>)
    %dma_start3A_474 = arith.constant 26 : i32
    %dma_start3A_475 = arith.constant 160 : i32
    %dma_start3A_476 = arith.constant 0 : i32
    %dma_start3A_477 = tpu.memref_slice %arg8[%dma_start3A_475, %dma_start3A_476] : memref<320x32xf32, #tpu.memory_space<vmem>> -> memref<80x32xf32, #tpu.memory_space<vmem>>
    %dma_start3A_478 = arith.constant 0 : i32
    %dma_start3A_479 = tpu.memref_slice %arg6[%dma_start3A_474, %dma_start3A_478] : memref<64x80xi32, #tpu.memory_space<vmem>> -> memref<1x80xi32, #tpu.memory_space<vmem>>
    %dma_start3A_480 = tpu.memref_squeeze %dma_start3A_479 : memref<1x80xi32, #tpu.memory_space<vmem>> -> memref<80xi32, #tpu.memory_space<vmem>>
    %dma_start3A_481 = arith.constant 0 : i32
    %dma_start3A_482 = arith.constant 0 : i32
    %dma_start3A_483 = tpu.memref_slice %arg11[%dma_start3A_481, %dma_start3A_482] : memref<10000x32xf32, #tpu.memory_space<vmem_shared>> -> memref<10000x32xf32, #tpu.memory_space<vmem_shared>>
    tpu.enqueue_indirect_dma source(%dma_start3A_483 : memref<10000x32xf32, #tpu.memory_space<vmem_shared>>) target(%dma_start3A_477 : memref<80x32xf32, #tpu.memory_space<vmem>>) offsets(%dma_start3A_480 : memref<80xi32, #tpu.memory_space<vmem>>) semaphore(%arg12 : memref<!tpu.dma_semaphore, #tpu.memory_space<semaphore_mem>>)
    %dma_start3A_484 = arith.constant 27 : i32
    %dma_start3A_485 = arith.constant 240 : i32
    %dma_start3A_486 = arith.constant 0 : i32
    %dma_start3A_487 = tpu.memref_slice %arg8[%dma_start3A_485, %dma_start3A_486] : memref<320x32xf32, #tpu.memory_space<vmem>> -> memref<80x32xf32, #tpu.memory_space<vmem>>
    %dma_start3A_488 = arith.constant 0 : i32
    %dma_start3A_489 = tpu.memref_slice %arg6[%dma_start3A_484, %dma_start3A_488] : memref<64x80xi32, #tpu.memory_space<vmem>> -> memref<1x80xi32, #tpu.memory_space<vmem>>
    %dma_start3A_490 = tpu.memref_squeeze %dma_start3A_489 : memref<1x80xi32, #tpu.memory_space<vmem>> -> memref<80xi32, #tpu.memory_space<vmem>>
    %dma_start3A_491 = arith.constant 0 : i32
    %dma_start3A_492 = arith.constant 0 : i32
    %dma_start3A_493 = tpu.memref_slice %arg11[%dma_start3A_491, %dma_start3A_492] : memref<10000x32xf32, #tpu.memory_space<vmem_shared>> -> memref<10000x32xf32, #tpu.memory_space<vmem_shared>>
    tpu.enqueue_indirect_dma source(%dma_start3A_493 : memref<10000x32xf32, #tpu.memory_space<vmem_shared>>) target(%dma_start3A_487 : memref<80x32xf32, #tpu.memory_space<vmem>>) offsets(%dma_start3A_490 : memref<80xi32, #tpu.memory_space<vmem>>) semaphore(%arg12 : memref<!tpu.dma_semaphore, #tpu.memory_space<semaphore_mem>>)
    %dma_wait3A_494 = arith.constant 20 : i32
    %dma_wait3A_495 = arith.constant 0 : i32
    %dma_wait3A_496 = arith.constant 0 : i32
    %dma_wait3A_497 = tpu.memref_slice %arg9[%dma_wait3A_495, %dma_wait3A_496] : memref<320x32xf32, #tpu.memory_space<vmem>> -> memref<80x32xf32, #tpu.memory_space<vmem>>
    %dma_wait3A_498 = arith.constant 0 : i32
    %dma_wait3A_499 = tpu.memref_slice %arg6[%dma_wait3A_494, %dma_wait3A_498] : memref<64x80xi32, #tpu.memory_space<vmem>> -> memref<1x80xi32, #tpu.memory_space<vmem>>
    %dma_wait3A_500 = tpu.memref_squeeze %dma_wait3A_499 : memref<1x80xi32, #tpu.memory_space<vmem>> -> memref<80xi32, #tpu.memory_space<vmem>>
    %dma_wait3A_501 = arith.constant 0 : i32
    %dma_wait3A_502 = arith.constant 0 : i32
    %dma_wait3A_503 = tpu.memref_slice %arg11[%dma_wait3A_501, %dma_wait3A_502] : memref<10000x32xf32, #tpu.memory_space<vmem_shared>> -> memref<10000x32xf32, #tpu.memory_space<vmem_shared>>
    tpu.wait_indirect_dma semaphore(%arg13 : memref<!tpu.dma_semaphore, #tpu.memory_space<semaphore_mem>>) src(%dma_wait3A_503 : memref<10000x32xf32, #tpu.memory_space<vmem_shared>>) dst(%dma_wait3A_497 : memref<80x32xf32, #tpu.memory_space<vmem>>)
    %dma_wait3A_504 = arith.constant 21 : i32
    %dma_wait3A_505 = arith.constant 80 : i32
    %dma_wait3A_506 = arith.constant 0 : i32
    %dma_wait3A_507 = tpu.memref_slice %arg9[%dma_wait3A_505, %dma_wait3A_506] : memref<320x32xf32, #tpu.memory_space<vmem>> -> memref<80x32xf32, #tpu.memory_space<vmem>>
    %dma_wait3A_508 = arith.constant 0 : i32
    %dma_wait3A_509 = tpu.memref_slice %arg6[%dma_wait3A_504, %dma_wait3A_508] : memref<64x80xi32, #tpu.memory_space<vmem>> -> memref<1x80xi32, #tpu.memory_space<vmem>>
    %dma_wait3A_510 = tpu.memref_squeeze %dma_wait3A_509 : memref<1x80xi32, #tpu.memory_space<vmem>> -> memref<80xi32, #tpu.memory_space<vmem>>
    %dma_wait3A_511 = arith.constant 0 : i32
    %dma_wait3A_512 = arith.constant 0 : i32
    %dma_wait3A_513 = tpu.memref_slice %arg11[%dma_wait3A_511, %dma_wait3A_512] : memref<10000x32xf32, #tpu.memory_space<vmem_shared>> -> memref<10000x32xf32, #tpu.memory_space<vmem_shared>>
    tpu.wait_indirect_dma semaphore(%arg13 : memref<!tpu.dma_semaphore, #tpu.memory_space<semaphore_mem>>) src(%dma_wait3A_513 : memref<10000x32xf32, #tpu.memory_space<vmem_shared>>) dst(%dma_wait3A_507 : memref<80x32xf32, #tpu.memory_space<vmem>>)
    %dma_wait3A_514 = arith.constant 22 : i32
    %dma_wait3A_515 = arith.constant 160 : i32
    %dma_wait3A_516 = arith.constant 0 : i32
    %dma_wait3A_517 = tpu.memref_slice %arg9[%dma_wait3A_515, %dma_wait3A_516] : memref<320x32xf32, #tpu.memory_space<vmem>> -> memref<80x32xf32, #tpu.memory_space<vmem>>
    %dma_wait3A_518 = arith.constant 0 : i32
    %dma_wait3A_519 = tpu.memref_slice %arg6[%dma_wait3A_514, %dma_wait3A_518] : memref<64x80xi32, #tpu.memory_space<vmem>> -> memref<1x80xi32, #tpu.memory_space<vmem>>
    %dma_wait3A_520 = tpu.memref_squeeze %dma_wait3A_519 : memref<1x80xi32, #tpu.memory_space<vmem>> -> memref<80xi32, #tpu.memory_space<vmem>>
    %dma_wait3A_521 = arith.constant 0 : i32
    %dma_wait3A_522 = arith.constant 0 : i32
    %dma_wait3A_523 = tpu.memref_slice %arg11[%dma_wait3A_521, %dma_wait3A_522] : memref<10000x32xf32, #tpu.memory_space<vmem_shared>> -> memref<10000x32xf32, #tpu.memory_space<vmem_shared>>
    tpu.wait_indirect_dma semaphore(%arg13 : memref<!tpu.dma_semaphore, #tpu.memory_space<semaphore_mem>>) src(%dma_wait3A_523 : memref<10000x32xf32, #tpu.memory_space<vmem_shared>>) dst(%dma_wait3A_517 : memref<80x32xf32, #tpu.memory_space<vmem>>)
    %dma_wait3A_524 = arith.constant 23 : i32
    %dma_wait3A_525 = arith.constant 240 : i32
    %dma_wait3A_526 = arith.constant 0 : i32
    %dma_wait3A_527 = tpu.memref_slice %arg9[%dma_wait3A_525, %dma_wait3A_526] : memref<320x32xf32, #tpu.memory_space<vmem>> -> memref<80x32xf32, #tpu.memory_space<vmem>>
    %dma_wait3A_528 = arith.constant 0 : i32
    %dma_wait3A_529 = tpu.memref_slice %arg6[%dma_wait3A_524, %dma_wait3A_528] : memref<64x80xi32, #tpu.memory_space<vmem>> -> memref<1x80xi32, #tpu.memory_space<vmem>>
    %dma_wait3A_530 = tpu.memref_squeeze %dma_wait3A_529 : memref<1x80xi32, #tpu.memory_space<vmem>> -> memref<80xi32, #tpu.memory_space<vmem>>
    %dma_wait3A_531 = arith.constant 0 : i32
    %dma_wait3A_532 = arith.constant 0 : i32
    %dma_wait3A_533 = tpu.memref_slice %arg11[%dma_wait3A_531, %dma_wait3A_532] : memref<10000x32xf32, #tpu.memory_space<vmem_shared>> -> memref<10000x32xf32, #tpu.memory_space<vmem_shared>>
    tpu.wait_indirect_dma semaphore(%arg13 : memref<!tpu.dma_semaphore, #tpu.memory_space<semaphore_mem>>) src(%dma_wait3A_533 : memref<10000x32xf32, #tpu.memory_space<vmem_shared>>) dst(%dma_wait3A_527 : memref<80x32xf32, #tpu.memory_space<vmem>>)
    %parallel_loop3A_534 = arith.constant 0 : i32
    %parallel_loop3A_535 = arith.constant 320 : i32
    %parallel_loop3A_536 = arith.constant 1 : i32
    scf.for %parallel_loop3A_1339 = %parallel_loop3A_534 to %parallel_loop3A_535 step %parallel_loop3A_536  : i32 {
      %parallel_loop3A_1340 = arith.index_cast %parallel_loop3A_1339 : i32 to index
      %parallel_loop3A_1341 = arith.constant 0 : index
      %parallel_loop3A_1342 = tpu.vector_load %arg9[%parallel_loop3A_1340, %parallel_loop3A_1341] {strides = array<i32>} : memref<320x32xf32, #tpu.memory_space<vmem>>, vector<1x16xf32>,
      %parallel_loop3A_1343 = vector.shape_cast %parallel_loop3A_1342 : vector<1x16xf32> to vector<16xf32>
      %parallel_loop3A_1344 = arith.index_cast %parallel_loop3A_1339 : i32 to index
      %parallel_loop3A_1345 = arith.constant 0 : index
      %parallel_loop3A_1346 = tpu.vector_load %arg7[%parallel_loop3A_1344, %parallel_loop3A_1345] {strides = array<i32>} : memref<320x32xf32, #tpu.memory_space<vmem>>, vector<1x16xf32>,
      %parallel_loop3A_1347 = vector.shape_cast %parallel_loop3A_1346 : vector<1x16xf32> to vector<16xf32>
      %parallel_loop3A_1348 = vector.shape_cast %parallel_loop3A_1343 : vector<16xf32> to vector<1x16xf32>
      tpu.vector_store %arg7[%parallel_loop3A_1344, %parallel_loop3A_1345], %parallel_loop3A_1348 {add = true, strides = array<i32>} : memref<320x32xf32, #tpu.memory_space<vmem>>, vector<1x16xf32>,
      %parallel_loop3A_1349 = arith.index_cast %parallel_loop3A_1339 : i32 to index
      %parallel_loop3A_1350 = arith.constant 16 : index
      %parallel_loop3A_1351 = tpu.vector_load %arg9[%parallel_loop3A_1349, %parallel_loop3A_1350] {strides = array<i32>} : memref<320x32xf32, #tpu.memory_space<vmem>>, vector<1x16xf32>,
      %parallel_loop3A_1352 = vector.shape_cast %parallel_loop3A_1351 : vector<1x16xf32> to vector<16xf32>
      %parallel_loop3A_1353 = arith.index_cast %parallel_loop3A_1339 : i32 to index
      %parallel_loop3A_1354 = arith.constant 16 : index
      %parallel_loop3A_1355 = tpu.vector_load %arg7[%parallel_loop3A_1353, %parallel_loop3A_1354] {strides = array<i32>} : memref<320x32xf32, #tpu.memory_space<vmem>>, vector<1x16xf32>,
      %parallel_loop3A_1356 = vector.shape_cast %parallel_loop3A_1355 : vector<1x16xf32> to vector<16xf32>
      %parallel_loop3A_1357 = vector.shape_cast %parallel_loop3A_1352 : vector<16xf32> to vector<1x16xf32>
      tpu.vector_store %arg7[%parallel_loop3A_1353, %parallel_loop3A_1354], %parallel_loop3A_1357 {add = true, strides = array<i32>} : memref<320x32xf32, #tpu.memory_space<vmem>>, vector<1x16xf32>,
    } {sc.loop_unroll_factor = 8 : i64, sc.parallel_access}
    %dma_start3A_537 = arith.constant 28 : i32
    %dma_start3A_538 = arith.constant 0 : i32
    %dma_start3A_539 = arith.constant 0 : i32
    %dma_start3A_540 = tpu.memref_slice %arg9[%dma_start3A_538, %dma_start3A_539] : memref<320x32xf32, #tpu.memory_space<vmem>> -> memref<80x32xf32, #tpu.memory_space<vmem>>
    %dma_start3A_541 = arith.constant 0 : i32
    %dma_start3A_542 = tpu.memref_slice %arg6[%dma_start3A_537, %dma_start3A_541] : memref<64x80xi32, #tpu.memory_space<vmem>> -> memref<1x80xi32, #tpu.memory_space<vmem>>
    %dma_start3A_543 = tpu.memref_squeeze %dma_start3A_542 : memref<1x80xi32, #tpu.memory_space<vmem>> -> memref<80xi32, #tpu.memory_space<vmem>>
    %dma_start3A_544 = arith.constant 0 : i32
    %dma_start3A_545 = arith.constant 0 : i32
    %dma_start3A_546 = tpu.memref_slice %arg11[%dma_start3A_544, %dma_start3A_545] : memref<10000x32xf32, #tpu.memory_space<vmem_shared>> -> memref<10000x32xf32, #tpu.memory_space<vmem_shared>>
    tpu.enqueue_indirect_dma source(%dma_start3A_546 : memref<10000x32xf32, #tpu.memory_space<vmem_shared>>) target(%dma_start3A_540 : memref<80x32xf32, #tpu.memory_space<vmem>>) offsets(%dma_start3A_543 : memref<80xi32, #tpu.memory_space<vmem>>) semaphore(%arg13 : memref<!tpu.dma_semaphore, #tpu.memory_space<semaphore_mem>>)
    %dma_start3A_547 = arith.constant 29 : i32
    %dma_start3A_548 = arith.constant 80 : i32
    %dma_start3A_549 = arith.constant 0 : i32
    %dma_start3A_550 = tpu.memref_slice %arg9[%dma_start3A_548, %dma_start3A_549] : memref<320x32xf32, #tpu.memory_space<vmem>> -> memref<80x32xf32, #tpu.memory_space<vmem>>
    %dma_start3A_551 = arith.constant 0 : i32
    %dma_start3A_552 = tpu.memref_slice %arg6[%dma_start3A_547, %dma_start3A_551] : memref<64x80xi32, #tpu.memory_space<vmem>> -> memref<1x80xi32, #tpu.memory_space<vmem>>
    %dma_start3A_553 = tpu.memref_squeeze %dma_start3A_552 : memref<1x80xi32, #tpu.memory_space<vmem>> -> memref<80xi32, #tpu.memory_space<vmem>>
    %dma_start3A_554 = arith.constant 0 : i32
    %dma_start3A_555 = arith.constant 0 : i32
    %dma_start3A_556 = tpu.memref_slice %arg11[%dma_start3A_554, %dma_start3A_555] : memref<10000x32xf32, #tpu.memory_space<vmem_shared>> -> memref<10000x32xf32, #tpu.memory_space<vmem_shared>>
    tpu.enqueue_indirect_dma source(%dma_start3A_556 : memref<10000x32xf32, #tpu.memory_space<vmem_shared>>) target(%dma_start3A_550 : memref<80x32xf32, #tpu.memory_space<vmem>>) offsets(%dma_start3A_553 : memref<80xi32, #tpu.memory_space<vmem>>) semaphore(%arg13 : memref<!tpu.dma_semaphore, #tpu.memory_space<semaphore_mem>>)
    %dma_start3A_557 = arith.constant 30 : i32
    %dma_start3A_558 = arith.constant 160 : i32
    %dma_start3A_559 = arith.constant 0 : i32
    %dma_start3A_560 = tpu.memref_slice %arg9[%dma_start3A_558, %dma_start3A_559] : memref<320x32xf32, #tpu.memory_space<vmem>> -> memref<80x32xf32, #tpu.memory_space<vmem>>
    %dma_start3A_561 = arith.constant 0 : i32
    %dma_start3A_562 = tpu.memref_slice %arg6[%dma_start3A_557, %dma_start3A_561] : memref<64x80xi32, #tpu.memory_space<vmem>> -> memref<1x80xi32, #tpu.memory_space<vmem>>
    %dma_start3A_563 = tpu.memref_squeeze %dma_start3A_562 : memref<1x80xi32, #tpu.memory_space<vmem>> -> memref<80xi32, #tpu.memory_space<vmem>>
    %dma_start3A_564 = arith.constant 0 : i32
    %dma_start3A_565 = arith.constant 0 : i32
    %dma_start3A_566 = tpu.memref_slice %arg11[%dma_start3A_564, %dma_start3A_565] : memref<10000x32xf32, #tpu.memory_space<vmem_shared>> -> memref<10000x32xf32, #tpu.memory_space<vmem_shared>>
    tpu.enqueue_indirect_dma source(%dma_start3A_566 : memref<10000x32xf32, #tpu.memory_space<vmem_shared>>) target(%dma_start3A_560 : memref<80x32xf32, #tpu.memory_space<vmem>>) offsets(%dma_start3A_563 : memref<80xi32, #tpu.memory_space<vmem>>) semaphore(%arg13 : memref<!tpu.dma_semaphore, #tpu.memory_space<semaphore_mem>>)
    %dma_start3A_567 = arith.constant 31 : i32
    %dma_start3A_568 = arith.constant 240 : i32
    %dma_start3A_569 = arith.constant 0 : i32
    %dma_start3A_570 = tpu.memref_slice %arg9[%dma_start3A_568, %dma_start3A_569] : memref<320x32xf32, #tpu.memory_space<vmem>> -> memref<80x32xf32, #tpu.memory_space<vmem>>
    %dma_start3A_571 = arith.constant 0 : i32
    %dma_start3A_572 = tpu.memref_slice %arg6[%dma_start3A_567, %dma_start3A_571] : memref<64x80xi32, #tpu.memory_space<vmem>> -> memref<1x80xi32, #tpu.memory_space<vmem>>
    %dma_start3A_573 = tpu.memref_squeeze %dma_start3A_572 : memref<1x80xi32, #tpu.memory_space<vmem>> -> memref<80xi32, #tpu.memory_space<vmem>>
    %dma_start3A_574 = arith.constant 0 : i32
    %dma_start3A_575 = arith.constant 0 : i32
    %dma_start3A_576 = tpu.memref_slice %arg11[%dma_start3A_574, %dma_start3A_575] : memref<10000x32xf32, #tpu.memory_space<vmem_shared>> -> memref<10000x32xf32, #tpu.memory_space<vmem_shared>>
    tpu.enqueue_indirect_dma source(%dma_start3A_576 : memref<10000x32xf32, #tpu.memory_space<vmem_shared>>) target(%dma_start3A_570 : memref<80x32xf32, #tpu.memory_space<vmem>>) offsets(%dma_start3A_573 : memref<80xi32, #tpu.memory_space<vmem>>) semaphore(%arg13 : memref<!tpu.dma_semaphore, #tpu.memory_space<semaphore_mem>>)
    %dma_wait3A_577 = arith.constant 24 : i32
    %dma_wait3A_578 = arith.constant 0 : i32
    %dma_wait3A_579 = arith.constant 0 : i32
    %dma_wait3A_580 = tpu.memref_slice %arg8[%dma_wait3A_578, %dma_wait3A_579] : memref<320x32xf32, #tpu.memory_space<vmem>> -> memref<80x32xf32, #tpu.memory_space<vmem>>
    %dma_wait3A_581 = arith.constant 0 : i32
    %dma_wait3A_582 = tpu.memref_slice %arg6[%dma_wait3A_577, %dma_wait3A_581] : memref<64x80xi32, #tpu.memory_space<vmem>> -> memref<1x80xi32, #tpu.memory_space<vmem>>
    %dma_wait3A_583 = tpu.memref_squeeze %dma_wait3A_582 : memref<1x80xi32, #tpu.memory_space<vmem>> -> memref<80xi32, #tpu.memory_space<vmem>>
    %dma_wait3A_584 = arith.constant 0 : i32
    %dma_wait3A_585 = arith.constant 0 : i32
    %dma_wait3A_586 = tpu.memref_slice %arg11[%dma_wait3A_584, %dma_wait3A_585] : memref<10000x32xf32, #tpu.memory_space<vmem_shared>> -> memref<10000x32xf32, #tpu.memory_space<vmem_shared>>
    tpu.wait_indirect_dma semaphore(%arg12 : memref<!tpu.dma_semaphore, #tpu.memory_space<semaphore_mem>>) src(%dma_wait3A_586 : memref<10000x32xf32, #tpu.memory_space<vmem_shared>>) dst(%dma_wait3A_580 : memref<80x32xf32, #tpu.memory_space<vmem>>)
    %dma_wait3A_587 = arith.constant 25 : i32
    %dma_wait3A_588 = arith.constant 80 : i32
    %dma_wait3A_589 = arith.constant 0 : i32
    %dma_wait3A_590 = tpu.memref_slice %arg8[%dma_wait3A_588, %dma_wait3A_589] : memref<320x32xf32, #tpu.memory_space<vmem>> -> memref<80x32xf32, #tpu.memory_space<vmem>>
    %dma_wait3A_591 = arith.constant 0 : i32
    %dma_wait3A_592 = tpu.memref_slice %arg6[%dma_wait3A_587, %dma_wait3A_591] : memref<64x80xi32, #tpu.memory_space<vmem>> -> memref<1x80xi32, #tpu.memory_space<vmem>>
    %dma_wait3A_593 = tpu.memref_squeeze %dma_wait3A_592 : memref<1x80xi32, #tpu.memory_space<vmem>> -> memref<80xi32, #tpu.memory_space<vmem>>
    %dma_wait3A_594 = arith.constant 0 : i32
    %dma_wait3A_595 = arith.constant 0 : i32
    %dma_wait3A_596 = tpu.memref_slice %arg11[%dma_wait3A_594, %dma_wait3A_595] : memref<10000x32xf32, #tpu.memory_space<vmem_shared>> -> memref<10000x32xf32, #tpu.memory_space<vmem_shared>>
    tpu.wait_indirect_dma semaphore(%arg12 : memref<!tpu.dma_semaphore, #tpu.memory_space<semaphore_mem>>) src(%dma_wait3A_596 : memref<10000x32xf32, #tpu.memory_space<vmem_shared>>) dst(%dma_wait3A_590 : memref<80x32xf32, #tpu.memory_space<vmem>>)
    %dma_wait3A_597 = arith.constant 26 : i32
    %dma_wait3A_598 = arith.constant 160 : i32
    %dma_wait3A_599 = arith.constant 0 : i32
    %dma_wait3A_600 = tpu.memref_slice %arg8[%dma_wait3A_598, %dma_wait3A_599] : memref<320x32xf32, #tpu.memory_space<vmem>> -> memref<80x32xf32, #tpu.memory_space<vmem>>
    %dma_wait3A_601 = arith.constant 0 : i32
    %dma_wait3A_602 = tpu.memref_slice %arg6[%dma_wait3A_597, %dma_wait3A_601] : memref<64x80xi32, #tpu.memory_space<vmem>> -> memref<1x80xi32, #tpu.memory_space<vmem>>
    %dma_wait3A_603 = tpu.memref_squeeze %dma_wait3A_602 : memref<1x80xi32, #tpu.memory_space<vmem>> -> memref<80xi32, #tpu.memory_space<vmem>>
    %dma_wait3A_604 = arith.constant 0 : i32
    %dma_wait3A_605 = arith.constant 0 : i32
    %dma_wait3A_606 = tpu.memref_slice %arg11[%dma_wait3A_604, %dma_wait3A_605] : memref<10000x32xf32, #tpu.memory_space<vmem_shared>> -> memref<10000x32xf32, #tpu.memory_space<vmem_shared>>
    tpu.wait_indirect_dma semaphore(%arg12 : memref<!tpu.dma_semaphore, #tpu.memory_space<semaphore_mem>>) src(%dma_wait3A_606 : memref<10000x32xf32, #tpu.memory_space<vmem_shared>>) dst(%dma_wait3A_600 : memref<80x32xf32, #tpu.memory_space<vmem>>)
    %dma_wait3A_607 = arith.constant 27 : i32
    %dma_wait3A_608 = arith.constant 240 : i32
    %dma_wait3A_609 = arith.constant 0 : i32
    %dma_wait3A_610 = tpu.memref_slice %arg8[%dma_wait3A_608, %dma_wait3A_609] : memref<320x32xf32, #tpu.memory_space<vmem>> -> memref<80x32xf32, #tpu.memory_space<vmem>>
    %dma_wait3A_611 = arith.constant 0 : i32
    %dma_wait3A_612 = tpu.memref_slice %arg6[%dma_wait3A_607, %dma_wait3A_611] : memref<64x80xi32, #tpu.memory_space<vmem>> -> memref<1x80xi32, #tpu.memory_space<vmem>>
    %dma_wait3A_613 = tpu.memref_squeeze %dma_wait3A_612 : memref<1x80xi32, #tpu.memory_space<vmem>> -> memref<80xi32, #tpu.memory_space<vmem>>
    %dma_wait3A_614 = arith.constant 0 : i32
    %dma_wait3A_615 = arith.constant 0 : i32
    %dma_wait3A_616 = tpu.memref_slice %arg11[%dma_wait3A_614, %dma_wait3A_615] : memref<10000x32xf32, #tpu.memory_space<vmem_shared>> -> memref<10000x32xf32, #tpu.memory_space<vmem_shared>>
    tpu.wait_indirect_dma semaphore(%arg12 : memref<!tpu.dma_semaphore, #tpu.memory_space<semaphore_mem>>) src(%dma_wait3A_616 : memref<10000x32xf32, #tpu.memory_space<vmem_shared>>) dst(%dma_wait3A_610 : memref<80x32xf32, #tpu.memory_space<vmem>>)
    %parallel_loop3A_617 = arith.constant 0 : i32
    %parallel_loop3A_618 = arith.constant 320 : i32
    %parallel_loop3A_619 = arith.constant 1 : i32
    scf.for %parallel_loop3A_1339 = %parallel_loop3A_617 to %parallel_loop3A_618 step %parallel_loop3A_619  : i32 {
      %parallel_loop3A_1340 = arith.index_cast %parallel_loop3A_1339 : i32 to index
      %parallel_loop3A_1341 = arith.constant 0 : index
      %parallel_loop3A_1342 = tpu.vector_load %arg8[%parallel_loop3A_1340, %parallel_loop3A_1341] {strides = array<i32>} : memref<320x32xf32, #tpu.memory_space<vmem>>, vector<1x16xf32>,
      %parallel_loop3A_1343 = vector.shape_cast %parallel_loop3A_1342 : vector<1x16xf32> to vector<16xf32>
      %parallel_loop3A_1344 = arith.index_cast %parallel_loop3A_1339 : i32 to index
      %parallel_loop3A_1345 = arith.constant 0 : index
      %parallel_loop3A_1346 = tpu.vector_load %arg7[%parallel_loop3A_1344, %parallel_loop3A_1345] {strides = array<i32>} : memref<320x32xf32, #tpu.memory_space<vmem>>, vector<1x16xf32>,
      %parallel_loop3A_1347 = vector.shape_cast %parallel_loop3A_1346 : vector<1x16xf32> to vector<16xf32>
      %parallel_loop3A_1348 = vector.shape_cast %parallel_loop3A_1343 : vector<16xf32> to vector<1x16xf32>
      tpu.vector_store %arg7[%parallel_loop3A_1344, %parallel_loop3A_1345], %parallel_loop3A_1348 {add = true, strides = array<i32>} : memref<320x32xf32, #tpu.memory_space<vmem>>, vector<1x16xf32>,
      %parallel_loop3A_1349 = arith.index_cast %parallel_loop3A_1339 : i32 to index
      %parallel_loop3A_1350 = arith.constant 16 : index
      %parallel_loop3A_1351 = tpu.vector_load %arg8[%parallel_loop3A_1349, %parallel_loop3A_1350] {strides = array<i32>} : memref<320x32xf32, #tpu.memory_space<vmem>>, vector<1x16xf32>,
      %parallel_loop3A_1352 = vector.shape_cast %parallel_loop3A_1351 : vector<1x16xf32> to vector<16xf32>
      %parallel_loop3A_1353 = arith.index_cast %parallel_loop3A_1339 : i32 to index
      %parallel_loop3A_1354 = arith.constant 16 : index
      %parallel_loop3A_1355 = tpu.vector_load %arg7[%parallel_loop3A_1353, %parallel_loop3A_1354] {strides = array<i32>} : memref<320x32xf32, #tpu.memory_space<vmem>>, vector<1x16xf32>,
      %parallel_loop3A_1356 = vector.shape_cast %parallel_loop3A_1355 : vector<1x16xf32> to vector<16xf32>
      %parallel_loop3A_1357 = vector.shape_cast %parallel_loop3A_1352 : vector<16xf32> to vector<1x16xf32>
      tpu.vector_store %arg7[%parallel_loop3A_1353, %parallel_loop3A_1354], %parallel_loop3A_1357 {add = true, strides = array<i32>} : memref<320x32xf32, #tpu.memory_space<vmem>>, vector<1x16xf32>,
    } {sc.loop_unroll_factor = 8 : i64, sc.parallel_access}
    %dma_start3A_620 = arith.constant 32 : i32
    %dma_start3A_621 = arith.constant 0 : i32
    %dma_start3A_622 = arith.constant 0 : i32
    %dma_start3A_623 = tpu.memref_slice %arg8[%dma_start3A_621, %dma_start3A_622] : memref<320x32xf32, #tpu.memory_space<vmem>> -> memref<80x32xf32, #tpu.memory_space<vmem>>
    %dma_start3A_624 = arith.constant 0 : i32
    %dma_start3A_625 = tpu.memref_slice %arg6[%dma_start3A_620, %dma_start3A_624] : memref<64x80xi32, #tpu.memory_space<vmem>> -> memref<1x80xi32, #tpu.memory_space<vmem>>
    %dma_start3A_626 = tpu.memref_squeeze %dma_start3A_625 : memref<1x80xi32, #tpu.memory_space<vmem>> -> memref<80xi32, #tpu.memory_space<vmem>>
    %dma_start3A_627 = arith.constant 0 : i32
    %dma_start3A_628 = arith.constant 0 : i32
    %dma_start3A_629 = tpu.memref_slice %arg11[%dma_start3A_627, %dma_start3A_628] : memref<10000x32xf32, #tpu.memory_space<vmem_shared>> -> memref<10000x32xf32, #tpu.memory_space<vmem_shared>>
    tpu.enqueue_indirect_dma source(%dma_start3A_629 : memref<10000x32xf32, #tpu.memory_space<vmem_shared>>) target(%dma_start3A_623 : memref<80x32xf32, #tpu.memory_space<vmem>>) offsets(%dma_start3A_626 : memref<80xi32, #tpu.memory_space<vmem>>) semaphore(%arg12 : memref<!tpu.dma_semaphore, #tpu.memory_space<semaphore_mem>>)
    %dma_start3A_630 = arith.constant 33 : i32
    %dma_start3A_631 = arith.constant 80 : i32
    %dma_start3A_632 = arith.constant 0 : i32
    %dma_start3A_633 = tpu.memref_slice %arg8[%dma_start3A_631, %dma_start3A_632] : memref<320x32xf32, #tpu.memory_space<vmem>> -> memref<80x32xf32, #tpu.memory_space<vmem>>
    %dma_start3A_634 = arith.constant 0 : i32
    %dma_start3A_635 = tpu.memref_slice %arg6[%dma_start3A_630, %dma_start3A_634] : memref<64x80xi32, #tpu.memory_space<vmem>> -> memref<1x80xi32, #tpu.memory_space<vmem>>
    %dma_start3A_636 = tpu.memref_squeeze %dma_start3A_635 : memref<1x80xi32, #tpu.memory_space<vmem>> -> memref<80xi32, #tpu.memory_space<vmem>>
    %dma_start3A_637 = arith.constant 0 : i32
    %dma_start3A_638 = arith.constant 0 : i32
    %dma_start3A_639 = tpu.memref_slice %arg11[%dma_start3A_637, %dma_start3A_638] : memref<10000x32xf32, #tpu.memory_space<vmem_shared>> -> memref<10000x32xf32, #tpu.memory_space<vmem_shared>>
    tpu.enqueue_indirect_dma source(%dma_start3A_639 : memref<10000x32xf32, #tpu.memory_space<vmem_shared>>) target(%dma_start3A_633 : memref<80x32xf32, #tpu.memory_space<vmem>>) offsets(%dma_start3A_636 : memref<80xi32, #tpu.memory_space<vmem>>) semaphore(%arg12 : memref<!tpu.dma_semaphore, #tpu.memory_space<semaphore_mem>>)
    %dma_start3A_640 = arith.constant 34 : i32
    %dma_start3A_641 = arith.constant 160 : i32
    %dma_start3A_642 = arith.constant 0 : i32
    %dma_start3A_643 = tpu.memref_slice %arg8[%dma_start3A_641, %dma_start3A_642] : memref<320x32xf32, #tpu.memory_space<vmem>> -> memref<80x32xf32, #tpu.memory_space<vmem>>
    %dma_start3A_644 = arith.constant 0 : i32
    %dma_start3A_645 = tpu.memref_slice %arg6[%dma_start3A_640, %dma_start3A_644] : memref<64x80xi32, #tpu.memory_space<vmem>> -> memref<1x80xi32, #tpu.memory_space<vmem>>
    %dma_start3A_646 = tpu.memref_squeeze %dma_start3A_645 : memref<1x80xi32, #tpu.memory_space<vmem>> -> memref<80xi32, #tpu.memory_space<vmem>>
    %dma_start3A_647 = arith.constant 0 : i32
    %dma_start3A_648 = arith.constant 0 : i32
    %dma_start3A_649 = tpu.memref_slice %arg11[%dma_start3A_647, %dma_start3A_648] : memref<10000x32xf32, #tpu.memory_space<vmem_shared>> -> memref<10000x32xf32, #tpu.memory_space<vmem_shared>>
    tpu.enqueue_indirect_dma source(%dma_start3A_649 : memref<10000x32xf32, #tpu.memory_space<vmem_shared>>) target(%dma_start3A_643 : memref<80x32xf32, #tpu.memory_space<vmem>>) offsets(%dma_start3A_646 : memref<80xi32, #tpu.memory_space<vmem>>) semaphore(%arg12 : memref<!tpu.dma_semaphore, #tpu.memory_space<semaphore_mem>>)
    %dma_start3A_650 = arith.constant 35 : i32
    %dma_start3A_651 = arith.constant 240 : i32
    %dma_start3A_652 = arith.constant 0 : i32
    %dma_start3A_653 = tpu.memref_slice %arg8[%dma_start3A_651, %dma_start3A_652] : memref<320x32xf32, #tpu.memory_space<vmem>> -> memref<80x32xf32, #tpu.memory_space<vmem>>
    %dma_start3A_654 = arith.constant 0 : i32
    %dma_start3A_655 = tpu.memref_slice %arg6[%dma_start3A_650, %dma_start3A_654] : memref<64x80xi32, #tpu.memory_space<vmem>> -> memref<1x80xi32, #tpu.memory_space<vmem>>
    %dma_start3A_656 = tpu.memref_squeeze %dma_start3A_655 : memref<1x80xi32, #tpu.memory_space<vmem>> -> memref<80xi32, #tpu.memory_space<vmem>>
    %dma_start3A_657 = arith.constant 0 : i32
    %dma_start3A_658 = arith.constant 0 : i32
    %dma_start3A_659 = tpu.memref_slice %arg11[%dma_start3A_657, %dma_start3A_658] : memref<10000x32xf32, #tpu.memory_space<vmem_shared>> -> memref<10000x32xf32, #tpu.memory_space<vmem_shared>>
    tpu.enqueue_indirect_dma source(%dma_start3A_659 : memref<10000x32xf32, #tpu.memory_space<vmem_shared>>) target(%dma_start3A_653 : memref<80x32xf32, #tpu.memory_space<vmem>>) offsets(%dma_start3A_656 : memref<80xi32, #tpu.memory_space<vmem>>) semaphore(%arg12 : memref<!tpu.dma_semaphore, #tpu.memory_space<semaphore_mem>>)
    %dma_wait3A_660 = arith.constant 28 : i32
    %dma_wait3A_661 = arith.constant 0 : i32
    %dma_wait3A_662 = arith.constant 0 : i32
    %dma_wait3A_663 = tpu.memref_slice %arg9[%dma_wait3A_661, %dma_wait3A_662] : memref<320x32xf32, #tpu.memory_space<vmem>> -> memref<80x32xf32, #tpu.memory_space<vmem>>
    %dma_wait3A_664 = arith.constant 0 : i32
    %dma_wait3A_665 = tpu.memref_slice %arg6[%dma_wait3A_660, %dma_wait3A_664] : memref<64x80xi32, #tpu.memory_space<vmem>> -> memref<1x80xi32, #tpu.memory_space<vmem>>
    %dma_wait3A_666 = tpu.memref_squeeze %dma_wait3A_665 : memref<1x80xi32, #tpu.memory_space<vmem>> -> memref<80xi32, #tpu.memory_space<vmem>>
    %dma_wait3A_667 = arith.constant 0 : i32
    %dma_wait3A_668 = arith.constant 0 : i32
    %dma_wait3A_669 = tpu.memref_slice %arg11[%dma_wait3A_667, %dma_wait3A_668] : memref<10000x32xf32, #tpu.memory_space<vmem_shared>> -> memref<10000x32xf32, #tpu.memory_space<vmem_shared>>
    tpu.wait_indirect_dma semaphore(%arg13 : memref<!tpu.dma_semaphore, #tpu.memory_space<semaphore_mem>>) src(%dma_wait3A_669 : memref<10000x32xf32, #tpu.memory_space<vmem_shared>>) dst(%dma_wait3A_663 : memref<80x32xf32, #tpu.memory_space<vmem>>)
    %dma_wait3A_670 = arith.constant 29 : i32
    %dma_wait3A_671 = arith.constant 80 : i32
    %dma_wait3A_672 = arith.constant 0 : i32
    %dma_wait3A_673 = tpu.memref_slice %arg9[%dma_wait3A_671, %dma_wait3A_672] : memref<320x32xf32, #tpu.memory_space<vmem>> -> memref<80x32xf32, #tpu.memory_space<vmem>>
    %dma_wait3A_674 = arith.constant 0 : i32
    %dma_wait3A_675 = tpu.memref_slice %arg6[%dma_wait3A_670, %dma_wait3A_674] : memref<64x80xi32, #tpu.memory_space<vmem>> -> memref<1x80xi32, #tpu.memory_space<vmem>>
    %dma_wait3A_676 = tpu.memref_squeeze %dma_wait3A_675 : memref<1x80xi32, #tpu.memory_space<vmem>> -> memref<80xi32, #tpu.memory_space<vmem>>
    %dma_wait3A_677 = arith.constant 0 : i32
    %dma_wait3A_678 = arith.constant 0 : i32
    %dma_wait3A_679 = tpu.memref_slice %arg11[%dma_wait3A_677, %dma_wait3A_678] : memref<10000x32xf32, #tpu.memory_space<vmem_shared>> -> memref<10000x32xf32, #tpu.memory_space<vmem_shared>>
    tpu.wait_indirect_dma semaphore(%arg13 : memref<!tpu.dma_semaphore, #tpu.memory_space<semaphore_mem>>) src(%dma_wait3A_679 : memref<10000x32xf32, #tpu.memory_space<vmem_shared>>) dst(%dma_wait3A_673 : memref<80x32xf32, #tpu.memory_space<vmem>>)
    %dma_wait3A_680 = arith.constant 30 : i32
    %dma_wait3A_681 = arith.constant 160 : i32
    %dma_wait3A_682 = arith.constant 0 : i32
    %dma_wait3A_683 = tpu.memref_slice %arg9[%dma_wait3A_681, %dma_wait3A_682] : memref<320x32xf32, #tpu.memory_space<vmem>> -> memref<80x32xf32, #tpu.memory_space<vmem>>
    %dma_wait3A_684 = arith.constant 0 : i32
    %dma_wait3A_685 = tpu.memref_slice %arg6[%dma_wait3A_680, %dma_wait3A_684] : memref<64x80xi32, #tpu.memory_space<vmem>> -> memref<1x80xi32, #tpu.memory_space<vmem>>
    %dma_wait3A_686 = tpu.memref_squeeze %dma_wait3A_685 : memref<1x80xi32, #tpu.memory_space<vmem>> -> memref<80xi32, #tpu.memory_space<vmem>>
    %dma_wait3A_687 = arith.constant 0 : i32
    %dma_wait3A_688 = arith.constant 0 : i32
    %dma_wait3A_689 = tpu.memref_slice %arg11[%dma_wait3A_687, %dma_wait3A_688] : memref<10000x32xf32, #tpu.memory_space<vmem_shared>> -> memref<10000x32xf32, #tpu.memory_space<vmem_shared>>
    tpu.wait_indirect_dma semaphore(%arg13 : memref<!tpu.dma_semaphore, #tpu.memory_space<semaphore_mem>>) src(%dma_wait3A_689 : memref<10000x32xf32, #tpu.memory_space<vmem_shared>>) dst(%dma_wait3A_683 : memref<80x32xf32, #tpu.memory_space<vmem>>)
    %dma_wait3A_690 = arith.constant 31 : i32
    %dma_wait3A_691 = arith.constant 240 : i32
    %dma_wait3A_692 = arith.constant 0 : i32
    %dma_wait3A_693 = tpu.memref_slice %arg9[%dma_wait3A_691, %dma_wait3A_692] : memref<320x32xf32, #tpu.memory_space<vmem>> -> memref<80x32xf32, #tpu.memory_space<vmem>>
    %dma_wait3A_694 = arith.constant 0 : i32
    %dma_wait3A_695 = tpu.memref_slice %arg6[%dma_wait3A_690, %dma_wait3A_694] : memref<64x80xi32, #tpu.memory_space<vmem>> -> memref<1x80xi32, #tpu.memory_space<vmem>>
    %dma_wait3A_696 = tpu.memref_squeeze %dma_wait3A_695 : memref<1x80xi32, #tpu.memory_space<vmem>> -> memref<80xi32, #tpu.memory_space<vmem>>
    %dma_wait3A_697 = arith.constant 0 : i32
    %dma_wait3A_698 = arith.constant 0 : i32
    %dma_wait3A_699 = tpu.memref_slice %arg11[%dma_wait3A_697, %dma_wait3A_698] : memref<10000x32xf32, #tpu.memory_space<vmem_shared>> -> memref<10000x32xf32, #tpu.memory_space<vmem_shared>>
    tpu.wait_indirect_dma semaphore(%arg13 : memref<!tpu.dma_semaphore, #tpu.memory_space<semaphore_mem>>) src(%dma_wait3A_699 : memref<10000x32xf32, #tpu.memory_space<vmem_shared>>) dst(%dma_wait3A_693 : memref<80x32xf32, #tpu.memory_space<vmem>>)
    %parallel_loop3A_700 = arith.constant 0 : i32
    %parallel_loop3A_701 = arith.constant 320 : i32
    %parallel_loop3A_702 = arith.constant 1 : i32
    scf.for %parallel_loop3A_1339 = %parallel_loop3A_700 to %parallel_loop3A_701 step %parallel_loop3A_702  : i32 {
      %parallel_loop3A_1340 = arith.index_cast %parallel_loop3A_1339 : i32 to index
      %parallel_loop3A_1341 = arith.constant 0 : index
      %parallel_loop3A_1342 = tpu.vector_load %arg9[%parallel_loop3A_1340, %parallel_loop3A_1341] {strides = array<i32>} : memref<320x32xf32, #tpu.memory_space<vmem>>, vector<1x16xf32>,
      %parallel_loop3A_1343 = vector.shape_cast %parallel_loop3A_1342 : vector<1x16xf32> to vector<16xf32>
      %parallel_loop3A_1344 = arith.index_cast %parallel_loop3A_1339 : i32 to index
      %parallel_loop3A_1345 = arith.constant 0 : index
      %parallel_loop3A_1346 = tpu.vector_load %arg7[%parallel_loop3A_1344, %parallel_loop3A_1345] {strides = array<i32>} : memref<320x32xf32, #tpu.memory_space<vmem>>, vector<1x16xf32>,
      %parallel_loop3A_1347 = vector.shape_cast %parallel_loop3A_1346 : vector<1x16xf32> to vector<16xf32>
      %parallel_loop3A_1348 = vector.shape_cast %parallel_loop3A_1343 : vector<16xf32> to vector<1x16xf32>
      tpu.vector_store %arg7[%parallel_loop3A_1344, %parallel_loop3A_1345], %parallel_loop3A_1348 {add = true, strides = array<i32>} : memref<320x32xf32, #tpu.memory_space<vmem>>, vector<1x16xf32>,
      %parallel_loop3A_1349 = arith.index_cast %parallel_loop3A_1339 : i32 to index
      %parallel_loop3A_1350 = arith.constant 16 : index
      %parallel_loop3A_1351 = tpu.vector_load %arg9[%parallel_loop3A_1349, %parallel_loop3A_1350] {strides = array<i32>} : memref<320x32xf32, #tpu.memory_space<vmem>>, vector<1x16xf32>,
      %parallel_loop3A_1352 = vector.shape_cast %parallel_loop3A_1351 : vector<1x16xf32> to vector<16xf32>
      %parallel_loop3A_1353 = arith.index_cast %parallel_loop3A_1339 : i32 to index
      %parallel_loop3A_1354 = arith.constant 16 : index
      %parallel_loop3A_1355 = tpu.vector_load %arg7[%parallel_loop3A_1353, %parallel_loop3A_1354] {strides = array<i32>} : memref<320x32xf32, #tpu.memory_space<vmem>>, vector<1x16xf32>,
      %parallel_loop3A_1356 = vector.shape_cast %parallel_loop3A_1355 : vector<1x16xf32> to vector<16xf32>
      %parallel_loop3A_1357 = vector.shape_cast %parallel_loop3A_1352 : vector<16xf32> to vector<1x16xf32>
      tpu.vector_store %arg7[%parallel_loop3A_1353, %parallel_loop3A_1354], %parallel_loop3A_1357 {add = true, strides = array<i32>} : memref<320x32xf32, #tpu.memory_space<vmem>>, vector<1x16xf32>,
    } {sc.loop_unroll_factor = 8 : i64, sc.parallel_access}
    %dma_start3A_703 = arith.constant 36 : i32
    %dma_start3A_704 = arith.constant 0 : i32
    %dma_start3A_705 = arith.constant 0 : i32
    %dma_start3A_706 = tpu.memref_slice %arg9[%dma_start3A_704, %dma_start3A_705] : memref<320x32xf32, #tpu.memory_space<vmem>> -> memref<80x32xf32, #tpu.memory_space<vmem>>
    %dma_start3A_707 = arith.constant 0 : i32
    %dma_start3A_708 = tpu.memref_slice %arg6[%dma_start3A_703, %dma_start3A_707] : memref<64x80xi32, #tpu.memory_space<vmem>> -> memref<1x80xi32, #tpu.memory_space<vmem>>
    %dma_start3A_709 = tpu.memref_squeeze %dma_start3A_708 : memref<1x80xi32, #tpu.memory_space<vmem>> -> memref<80xi32, #tpu.memory_space<vmem>>
    %dma_start3A_710 = arith.constant 0 : i32
    %dma_start3A_711 = arith.constant 0 : i32
    %dma_start3A_712 = tpu.memref_slice %arg11[%dma_start3A_710, %dma_start3A_711] : memref<10000x32xf32, #tpu.memory_space<vmem_shared>> -> memref<10000x32xf32, #tpu.memory_space<vmem_shared>>
    tpu.enqueue_indirect_dma source(%dma_start3A_712 : memref<10000x32xf32, #tpu.memory_space<vmem_shared>>) target(%dma_start3A_706 : memref<80x32xf32, #tpu.memory_space<vmem>>) offsets(%dma_start3A_709 : memref<80xi32, #tpu.memory_space<vmem>>) semaphore(%arg13 : memref<!tpu.dma_semaphore, #tpu.memory_space<semaphore_mem>>)
    %dma_start3A_713 = arith.constant 37 : i32
    %dma_start3A_714 = arith.constant 80 : i32
    %dma_start3A_715 = arith.constant 0 : i32
    %dma_start3A_716 = tpu.memref_slice %arg9[%dma_start3A_714, %dma_start3A_715] : memref<320x32xf32, #tpu.memory_space<vmem>> -> memref<80x32xf32, #tpu.memory_space<vmem>>
    %dma_start3A_717 = arith.constant 0 : i32
    %dma_start3A_718 = tpu.memref_slice %arg6[%dma_start3A_713, %dma_start3A_717] : memref<64x80xi32, #tpu.memory_space<vmem>> -> memref<1x80xi32, #tpu.memory_space<vmem>>
    %dma_start3A_719 = tpu.memref_squeeze %dma_start3A_718 : memref<1x80xi32, #tpu.memory_space<vmem>> -> memref<80xi32, #tpu.memory_space<vmem>>
    %dma_start3A_720 = arith.constant 0 : i32
    %dma_start3A_721 = arith.constant 0 : i32
    %dma_start3A_722 = tpu.memref_slice %arg11[%dma_start3A_720, %dma_start3A_721] : memref<10000x32xf32, #tpu.memory_space<vmem_shared>> -> memref<10000x32xf32, #tpu.memory_space<vmem_shared>>
    tpu.enqueue_indirect_dma source(%dma_start3A_722 : memref<10000x32xf32, #tpu.memory_space<vmem_shared>>) target(%dma_start3A_716 : memref<80x32xf32, #tpu.memory_space<vmem>>) offsets(%dma_start3A_719 : memref<80xi32, #tpu.memory_space<vmem>>) semaphore(%arg13 : memref<!tpu.dma_semaphore, #tpu.memory_space<semaphore_mem>>)
    %dma_start3A_723 = arith.constant 38 : i32
    %dma_start3A_724 = arith.constant 160 : i32
    %dma_start3A_725 = arith.constant 0 : i32
    %dma_start3A_726 = tpu.memref_slice %arg9[%dma_start3A_724, %dma_start3A_725] : memref<320x32xf32, #tpu.memory_space<vmem>> -> memref<80x32xf32, #tpu.memory_space<vmem>>
    %dma_start3A_727 = arith.constant 0 : i32
    %dma_start3A_728 = tpu.memref_slice %arg6[%dma_start3A_723, %dma_start3A_727] : memref<64x80xi32, #tpu.memory_space<vmem>> -> memref<1x80xi32, #tpu.memory_space<vmem>>
    %dma_start3A_729 = tpu.memref_squeeze %dma_start3A_728 : memref<1x80xi32, #tpu.memory_space<vmem>> -> memref<80xi32, #tpu.memory_space<vmem>>
    %dma_start3A_730 = arith.constant 0 : i32
    %dma_start3A_731 = arith.constant 0 : i32
    %dma_start3A_732 = tpu.memref_slice %arg11[%dma_start3A_730, %dma_start3A_731] : memref<10000x32xf32, #tpu.memory_space<vmem_shared>> -> memref<10000x32xf32, #tpu.memory_space<vmem_shared>>
    tpu.enqueue_indirect_dma source(%dma_start3A_732 : memref<10000x32xf32, #tpu.memory_space<vmem_shared>>) target(%dma_start3A_726 : memref<80x32xf32, #tpu.memory_space<vmem>>) offsets(%dma_start3A_729 : memref<80xi32, #tpu.memory_space<vmem>>) semaphore(%arg13 : memref<!tpu.dma_semaphore, #tpu.memory_space<semaphore_mem>>)
    %dma_start3A_733 = arith.constant 39 : i32
    %dma_start3A_734 = arith.constant 240 : i32
    %dma_start3A_735 = arith.constant 0 : i32
    %dma_start3A_736 = tpu.memref_slice %arg9[%dma_start3A_734, %dma_start3A_735] : memref<320x32xf32, #tpu.memory_space<vmem>> -> memref<80x32xf32, #tpu.memory_space<vmem>>
    %dma_start3A_737 = arith.constant 0 : i32
    %dma_start3A_738 = tpu.memref_slice %arg6[%dma_start3A_733, %dma_start3A_737] : memref<64x80xi32, #tpu.memory_space<vmem>> -> memref<1x80xi32, #tpu.memory_space<vmem>>
    %dma_start3A_739 = tpu.memref_squeeze %dma_start3A_738 : memref<1x80xi32, #tpu.memory_space<vmem>> -> memref<80xi32, #tpu.memory_space<vmem>>
    %dma_start3A_740 = arith.constant 0 : i32
    %dma_start3A_741 = arith.constant 0 : i32
    %dma_start3A_742 = tpu.memref_slice %arg11[%dma_start3A_740, %dma_start3A_741] : memref<10000x32xf32, #tpu.memory_space<vmem_shared>> -> memref<10000x32xf32, #tpu.memory_space<vmem_shared>>
    tpu.enqueue_indirect_dma source(%dma_start3A_742 : memref<10000x32xf32, #tpu.memory_space<vmem_shared>>) target(%dma_start3A_736 : memref<80x32xf32, #tpu.memory_space<vmem>>) offsets(%dma_start3A_739 : memref<80xi32, #tpu.memory_space<vmem>>) semaphore(%arg13 : memref<!tpu.dma_semaphore, #tpu.memory_space<semaphore_mem>>)
    %dma_wait3A_743 = arith.constant 32 : i32
    %dma_wait3A_744 = arith.constant 0 : i32
    %dma_wait3A_745 = arith.constant 0 : i32
    %dma_wait3A_746 = tpu.memref_slice %arg8[%dma_wait3A_744, %dma_wait3A_745] : memref<320x32xf32, #tpu.memory_space<vmem>> -> memref<80x32xf32, #tpu.memory_space<vmem>>
    %dma_wait3A_747 = arith.constant 0 : i32
    %dma_wait3A_748 = tpu.memref_slice %arg6[%dma_wait3A_743, %dma_wait3A_747] : memref<64x80xi32, #tpu.memory_space<vmem>> -> memref<1x80xi32, #tpu.memory_space<vmem>>
    %dma_wait3A_749 = tpu.memref_squeeze %dma_wait3A_748 : memref<1x80xi32, #tpu.memory_space<vmem>> -> memref<80xi32, #tpu.memory_space<vmem>>
    %dma_wait3A_750 = arith.constant 0 : i32
    %dma_wait3A_751 = arith.constant 0 : i32
    %dma_wait3A_752 = tpu.memref_slice %arg11[%dma_wait3A_750, %dma_wait3A_751] : memref<10000x32xf32, #tpu.memory_space<vmem_shared>> -> memref<10000x32xf32, #tpu.memory_space<vmem_shared>>
    tpu.wait_indirect_dma semaphore(%arg12 : memref<!tpu.dma_semaphore, #tpu.memory_space<semaphore_mem>>) src(%dma_wait3A_752 : memref<10000x32xf32, #tpu.memory_space<vmem_shared>>) dst(%dma_wait3A_746 : memref<80x32xf32, #tpu.memory_space<vmem>>)
    %dma_wait3A_753 = arith.constant 33 : i32
    %dma_wait3A_754 = arith.constant 80 : i32
    %dma_wait3A_755 = arith.constant 0 : i32
    %dma_wait3A_756 = tpu.memref_slice %arg8[%dma_wait3A_754, %dma_wait3A_755] : memref<320x32xf32, #tpu.memory_space<vmem>> -> memref<80x32xf32, #tpu.memory_space<vmem>>
    %dma_wait3A_757 = arith.constant 0 : i32
    %dma_wait3A_758 = tpu.memref_slice %arg6[%dma_wait3A_753, %dma_wait3A_757] : memref<64x80xi32, #tpu.memory_space<vmem>> -> memref<1x80xi32, #tpu.memory_space<vmem>>
    %dma_wait3A_759 = tpu.memref_squeeze %dma_wait3A_758 : memref<1x80xi32, #tpu.memory_space<vmem>> -> memref<80xi32, #tpu.memory_space<vmem>>
    %dma_wait3A_760 = arith.constant 0 : i32
    %dma_wait3A_761 = arith.constant 0 : i32
    %dma_wait3A_762 = tpu.memref_slice %arg11[%dma_wait3A_760, %dma_wait3A_761] : memref<10000x32xf32, #tpu.memory_space<vmem_shared>> -> memref<10000x32xf32, #tpu.memory_space<vmem_shared>>
    tpu.wait_indirect_dma semaphore(%arg12 : memref<!tpu.dma_semaphore, #tpu.memory_space<semaphore_mem>>) src(%dma_wait3A_762 : memref<10000x32xf32, #tpu.memory_space<vmem_shared>>) dst(%dma_wait3A_756 : memref<80x32xf32, #tpu.memory_space<vmem>>)
    %dma_wait3A_763 = arith.constant 34 : i32
    %dma_wait3A_764 = arith.constant 160 : i32
    %dma_wait3A_765 = arith.constant 0 : i32
    %dma_wait3A_766 = tpu.memref_slice %arg8[%dma_wait3A_764, %dma_wait3A_765] : memref<320x32xf32, #tpu.memory_space<vmem>> -> memref<80x32xf32, #tpu.memory_space<vmem>>
    %dma_wait3A_767 = arith.constant 0 : i32
    %dma_wait3A_768 = tpu.memref_slice %arg6[%dma_wait3A_763, %dma_wait3A_767] : memref<64x80xi32, #tpu.memory_space<vmem>> -> memref<1x80xi32, #tpu.memory_space<vmem>>
    %dma_wait3A_769 = tpu.memref_squeeze %dma_wait3A_768 : memref<1x80xi32, #tpu.memory_space<vmem>> -> memref<80xi32, #tpu.memory_space<vmem>>
    %dma_wait3A_770 = arith.constant 0 : i32
    %dma_wait3A_771 = arith.constant 0 : i32
    %dma_wait3A_772 = tpu.memref_slice %arg11[%dma_wait3A_770, %dma_wait3A_771] : memref<10000x32xf32, #tpu.memory_space<vmem_shared>> -> memref<10000x32xf32, #tpu.memory_space<vmem_shared>>
    tpu.wait_indirect_dma semaphore(%arg12 : memref<!tpu.dma_semaphore, #tpu.memory_space<semaphore_mem>>) src(%dma_wait3A_772 : memref<10000x32xf32, #tpu.memory_space<vmem_shared>>) dst(%dma_wait3A_766 : memref<80x32xf32, #tpu.memory_space<vmem>>)
    %dma_wait3A_773 = arith.constant 35 : i32
    %dma_wait3A_774 = arith.constant 240 : i32
    %dma_wait3A_775 = arith.constant 0 : i32
    %dma_wait3A_776 = tpu.memref_slice %arg8[%dma_wait3A_774, %dma_wait3A_775] : memref<320x32xf32, #tpu.memory_space<vmem>> -> memref<80x32xf32, #tpu.memory_space<vmem>>
    %dma_wait3A_777 = arith.constant 0 : i32
    %dma_wait3A_778 = tpu.memref_slice %arg6[%dma_wait3A_773, %dma_wait3A_777] : memref<64x80xi32, #tpu.memory_space<vmem>> -> memref<1x80xi32, #tpu.memory_space<vmem>>
    %dma_wait3A_779 = tpu.memref_squeeze %dma_wait3A_778 : memref<1x80xi32, #tpu.memory_space<vmem>> -> memref<80xi32, #tpu.memory_space<vmem>>
    %dma_wait3A_780 = arith.constant 0 : i32
    %dma_wait3A_781 = arith.constant 0 : i32
    %dma_wait3A_782 = tpu.memref_slice %arg11[%dma_wait3A_780, %dma_wait3A_781] : memref<10000x32xf32, #tpu.memory_space<vmem_shared>> -> memref<10000x32xf32, #tpu.memory_space<vmem_shared>>
    tpu.wait_indirect_dma semaphore(%arg12 : memref<!tpu.dma_semaphore, #tpu.memory_space<semaphore_mem>>) src(%dma_wait3A_782 : memref<10000x32xf32, #tpu.memory_space<vmem_shared>>) dst(%dma_wait3A_776 : memref<80x32xf32, #tpu.memory_space<vmem>>)
    %parallel_loop3A_783 = arith.constant 0 : i32
    %parallel_loop3A_784 = arith.constant 320 : i32
    %parallel_loop3A_785 = arith.constant 1 : i32
    scf.for %parallel_loop3A_1339 = %parallel_loop3A_783 to %parallel_loop3A_784 step %parallel_loop3A_785  : i32 {
      %parallel_loop3A_1340 = arith.index_cast %parallel_loop3A_1339 : i32 to index
      %parallel_loop3A_1341 = arith.constant 0 : index
      %parallel_loop3A_1342 = tpu.vector_load %arg8[%parallel_loop3A_1340, %parallel_loop3A_1341] {strides = array<i32>} : memref<320x32xf32, #tpu.memory_space<vmem>>, vector<1x16xf32>,
      %parallel_loop3A_1343 = vector.shape_cast %parallel_loop3A_1342 : vector<1x16xf32> to vector<16xf32>
      %parallel_loop3A_1344 = arith.index_cast %parallel_loop3A_1339 : i32 to index
      %parallel_loop3A_1345 = arith.constant 0 : index
      %parallel_loop3A_1346 = tpu.vector_load %arg7[%parallel_loop3A_1344, %parallel_loop3A_1345] {strides = array<i32>} : memref<320x32xf32, #tpu.memory_space<vmem>>, vector<1x16xf32>,
      %parallel_loop3A_1347 = vector.shape_cast %parallel_loop3A_1346 : vector<1x16xf32> to vector<16xf32>
      %parallel_loop3A_1348 = vector.shape_cast %parallel_loop3A_1343 : vector<16xf32> to vector<1x16xf32>
      tpu.vector_store %arg7[%parallel_loop3A_1344, %parallel_loop3A_1345], %parallel_loop3A_1348 {add = true, strides = array<i32>} : memref<320x32xf32, #tpu.memory_space<vmem>>, vector<1x16xf32>,
      %parallel_loop3A_1349 = arith.index_cast %parallel_loop3A_1339 : i32 to index
      %parallel_loop3A_1350 = arith.constant 16 : index
      %parallel_loop3A_1351 = tpu.vector_load %arg8[%parallel_loop3A_1349, %parallel_loop3A_1350] {strides = array<i32>} : memref<320x32xf32, #tpu.memory_space<vmem>>, vector<1x16xf32>,
      %parallel_loop3A_1352 = vector.shape_cast %parallel_loop3A_1351 : vector<1x16xf32> to vector<16xf32>
      %parallel_loop3A_1353 = arith.index_cast %parallel_loop3A_1339 : i32 to index
      %parallel_loop3A_1354 = arith.constant 16 : index
      %parallel_loop3A_1355 = tpu.vector_load %arg7[%parallel_loop3A_1353, %parallel_loop3A_1354] {strides = array<i32>} : memref<320x32xf32, #tpu.memory_space<vmem>>, vector<1x16xf32>,
      %parallel_loop3A_1356 = vector.shape_cast %parallel_loop3A_1355 : vector<1x16xf32> to vector<16xf32>
      %parallel_loop3A_1357 = vector.shape_cast %parallel_loop3A_1352 : vector<16xf32> to vector<1x16xf32>
      tpu.vector_store %arg7[%parallel_loop3A_1353, %parallel_loop3A_1354], %parallel_loop3A_1357 {add = true, strides = array<i32>} : memref<320x32xf32, #tpu.memory_space<vmem>>, vector<1x16xf32>,
    } {sc.loop_unroll_factor = 8 : i64, sc.parallel_access}
    %dma_start3A_786 = arith.constant 40 : i32
    %dma_start3A_787 = arith.constant 0 : i32
    %dma_start3A_788 = arith.constant 0 : i32
    %dma_start3A_789 = tpu.memref_slice %arg8[%dma_start3A_787, %dma_start3A_788] : memref<320x32xf32, #tpu.memory_space<vmem>> -> memref<80x32xf32, #tpu.memory_space<vmem>>
    %dma_start3A_790 = arith.constant 0 : i32
    %dma_start3A_791 = tpu.memref_slice %arg6[%dma_start3A_786, %dma_start3A_790] : memref<64x80xi32, #tpu.memory_space<vmem>> -> memref<1x80xi32, #tpu.memory_space<vmem>>
    %dma_start3A_792 = tpu.memref_squeeze %dma_start3A_791 : memref<1x80xi32, #tpu.memory_space<vmem>> -> memref<80xi32, #tpu.memory_space<vmem>>
    %dma_start3A_793 = arith.constant 0 : i32
    %dma_start3A_794 = arith.constant 0 : i32
    %dma_start3A_795 = tpu.memref_slice %arg11[%dma_start3A_793, %dma_start3A_794] : memref<10000x32xf32, #tpu.memory_space<vmem_shared>> -> memref<10000x32xf32, #tpu.memory_space<vmem_shared>>
    tpu.enqueue_indirect_dma source(%dma_start3A_795 : memref<10000x32xf32, #tpu.memory_space<vmem_shared>>) target(%dma_start3A_789 : memref<80x32xf32, #tpu.memory_space<vmem>>) offsets(%dma_start3A_792 : memref<80xi32, #tpu.memory_space<vmem>>) semaphore(%arg12 : memref<!tpu.dma_semaphore, #tpu.memory_space<semaphore_mem>>)
    %dma_start3A_796 = arith.constant 41 : i32
    %dma_start3A_797 = arith.constant 80 : i32
    %dma_start3A_798 = arith.constant 0 : i32
    %dma_start3A_799 = tpu.memref_slice %arg8[%dma_start3A_797, %dma_start3A_798] : memref<320x32xf32, #tpu.memory_space<vmem>> -> memref<80x32xf32, #tpu.memory_space<vmem>>
    %dma_start3A_800 = arith.constant 0 : i32
    %dma_start3A_801 = tpu.memref_slice %arg6[%dma_start3A_796, %dma_start3A_800] : memref<64x80xi32, #tpu.memory_space<vmem>> -> memref<1x80xi32, #tpu.memory_space<vmem>>
    %dma_start3A_802 = tpu.memref_squeeze %dma_start3A_801 : memref<1x80xi32, #tpu.memory_space<vmem>> -> memref<80xi32, #tpu.memory_space<vmem>>
    %dma_start3A_803 = arith.constant 0 : i32
    %dma_start3A_804 = arith.constant 0 : i32
    %dma_start3A_805 = tpu.memref_slice %arg11[%dma_start3A_803, %dma_start3A_804] : memref<10000x32xf32, #tpu.memory_space<vmem_shared>> -> memref<10000x32xf32, #tpu.memory_space<vmem_shared>>
    tpu.enqueue_indirect_dma source(%dma_start3A_805 : memref<10000x32xf32, #tpu.memory_space<vmem_shared>>) target(%dma_start3A_799 : memref<80x32xf32, #tpu.memory_space<vmem>>) offsets(%dma_start3A_802 : memref<80xi32, #tpu.memory_space<vmem>>) semaphore(%arg12 : memref<!tpu.dma_semaphore, #tpu.memory_space<semaphore_mem>>)
    %dma_start3A_806 = arith.constant 42 : i32
    %dma_start3A_807 = arith.constant 160 : i32
    %dma_start3A_808 = arith.constant 0 : i32
    %dma_start3A_809 = tpu.memref_slice %arg8[%dma_start3A_807, %dma_start3A_808] : memref<320x32xf32, #tpu.memory_space<vmem>> -> memref<80x32xf32, #tpu.memory_space<vmem>>
    %dma_start3A_810 = arith.constant 0 : i32
    %dma_start3A_811 = tpu.memref_slice %arg6[%dma_start3A_806, %dma_start3A_810] : memref<64x80xi32, #tpu.memory_space<vmem>> -> memref<1x80xi32, #tpu.memory_space<vmem>>
    %dma_start3A_812 = tpu.memref_squeeze %dma_start3A_811 : memref<1x80xi32, #tpu.memory_space<vmem>> -> memref<80xi32, #tpu.memory_space<vmem>>
    %dma_start3A_813 = arith.constant 0 : i32
    %dma_start3A_814 = arith.constant 0 : i32
    %dma_start3A_815 = tpu.memref_slice %arg11[%dma_start3A_813, %dma_start3A_814] : memref<10000x32xf32, #tpu.memory_space<vmem_shared>> -> memref<10000x32xf32, #tpu.memory_space<vmem_shared>>
    tpu.enqueue_indirect_dma source(%dma_start3A_815 : memref<10000x32xf32, #tpu.memory_space<vmem_shared>>) target(%dma_start3A_809 : memref<80x32xf32, #tpu.memory_space<vmem>>) offsets(%dma_start3A_812 : memref<80xi32, #tpu.memory_space<vmem>>) semaphore(%arg12 : memref<!tpu.dma_semaphore, #tpu.memory_space<semaphore_mem>>)
    %dma_start3A_816 = arith.constant 43 : i32
    %dma_start3A_817 = arith.constant 240 : i32
    %dma_start3A_818 = arith.constant 0 : i32
    %dma_start3A_819 = tpu.memref_slice %arg8[%dma_start3A_817, %dma_start3A_818] : memref<320x32xf32, #tpu.memory_space<vmem>> -> memref<80x32xf32, #tpu.memory_space<vmem>>
    %dma_start3A_820 = arith.constant 0 : i32
    %dma_start3A_821 = tpu.memref_slice %arg6[%dma_start3A_816, %dma_start3A_820] : memref<64x80xi32, #tpu.memory_space<vmem>> -> memref<1x80xi32, #tpu.memory_space<vmem>>
    %dma_start3A_822 = tpu.memref_squeeze %dma_start3A_821 : memref<1x80xi32, #tpu.memory_space<vmem>> -> memref<80xi32, #tpu.memory_space<vmem>>
    %dma_start3A_823 = arith.constant 0 : i32
    %dma_start3A_824 = arith.constant 0 : i32
    %dma_start3A_825 = tpu.memref_slice %arg11[%dma_start3A_823, %dma_start3A_824] : memref<10000x32xf32, #tpu.memory_space<vmem_shared>> -> memref<10000x32xf32, #tpu.memory_space<vmem_shared>>
    tpu.enqueue_indirect_dma source(%dma_start3A_825 : memref<10000x32xf32, #tpu.memory_space<vmem_shared>>) target(%dma_start3A_819 : memref<80x32xf32, #tpu.memory_space<vmem>>) offsets(%dma_start3A_822 : memref<80xi32, #tpu.memory_space<vmem>>) semaphore(%arg12 : memref<!tpu.dma_semaphore, #tpu.memory_space<semaphore_mem>>)
    %dma_wait3A_826 = arith.constant 36 : i32
    %dma_wait3A_827 = arith.constant 0 : i32
    %dma_wait3A_828 = arith.constant 0 : i32
    %dma_wait3A_829 = tpu.memref_slice %arg9[%dma_wait3A_827, %dma_wait3A_828] : memref<320x32xf32, #tpu.memory_space<vmem>> -> memref<80x32xf32, #tpu.memory_space<vmem>>
    %dma_wait3A_830 = arith.constant 0 : i32
    %dma_wait3A_831 = tpu.memref_slice %arg6[%dma_wait3A_826, %dma_wait3A_830] : memref<64x80xi32, #tpu.memory_space<vmem>> -> memref<1x80xi32, #tpu.memory_space<vmem>>
    %dma_wait3A_832 = tpu.memref_squeeze %dma_wait3A_831 : memref<1x80xi32, #tpu.memory_space<vmem>> -> memref<80xi32, #tpu.memory_space<vmem>>
    %dma_wait3A_833 = arith.constant 0 : i32
    %dma_wait3A_834 = arith.constant 0 : i32
    %dma_wait3A_835 = tpu.memref_slice %arg11[%dma_wait3A_833, %dma_wait3A_834] : memref<10000x32xf32, #tpu.memory_space<vmem_shared>> -> memref<10000x32xf32, #tpu.memory_space<vmem_shared>>
    tpu.wait_indirect_dma semaphore(%arg13 : memref<!tpu.dma_semaphore, #tpu.memory_space<semaphore_mem>>) src(%dma_wait3A_835 : memref<10000x32xf32, #tpu.memory_space<vmem_shared>>) dst(%dma_wait3A_829 : memref<80x32xf32, #tpu.memory_space<vmem>>)
    %dma_wait3A_836 = arith.constant 37 : i32
    %dma_wait3A_837 = arith.constant 80 : i32
    %dma_wait3A_838 = arith.constant 0 : i32
    %dma_wait3A_839 = tpu.memref_slice %arg9[%dma_wait3A_837, %dma_wait3A_838] : memref<320x32xf32, #tpu.memory_space<vmem>> -> memref<80x32xf32, #tpu.memory_space<vmem>>
    %dma_wait3A_840 = arith.constant 0 : i32
    %dma_wait3A_841 = tpu.memref_slice %arg6[%dma_wait3A_836, %dma_wait3A_840] : memref<64x80xi32, #tpu.memory_space<vmem>> -> memref<1x80xi32, #tpu.memory_space<vmem>>
    %dma_wait3A_842 = tpu.memref_squeeze %dma_wait3A_841 : memref<1x80xi32, #tpu.memory_space<vmem>> -> memref<80xi32, #tpu.memory_space<vmem>>
    %dma_wait3A_843 = arith.constant 0 : i32
    %dma_wait3A_844 = arith.constant 0 : i32
    %dma_wait3A_845 = tpu.memref_slice %arg11[%dma_wait3A_843, %dma_wait3A_844] : memref<10000x32xf32, #tpu.memory_space<vmem_shared>> -> memref<10000x32xf32, #tpu.memory_space<vmem_shared>>
    tpu.wait_indirect_dma semaphore(%arg13 : memref<!tpu.dma_semaphore, #tpu.memory_space<semaphore_mem>>) src(%dma_wait3A_845 : memref<10000x32xf32, #tpu.memory_space<vmem_shared>>) dst(%dma_wait3A_839 : memref<80x32xf32, #tpu.memory_space<vmem>>)
    %dma_wait3A_846 = arith.constant 38 : i32
    %dma_wait3A_847 = arith.constant 160 : i32
    %dma_wait3A_848 = arith.constant 0 : i32
    %dma_wait3A_849 = tpu.memref_slice %arg9[%dma_wait3A_847, %dma_wait3A_848] : memref<320x32xf32, #tpu.memory_space<vmem>> -> memref<80x32xf32, #tpu.memory_space<vmem>>
    %dma_wait3A_850 = arith.constant 0 : i32
    %dma_wait3A_851 = tpu.memref_slice %arg6[%dma_wait3A_846, %dma_wait3A_850] : memref<64x80xi32, #tpu.memory_space<vmem>> -> memref<1x80xi32, #tpu.memory_space<vmem>>
    %dma_wait3A_852 = tpu.memref_squeeze %dma_wait3A_851 : memref<1x80xi32, #tpu.memory_space<vmem>> -> memref<80xi32, #tpu.memory_space<vmem>>
    %dma_wait3A_853 = arith.constant 0 : i32
    %dma_wait3A_854 = arith.constant 0 : i32
    %dma_wait3A_855 = tpu.memref_slice %arg11[%dma_wait3A_853, %dma_wait3A_854] : memref<10000x32xf32, #tpu.memory_space<vmem_shared>> -> memref<10000x32xf32, #tpu.memory_space<vmem_shared>>
    tpu.wait_indirect_dma semaphore(%arg13 : memref<!tpu.dma_semaphore, #tpu.memory_space<semaphore_mem>>) src(%dma_wait3A_855 : memref<10000x32xf32, #tpu.memory_space<vmem_shared>>) dst(%dma_wait3A_849 : memref<80x32xf32, #tpu.memory_space<vmem>>)
    %dma_wait3A_856 = arith.constant 39 : i32
    %dma_wait3A_857 = arith.constant 240 : i32
    %dma_wait3A_858 = arith.constant 0 : i32
    %dma_wait3A_859 = tpu.memref_slice %arg9[%dma_wait3A_857, %dma_wait3A_858] : memref<320x32xf32, #tpu.memory_space<vmem>> -> memref<80x32xf32, #tpu.memory_space<vmem>>
    %dma_wait3A_860 = arith.constant 0 : i32
    %dma_wait3A_861 = tpu.memref_slice %arg6[%dma_wait3A_856, %dma_wait3A_860] : memref<64x80xi32, #tpu.memory_space<vmem>> -> memref<1x80xi32, #tpu.memory_space<vmem>>
    %dma_wait3A_862 = tpu.memref_squeeze %dma_wait3A_861 : memref<1x80xi32, #tpu.memory_space<vmem>> -> memref<80xi32, #tpu.memory_space<vmem>>
    %dma_wait3A_863 = arith.constant 0 : i32
    %dma_wait3A_864 = arith.constant 0 : i32
    %dma_wait3A_865 = tpu.memref_slice %arg11[%dma_wait3A_863, %dma_wait3A_864] : memref<10000x32xf32, #tpu.memory_space<vmem_shared>> -> memref<10000x32xf32, #tpu.memory_space<vmem_shared>>
    tpu.wait_indirect_dma semaphore(%arg13 : memref<!tpu.dma_semaphore, #tpu.memory_space<semaphore_mem>>) src(%dma_wait3A_865 : memref<10000x32xf32, #tpu.memory_space<vmem_shared>>) dst(%dma_wait3A_859 : memref<80x32xf32, #tpu.memory_space<vmem>>)
    %parallel_loop3A_866 = arith.constant 0 : i32
    %parallel_loop3A_867 = arith.constant 320 : i32
    %parallel_loop3A_868 = arith.constant 1 : i32
    scf.for %parallel_loop3A_1339 = %parallel_loop3A_866 to %parallel_loop3A_867 step %parallel_loop3A_868  : i32 {
      %parallel_loop3A_1340 = arith.index_cast %parallel_loop3A_1339 : i32 to index
      %parallel_loop3A_1341 = arith.constant 0 : index
      %parallel_loop3A_1342 = tpu.vector_load %arg9[%parallel_loop3A_1340, %parallel_loop3A_1341] {strides = array<i32>} : memref<320x32xf32, #tpu.memory_space<vmem>>, vector<1x16xf32>,
      %parallel_loop3A_1343 = vector.shape_cast %parallel_loop3A_1342 : vector<1x16xf32> to vector<16xf32>
      %parallel_loop3A_1344 = arith.index_cast %parallel_loop3A_1339 : i32 to index
      %parallel_loop3A_1345 = arith.constant 0 : index
      %parallel_loop3A_1346 = tpu.vector_load %arg7[%parallel_loop3A_1344, %parallel_loop3A_1345] {strides = array<i32>} : memref<320x32xf32, #tpu.memory_space<vmem>>, vector<1x16xf32>,
      %parallel_loop3A_1347 = vector.shape_cast %parallel_loop3A_1346 : vector<1x16xf32> to vector<16xf32>
      %parallel_loop3A_1348 = vector.shape_cast %parallel_loop3A_1343 : vector<16xf32> to vector<1x16xf32>
      tpu.vector_store %arg7[%parallel_loop3A_1344, %parallel_loop3A_1345], %parallel_loop3A_1348 {add = true, strides = array<i32>} : memref<320x32xf32, #tpu.memory_space<vmem>>, vector<1x16xf32>,
      %parallel_loop3A_1349 = arith.index_cast %parallel_loop3A_1339 : i32 to index
      %parallel_loop3A_1350 = arith.constant 16 : index
      %parallel_loop3A_1351 = tpu.vector_load %arg9[%parallel_loop3A_1349, %parallel_loop3A_1350] {strides = array<i32>} : memref<320x32xf32, #tpu.memory_space<vmem>>, vector<1x16xf32>,
      %parallel_loop3A_1352 = vector.shape_cast %parallel_loop3A_1351 : vector<1x16xf32> to vector<16xf32>
      %parallel_loop3A_1353 = arith.index_cast %parallel_loop3A_1339 : i32 to index
      %parallel_loop3A_1354 = arith.constant 16 : index
      %parallel_loop3A_1355 = tpu.vector_load %arg7[%parallel_loop3A_1353, %parallel_loop3A_1354] {strides = array<i32>} : memref<320x32xf32, #tpu.memory_space<vmem>>, vector<1x16xf32>,
      %parallel_loop3A_1356 = vector.shape_cast %parallel_loop3A_1355 : vector<1x16xf32> to vector<16xf32>
      %parallel_loop3A_1357 = vector.shape_cast %parallel_loop3A_1352 : vector<16xf32> to vector<1x16xf32>
      tpu.vector_store %arg7[%parallel_loop3A_1353, %parallel_loop3A_1354], %parallel_loop3A_1357 {add = true, strides = array<i32>} : memref<320x32xf32, #tpu.memory_space<vmem>>, vector<1x16xf32>,
    } {sc.loop_unroll_factor = 8 : i64, sc.parallel_access}
    %dma_start3A_869 = arith.constant 44 : i32
    %dma_start3A_870 = arith.constant 0 : i32
    %dma_start3A_871 = arith.constant 0 : i32
    %dma_start3A_872 = tpu.memref_slice %arg9[%dma_start3A_870, %dma_start3A_871] : memref<320x32xf32, #tpu.memory_space<vmem>> -> memref<80x32xf32, #tpu.memory_space<vmem>>
    %dma_start3A_873 = arith.constant 0 : i32
    %dma_start3A_874 = tpu.memref_slice %arg6[%dma_start3A_869, %dma_start3A_873] : memref<64x80xi32, #tpu.memory_space<vmem>> -> memref<1x80xi32, #tpu.memory_space<vmem>>
    %dma_start3A_875 = tpu.memref_squeeze %dma_start3A_874 : memref<1x80xi32, #tpu.memory_space<vmem>> -> memref<80xi32, #tpu.memory_space<vmem>>
    %dma_start3A_876 = arith.constant 0 : i32
    %dma_start3A_877 = arith.constant 0 : i32
    %dma_start3A_878 = tpu.memref_slice %arg11[%dma_start3A_876, %dma_start3A_877] : memref<10000x32xf32, #tpu.memory_space<vmem_shared>> -> memref<10000x32xf32, #tpu.memory_space<vmem_shared>>
    tpu.enqueue_indirect_dma source(%dma_start3A_878 : memref<10000x32xf32, #tpu.memory_space<vmem_shared>>) target(%dma_start3A_872 : memref<80x32xf32, #tpu.memory_space<vmem>>) offsets(%dma_start3A_875 : memref<80xi32, #tpu.memory_space<vmem>>) semaphore(%arg13 : memref<!tpu.dma_semaphore, #tpu.memory_space<semaphore_mem>>)
    %dma_start3A_879 = arith.constant 45 : i32
    %dma_start3A_880 = arith.constant 80 : i32
    %dma_start3A_881 = arith.constant 0 : i32
    %dma_start3A_882 = tpu.memref_slice %arg9[%dma_start3A_880, %dma_start3A_881] : memref<320x32xf32, #tpu.memory_space<vmem>> -> memref<80x32xf32, #tpu.memory_space<vmem>>
    %dma_start3A_883 = arith.constant 0 : i32
    %dma_start3A_884 = tpu.memref_slice %arg6[%dma_start3A_879, %dma_start3A_883] : memref<64x80xi32, #tpu.memory_space<vmem>> -> memref<1x80xi32, #tpu.memory_space<vmem>>
    %dma_start3A_885 = tpu.memref_squeeze %dma_start3A_884 : memref<1x80xi32, #tpu.memory_space<vmem>> -> memref<80xi32, #tpu.memory_space<vmem>>
    %dma_start3A_886 = arith.constant 0 : i32
    %dma_start3A_887 = arith.constant 0 : i32
    %dma_start3A_888 = tpu.memref_slice %arg11[%dma_start3A_886, %dma_start3A_887] : memref<10000x32xf32, #tpu.memory_space<vmem_shared>> -> memref<10000x32xf32, #tpu.memory_space<vmem_shared>>
    tpu.enqueue_indirect_dma source(%dma_start3A_888 : memref<10000x32xf32, #tpu.memory_space<vmem_shared>>) target(%dma_start3A_882 : memref<80x32xf32, #tpu.memory_space<vmem>>) offsets(%dma_start3A_885 : memref<80xi32, #tpu.memory_space<vmem>>) semaphore(%arg13 : memref<!tpu.dma_semaphore, #tpu.memory_space<semaphore_mem>>)
    %dma_start3A_889 = arith.constant 46 : i32
    %dma_start3A_890 = arith.constant 160 : i32
    %dma_start3A_891 = arith.constant 0 : i32
    %dma_start3A_892 = tpu.memref_slice %arg9[%dma_start3A_890, %dma_start3A_891] : memref<320x32xf32, #tpu.memory_space<vmem>> -> memref<80x32xf32, #tpu.memory_space<vmem>>
    %dma_start3A_893 = arith.constant 0 : i32
    %dma_start3A_894 = tpu.memref_slice %arg6[%dma_start3A_889, %dma_start3A_893] : memref<64x80xi32, #tpu.memory_space<vmem>> -> memref<1x80xi32, #tpu.memory_space<vmem>>
    %dma_start3A_895 = tpu.memref_squeeze %dma_start3A_894 : memref<1x80xi32, #tpu.memory_space<vmem>> -> memref<80xi32, #tpu.memory_space<vmem>>
    %dma_start3A_896 = arith.constant 0 : i32
    %dma_start3A_897 = arith.constant 0 : i32
    %dma_start3A_898 = tpu.memref_slice %arg11[%dma_start3A_896, %dma_start3A_897] : memref<10000x32xf32, #tpu.memory_space<vmem_shared>> -> memref<10000x32xf32, #tpu.memory_space<vmem_shared>>
    tpu.enqueue_indirect_dma source(%dma_start3A_898 : memref<10000x32xf32, #tpu.memory_space<vmem_shared>>) target(%dma_start3A_892 : memref<80x32xf32, #tpu.memory_space<vmem>>) offsets(%dma_start3A_895 : memref<80xi32, #tpu.memory_space<vmem>>) semaphore(%arg13 : memref<!tpu.dma_semaphore, #tpu.memory_space<semaphore_mem>>)
    %dma_start3A_899 = arith.constant 47 : i32
    %dma_start3A_900 = arith.constant 240 : i32
    %dma_start3A_901 = arith.constant 0 : i32
    %dma_start3A_902 = tpu.memref_slice %arg9[%dma_start3A_900, %dma_start3A_901] : memref<320x32xf32, #tpu.memory_space<vmem>> -> memref<80x32xf32, #tpu.memory_space<vmem>>
    %dma_start3A_903 = arith.constant 0 : i32
    %dma_start3A_904 = tpu.memref_slice %arg6[%dma_start3A_899, %dma_start3A_903] : memref<64x80xi32, #tpu.memory_space<vmem>> -> memref<1x80xi32, #tpu.memory_space<vmem>>
    %dma_start3A_905 = tpu.memref_squeeze %dma_start3A_904 : memref<1x80xi32, #tpu.memory_space<vmem>> -> memref<80xi32, #tpu.memory_space<vmem>>
    %dma_start3A_906 = arith.constant 0 : i32
    %dma_start3A_907 = arith.constant 0 : i32
    %dma_start3A_908 = tpu.memref_slice %arg11[%dma_start3A_906, %dma_start3A_907] : memref<10000x32xf32, #tpu.memory_space<vmem_shared>> -> memref<10000x32xf32, #tpu.memory_space<vmem_shared>>
    tpu.enqueue_indirect_dma source(%dma_start3A_908 : memref<10000x32xf32, #tpu.memory_space<vmem_shared>>) target(%dma_start3A_902 : memref<80x32xf32, #tpu.memory_space<vmem>>) offsets(%dma_start3A_905 : memref<80xi32, #tpu.memory_space<vmem>>) semaphore(%arg13 : memref<!tpu.dma_semaphore, #tpu.memory_space<semaphore_mem>>)
    %dma_wait3A_909 = arith.constant 40 : i32
    %dma_wait3A_910 = arith.constant 0 : i32
    %dma_wait3A_911 = arith.constant 0 : i32
    %dma_wait3A_912 = tpu.memref_slice %arg8[%dma_wait3A_910, %dma_wait3A_911] : memref<320x32xf32, #tpu.memory_space<vmem>> -> memref<80x32xf32, #tpu.memory_space<vmem>>
    %dma_wait3A_913 = arith.constant 0 : i32
    %dma_wait3A_914 = tpu.memref_slice %arg6[%dma_wait3A_909, %dma_wait3A_913] : memref<64x80xi32, #tpu.memory_space<vmem>> -> memref<1x80xi32, #tpu.memory_space<vmem>>
    %dma_wait3A_915 = tpu.memref_squeeze %dma_wait3A_914 : memref<1x80xi32, #tpu.memory_space<vmem>> -> memref<80xi32, #tpu.memory_space<vmem>>
    %dma_wait3A_916 = arith.constant 0 : i32
    %dma_wait3A_917 = arith.constant 0 : i32
    %dma_wait3A_918 = tpu.memref_slice %arg11[%dma_wait3A_916, %dma_wait3A_917] : memref<10000x32xf32, #tpu.memory_space<vmem_shared>> -> memref<10000x32xf32, #tpu.memory_space<vmem_shared>>
    tpu.wait_indirect_dma semaphore(%arg12 : memref<!tpu.dma_semaphore, #tpu.memory_space<semaphore_mem>>) src(%dma_wait3A_918 : memref<10000x32xf32, #tpu.memory_space<vmem_shared>>) dst(%dma_wait3A_912 : memref<80x32xf32, #tpu.memory_space<vmem>>)
    %dma_wait3A_919 = arith.constant 41 : i32
    %dma_wait3A_920 = arith.constant 80 : i32
    %dma_wait3A_921 = arith.constant 0 : i32
    %dma_wait3A_922 = tpu.memref_slice %arg8[%dma_wait3A_920, %dma_wait3A_921] : memref<320x32xf32, #tpu.memory_space<vmem>> -> memref<80x32xf32, #tpu.memory_space<vmem>>
    %dma_wait3A_923 = arith.constant 0 : i32
    %dma_wait3A_924 = tpu.memref_slice %arg6[%dma_wait3A_919, %dma_wait3A_923] : memref<64x80xi32, #tpu.memory_space<vmem>> -> memref<1x80xi32, #tpu.memory_space<vmem>>
    %dma_wait3A_925 = tpu.memref_squeeze %dma_wait3A_924 : memref<1x80xi32, #tpu.memory_space<vmem>> -> memref<80xi32, #tpu.memory_space<vmem>>
    %dma_wait3A_926 = arith.constant 0 : i32
    %dma_wait3A_927 = arith.constant 0 : i32
    %dma_wait3A_928 = tpu.memref_slice %arg11[%dma_wait3A_926, %dma_wait3A_927] : memref<10000x32xf32, #tpu.memory_space<vmem_shared>> -> memref<10000x32xf32, #tpu.memory_space<vmem_shared>>
    tpu.wait_indirect_dma semaphore(%arg12 : memref<!tpu.dma_semaphore, #tpu.memory_space<semaphore_mem>>) src(%dma_wait3A_928 : memref<10000x32xf32, #tpu.memory_space<vmem_shared>>) dst(%dma_wait3A_922 : memref<80x32xf32, #tpu.memory_space<vmem>>)
    %dma_wait3A_929 = arith.constant 42 : i32
    %dma_wait3A_930 = arith.constant 160 : i32
    %dma_wait3A_931 = arith.constant 0 : i32
    %dma_wait3A_932 = tpu.memref_slice %arg8[%dma_wait3A_930, %dma_wait3A_931] : memref<320x32xf32, #tpu.memory_space<vmem>> -> memref<80x32xf32, #tpu.memory_space<vmem>>
    %dma_wait3A_933 = arith.constant 0 : i32
    %dma_wait3A_934 = tpu.memref_slice %arg6[%dma_wait3A_929, %dma_wait3A_933] : memref<64x80xi32, #tpu.memory_space<vmem>> -> memref<1x80xi32, #tpu.memory_space<vmem>>
    %dma_wait3A_935 = tpu.memref_squeeze %dma_wait3A_934 : memref<1x80xi32, #tpu.memory_space<vmem>> -> memref<80xi32, #tpu.memory_space<vmem>>
    %dma_wait3A_936 = arith.constant 0 : i32
    %dma_wait3A_937 = arith.constant 0 : i32
    %dma_wait3A_938 = tpu.memref_slice %arg11[%dma_wait3A_936, %dma_wait3A_937] : memref<10000x32xf32, #tpu.memory_space<vmem_shared>> -> memref<10000x32xf32, #tpu.memory_space<vmem_shared>>
    tpu.wait_indirect_dma semaphore(%arg12 : memref<!tpu.dma_semaphore, #tpu.memory_space<semaphore_mem>>) src(%dma_wait3A_938 : memref<10000x32xf32, #tpu.memory_space<vmem_shared>>) dst(%dma_wait3A_932 : memref<80x32xf32, #tpu.memory_space<vmem>>)
    %dma_wait3A_939 = arith.constant 43 : i32
    %dma_wait3A_940 = arith.constant 240 : i32
    %dma_wait3A_941 = arith.constant 0 : i32
    %dma_wait3A_942 = tpu.memref_slice %arg8[%dma_wait3A_940, %dma_wait3A_941] : memref<320x32xf32, #tpu.memory_space<vmem>> -> memref<80x32xf32, #tpu.memory_space<vmem>>
    %dma_wait3A_943 = arith.constant 0 : i32
    %dma_wait3A_944 = tpu.memref_slice %arg6[%dma_wait3A_939, %dma_wait3A_943] : memref<64x80xi32, #tpu.memory_space<vmem>> -> memref<1x80xi32, #tpu.memory_space<vmem>>
    %dma_wait3A_945 = tpu.memref_squeeze %dma_wait3A_944 : memref<1x80xi32, #tpu.memory_space<vmem>> -> memref<80xi32, #tpu.memory_space<vmem>>
    %dma_wait3A_946 = arith.constant 0 : i32
    %dma_wait3A_947 = arith.constant 0 : i32
    %dma_wait3A_948 = tpu.memref_slice %arg11[%dma_wait3A_946, %dma_wait3A_947] : memref<10000x32xf32, #tpu.memory_space<vmem_shared>> -> memref<10000x32xf32, #tpu.memory_space<vmem_shared>>
    tpu.wait_indirect_dma semaphore(%arg12 : memref<!tpu.dma_semaphore, #tpu.memory_space<semaphore_mem>>) src(%dma_wait3A_948 : memref<10000x32xf32, #tpu.memory_space<vmem_shared>>) dst(%dma_wait3A_942 : memref<80x32xf32, #tpu.memory_space<vmem>>)
    %parallel_loop3A_949 = arith.constant 0 : i32
    %parallel_loop3A_950 = arith.constant 320 : i32
    %parallel_loop3A_951 = arith.constant 1 : i32
    scf.for %parallel_loop3A_1339 = %parallel_loop3A_949 to %parallel_loop3A_950 step %parallel_loop3A_951  : i32 {
      %parallel_loop3A_1340 = arith.index_cast %parallel_loop3A_1339 : i32 to index
      %parallel_loop3A_1341 = arith.constant 0 : index
      %parallel_loop3A_1342 = tpu.vector_load %arg8[%parallel_loop3A_1340, %parallel_loop3A_1341] {strides = array<i32>} : memref<320x32xf32, #tpu.memory_space<vmem>>, vector<1x16xf32>,
      %parallel_loop3A_1343 = vector.shape_cast %parallel_loop3A_1342 : vector<1x16xf32> to vector<16xf32>
      %parallel_loop3A_1344 = arith.index_cast %parallel_loop3A_1339 : i32 to index
      %parallel_loop3A_1345 = arith.constant 0 : index
      %parallel_loop3A_1346 = tpu.vector_load %arg7[%parallel_loop3A_1344, %parallel_loop3A_1345] {strides = array<i32>} : memref<320x32xf32, #tpu.memory_space<vmem>>, vector<1x16xf32>,
      %parallel_loop3A_1347 = vector.shape_cast %parallel_loop3A_1346 : vector<1x16xf32> to vector<16xf32>
      %parallel_loop3A_1348 = vector.shape_cast %parallel_loop3A_1343 : vector<16xf32> to vector<1x16xf32>
      tpu.vector_store %arg7[%parallel_loop3A_1344, %parallel_loop3A_1345], %parallel_loop3A_1348 {add = true, strides = array<i32>} : memref<320x32xf32, #tpu.memory_space<vmem>>, vector<1x16xf32>,
      %parallel_loop3A_1349 = arith.index_cast %parallel_loop3A_1339 : i32 to index
      %parallel_loop3A_1350 = arith.constant 16 : index
      %parallel_loop3A_1351 = tpu.vector_load %arg8[%parallel_loop3A_1349, %parallel_loop3A_1350] {strides = array<i32>} : memref<320x32xf32, #tpu.memory_space<vmem>>, vector<1x16xf32>,
      %parallel_loop3A_1352 = vector.shape_cast %parallel_loop3A_1351 : vector<1x16xf32> to vector<16xf32>
      %parallel_loop3A_1353 = arith.index_cast %parallel_loop3A_1339 : i32 to index
      %parallel_loop3A_1354 = arith.constant 16 : index
      %parallel_loop3A_1355 = tpu.vector_load %arg7[%parallel_loop3A_1353, %parallel_loop3A_1354] {strides = array<i32>} : memref<320x32xf32, #tpu.memory_space<vmem>>, vector<1x16xf32>,
      %parallel_loop3A_1356 = vector.shape_cast %parallel_loop3A_1355 : vector<1x16xf32> to vector<16xf32>
      %parallel_loop3A_1357 = vector.shape_cast %parallel_loop3A_1352 : vector<16xf32> to vector<1x16xf32>
      tpu.vector_store %arg7[%parallel_loop3A_1353, %parallel_loop3A_1354], %parallel_loop3A_1357 {add = true, strides = array<i32>} : memref<320x32xf32, #tpu.memory_space<vmem>>, vector<1x16xf32>,
    } {sc.loop_unroll_factor = 8 : i64, sc.parallel_access}
    %dma_start3A_952 = arith.constant 48 : i32
    %dma_start3A_953 = arith.constant 0 : i32
    %dma_start3A_954 = arith.constant 0 : i32
    %dma_start3A_955 = tpu.memref_slice %arg8[%dma_start3A_953, %dma_start3A_954] : memref<320x32xf32, #tpu.memory_space<vmem>> -> memref<80x32xf32, #tpu.memory_space<vmem>>
    %dma_start3A_956 = arith.constant 0 : i32
    %dma_start3A_957 = tpu.memref_slice %arg6[%dma_start3A_952, %dma_start3A_956] : memref<64x80xi32, #tpu.memory_space<vmem>> -> memref<1x80xi32, #tpu.memory_space<vmem>>
    %dma_start3A_958 = tpu.memref_squeeze %dma_start3A_957 : memref<1x80xi32, #tpu.memory_space<vmem>> -> memref<80xi32, #tpu.memory_space<vmem>>
    %dma_start3A_959 = arith.constant 0 : i32
    %dma_start3A_960 = arith.constant 0 : i32
    %dma_start3A_961 = tpu.memref_slice %arg11[%dma_start3A_959, %dma_start3A_960] : memref<10000x32xf32, #tpu.memory_space<vmem_shared>> -> memref<10000x32xf32, #tpu.memory_space<vmem_shared>>
    tpu.enqueue_indirect_dma source(%dma_start3A_961 : memref<10000x32xf32, #tpu.memory_space<vmem_shared>>) target(%dma_start3A_955 : memref<80x32xf32, #tpu.memory_space<vmem>>) offsets(%dma_start3A_958 : memref<80xi32, #tpu.memory_space<vmem>>) semaphore(%arg12 : memref<!tpu.dma_semaphore, #tpu.memory_space<semaphore_mem>>)
    %dma_start3A_962 = arith.constant 49 : i32
    %dma_start3A_963 = arith.constant 80 : i32
    %dma_start3A_964 = arith.constant 0 : i32
    %dma_start3A_965 = tpu.memref_slice %arg8[%dma_start3A_963, %dma_start3A_964] : memref<320x32xf32, #tpu.memory_space<vmem>> -> memref<80x32xf32, #tpu.memory_space<vmem>>
    %dma_start3A_966 = arith.constant 0 : i32
    %dma_start3A_967 = tpu.memref_slice %arg6[%dma_start3A_962, %dma_start3A_966] : memref<64x80xi32, #tpu.memory_space<vmem>> -> memref<1x80xi32, #tpu.memory_space<vmem>>
    %dma_start3A_968 = tpu.memref_squeeze %dma_start3A_967 : memref<1x80xi32, #tpu.memory_space<vmem>> -> memref<80xi32, #tpu.memory_space<vmem>>
    %dma_start3A_969 = arith.constant 0 : i32
    %dma_start3A_970 = arith.constant 0 : i32
    %dma_start3A_971 = tpu.memref_slice %arg11[%dma_start3A_969, %dma_start3A_970] : memref<10000x32xf32, #tpu.memory_space<vmem_shared>> -> memref<10000x32xf32, #tpu.memory_space<vmem_shared>>
    tpu.enqueue_indirect_dma source(%dma_start3A_971 : memref<10000x32xf32, #tpu.memory_space<vmem_shared>>) target(%dma_start3A_965 : memref<80x32xf32, #tpu.memory_space<vmem>>) offsets(%dma_start3A_968 : memref<80xi32, #tpu.memory_space<vmem>>) semaphore(%arg12 : memref<!tpu.dma_semaphore, #tpu.memory_space<semaphore_mem>>)
    %dma_start3A_972 = arith.constant 50 : i32
    %dma_start3A_973 = arith.constant 160 : i32
    %dma_start3A_974 = arith.constant 0 : i32
    %dma_start3A_975 = tpu.memref_slice %arg8[%dma_start3A_973, %dma_start3A_974] : memref<320x32xf32, #tpu.memory_space<vmem>> -> memref<80x32xf32, #tpu.memory_space<vmem>>
    %dma_start3A_976 = arith.constant 0 : i32
    %dma_start3A_977 = tpu.memref_slice %arg6[%dma_start3A_972, %dma_start3A_976] : memref<64x80xi32, #tpu.memory_space<vmem>> -> memref<1x80xi32, #tpu.memory_space<vmem>>
    %dma_start3A_978 = tpu.memref_squeeze %dma_start3A_977 : memref<1x80xi32, #tpu.memory_space<vmem>> -> memref<80xi32, #tpu.memory_space<vmem>>
    %dma_start3A_979 = arith.constant 0 : i32
    %dma_start3A_980 = arith.constant 0 : i32
    %dma_start3A_981 = tpu.memref_slice %arg11[%dma_start3A_979, %dma_start3A_980] : memref<10000x32xf32, #tpu.memory_space<vmem_shared>> -> memref<10000x32xf32, #tpu.memory_space<vmem_shared>>
    tpu.enqueue_indirect_dma source(%dma_start3A_981 : memref<10000x32xf32, #tpu.memory_space<vmem_shared>>) target(%dma_start3A_975 : memref<80x32xf32, #tpu.memory_space<vmem>>) offsets(%dma_start3A_978 : memref<80xi32, #tpu.memory_space<vmem>>) semaphore(%arg12 : memref<!tpu.dma_semaphore, #tpu.memory_space<semaphore_mem>>)
    %dma_start3A_982 = arith.constant 51 : i32
    %dma_start3A_983 = arith.constant 240 : i32
    %dma_start3A_984 = arith.constant 0 : i32
    %dma_start3A_985 = tpu.memref_slice %arg8[%dma_start3A_983, %dma_start3A_984] : memref<320x32xf32, #tpu.memory_space<vmem>> -> memref<80x32xf32, #tpu.memory_space<vmem>>
    %dma_start3A_986 = arith.constant 0 : i32
    %dma_start3A_987 = tpu.memref_slice %arg6[%dma_start3A_982, %dma_start3A_986] : memref<64x80xi32, #tpu.memory_space<vmem>> -> memref<1x80xi32, #tpu.memory_space<vmem>>
    %dma_start3A_988 = tpu.memref_squeeze %dma_start3A_987 : memref<1x80xi32, #tpu.memory_space<vmem>> -> memref<80xi32, #tpu.memory_space<vmem>>
    %dma_start3A_989 = arith.constant 0 : i32
    %dma_start3A_990 = arith.constant 0 : i32
    %dma_start3A_991 = tpu.memref_slice %arg11[%dma_start3A_989, %dma_start3A_990] : memref<10000x32xf32, #tpu.memory_space<vmem_shared>> -> memref<10000x32xf32, #tpu.memory_space<vmem_shared>>
    tpu.enqueue_indirect_dma source(%dma_start3A_991 : memref<10000x32xf32, #tpu.memory_space<vmem_shared>>) target(%dma_start3A_985 : memref<80x32xf32, #tpu.memory_space<vmem>>) offsets(%dma_start3A_988 : memref<80xi32, #tpu.memory_space<vmem>>) semaphore(%arg12 : memref<!tpu.dma_semaphore, #tpu.memory_space<semaphore_mem>>)
    %dma_wait3A_992 = arith.constant 44 : i32
    %dma_wait3A_993 = arith.constant 0 : i32
    %dma_wait3A_994 = arith.constant 0 : i32
    %dma_wait3A_995 = tpu.memref_slice %arg9[%dma_wait3A_993, %dma_wait3A_994] : memref<320x32xf32, #tpu.memory_space<vmem>> -> memref<80x32xf32, #tpu.memory_space<vmem>>
    %dma_wait3A_996 = arith.constant 0 : i32
    %dma_wait3A_997 = tpu.memref_slice %arg6[%dma_wait3A_992, %dma_wait3A_996] : memref<64x80xi32, #tpu.memory_space<vmem>> -> memref<1x80xi32, #tpu.memory_space<vmem>>
    %dma_wait3A_998 = tpu.memref_squeeze %dma_wait3A_997 : memref<1x80xi32, #tpu.memory_space<vmem>> -> memref<80xi32, #tpu.memory_space<vmem>>
    %dma_wait3A_999 = arith.constant 0 : i32
    %dma_wait3A_1000 = arith.constant 0 : i32
    %dma_wait3A_1001 = tpu.memref_slice %arg11[%dma_wait3A_999, %dma_wait3A_1000] : memref<10000x32xf32, #tpu.memory_space<vmem_shared>> -> memref<10000x32xf32, #tpu.memory_space<vmem_shared>>
    tpu.wait_indirect_dma semaphore(%arg13 : memref<!tpu.dma_semaphore, #tpu.memory_space<semaphore_mem>>) src(%dma_wait3A_1001 : memref<10000x32xf32, #tpu.memory_space<vmem_shared>>) dst(%dma_wait3A_995 : memref<80x32xf32, #tpu.memory_space<vmem>>)
    %dma_wait3A_1002 = arith.constant 45 : i32
    %dma_wait3A_1003 = arith.constant 80 : i32
    %dma_wait3A_1004 = arith.constant 0 : i32
    %dma_wait3A_1005 = tpu.memref_slice %arg9[%dma_wait3A_1003, %dma_wait3A_1004] : memref<320x32xf32, #tpu.memory_space<vmem>> -> memref<80x32xf32, #tpu.memory_space<vmem>>
    %dma_wait3A_1006 = arith.constant 0 : i32
    %dma_wait3A_1007 = tpu.memref_slice %arg6[%dma_wait3A_1002, %dma_wait3A_1006] : memref<64x80xi32, #tpu.memory_space<vmem>> -> memref<1x80xi32, #tpu.memory_space<vmem>>
    %dma_wait3A_1008 = tpu.memref_squeeze %dma_wait3A_1007 : memref<1x80xi32, #tpu.memory_space<vmem>> -> memref<80xi32, #tpu.memory_space<vmem>>
    %dma_wait3A_1009 = arith.constant 0 : i32
    %dma_wait3A_1010 = arith.constant 0 : i32
    %dma_wait3A_1011 = tpu.memref_slice %arg11[%dma_wait3A_1009, %dma_wait3A_1010] : memref<10000x32xf32, #tpu.memory_space<vmem_shared>> -> memref<10000x32xf32, #tpu.memory_space<vmem_shared>>
    tpu.wait_indirect_dma semaphore(%arg13 : memref<!tpu.dma_semaphore, #tpu.memory_space<semaphore_mem>>) src(%dma_wait3A_1011 : memref<10000x32xf32, #tpu.memory_space<vmem_shared>>) dst(%dma_wait3A_1005 : memref<80x32xf32, #tpu.memory_space<vmem>>)
    %dma_wait3A_1012 = arith.constant 46 : i32
    %dma_wait3A_1013 = arith.constant 160 : i32
    %dma_wait3A_1014 = arith.constant 0 : i32
    %dma_wait3A_1015 = tpu.memref_slice %arg9[%dma_wait3A_1013, %dma_wait3A_1014] : memref<320x32xf32, #tpu.memory_space<vmem>> -> memref<80x32xf32, #tpu.memory_space<vmem>>
    %dma_wait3A_1016 = arith.constant 0 : i32
    %dma_wait3A_1017 = tpu.memref_slice %arg6[%dma_wait3A_1012, %dma_wait3A_1016] : memref<64x80xi32, #tpu.memory_space<vmem>> -> memref<1x80xi32, #tpu.memory_space<vmem>>
    %dma_wait3A_1018 = tpu.memref_squeeze %dma_wait3A_1017 : memref<1x80xi32, #tpu.memory_space<vmem>> -> memref<80xi32, #tpu.memory_space<vmem>>
    %dma_wait3A_1019 = arith.constant 0 : i32
    %dma_wait3A_1020 = arith.constant 0 : i32
    %dma_wait3A_1021 = tpu.memref_slice %arg11[%dma_wait3A_1019, %dma_wait3A_1020] : memref<10000x32xf32, #tpu.memory_space<vmem_shared>> -> memref<10000x32xf32, #tpu.memory_space<vmem_shared>>
    tpu.wait_indirect_dma semaphore(%arg13 : memref<!tpu.dma_semaphore, #tpu.memory_space<semaphore_mem>>) src(%dma_wait3A_1021 : memref<10000x32xf32, #tpu.memory_space<vmem_shared>>) dst(%dma_wait3A_1015 : memref<80x32xf32, #tpu.memory_space<vmem>>)
    %dma_wait3A_1022 = arith.constant 47 : i32
    %dma_wait3A_1023 = arith.constant 240 : i32
    %dma_wait3A_1024 = arith.constant 0 : i32
    %dma_wait3A_1025 = tpu.memref_slice %arg9[%dma_wait3A_1023, %dma_wait3A_1024] : memref<320x32xf32, #tpu.memory_space<vmem>> -> memref<80x32xf32, #tpu.memory_space<vmem>>
    %dma_wait3A_1026 = arith.constant 0 : i32
    %dma_wait3A_1027 = tpu.memref_slice %arg6[%dma_wait3A_1022, %dma_wait3A_1026] : memref<64x80xi32, #tpu.memory_space<vmem>> -> memref<1x80xi32, #tpu.memory_space<vmem>>
    %dma_wait3A_1028 = tpu.memref_squeeze %dma_wait3A_1027 : memref<1x80xi32, #tpu.memory_space<vmem>> -> memref<80xi32, #tpu.memory_space<vmem>>
    %dma_wait3A_1029 = arith.constant 0 : i32
    %dma_wait3A_1030 = arith.constant 0 : i32
    %dma_wait3A_1031 = tpu.memref_slice %arg11[%dma_wait3A_1029, %dma_wait3A_1030] : memref<10000x32xf32, #tpu.memory_space<vmem_shared>> -> memref<10000x32xf32, #tpu.memory_space<vmem_shared>>
    tpu.wait_indirect_dma semaphore(%arg13 : memref<!tpu.dma_semaphore, #tpu.memory_space<semaphore_mem>>) src(%dma_wait3A_1031 : memref<10000x32xf32, #tpu.memory_space<vmem_shared>>) dst(%dma_wait3A_1025 : memref<80x32xf32, #tpu.memory_space<vmem>>)
    %parallel_loop3A_1032 = arith.constant 0 : i32
    %parallel_loop3A_1033 = arith.constant 320 : i32
    %parallel_loop3A_1034 = arith.constant 1 : i32
    scf.for %parallel_loop3A_1339 = %parallel_loop3A_1032 to %parallel_loop3A_1033 step %parallel_loop3A_1034  : i32 {
      %parallel_loop3A_1340 = arith.index_cast %parallel_loop3A_1339 : i32 to index
      %parallel_loop3A_1341 = arith.constant 0 : index
      %parallel_loop3A_1342 = tpu.vector_load %arg9[%parallel_loop3A_1340, %parallel_loop3A_1341] {strides = array<i32>} : memref<320x32xf32, #tpu.memory_space<vmem>>, vector<1x16xf32>,
      %parallel_loop3A_1343 = vector.shape_cast %parallel_loop3A_1342 : vector<1x16xf32> to vector<16xf32>
      %parallel_loop3A_1344 = arith.index_cast %parallel_loop3A_1339 : i32 to index
      %parallel_loop3A_1345 = arith.constant 0 : index
      %parallel_loop3A_1346 = tpu.vector_load %arg7[%parallel_loop3A_1344, %parallel_loop3A_1345] {strides = array<i32>} : memref<320x32xf32, #tpu.memory_space<vmem>>, vector<1x16xf32>,
      %parallel_loop3A_1347 = vector.shape_cast %parallel_loop3A_1346 : vector<1x16xf32> to vector<16xf32>
      %parallel_loop3A_1348 = vector.shape_cast %parallel_loop3A_1343 : vector<16xf32> to vector<1x16xf32>
      tpu.vector_store %arg7[%parallel_loop3A_1344, %parallel_loop3A_1345], %parallel_loop3A_1348 {add = true, strides = array<i32>} : memref<320x32xf32, #tpu.memory_space<vmem>>, vector<1x16xf32>,
      %parallel_loop3A_1349 = arith.index_cast %parallel_loop3A_1339 : i32 to index
      %parallel_loop3A_1350 = arith.constant 16 : index
      %parallel_loop3A_1351 = tpu.vector_load %arg9[%parallel_loop3A_1349, %parallel_loop3A_1350] {strides = array<i32>} : memref<320x32xf32, #tpu.memory_space<vmem>>, vector<1x16xf32>,
      %parallel_loop3A_1352 = vector.shape_cast %parallel_loop3A_1351 : vector<1x16xf32> to vector<16xf32>
      %parallel_loop3A_1353 = arith.index_cast %parallel_loop3A_1339 : i32 to index
      %parallel_loop3A_1354 = arith.constant 16 : index
      %parallel_loop3A_1355 = tpu.vector_load %arg7[%parallel_loop3A_1353, %parallel_loop3A_1354] {strides = array<i32>} : memref<320x32xf32, #tpu.memory_space<vmem>>, vector<1x16xf32>,
      %parallel_loop3A_1356 = vector.shape_cast %parallel_loop3A_1355 : vector<1x16xf32> to vector<16xf32>
      %parallel_loop3A_1357 = vector.shape_cast %parallel_loop3A_1352 : vector<16xf32> to vector<1x16xf32>
      tpu.vector_store %arg7[%parallel_loop3A_1353, %parallel_loop3A_1354], %parallel_loop3A_1357 {add = true, strides = array<i32>} : memref<320x32xf32, #tpu.memory_space<vmem>>, vector<1x16xf32>,
    } {sc.loop_unroll_factor = 8 : i64, sc.parallel_access}
    %dma_start3A_1035 = arith.constant 52 : i32
    %dma_start3A_1036 = arith.constant 0 : i32
    %dma_start3A_1037 = arith.constant 0 : i32
    %dma_start3A_1038 = tpu.memref_slice %arg9[%dma_start3A_1036, %dma_start3A_1037] : memref<320x32xf32, #tpu.memory_space<vmem>> -> memref<80x32xf32, #tpu.memory_space<vmem>>
    %dma_start3A_1039 = arith.constant 0 : i32
    %dma_start3A_1040 = tpu.memref_slice %arg6[%dma_start3A_1035, %dma_start3A_1039] : memref<64x80xi32, #tpu.memory_space<vmem>> -> memref<1x80xi32, #tpu.memory_space<vmem>>
    %dma_start3A_1041 = tpu.memref_squeeze %dma_start3A_1040 : memref<1x80xi32, #tpu.memory_space<vmem>> -> memref<80xi32, #tpu.memory_space<vmem>>
    %dma_start3A_1042 = arith.constant 0 : i32
    %dma_start3A_1043 = arith.constant 0 : i32
    %dma_start3A_1044 = tpu.memref_slice %arg11[%dma_start3A_1042, %dma_start3A_1043] : memref<10000x32xf32, #tpu.memory_space<vmem_shared>> -> memref<10000x32xf32, #tpu.memory_space<vmem_shared>>
    tpu.enqueue_indirect_dma source(%dma_start3A_1044 : memref<10000x32xf32, #tpu.memory_space<vmem_shared>>) target(%dma_start3A_1038 : memref<80x32xf32, #tpu.memory_space<vmem>>) offsets(%dma_start3A_1041 : memref<80xi32, #tpu.memory_space<vmem>>) semaphore(%arg13 : memref<!tpu.dma_semaphore, #tpu.memory_space<semaphore_mem>>)
    %dma_start3A_1045 = arith.constant 53 : i32
    %dma_start3A_1046 = arith.constant 80 : i32
    %dma_start3A_1047 = arith.constant 0 : i32
    %dma_start3A_1048 = tpu.memref_slice %arg9[%dma_start3A_1046, %dma_start3A_1047] : memref<320x32xf32, #tpu.memory_space<vmem>> -> memref<80x32xf32, #tpu.memory_space<vmem>>
    %dma_start3A_1049 = arith.constant 0 : i32
    %dma_start3A_1050 = tpu.memref_slice %arg6[%dma_start3A_1045, %dma_start3A_1049] : memref<64x80xi32, #tpu.memory_space<vmem>> -> memref<1x80xi32, #tpu.memory_space<vmem>>
    %dma_start3A_1051 = tpu.memref_squeeze %dma_start3A_1050 : memref<1x80xi32, #tpu.memory_space<vmem>> -> memref<80xi32, #tpu.memory_space<vmem>>
    %dma_start3A_1052 = arith.constant 0 : i32
    %dma_start3A_1053 = arith.constant 0 : i32
    %dma_start3A_1054 = tpu.memref_slice %arg11[%dma_start3A_1052, %dma_start3A_1053] : memref<10000x32xf32, #tpu.memory_space<vmem_shared>> -> memref<10000x32xf32, #tpu.memory_space<vmem_shared>>
    tpu.enqueue_indirect_dma source(%dma_start3A_1054 : memref<10000x32xf32, #tpu.memory_space<vmem_shared>>) target(%dma_start3A_1048 : memref<80x32xf32, #tpu.memory_space<vmem>>) offsets(%dma_start3A_1051 : memref<80xi32, #tpu.memory_space<vmem>>) semaphore(%arg13 : memref<!tpu.dma_semaphore, #tpu.memory_space<semaphore_mem>>)
    %dma_start3A_1055 = arith.constant 54 : i32
    %dma_start3A_1056 = arith.constant 160 : i32
    %dma_start3A_1057 = arith.constant 0 : i32
    %dma_start3A_1058 = tpu.memref_slice %arg9[%dma_start3A_1056, %dma_start3A_1057] : memref<320x32xf32, #tpu.memory_space<vmem>> -> memref<80x32xf32, #tpu.memory_space<vmem>>
    %dma_start3A_1059 = arith.constant 0 : i32
    %dma_start3A_1060 = tpu.memref_slice %arg6[%dma_start3A_1055, %dma_start3A_1059] : memref<64x80xi32, #tpu.memory_space<vmem>> -> memref<1x80xi32, #tpu.memory_space<vmem>>
    %dma_start3A_1061 = tpu.memref_squeeze %dma_start3A_1060 : memref<1x80xi32, #tpu.memory_space<vmem>> -> memref<80xi32, #tpu.memory_space<vmem>>
    %dma_start3A_1062 = arith.constant 0 : i32
    %dma_start3A_1063 = arith.constant 0 : i32
    %dma_start3A_1064 = tpu.memref_slice %arg11[%dma_start3A_1062, %dma_start3A_1063] : memref<10000x32xf32, #tpu.memory_space<vmem_shared>> -> memref<10000x32xf32, #tpu.memory_space<vmem_shared>>
    tpu.enqueue_indirect_dma source(%dma_start3A_1064 : memref<10000x32xf32, #tpu.memory_space<vmem_shared>>) target(%dma_start3A_1058 : memref<80x32xf32, #tpu.memory_space<vmem>>) offsets(%dma_start3A_1061 : memref<80xi32, #tpu.memory_space<vmem>>) semaphore(%arg13 : memref<!tpu.dma_semaphore, #tpu.memory_space<semaphore_mem>>)
    %dma_start3A_1065 = arith.constant 55 : i32
    %dma_start3A_1066 = arith.constant 240 : i32
    %dma_start3A_1067 = arith.constant 0 : i32
    %dma_start3A_1068 = tpu.memref_slice %arg9[%dma_start3A_1066, %dma_start3A_1067] : memref<320x32xf32, #tpu.memory_space<vmem>> -> memref<80x32xf32, #tpu.memory_space<vmem>>
    %dma_start3A_1069 = arith.constant 0 : i32
    %dma_start3A_1070 = tpu.memref_slice %arg6[%dma_start3A_1065, %dma_start3A_1069] : memref<64x80xi32, #tpu.memory_space<vmem>> -> memref<1x80xi32, #tpu.memory_space<vmem>>
    %dma_start3A_1071 = tpu.memref_squeeze %dma_start3A_1070 : memref<1x80xi32, #tpu.memory_space<vmem>> -> memref<80xi32, #tpu.memory_space<vmem>>
    %dma_start3A_1072 = arith.constant 0 : i32
    %dma_start3A_1073 = arith.constant 0 : i32
    %dma_start3A_1074 = tpu.memref_slice %arg11[%dma_start3A_1072, %dma_start3A_1073] : memref<10000x32xf32, #tpu.memory_space<vmem_shared>> -> memref<10000x32xf32, #tpu.memory_space<vmem_shared>>
    tpu.enqueue_indirect_dma source(%dma_start3A_1074 : memref<10000x32xf32, #tpu.memory_space<vmem_shared>>) target(%dma_start3A_1068 : memref<80x32xf32, #tpu.memory_space<vmem>>) offsets(%dma_start3A_1071 : memref<80xi32, #tpu.memory_space<vmem>>) semaphore(%arg13 : memref<!tpu.dma_semaphore, #tpu.memory_space<semaphore_mem>>)
    %dma_wait3A_1075 = arith.constant 48 : i32
    %dma_wait3A_1076 = arith.constant 0 : i32
    %dma_wait3A_1077 = arith.constant 0 : i32
    %dma_wait3A_1078 = tpu.memref_slice %arg8[%dma_wait3A_1076, %dma_wait3A_1077] : memref<320x32xf32, #tpu.memory_space<vmem>> -> memref<80x32xf32, #tpu.memory_space<vmem>>
    %dma_wait3A_1079 = arith.constant 0 : i32
    %dma_wait3A_1080 = tpu.memref_slice %arg6[%dma_wait3A_1075, %dma_wait3A_1079] : memref<64x80xi32, #tpu.memory_space<vmem>> -> memref<1x80xi32, #tpu.memory_space<vmem>>
    %dma_wait3A_1081 = tpu.memref_squeeze %dma_wait3A_1080 : memref<1x80xi32, #tpu.memory_space<vmem>> -> memref<80xi32, #tpu.memory_space<vmem>>
    %dma_wait3A_1082 = arith.constant 0 : i32
    %dma_wait3A_1083 = arith.constant 0 : i32
    %dma_wait3A_1084 = tpu.memref_slice %arg11[%dma_wait3A_1082, %dma_wait3A_1083] : memref<10000x32xf32, #tpu.memory_space<vmem_shared>> -> memref<10000x32xf32, #tpu.memory_space<vmem_shared>>
    tpu.wait_indirect_dma semaphore(%arg12 : memref<!tpu.dma_semaphore, #tpu.memory_space<semaphore_mem>>) src(%dma_wait3A_1084 : memref<10000x32xf32, #tpu.memory_space<vmem_shared>>) dst(%dma_wait3A_1078 : memref<80x32xf32, #tpu.memory_space<vmem>>)
    %dma_wait3A_1085 = arith.constant 49 : i32
    %dma_wait3A_1086 = arith.constant 80 : i32
    %dma_wait3A_1087 = arith.constant 0 : i32
    %dma_wait3A_1088 = tpu.memref_slice %arg8[%dma_wait3A_1086, %dma_wait3A_1087] : memref<320x32xf32, #tpu.memory_space<vmem>> -> memref<80x32xf32, #tpu.memory_space<vmem>>
    %dma_wait3A_1089 = arith.constant 0 : i32
    %dma_wait3A_1090 = tpu.memref_slice %arg6[%dma_wait3A_1085, %dma_wait3A_1089] : memref<64x80xi32, #tpu.memory_space<vmem>> -> memref<1x80xi32, #tpu.memory_space<vmem>>
    %dma_wait3A_1091 = tpu.memref_squeeze %dma_wait3A_1090 : memref<1x80xi32, #tpu.memory_space<vmem>> -> memref<80xi32, #tpu.memory_space<vmem>>
    %dma_wait3A_1092 = arith.constant 0 : i32
    %dma_wait3A_1093 = arith.constant 0 : i32
    %dma_wait3A_1094 = tpu.memref_slice %arg11[%dma_wait3A_1092, %dma_wait3A_1093] : memref<10000x32xf32, #tpu.memory_space<vmem_shared>> -> memref<10000x32xf32, #tpu.memory_space<vmem_shared>>
    tpu.wait_indirect_dma semaphore(%arg12 : memref<!tpu.dma_semaphore, #tpu.memory_space<semaphore_mem>>) src(%dma_wait3A_1094 : memref<10000x32xf32, #tpu.memory_space<vmem_shared>>) dst(%dma_wait3A_1088 : memref<80x32xf32, #tpu.memory_space<vmem>>)
    %dma_wait3A_1095 = arith.constant 50 : i32
    %dma_wait3A_1096 = arith.constant 160 : i32
    %dma_wait3A_1097 = arith.constant 0 : i32
    %dma_wait3A_1098 = tpu.memref_slice %arg8[%dma_wait3A_1096, %dma_wait3A_1097] : memref<320x32xf32, #tpu.memory_space<vmem>> -> memref<80x32xf32, #tpu.memory_space<vmem>>
    %dma_wait3A_1099 = arith.constant 0 : i32
    %dma_wait3A_1100 = tpu.memref_slice %arg6[%dma_wait3A_1095, %dma_wait3A_1099] : memref<64x80xi32, #tpu.memory_space<vmem>> -> memref<1x80xi32, #tpu.memory_space<vmem>>
    %dma_wait3A_1101 = tpu.memref_squeeze %dma_wait3A_1100 : memref<1x80xi32, #tpu.memory_space<vmem>> -> memref<80xi32, #tpu.memory_space<vmem>>
    %dma_wait3A_1102 = arith.constant 0 : i32
    %dma_wait3A_1103 = arith.constant 0 : i32
    %dma_wait3A_1104 = tpu.memref_slice %arg11[%dma_wait3A_1102, %dma_wait3A_1103] : memref<10000x32xf32, #tpu.memory_space<vmem_shared>> -> memref<10000x32xf32, #tpu.memory_space<vmem_shared>>
    tpu.wait_indirect_dma semaphore(%arg12 : memref<!tpu.dma_semaphore, #tpu.memory_space<semaphore_mem>>) src(%dma_wait3A_1104 : memref<10000x32xf32, #tpu.memory_space<vmem_shared>>) dst(%dma_wait3A_1098 : memref<80x32xf32, #tpu.memory_space<vmem>>)
    %dma_wait3A_1105 = arith.constant 51 : i32
    %dma_wait3A_1106 = arith.constant 240 : i32
    %dma_wait3A_1107 = arith.constant 0 : i32
    %dma_wait3A_1108 = tpu.memref_slice %arg8[%dma_wait3A_1106, %dma_wait3A_1107] : memref<320x32xf32, #tpu.memory_space<vmem>> -> memref<80x32xf32, #tpu.memory_space<vmem>>
    %dma_wait3A_1109 = arith.constant 0 : i32
    %dma_wait3A_1110 = tpu.memref_slice %arg6[%dma_wait3A_1105, %dma_wait3A_1109] : memref<64x80xi32, #tpu.memory_space<vmem>> -> memref<1x80xi32, #tpu.memory_space<vmem>>
    %dma_wait3A_1111 = tpu.memref_squeeze %dma_wait3A_1110 : memref<1x80xi32, #tpu.memory_space<vmem>> -> memref<80xi32, #tpu.memory_space<vmem>>
    %dma_wait3A_1112 = arith.constant 0 : i32
    %dma_wait3A_1113 = arith.constant 0 : i32
    %dma_wait3A_1114 = tpu.memref_slice %arg11[%dma_wait3A_1112, %dma_wait3A_1113] : memref<10000x32xf32, #tpu.memory_space<vmem_shared>> -> memref<10000x32xf32, #tpu.memory_space<vmem_shared>>
    tpu.wait_indirect_dma semaphore(%arg12 : memref<!tpu.dma_semaphore, #tpu.memory_space<semaphore_mem>>) src(%dma_wait3A_1114 : memref<10000x32xf32, #tpu.memory_space<vmem_shared>>) dst(%dma_wait3A_1108 : memref<80x32xf32, #tpu.memory_space<vmem>>)
    %parallel_loop3A_1115 = arith.constant 0 : i32
    %parallel_loop3A_1116 = arith.constant 320 : i32
    %parallel_loop3A_1117 = arith.constant 1 : i32
    scf.for %parallel_loop3A_1339 = %parallel_loop3A_1115 to %parallel_loop3A_1116 step %parallel_loop3A_1117  : i32 {
      %parallel_loop3A_1340 = arith.index_cast %parallel_loop3A_1339 : i32 to index
      %parallel_loop3A_1341 = arith.constant 0 : index
      %parallel_loop3A_1342 = tpu.vector_load %arg8[%parallel_loop3A_1340, %parallel_loop3A_1341] {strides = array<i32>} : memref<320x32xf32, #tpu.memory_space<vmem>>, vector<1x16xf32>,
      %parallel_loop3A_1343 = vector.shape_cast %parallel_loop3A_1342 : vector<1x16xf32> to vector<16xf32>
      %parallel_loop3A_1344 = arith.index_cast %parallel_loop3A_1339 : i32 to index
      %parallel_loop3A_1345 = arith.constant 0 : index
      %parallel_loop3A_1346 = tpu.vector_load %arg7[%parallel_loop3A_1344, %parallel_loop3A_1345] {strides = array<i32>} : memref<320x32xf32, #tpu.memory_space<vmem>>, vector<1x16xf32>,
      %parallel_loop3A_1347 = vector.shape_cast %parallel_loop3A_1346 : vector<1x16xf32> to vector<16xf32>
      %parallel_loop3A_1348 = vector.shape_cast %parallel_loop3A_1343 : vector<16xf32> to vector<1x16xf32>
      tpu.vector_store %arg7[%parallel_loop3A_1344, %parallel_loop3A_1345], %parallel_loop3A_1348 {add = true, strides = array<i32>} : memref<320x32xf32, #tpu.memory_space<vmem>>, vector<1x16xf32>,
      %parallel_loop3A_1349 = arith.index_cast %parallel_loop3A_1339 : i32 to index
      %parallel_loop3A_1350 = arith.constant 16 : index
      %parallel_loop3A_1351 = tpu.vector_load %arg8[%parallel_loop3A_1349, %parallel_loop3A_1350] {strides = array<i32>} : memref<320x32xf32, #tpu.memory_space<vmem>>, vector<1x16xf32>,
      %parallel_loop3A_1352 = vector.shape_cast %parallel_loop3A_1351 : vector<1x16xf32> to vector<16xf32>
      %parallel_loop3A_1353 = arith.index_cast %parallel_loop3A_1339 : i32 to index
      %parallel_loop3A_1354 = arith.constant 16 : index
      %parallel_loop3A_1355 = tpu.vector_load %arg7[%parallel_loop3A_1353, %parallel_loop3A_1354] {strides = array<i32>} : memref<320x32xf32, #tpu.memory_space<vmem>>, vector<1x16xf32>,
      %parallel_loop3A_1356 = vector.shape_cast %parallel_loop3A_1355 : vector<1x16xf32> to vector<16xf32>
      %parallel_loop3A_1357 = vector.shape_cast %parallel_loop3A_1352 : vector<16xf32> to vector<1x16xf32>
      tpu.vector_store %arg7[%parallel_loop3A_1353, %parallel_loop3A_1354], %parallel_loop3A_1357 {add = true, strides = array<i32>} : memref<320x32xf32, #tpu.memory_space<vmem>>, vector<1x16xf32>,
    } {sc.loop_unroll_factor = 8 : i64, sc.parallel_access}
    %dma_start3A_1118 = arith.constant 56 : i32
    %dma_start3A_1119 = arith.constant 0 : i32
    %dma_start3A_1120 = arith.constant 0 : i32
    %dma_start3A_1121 = tpu.memref_slice %arg8[%dma_start3A_1119, %dma_start3A_1120] : memref<320x32xf32, #tpu.memory_space<vmem>> -> memref<80x32xf32, #tpu.memory_space<vmem>>
    %dma_start3A_1122 = arith.constant 0 : i32
    %dma_start3A_1123 = tpu.memref_slice %arg6[%dma_start3A_1118, %dma_start3A_1122] : memref<64x80xi32, #tpu.memory_space<vmem>> -> memref<1x80xi32, #tpu.memory_space<vmem>>
    %dma_start3A_1124 = tpu.memref_squeeze %dma_start3A_1123 : memref<1x80xi32, #tpu.memory_space<vmem>> -> memref<80xi32, #tpu.memory_space<vmem>>
    %dma_start3A_1125 = arith.constant 0 : i32
    %dma_start3A_1126 = arith.constant 0 : i32
    %dma_start3A_1127 = tpu.memref_slice %arg11[%dma_start3A_1125, %dma_start3A_1126] : memref<10000x32xf32, #tpu.memory_space<vmem_shared>> -> memref<10000x32xf32, #tpu.memory_space<vmem_shared>>
    tpu.enqueue_indirect_dma source(%dma_start3A_1127 : memref<10000x32xf32, #tpu.memory_space<vmem_shared>>) target(%dma_start3A_1121 : memref<80x32xf32, #tpu.memory_space<vmem>>) offsets(%dma_start3A_1124 : memref<80xi32, #tpu.memory_space<vmem>>) semaphore(%arg12 : memref<!tpu.dma_semaphore, #tpu.memory_space<semaphore_mem>>)
    %dma_start3A_1128 = arith.constant 57 : i32
    %dma_start3A_1129 = arith.constant 80 : i32
    %dma_start3A_1130 = arith.constant 0 : i32
    %dma_start3A_1131 = tpu.memref_slice %arg8[%dma_start3A_1129, %dma_start3A_1130] : memref<320x32xf32, #tpu.memory_space<vmem>> -> memref<80x32xf32, #tpu.memory_space<vmem>>
    %dma_start3A_1132 = arith.constant 0 : i32
    %dma_start3A_1133 = tpu.memref_slice %arg6[%dma_start3A_1128, %dma_start3A_1132] : memref<64x80xi32, #tpu.memory_space<vmem>> -> memref<1x80xi32, #tpu.memory_space<vmem>>
    %dma_start3A_1134 = tpu.memref_squeeze %dma_start3A_1133 : memref<1x80xi32, #tpu.memory_space<vmem>> -> memref<80xi32, #tpu.memory_space<vmem>>
    %dma_start3A_1135 = arith.constant 0 : i32
    %dma_start3A_1136 = arith.constant 0 : i32
    %dma_start3A_1137 = tpu.memref_slice %arg11[%dma_start3A_1135, %dma_start3A_1136] : memref<10000x32xf32, #tpu.memory_space<vmem_shared>> -> memref<10000x32xf32, #tpu.memory_space<vmem_shared>>
    tpu.enqueue_indirect_dma source(%dma_start3A_1137 : memref<10000x32xf32, #tpu.memory_space<vmem_shared>>) target(%dma_start3A_1131 : memref<80x32xf32, #tpu.memory_space<vmem>>) offsets(%dma_start3A_1134 : memref<80xi32, #tpu.memory_space<vmem>>) semaphore(%arg12 : memref<!tpu.dma_semaphore, #tpu.memory_space<semaphore_mem>>)
    %dma_start3A_1138 = arith.constant 58 : i32
    %dma_start3A_1139 = arith.constant 160 : i32
    %dma_start3A_1140 = arith.constant 0 : i32
    %dma_start3A_1141 = tpu.memref_slice %arg8[%dma_start3A_1139, %dma_start3A_1140] : memref<320x32xf32, #tpu.memory_space<vmem>> -> memref<80x32xf32, #tpu.memory_space<vmem>>
    %dma_start3A_1142 = arith.constant 0 : i32
    %dma_start3A_1143 = tpu.memref_slice %arg6[%dma_start3A_1138, %dma_start3A_1142] : memref<64x80xi32, #tpu.memory_space<vmem>> -> memref<1x80xi32, #tpu.memory_space<vmem>>
    %dma_start3A_1144 = tpu.memref_squeeze %dma_start3A_1143 : memref<1x80xi32, #tpu.memory_space<vmem>> -> memref<80xi32, #tpu.memory_space<vmem>>
    %dma_start3A_1145 = arith.constant 0 : i32
    %dma_start3A_1146 = arith.constant 0 : i32
    %dma_start3A_1147 = tpu.memref_slice %arg11[%dma_start3A_1145, %dma_start3A_1146] : memref<10000x32xf32, #tpu.memory_space<vmem_shared>> -> memref<10000x32xf32, #tpu.memory_space<vmem_shared>>
    tpu.enqueue_indirect_dma source(%dma_start3A_1147 : memref<10000x32xf32, #tpu.memory_space<vmem_shared>>) target(%dma_start3A_1141 : memref<80x32xf32, #tpu.memory_space<vmem>>) offsets(%dma_start3A_1144 : memref<80xi32, #tpu.memory_space<vmem>>) semaphore(%arg12 : memref<!tpu.dma_semaphore, #tpu.memory_space<semaphore_mem>>)
    %dma_start3A_1148 = arith.constant 59 : i32
    %dma_start3A_1149 = arith.constant 240 : i32
    %dma_start3A_1150 = arith.constant 0 : i32
    %dma_start3A_1151 = tpu.memref_slice %arg8[%dma_start3A_1149, %dma_start3A_1150] : memref<320x32xf32, #tpu.memory_space<vmem>> -> memref<80x32xf32, #tpu.memory_space<vmem>>
    %dma_start3A_1152 = arith.constant 0 : i32
    %dma_start3A_1153 = tpu.memref_slice %arg6[%dma_start3A_1148, %dma_start3A_1152] : memref<64x80xi32, #tpu.memory_space<vmem>> -> memref<1x80xi32, #tpu.memory_space<vmem>>
    %dma_start3A_1154 = tpu.memref_squeeze %dma_start3A_1153 : memref<1x80xi32, #tpu.memory_space<vmem>> -> memref<80xi32, #tpu.memory_space<vmem>>
    %dma_start3A_1155 = arith.constant 0 : i32
    %dma_start3A_1156 = arith.constant 0 : i32
    %dma_start3A_1157 = tpu.memref_slice %arg11[%dma_start3A_1155, %dma_start3A_1156] : memref<10000x32xf32, #tpu.memory_space<vmem_shared>> -> memref<10000x32xf32, #tpu.memory_space<vmem_shared>>
    tpu.enqueue_indirect_dma source(%dma_start3A_1157 : memref<10000x32xf32, #tpu.memory_space<vmem_shared>>) target(%dma_start3A_1151 : memref<80x32xf32, #tpu.memory_space<vmem>>) offsets(%dma_start3A_1154 : memref<80xi32, #tpu.memory_space<vmem>>) semaphore(%arg12 : memref<!tpu.dma_semaphore, #tpu.memory_space<semaphore_mem>>)
    %dma_wait3A_1158 = arith.constant 52 : i32
    %dma_wait3A_1159 = arith.constant 0 : i32
    %dma_wait3A_1160 = arith.constant 0 : i32
    %dma_wait3A_1161 = tpu.memref_slice %arg9[%dma_wait3A_1159, %dma_wait3A_1160] : memref<320x32xf32, #tpu.memory_space<vmem>> -> memref<80x32xf32, #tpu.memory_space<vmem>>
    %dma_wait3A_1162 = arith.constant 0 : i32
    %dma_wait3A_1163 = tpu.memref_slice %arg6[%dma_wait3A_1158, %dma_wait3A_1162] : memref<64x80xi32, #tpu.memory_space<vmem>> -> memref<1x80xi32, #tpu.memory_space<vmem>>
    %dma_wait3A_1164 = tpu.memref_squeeze %dma_wait3A_1163 : memref<1x80xi32, #tpu.memory_space<vmem>> -> memref<80xi32, #tpu.memory_space<vmem>>
    %dma_wait3A_1165 = arith.constant 0 : i32
    %dma_wait3A_1166 = arith.constant 0 : i32
    %dma_wait3A_1167 = tpu.memref_slice %arg11[%dma_wait3A_1165, %dma_wait3A_1166] : memref<10000x32xf32, #tpu.memory_space<vmem_shared>> -> memref<10000x32xf32, #tpu.memory_space<vmem_shared>>
    tpu.wait_indirect_dma semaphore(%arg13 : memref<!tpu.dma_semaphore, #tpu.memory_space<semaphore_mem>>) src(%dma_wait3A_1167 : memref<10000x32xf32, #tpu.memory_space<vmem_shared>>) dst(%dma_wait3A_1161 : memref<80x32xf32, #tpu.memory_space<vmem>>)
    %dma_wait3A_1168 = arith.constant 53 : i32
    %dma_wait3A_1169 = arith.constant 80 : i32
    %dma_wait3A_1170 = arith.constant 0 : i32
    %dma_wait3A_1171 = tpu.memref_slice %arg9[%dma_wait3A_1169, %dma_wait3A_1170] : memref<320x32xf32, #tpu.memory_space<vmem>> -> memref<80x32xf32, #tpu.memory_space<vmem>>
    %dma_wait3A_1172 = arith.constant 0 : i32
    %dma_wait3A_1173 = tpu.memref_slice %arg6[%dma_wait3A_1168, %dma_wait3A_1172] : memref<64x80xi32, #tpu.memory_space<vmem>> -> memref<1x80xi32, #tpu.memory_space<vmem>>
    %dma_wait3A_1174 = tpu.memref_squeeze %dma_wait3A_1173 : memref<1x80xi32, #tpu.memory_space<vmem>> -> memref<80xi32, #tpu.memory_space<vmem>>
    %dma_wait3A_1175 = arith.constant 0 : i32
    %dma_wait3A_1176 = arith.constant 0 : i32
    %dma_wait3A_1177 = tpu.memref_slice %arg11[%dma_wait3A_1175, %dma_wait3A_1176] : memref<10000x32xf32, #tpu.memory_space<vmem_shared>> -> memref<10000x32xf32, #tpu.memory_space<vmem_shared>>
    tpu.wait_indirect_dma semaphore(%arg13 : memref<!tpu.dma_semaphore, #tpu.memory_space<semaphore_mem>>) src(%dma_wait3A_1177 : memref<10000x32xf32, #tpu.memory_space<vmem_shared>>) dst(%dma_wait3A_1171 : memref<80x32xf32, #tpu.memory_space<vmem>>)
    %dma_wait3A_1178 = arith.constant 54 : i32
    %dma_wait3A_1179 = arith.constant 160 : i32
    %dma_wait3A_1180 = arith.constant 0 : i32
    %dma_wait3A_1181 = tpu.memref_slice %arg9[%dma_wait3A_1179, %dma_wait3A_1180] : memref<320x32xf32, #tpu.memory_space<vmem>> -> memref<80x32xf32, #tpu.memory_space<vmem>>
    %dma_wait3A_1182 = arith.constant 0 : i32
    %dma_wait3A_1183 = tpu.memref_slice %arg6[%dma_wait3A_1178, %dma_wait3A_1182] : memref<64x80xi32, #tpu.memory_space<vmem>> -> memref<1x80xi32, #tpu.memory_space<vmem>>
    %dma_wait3A_1184 = tpu.memref_squeeze %dma_wait3A_1183 : memref<1x80xi32, #tpu.memory_space<vmem>> -> memref<80xi32, #tpu.memory_space<vmem>>
    %dma_wait3A_1185 = arith.constant 0 : i32
    %dma_wait3A_1186 = arith.constant 0 : i32
    %dma_wait3A_1187 = tpu.memref_slice %arg11[%dma_wait3A_1185, %dma_wait3A_1186] : memref<10000x32xf32, #tpu.memory_space<vmem_shared>> -> memref<10000x32xf32, #tpu.memory_space<vmem_shared>>
    tpu.wait_indirect_dma semaphore(%arg13 : memref<!tpu.dma_semaphore, #tpu.memory_space<semaphore_mem>>) src(%dma_wait3A_1187 : memref<10000x32xf32, #tpu.memory_space<vmem_shared>>) dst(%dma_wait3A_1181 : memref<80x32xf32, #tpu.memory_space<vmem>>)
    %dma_wait3A_1188 = arith.constant 55 : i32
    %dma_wait3A_1189 = arith.constant 240 : i32
    %dma_wait3A_1190 = arith.constant 0 : i32
    %dma_wait3A_1191 = tpu.memref_slice %arg9[%dma_wait3A_1189, %dma_wait3A_1190] : memref<320x32xf32, #tpu.memory_space<vmem>> -> memref<80x32xf32, #tpu.memory_space<vmem>>
    %dma_wait3A_1192 = arith.constant 0 : i32
    %dma_wait3A_1193 = tpu.memref_slice %arg6[%dma_wait3A_1188, %dma_wait3A_1192] : memref<64x80xi32, #tpu.memory_space<vmem>> -> memref<1x80xi32, #tpu.memory_space<vmem>>
    %dma_wait3A_1194 = tpu.memref_squeeze %dma_wait3A_1193 : memref<1x80xi32, #tpu.memory_space<vmem>> -> memref<80xi32, #tpu.memory_space<vmem>>
    %dma_wait3A_1195 = arith.constant 0 : i32
    %dma_wait3A_1196 = arith.constant 0 : i32
    %dma_wait3A_1197 = tpu.memref_slice %arg11[%dma_wait3A_1195, %dma_wait3A_1196] : memref<10000x32xf32, #tpu.memory_space<vmem_shared>> -> memref<10000x32xf32, #tpu.memory_space<vmem_shared>>
    tpu.wait_indirect_dma semaphore(%arg13 : memref<!tpu.dma_semaphore, #tpu.memory_space<semaphore_mem>>) src(%dma_wait3A_1197 : memref<10000x32xf32, #tpu.memory_space<vmem_shared>>) dst(%dma_wait3A_1191 : memref<80x32xf32, #tpu.memory_space<vmem>>)
    %parallel_loop3A_1198 = arith.constant 0 : i32
    %parallel_loop3A_1199 = arith.constant 320 : i32
    %parallel_loop3A_1200 = arith.constant 1 : i32
    scf.for %parallel_loop3A_1339 = %parallel_loop3A_1198 to %parallel_loop3A_1199 step %parallel_loop3A_1200  : i32 {
      %parallel_loop3A_1340 = arith.index_cast %parallel_loop3A_1339 : i32 to index
      %parallel_loop3A_1341 = arith.constant 0 : index
      %parallel_loop3A_1342 = tpu.vector_load %arg9[%parallel_loop3A_1340, %parallel_loop3A_1341] {strides = array<i32>} : memref<320x32xf32, #tpu.memory_space<vmem>>, vector<1x16xf32>,
      %parallel_loop3A_1343 = vector.shape_cast %parallel_loop3A_1342 : vector<1x16xf32> to vector<16xf32>
      %parallel_loop3A_1344 = arith.index_cast %parallel_loop3A_1339 : i32 to index
      %parallel_loop3A_1345 = arith.constant 0 : index
      %parallel_loop3A_1346 = tpu.vector_load %arg7[%parallel_loop3A_1344, %parallel_loop3A_1345] {strides = array<i32>} : memref<320x32xf32, #tpu.memory_space<vmem>>, vector<1x16xf32>,
      %parallel_loop3A_1347 = vector.shape_cast %parallel_loop3A_1346 : vector<1x16xf32> to vector<16xf32>
      %parallel_loop3A_1348 = vector.shape_cast %parallel_loop3A_1343 : vector<16xf32> to vector<1x16xf32>
      tpu.vector_store %arg7[%parallel_loop3A_1344, %parallel_loop3A_1345], %parallel_loop3A_1348 {add = true, strides = array<i32>} : memref<320x32xf32, #tpu.memory_space<vmem>>, vector<1x16xf32>,
      %parallel_loop3A_1349 = arith.index_cast %parallel_loop3A_1339 : i32 to index
      %parallel_loop3A_1350 = arith.constant 16 : index
      %parallel_loop3A_1351 = tpu.vector_load %arg9[%parallel_loop3A_1349, %parallel_loop3A_1350] {strides = array<i32>} : memref<320x32xf32, #tpu.memory_space<vmem>>, vector<1x16xf32>,
      %parallel_loop3A_1352 = vector.shape_cast %parallel_loop3A_1351 : vector<1x16xf32> to vector<16xf32>
      %parallel_loop3A_1353 = arith.index_cast %parallel_loop3A_1339 : i32 to index
      %parallel_loop3A_1354 = arith.constant 16 : index
      %parallel_loop3A_1355 = tpu.vector_load %arg7[%parallel_loop3A_1353, %parallel_loop3A_1354] {strides = array<i32>} : memref<320x32xf32, #tpu.memory_space<vmem>>, vector<1x16xf32>,
      %parallel_loop3A_1356 = vector.shape_cast %parallel_loop3A_1355 : vector<1x16xf32> to vector<16xf32>
      %parallel_loop3A_1357 = vector.shape_cast %parallel_loop3A_1352 : vector<16xf32> to vector<1x16xf32>
      tpu.vector_store %arg7[%parallel_loop3A_1353, %parallel_loop3A_1354], %parallel_loop3A_1357 {add = true, strides = array<i32>} : memref<320x32xf32, #tpu.memory_space<vmem>>, vector<1x16xf32>,
    } {sc.loop_unroll_factor = 8 : i64, sc.parallel_access}
    %dma_start3A_1201 = arith.constant 60 : i32
    %dma_start3A_1202 = arith.constant 0 : i32
    %dma_start3A_1203 = arith.constant 0 : i32
    %dma_start3A_1204 = tpu.memref_slice %arg9[%dma_start3A_1202, %dma_start3A_1203] : memref<320x32xf32, #tpu.memory_space<vmem>> -> memref<80x32xf32, #tpu.memory_space<vmem>>
    %dma_start3A_1205 = arith.constant 0 : i32
    %dma_start3A_1206 = tpu.memref_slice %arg6[%dma_start3A_1201, %dma_start3A_1205] : memref<64x80xi32, #tpu.memory_space<vmem>> -> memref<1x80xi32, #tpu.memory_space<vmem>>
    %dma_start3A_1207 = tpu.memref_squeeze %dma_start3A_1206 : memref<1x80xi32, #tpu.memory_space<vmem>> -> memref<80xi32, #tpu.memory_space<vmem>>
    %dma_start3A_1208 = arith.constant 0 : i32
    %dma_start3A_1209 = arith.constant 0 : i32
    %dma_start3A_1210 = tpu.memref_slice %arg11[%dma_start3A_1208, %dma_start3A_1209] : memref<10000x32xf32, #tpu.memory_space<vmem_shared>> -> memref<10000x32xf32, #tpu.memory_space<vmem_shared>>
    tpu.enqueue_indirect_dma source(%dma_start3A_1210 : memref<10000x32xf32, #tpu.memory_space<vmem_shared>>) target(%dma_start3A_1204 : memref<80x32xf32, #tpu.memory_space<vmem>>) offsets(%dma_start3A_1207 : memref<80xi32, #tpu.memory_space<vmem>>) semaphore(%arg13 : memref<!tpu.dma_semaphore, #tpu.memory_space<semaphore_mem>>)
    %dma_start3A_1211 = arith.constant 61 : i32
    %dma_start3A_1212 = arith.constant 80 : i32
    %dma_start3A_1213 = arith.constant 0 : i32
    %dma_start3A_1214 = tpu.memref_slice %arg9[%dma_start3A_1212, %dma_start3A_1213] : memref<320x32xf32, #tpu.memory_space<vmem>> -> memref<80x32xf32, #tpu.memory_space<vmem>>
    %dma_start3A_1215 = arith.constant 0 : i32
    %dma_start3A_1216 = tpu.memref_slice %arg6[%dma_start3A_1211, %dma_start3A_1215] : memref<64x80xi32, #tpu.memory_space<vmem>> -> memref<1x80xi32, #tpu.memory_space<vmem>>
    %dma_start3A_1217 = tpu.memref_squeeze %dma_start3A_1216 : memref<1x80xi32, #tpu.memory_space<vmem>> -> memref<80xi32, #tpu.memory_space<vmem>>
    %dma_start3A_1218 = arith.constant 0 : i32
    %dma_start3A_1219 = arith.constant 0 : i32
    %dma_start3A_1220 = tpu.memref_slice %arg11[%dma_start3A_1218, %dma_start3A_1219] : memref<10000x32xf32, #tpu.memory_space<vmem_shared>> -> memref<10000x32xf32, #tpu.memory_space<vmem_shared>>
    tpu.enqueue_indirect_dma source(%dma_start3A_1220 : memref<10000x32xf32, #tpu.memory_space<vmem_shared>>) target(%dma_start3A_1214 : memref<80x32xf32, #tpu.memory_space<vmem>>) offsets(%dma_start3A_1217 : memref<80xi32, #tpu.memory_space<vmem>>) semaphore(%arg13 : memref<!tpu.dma_semaphore, #tpu.memory_space<semaphore_mem>>)
    %dma_start3A_1221 = arith.constant 62 : i32
    %dma_start3A_1222 = arith.constant 160 : i32
    %dma_start3A_1223 = arith.constant 0 : i32
    %dma_start3A_1224 = tpu.memref_slice %arg9[%dma_start3A_1222, %dma_start3A_1223] : memref<320x32xf32, #tpu.memory_space<vmem>> -> memref<80x32xf32, #tpu.memory_space<vmem>>
    %dma_start3A_1225 = arith.constant 0 : i32
    %dma_start3A_1226 = tpu.memref_slice %arg6[%dma_start3A_1221, %dma_start3A_1225] : memref<64x80xi32, #tpu.memory_space<vmem>> -> memref<1x80xi32, #tpu.memory_space<vmem>>
    %dma_start3A_1227 = tpu.memref_squeeze %dma_start3A_1226 : memref<1x80xi32, #tpu.memory_space<vmem>> -> memref<80xi32, #tpu.memory_space<vmem>>
    %dma_start3A_1228 = arith.constant 0 : i32
    %dma_start3A_1229 = arith.constant 0 : i32
    %dma_start3A_1230 = tpu.memref_slice %arg11[%dma_start3A_1228, %dma_start3A_1229] : memref<10000x32xf32, #tpu.memory_space<vmem_shared>> -> memref<10000x32xf32, #tpu.memory_space<vmem_shared>>
    tpu.enqueue_indirect_dma source(%dma_start3A_1230 : memref<10000x32xf32, #tpu.memory_space<vmem_shared>>) target(%dma_start3A_1224 : memref<80x32xf32, #tpu.memory_space<vmem>>) offsets(%dma_start3A_1227 : memref<80xi32, #tpu.memory_space<vmem>>) semaphore(%arg13 : memref<!tpu.dma_semaphore, #tpu.memory_space<semaphore_mem>>)
    %dma_start3A_1231 = arith.constant 63 : i32
    %dma_start3A_1232 = arith.constant 240 : i32
    %dma_start3A_1233 = arith.constant 0 : i32
    %dma_start3A_1234 = tpu.memref_slice %arg9[%dma_start3A_1232, %dma_start3A_1233] : memref<320x32xf32, #tpu.memory_space<vmem>> -> memref<80x32xf32, #tpu.memory_space<vmem>>
    %dma_start3A_1235 = arith.constant 0 : i32
    %dma_start3A_1236 = tpu.memref_slice %arg6[%dma_start3A_1231, %dma_start3A_1235] : memref<64x80xi32, #tpu.memory_space<vmem>> -> memref<1x80xi32, #tpu.memory_space<vmem>>
    %dma_start3A_1237 = tpu.memref_squeeze %dma_start3A_1236 : memref<1x80xi32, #tpu.memory_space<vmem>> -> memref<80xi32, #tpu.memory_space<vmem>>
    %dma_start3A_1238 = arith.constant 0 : i32
    %dma_start3A_1239 = arith.constant 0 : i32
    %dma_start3A_1240 = tpu.memref_slice %arg11[%dma_start3A_1238, %dma_start3A_1239] : memref<10000x32xf32, #tpu.memory_space<vmem_shared>> -> memref<10000x32xf32, #tpu.memory_space<vmem_shared>>
    tpu.enqueue_indirect_dma source(%dma_start3A_1240 : memref<10000x32xf32, #tpu.memory_space<vmem_shared>>) target(%dma_start3A_1234 : memref<80x32xf32, #tpu.memory_space<vmem>>) offsets(%dma_start3A_1237 : memref<80xi32, #tpu.memory_space<vmem>>) semaphore(%arg13 : memref<!tpu.dma_semaphore, #tpu.memory_space<semaphore_mem>>)
    %dma_wait3A_1241 = arith.constant 56 : i32
    %dma_wait3A_1242 = arith.constant 0 : i32
    %dma_wait3A_1243 = arith.constant 0 : i32
    %dma_wait3A_1244 = tpu.memref_slice %arg8[%dma_wait3A_1242, %dma_wait3A_1243] : memref<320x32xf32, #tpu.memory_space<vmem>> -> memref<80x32xf32, #tpu.memory_space<vmem>>
    %dma_wait3A_1245 = arith.constant 0 : i32
    %dma_wait3A_1246 = tpu.memref_slice %arg6[%dma_wait3A_1241, %dma_wait3A_1245] : memref<64x80xi32, #tpu.memory_space<vmem>> -> memref<1x80xi32, #tpu.memory_space<vmem>>
    %dma_wait3A_1247 = tpu.memref_squeeze %dma_wait3A_1246 : memref<1x80xi32, #tpu.memory_space<vmem>> -> memref<80xi32, #tpu.memory_space<vmem>>
    %dma_wait3A_1248 = arith.constant 0 : i32
    %dma_wait3A_1249 = arith.constant 0 : i32
    %dma_wait3A_1250 = tpu.memref_slice %arg11[%dma_wait3A_1248, %dma_wait3A_1249] : memref<10000x32xf32, #tpu.memory_space<vmem_shared>> -> memref<10000x32xf32, #tpu.memory_space<vmem_shared>>
    tpu.wait_indirect_dma semaphore(%arg12 : memref<!tpu.dma_semaphore, #tpu.memory_space<semaphore_mem>>) src(%dma_wait3A_1250 : memref<10000x32xf32, #tpu.memory_space<vmem_shared>>) dst(%dma_wait3A_1244 : memref<80x32xf32, #tpu.memory_space<vmem>>)
    %dma_wait3A_1251 = arith.constant 57 : i32
    %dma_wait3A_1252 = arith.constant 80 : i32
    %dma_wait3A_1253 = arith.constant 0 : i32
    %dma_wait3A_1254 = tpu.memref_slice %arg8[%dma_wait3A_1252, %dma_wait3A_1253] : memref<320x32xf32, #tpu.memory_space<vmem>> -> memref<80x32xf32, #tpu.memory_space<vmem>>
    %dma_wait3A_1255 = arith.constant 0 : i32
    %dma_wait3A_1256 = tpu.memref_slice %arg6[%dma_wait3A_1251, %dma_wait3A_1255] : memref<64x80xi32, #tpu.memory_space<vmem>> -> memref<1x80xi32, #tpu.memory_space<vmem>>
    %dma_wait3A_1257 = tpu.memref_squeeze %dma_wait3A_1256 : memref<1x80xi32, #tpu.memory_space<vmem>> -> memref<80xi32, #tpu.memory_space<vmem>>
    %dma_wait3A_1258 = arith.constant 0 : i32
    %dma_wait3A_1259 = arith.constant 0 : i32
    %dma_wait3A_1260 = tpu.memref_slice %arg11[%dma_wait3A_1258, %dma_wait3A_1259] : memref<10000x32xf32, #tpu.memory_space<vmem_shared>> -> memref<10000x32xf32, #tpu.memory_space<vmem_shared>>
    tpu.wait_indirect_dma semaphore(%arg12 : memref<!tpu.dma_semaphore, #tpu.memory_space<semaphore_mem>>) src(%dma_wait3A_1260 : memref<10000x32xf32, #tpu.memory_space<vmem_shared>>) dst(%dma_wait3A_1254 : memref<80x32xf32, #tpu.memory_space<vmem>>)
    %dma_wait3A_1261 = arith.constant 58 : i32
    %dma_wait3A_1262 = arith.constant 160 : i32
    %dma_wait3A_1263 = arith.constant 0 : i32
    %dma_wait3A_1264 = tpu.memref_slice %arg8[%dma_wait3A_1262, %dma_wait3A_1263] : memref<320x32xf32, #tpu.memory_space<vmem>> -> memref<80x32xf32, #tpu.memory_space<vmem>>
    %dma_wait3A_1265 = arith.constant 0 : i32
    %dma_wait3A_1266 = tpu.memref_slice %arg6[%dma_wait3A_1261, %dma_wait3A_1265] : memref<64x80xi32, #tpu.memory_space<vmem>> -> memref<1x80xi32, #tpu.memory_space<vmem>>
    %dma_wait3A_1267 = tpu.memref_squeeze %dma_wait3A_1266 : memref<1x80xi32, #tpu.memory_space<vmem>> -> memref<80xi32, #tpu.memory_space<vmem>>
    %dma_wait3A_1268 = arith.constant 0 : i32
    %dma_wait3A_1269 = arith.constant 0 : i32
    %dma_wait3A_1270 = tpu.memref_slice %arg11[%dma_wait3A_1268, %dma_wait3A_1269] : memref<10000x32xf32, #tpu.memory_space<vmem_shared>> -> memref<10000x32xf32, #tpu.memory_space<vmem_shared>>
    tpu.wait_indirect_dma semaphore(%arg12 : memref<!tpu.dma_semaphore, #tpu.memory_space<semaphore_mem>>) src(%dma_wait3A_1270 : memref<10000x32xf32, #tpu.memory_space<vmem_shared>>) dst(%dma_wait3A_1264 : memref<80x32xf32, #tpu.memory_space<vmem>>)
    %dma_wait3A_1271 = arith.constant 59 : i32
    %dma_wait3A_1272 = arith.constant 240 : i32
    %dma_wait3A_1273 = arith.constant 0 : i32
    %dma_wait3A_1274 = tpu.memref_slice %arg8[%dma_wait3A_1272, %dma_wait3A_1273] : memref<320x32xf32, #tpu.memory_space<vmem>> -> memref<80x32xf32, #tpu.memory_space<vmem>>
    %dma_wait3A_1275 = arith.constant 0 : i32
    %dma_wait3A_1276 = tpu.memref_slice %arg6[%dma_wait3A_1271, %dma_wait3A_1275] : memref<64x80xi32, #tpu.memory_space<vmem>> -> memref<1x80xi32, #tpu.memory_space<vmem>>
    %dma_wait3A_1277 = tpu.memref_squeeze %dma_wait3A_1276 : memref<1x80xi32, #tpu.memory_space<vmem>> -> memref<80xi32, #tpu.memory_space<vmem>>
    %dma_wait3A_1278 = arith.constant 0 : i32
    %dma_wait3A_1279 = arith.constant 0 : i32
    %dma_wait3A_1280 = tpu.memref_slice %arg11[%dma_wait3A_1278, %dma_wait3A_1279] : memref<10000x32xf32, #tpu.memory_space<vmem_shared>> -> memref<10000x32xf32, #tpu.memory_space<vmem_shared>>
    tpu.wait_indirect_dma semaphore(%arg12 : memref<!tpu.dma_semaphore, #tpu.memory_space<semaphore_mem>>) src(%dma_wait3A_1280 : memref<10000x32xf32, #tpu.memory_space<vmem_shared>>) dst(%dma_wait3A_1274 : memref<80x32xf32, #tpu.memory_space<vmem>>)
    %parallel_loop3A_1281 = arith.constant 0 : i32
    %parallel_loop3A_1282 = arith.constant 320 : i32
    %parallel_loop3A_1283 = arith.constant 1 : i32
    scf.for %parallel_loop3A_1339 = %parallel_loop3A_1281 to %parallel_loop3A_1282 step %parallel_loop3A_1283  : i32 {
      %parallel_loop3A_1340 = arith.index_cast %parallel_loop3A_1339 : i32 to index
      %parallel_loop3A_1341 = arith.constant 0 : index
      %parallel_loop3A_1342 = tpu.vector_load %arg8[%parallel_loop3A_1340, %parallel_loop3A_1341] {strides = array<i32>} : memref<320x32xf32, #tpu.memory_space<vmem>>, vector<1x16xf32>,
      %parallel_loop3A_1343 = vector.shape_cast %parallel_loop3A_1342 : vector<1x16xf32> to vector<16xf32>
      %parallel_loop3A_1344 = arith.index_cast %parallel_loop3A_1339 : i32 to index
      %parallel_loop3A_1345 = arith.constant 0 : index
      %parallel_loop3A_1346 = tpu.vector_load %arg7[%parallel_loop3A_1344, %parallel_loop3A_1345] {strides = array<i32>} : memref<320x32xf32, #tpu.memory_space<vmem>>, vector<1x16xf32>,
      %parallel_loop3A_1347 = vector.shape_cast %parallel_loop3A_1346 : vector<1x16xf32> to vector<16xf32>
      %parallel_loop3A_1348 = vector.shape_cast %parallel_loop3A_1343 : vector<16xf32> to vector<1x16xf32>
      tpu.vector_store %arg7[%parallel_loop3A_1344, %parallel_loop3A_1345], %parallel_loop3A_1348 {add = true, strides = array<i32>} : memref<320x32xf32, #tpu.memory_space<vmem>>, vector<1x16xf32>,
      %parallel_loop3A_1349 = arith.index_cast %parallel_loop3A_1339 : i32 to index
      %parallel_loop3A_1350 = arith.constant 16 : index
      %parallel_loop3A_1351 = tpu.vector_load %arg8[%parallel_loop3A_1349, %parallel_loop3A_1350] {strides = array<i32>} : memref<320x32xf32, #tpu.memory_space<vmem>>, vector<1x16xf32>,
      %parallel_loop3A_1352 = vector.shape_cast %parallel_loop3A_1351 : vector<1x16xf32> to vector<16xf32>
      %parallel_loop3A_1353 = arith.index_cast %parallel_loop3A_1339 : i32 to index
      %parallel_loop3A_1354 = arith.constant 16 : index
      %parallel_loop3A_1355 = tpu.vector_load %arg7[%parallel_loop3A_1353, %parallel_loop3A_1354] {strides = array<i32>} : memref<320x32xf32, #tpu.memory_space<vmem>>, vector<1x16xf32>,
      %parallel_loop3A_1356 = vector.shape_cast %parallel_loop3A_1355 : vector<1x16xf32> to vector<16xf32>
      %parallel_loop3A_1357 = vector.shape_cast %parallel_loop3A_1352 : vector<16xf32> to vector<1x16xf32>
      tpu.vector_store %arg7[%parallel_loop3A_1353, %parallel_loop3A_1354], %parallel_loop3A_1357 {add = true, strides = array<i32>} : memref<320x32xf32, #tpu.memory_space<vmem>>, vector<1x16xf32>,
    } {sc.loop_unroll_factor = 8 : i64, sc.parallel_access}
    %dma_wait3A_1284 = arith.constant 60 : i32
    %dma_wait3A_1285 = arith.constant 0 : i32
    %dma_wait3A_1286 = arith.constant 0 : i32
    %dma_wait3A_1287 = tpu.memref_slice %arg9[%dma_wait3A_1285, %dma_wait3A_1286] : memref<320x32xf32, #tpu.memory_space<vmem>> -> memref<80x32xf32, #tpu.memory_space<vmem>>
    %dma_wait3A_1288 = arith.constant 0 : i32
    %dma_wait3A_1289 = tpu.memref_slice %arg6[%dma_wait3A_1284, %dma_wait3A_1288] : memref<64x80xi32, #tpu.memory_space<vmem>> -> memref<1x80xi32, #tpu.memory_space<vmem>>
    %dma_wait3A_1290 = tpu.memref_squeeze %dma_wait3A_1289 : memref<1x80xi32, #tpu.memory_space<vmem>> -> memref<80xi32, #tpu.memory_space<vmem>>
    %dma_wait3A_1291 = arith.constant 0 : i32
    %dma_wait3A_1292 = arith.constant 0 : i32
    %dma_wait3A_1293 = tpu.memref_slice %arg11[%dma_wait3A_1291, %dma_wait3A_1292] : memref<10000x32xf32, #tpu.memory_space<vmem_shared>> -> memref<10000x32xf32, #tpu.memory_space<vmem_shared>>
    tpu.wait_indirect_dma semaphore(%arg13 : memref<!tpu.dma_semaphore, #tpu.memory_space<semaphore_mem>>) src(%dma_wait3A_1293 : memref<10000x32xf32, #tpu.memory_space<vmem_shared>>) dst(%dma_wait3A_1287 : memref<80x32xf32, #tpu.memory_space<vmem>>)
    %dma_wait3A_1294 = arith.constant 61 : i32
    %dma_wait3A_1295 = arith.constant 80 : i32
    %dma_wait3A_1296 = arith.constant 0 : i32
    %dma_wait3A_1297 = tpu.memref_slice %arg9[%dma_wait3A_1295, %dma_wait3A_1296] : memref<320x32xf32, #tpu.memory_space<vmem>> -> memref<80x32xf32, #tpu.memory_space<vmem>>
    %dma_wait3A_1298 = arith.constant 0 : i32
    %dma_wait3A_1299 = tpu.memref_slice %arg6[%dma_wait3A_1294, %dma_wait3A_1298] : memref<64x80xi32, #tpu.memory_space<vmem>> -> memref<1x80xi32, #tpu.memory_space<vmem>>
    %dma_wait3A_1300 = tpu.memref_squeeze %dma_wait3A_1299 : memref<1x80xi32, #tpu.memory_space<vmem>> -> memref<80xi32, #tpu.memory_space<vmem>>
    %dma_wait3A_1301 = arith.constant 0 : i32
    %dma_wait3A_1302 = arith.constant 0 : i32
    %dma_wait3A_1303 = tpu.memref_slice %arg11[%dma_wait3A_1301, %dma_wait3A_1302] : memref<10000x32xf32, #tpu.memory_space<vmem_shared>> -> memref<10000x32xf32, #tpu.memory_space<vmem_shared>>
    tpu.wait_indirect_dma semaphore(%arg13 : memref<!tpu.dma_semaphore, #tpu.memory_space<semaphore_mem>>) src(%dma_wait3A_1303 : memref<10000x32xf32, #tpu.memory_space<vmem_shared>>) dst(%dma_wait3A_1297 : memref<80x32xf32, #tpu.memory_space<vmem>>)
    %dma_wait3A_1304 = arith.constant 62 : i32
    %dma_wait3A_1305 = arith.constant 160 : i32
    %dma_wait3A_1306 = arith.constant 0 : i32
    %dma_wait3A_1307 = tpu.memref_slice %arg9[%dma_wait3A_1305, %dma_wait3A_1306] : memref<320x32xf32, #tpu.memory_space<vmem>> -> memref<80x32xf32, #tpu.memory_space<vmem>>
    %dma_wait3A_1308 = arith.constant 0 : i32
    %dma_wait3A_1309 = tpu.memref_slice %arg6[%dma_wait3A_1304, %dma_wait3A_1308] : memref<64x80xi32, #tpu.memory_space<vmem>> -> memref<1x80xi32, #tpu.memory_space<vmem>>
    %dma_wait3A_1310 = tpu.memref_squeeze %dma_wait3A_1309 : memref<1x80xi32, #tpu.memory_space<vmem>> -> memref<80xi32, #tpu.memory_space<vmem>>
    %dma_wait3A_1311 = arith.constant 0 : i32
    %dma_wait3A_1312 = arith.constant 0 : i32
    %dma_wait3A_1313 = tpu.memref_slice %arg11[%dma_wait3A_1311, %dma_wait3A_1312] : memref<10000x32xf32, #tpu.memory_space<vmem_shared>> -> memref<10000x32xf32, #tpu.memory_space<vmem_shared>>
    tpu.wait_indirect_dma semaphore(%arg13 : memref<!tpu.dma_semaphore, #tpu.memory_space<semaphore_mem>>) src(%dma_wait3A_1313 : memref<10000x32xf32, #tpu.memory_space<vmem_shared>>) dst(%dma_wait3A_1307 : memref<80x32xf32, #tpu.memory_space<vmem>>)
    %dma_wait3A_1314 = arith.constant 63 : i32
    %dma_wait3A_1315 = arith.constant 240 : i32
    %dma_wait3A_1316 = arith.constant 0 : i32
    %dma_wait3A_1317 = tpu.memref_slice %arg9[%dma_wait3A_1315, %dma_wait3A_1316] : memref<320x32xf32, #tpu.memory_space<vmem>> -> memref<80x32xf32, #tpu.memory_space<vmem>>
    %dma_wait3A_1318 = arith.constant 0 : i32
    %dma_wait3A_1319 = tpu.memref_slice %arg6[%dma_wait3A_1314, %dma_wait3A_1318] : memref<64x80xi32, #tpu.memory_space<vmem>> -> memref<1x80xi32, #tpu.memory_space<vmem>>
    %dma_wait3A_1320 = tpu.memref_squeeze %dma_wait3A_1319 : memref<1x80xi32, #tpu.memory_space<vmem>> -> memref<80xi32, #tpu.memory_space<vmem>>
    %dma_wait3A_1321 = arith.constant 0 : i32
    %dma_wait3A_1322 = arith.constant 0 : i32
    %dma_wait3A_1323 = tpu.memref_slice %arg11[%dma_wait3A_1321, %dma_wait3A_1322] : memref<10000x32xf32, #tpu.memory_space<vmem_shared>> -> memref<10000x32xf32, #tpu.memory_space<vmem_shared>>
    tpu.wait_indirect_dma semaphore(%arg13 : memref<!tpu.dma_semaphore, #tpu.memory_space<semaphore_mem>>) src(%dma_wait3A_1323 : memref<10000x32xf32, #tpu.memory_space<vmem_shared>>) dst(%dma_wait3A_1317 : memref<80x32xf32, #tpu.memory_space<vmem>>)
    %parallel_loop3A_1324 = arith.constant 0 : i32
    %parallel_loop3A_1325 = arith.constant 320 : i32
    %parallel_loop3A_1326 = arith.constant 1 : i32
    scf.for %parallel_loop3A_1339 = %parallel_loop3A_1324 to %parallel_loop3A_1325 step %parallel_loop3A_1326  : i32 {
      %parallel_loop3A_1340 = arith.index_cast %parallel_loop3A_1339 : i32 to index
      %parallel_loop3A_1341 = arith.constant 0 : index
      %parallel_loop3A_1342 = tpu.vector_load %arg9[%parallel_loop3A_1340, %parallel_loop3A_1341] {strides = array<i32>} : memref<320x32xf32, #tpu.memory_space<vmem>>, vector<1x16xf32>,
      %parallel_loop3A_1343 = vector.shape_cast %parallel_loop3A_1342 : vector<1x16xf32> to vector<16xf32>
      %parallel_loop3A_1344 = arith.index_cast %parallel_loop3A_1339 : i32 to index
      %parallel_loop3A_1345 = arith.constant 0 : index
      %parallel_loop3A_1346 = tpu.vector_load %arg7[%parallel_loop3A_1344, %parallel_loop3A_1345] {strides = array<i32>} : memref<320x32xf32, #tpu.memory_space<vmem>>, vector<1x16xf32>,
      %parallel_loop3A_1347 = vector.shape_cast %parallel_loop3A_1346 : vector<1x16xf32> to vector<16xf32>
      %parallel_loop3A_1348 = vector.shape_cast %parallel_loop3A_1343 : vector<16xf32> to vector<1x16xf32>
      tpu.vector_store %arg7[%parallel_loop3A_1344, %parallel_loop3A_1345], %parallel_loop3A_1348 {add = true, strides = array<i32>} : memref<320x32xf32, #tpu.memory_space<vmem>>, vector<1x16xf32>,
      %parallel_loop3A_1349 = arith.index_cast %parallel_loop3A_1339 : i32 to index
      %parallel_loop3A_1350 = arith.constant 16 : index
      %parallel_loop3A_1351 = tpu.vector_load %arg9[%parallel_loop3A_1349, %parallel_loop3A_1350] {strides = array<i32>} : memref<320x32xf32, #tpu.memory_space<vmem>>, vector<1x16xf32>,
      %parallel_loop3A_1352 = vector.shape_cast %parallel_loop3A_1351 : vector<1x16xf32> to vector<16xf32>
      %parallel_loop3A_1353 = arith.index_cast %parallel_loop3A_1339 : i32 to index
      %parallel_loop3A_1354 = arith.constant 16 : index
      %parallel_loop3A_1355 = tpu.vector_load %arg7[%parallel_loop3A_1353, %parallel_loop3A_1354] {strides = array<i32>} : memref<320x32xf32, #tpu.memory_space<vmem>>, vector<1x16xf32>,
      %parallel_loop3A_1356 = vector.shape_cast %parallel_loop3A_1355 : vector<1x16xf32> to vector<16xf32>
      %parallel_loop3A_1357 = vector.shape_cast %parallel_loop3A_1352 : vector<16xf32> to vector<1x16xf32>
      tpu.vector_store %arg7[%parallel_loop3A_1353, %parallel_loop3A_1354], %parallel_loop3A_1357 {add = true, strides = array<i32>} : memref<320x32xf32, #tpu.memory_space<vmem>>, vector<1x16xf32>,
    } {sc.loop_unroll_factor = 8 : i64, sc.parallel_access}
    %parallel_loop3A_1327 = arith.constant 0 : i32
    %parallel_loop3A_1328 = arith.constant 320 : i32
    %parallel_loop3A_1329 = arith.constant 1 : i32
    scf.for %parallel_loop3A_1339 = %parallel_loop3A_1327 to %parallel_loop3A_1328 step %parallel_loop3A_1329  : i32 {
      %parallel_loop3A_1340 = arith.index_cast %parallel_loop3A_1339 : i32 to index
      %parallel_loop3A_1341 = arith.constant 0 : index
      %parallel_loop3A_1342 = tpu.vector_load %arg7[%parallel_loop3A_1340, %parallel_loop3A_1341] {strides = array<i32>} : memref<320x32xf32, #tpu.memory_space<vmem>>, vector<1x16xf32>,
      %parallel_loop3A_1343 = vector.shape_cast %parallel_loop3A_1342 : vector<1x16xf32> to vector<16xf32>
      %parallel_loop3A_1344 = arith.constant 6.250000e-02 : f32
      %parallel_loop3A_1345 = vector.broadcast %parallel_loop3A_1344 : f32 to vector<16xf32>
      %parallel_loop3A_1346 = arith.mulf %parallel_loop3A_1343, %parallel_loop3A_1345 : vector<16xf32>
      %parallel_loop3A_1347 = arith.constant 0 : index
      %parallel_loop3A_1348 = tpu.vector_load %arg10[%parallel_loop3A_1347] {strides = array<i32>} : memref<32xf32, #tpu.memory_space<vmem>>, vector<16xf32>,
      %parallel_loop3A_1349 = vector.shape_cast %parallel_loop3A_1348 : vector<16xf32> to vector<16xf32>
      %parallel_loop3A_1350 = arith.addf %parallel_loop3A_1346, %parallel_loop3A_1349 : vector<16xf32>
      %parallel_loop3A_1351 = arith.constant 0.000000e+00 : f32
      %parallel_loop3A_1352 = vector.broadcast %parallel_loop3A_1351 : f32 to vector<16xf32>
      %parallel_loop3A_1353 = arith.maximumf %parallel_loop3A_1350, %parallel_loop3A_1352 : vector<16xf32>
      %parallel_loop3A_1354 = arith.index_cast %parallel_loop3A_1339 : i32 to index
      %parallel_loop3A_1355 = arith.constant 0 : index
      %parallel_loop3A_1356 = tpu.vector_load %arg8[%parallel_loop3A_1354, %parallel_loop3A_1355] {strides = array<i32>} : memref<320x32xf32, #tpu.memory_space<vmem>>, vector<1x16xf32>,
      %parallel_loop3A_1357 = vector.shape_cast %parallel_loop3A_1356 : vector<1x16xf32> to vector<16xf32>
      %parallel_loop3A_1358 = vector.shape_cast %parallel_loop3A_1353 : vector<16xf32> to vector<1x16xf32>
      tpu.vector_store %arg8[%parallel_loop3A_1354, %parallel_loop3A_1355], %parallel_loop3A_1358 {strides = array<i32>} : memref<320x32xf32, #tpu.memory_space<vmem>>, vector<1x16xf32>,
      %parallel_loop3A_1359 = arith.index_cast %parallel_loop3A_1339 : i32 to index
      %parallel_loop3A_1360 = arith.constant 16 : index
      %parallel_loop3A_1361 = tpu.vector_load %arg7[%parallel_loop3A_1359, %parallel_loop3A_1360] {strides = array<i32>} : memref<320x32xf32, #tpu.memory_space<vmem>>, vector<1x16xf32>,
      %parallel_loop3A_1362 = vector.shape_cast %parallel_loop3A_1361 : vector<1x16xf32> to vector<16xf32>
      %parallel_loop3A_1363 = arith.constant 6.250000e-02 : f32
      %parallel_loop3A_1364 = vector.broadcast %parallel_loop3A_1363 : f32 to vector<16xf32>
      %parallel_loop3A_1365 = arith.mulf %parallel_loop3A_1362, %parallel_loop3A_1364 : vector<16xf32>
      %parallel_loop3A_1366 = arith.constant 16 : index
      %parallel_loop3A_1367 = tpu.vector_load %arg10[%parallel_loop3A_1366] {strides = array<i32>} : memref<32xf32, #tpu.memory_space<vmem>>, vector<16xf32>,
      %parallel_loop3A_1368 = vector.shape_cast %parallel_loop3A_1367 : vector<16xf32> to vector<16xf32>
      %parallel_loop3A_1369 = arith.addf %parallel_loop3A_1365, %parallel_loop3A_1368 : vector<16xf32>
      %parallel_loop3A_1370 = arith.constant 0.000000e+00 : f32
      %parallel_loop3A_1371 = vector.broadcast %parallel_loop3A_1370 : f32 to vector<16xf32>
      %parallel_loop3A_1372 = arith.maximumf %parallel_loop3A_1369, %parallel_loop3A_1371 : vector<16xf32>
      %parallel_loop3A_1373 = arith.index_cast %parallel_loop3A_1339 : i32 to index
      %parallel_loop3A_1374 = arith.constant 16 : index
      %parallel_loop3A_1375 = tpu.vector_load %arg8[%parallel_loop3A_1373, %parallel_loop3A_1374] {strides = array<i32>} : memref<320x32xf32, #tpu.memory_space<vmem>>, vector<1x16xf32>,
      %parallel_loop3A_1376 = vector.shape_cast %parallel_loop3A_1375 : vector<1x16xf32> to vector<16xf32>
      %parallel_loop3A_1377 = vector.shape_cast %parallel_loop3A_1372 : vector<16xf32> to vector<1x16xf32>
      tpu.vector_store %arg8[%parallel_loop3A_1373, %parallel_loop3A_1374], %parallel_loop3A_1377 {strides = array<i32>} : memref<320x32xf32, #tpu.memory_space<vmem>>, vector<1x16xf32>,
    } {sc.loop_unroll_factor = 8 : i64, sc.parallel_access}
    %lt3A = arith.constant 31 : i32
    %lt3A_1330 = arith.cmpi slt, %add3A, %lt3A : i32
    %convert_element_type3A_1331 = arith.extui %lt3A_1330 : i1 to i32
    %cond3A_1332 = arith.constant 0 : i32
    %cond3A_1333 = arith.cmpi ne, %convert_element_type3A_1331, %cond3A_1332 : i32
    scf.if %cond3A_1333 {
      "tpu.region"() ({
        %run_scoped3A = tpu.sem_alloc : memref<!tpu.dma_semaphore, #tpu.memory_space<semaphore_mem>>
        %dma_start3A_1339 = arith.constant 0 : i32
        %dma_start3A_1340 = tpu.memref_slice %arg5[%mul3A_2, %dma_start3A_1339] : memref<10000x32xf32, #tpu.memory_space<hbm>> -> memref<320x32xf32, #tpu.memory_space<hbm>>
        %dma_start3A_1341 = arith.constant 0 : i32
        %dma_start3A_1342 = tpu.memref_slice %arg5[%mul3A_2, %dma_start3A_1341] : memref<10000x32xf32, #tpu.memory_space<hbm>> -> memref<320x32xf32, #tpu.memory_space<hbm>>
        tpu.enqueue_dma source(%arg8 : memref<320x32xf32, #tpu.memory_space<vmem>>) target(%dma_start3A_1342 : memref<320x32xf32, #tpu.memory_space<hbm>>) target_semaphore(%run_scoped3A : memref<!tpu.dma_semaphore, #tpu.memory_space<semaphore_mem>>)
        %dma_wait3A_1343 = arith.constant 0 : i32
        %dma_wait3A_1344 = tpu.memref_slice %arg5[%mul3A_2, %dma_wait3A_1343] : memref<10000x32xf32, #tpu.memory_space<hbm>> -> memref<320x32xf32, #tpu.memory_space<hbm>>
        %dma_wait3A_1345 = arith.constant 0 : i32
        %dma_wait3A_1346 = tpu.memref_slice %arg5[%mul3A_2, %dma_wait3A_1345] : memref<10000x32xf32, #tpu.memory_space<hbm>> -> memref<320x32xf32, #tpu.memory_space<hbm>>
        tpu.wait_dma2 semaphore(%run_scoped3A : memref<!tpu.dma_semaphore, #tpu.memory_space<semaphore_mem>>) src(%arg8 : memref<320x32xf32, #tpu.memory_space<vmem>>) dst(%dma_wait3A_1346 : memref<320x32xf32, #tpu.memory_space<hbm>>)
        tpu.yield
      }) : () -> ()
    } else {
    }
    %eq3A_1334 = arith.constant 31 : i32
    %eq3A_1335 = arith.cmpi eq, %add3A, %eq3A_1334 : i32
    %convert_element_type3A_1336 = arith.extui %eq3A_1335 : i1 to i32
    %cond3A_1337 = arith.constant 0 : i32
    %cond3A_1338 = arith.cmpi ne, %convert_element_type3A_1336, %cond3A_1337 : i32
    scf.if %cond3A_1338 {
      "tpu.region"() ({
        %run_scoped3A = tpu.sem_alloc : memref<!tpu.dma_semaphore, #tpu.memory_space<semaphore_mem>>
        %dma_start3A_1339 = arith.constant 0 : i32
        %dma_start3A_1340 = arith.constant 0 : i32
        %dma_start3A_1341 = tpu.memref_slice %arg8[%dma_start3A_1339, %dma_start3A_1340] : memref<320x32xf32, #tpu.memory_space<vmem>> -> memref<80x32xf32, #tpu.memory_space<vmem>>
        %dma_start3A_1342 = arith.constant 9920 : i32
        %dma_start3A_1343 = arith.constant 0 : i32
        %dma_start3A_1344 = tpu.memref_slice %arg5[%dma_start3A_1342, %dma_start3A_1343] : memref<10000x32xf32, #tpu.memory_space<hbm>> -> memref<80x32xf32, #tpu.memory_space<hbm>>
        %dma_start3A_1345 = arith.constant 9920 : i32
        %dma_start3A_1346 = arith.constant 0 : i32
        %dma_start3A_1347 = tpu.memref_slice %arg5[%dma_start3A_1345, %dma_start3A_1346] : memref<10000x32xf32, #tpu.memory_space<hbm>> -> memref<80x32xf32, #tpu.memory_space<hbm>>
        %dma_start3A_1348 = arith.constant 0 : i32
        %dma_start3A_1349 = arith.constant 0 : i32
        %dma_start3A_1350 = tpu.memref_slice %arg8[%dma_start3A_1348, %dma_start3A_1349] : memref<320x32xf32, #tpu.memory_space<vmem>> -> memref<80x32xf32, #tpu.memory_space<vmem>>
        tpu.enqueue_dma source(%dma_start3A_1350 : memref<80x32xf32, #tpu.memory_space<vmem>>) target(%dma_start3A_1347 : memref<80x32xf32, #tpu.memory_space<hbm>>) target_semaphore(%run_scoped3A : memref<!tpu.dma_semaphore, #tpu.memory_space<semaphore_mem>>)
        %dma_wait3A_1351 = arith.constant 0 : i32
        %dma_wait3A_1352 = arith.constant 0 : i32
        %dma_wait3A_1353 = tpu.memref_slice %arg8[%dma_wait3A_1351, %dma_wait3A_1352] : memref<320x32xf32, #tpu.memory_space<vmem>> -> memref<80x32xf32, #tpu.memory_space<vmem>>
        %dma_wait3A_1354 = arith.constant 9920 : i32
        %dma_wait3A_1355 = arith.constant 0 : i32
        %dma_wait3A_1356 = tpu.memref_slice %arg5[%dma_wait3A_1354, %dma_wait3A_1355] : memref<10000x32xf32, #tpu.memory_space<hbm>> -> memref<80x32xf32, #tpu.memory_space<hbm>>
        %dma_wait3A_1357 = arith.constant 9920 : i32
        %dma_wait3A_1358 = arith.constant 0 : i32
        %dma_wait3A_1359 = tpu.memref_slice %arg5[%dma_wait3A_1357, %dma_wait3A_1358] : memref<10000x32xf32, #tpu.memory_space<hbm>> -> memref<80x32xf32, #tpu.memory_space<hbm>>
        %dma_wait3A_1360 = arith.constant 0 : i32
        %dma_wait3A_1361 = arith.constant 0 : i32
        %dma_wait3A_1362 = tpu.memref_slice %arg8[%dma_wait3A_1360, %dma_wait3A_1361] : memref<320x32xf32, #tpu.memory_space<vmem>> -> memref<80x32xf32, #tpu.memory_space<vmem>>
        tpu.wait_dma2 semaphore(%run_scoped3A : memref<!tpu.dma_semaphore, #tpu.memory_space<semaphore_mem>>) src(%dma_wait3A_1362 : memref<80x32xf32, #tpu.memory_space<vmem>>) dst(%dma_wait3A_1359 : memref<80x32xf32, #tpu.memory_space<hbm>>)
        tpu.yield
      }) : () -> ()
    } else {
    }
    return
  }
}

</mosaic_0001>

<sc_bundles>
// kernel: _sc_pool_call.3.cloned.1.call-start
scs
__scs_entry_jumppad:
0x0: {  	(pc) =	sbr.rel $0x88, $3  }
0x1: {  	(tag) =	ssettag $0x0;
	lr =	simm.s32 $0x1  }
0x2: {  	[smem:$0x3F9E] =	sst lr;
	_ =	strace $0xD0000000  }
0x3: {  	_ = 	snop  }
0x4: {  	_ = 	snop  }
0x5: {  	_ = 	snop  }
0x6: {  	_ = 	snop  }
0x7: {  	_ = 	snop  }
__scs_overlays_trampoline_lowered:
0x8: {  	[smem:$0x3FAD] =	sst s0  }
0x9: {  	[smem:$0x3FAE] =	sst s1  }
0xa: {  	[smem:$0x3FAF] =	sst s2  }
0xb: {  	[smem:$0x3FB0] =	sst s3  }
0xc: {  	[smem:$0x3FB1] =	sst s4  }
0xd: {  	[smem:$0x3FB2] =	sst s5  }
0xe: {  	[smem:$0x3FB3] =	sst s6  }
0xf: {  	[smem:$0x3FB4] =	sst s7  }
0x10: {  	[smem:$0x3FB5] =	sst s8  }
0x11: {  	[smem:$0x3FB6] =	sst s9;
	s0 =	simm.s32 @!p0 $0x0  }
0x12: {  	s1 =	sld [smem:$0x3F9C];
	s0 =	simm.s32 @p0 $0x1  }
0x13: {  	[smem:$0x3FB7] =	sst s0;
	s0 =	simm.s32 @!p1 $0x0  }
0x14: {  	s2 =	sld [smem:$0x3F9B];
	s0 =	simm.s32 @p1 $0x1  }
0x15: {  	[smem:$0x3FB8] =	sst s0;
	s0 =	simm.s32 @!p2 $0x0  }
0x16: {  	s3 =	sld [smem:$0x3FDB];
	s0 =	simm.s32 @p2 $0x1  }
0x17: {  	s4 =	simm.s32 $0x1BF5;
	[smem:$0x3FBA] =	sst s0  }
0x18: {  	s0 =	sld [smem:$0x3F9D];
	_ =	swait.ge [sflag:s4], $0x0  }
0x19: {  	s7 =	sld [smem:$0x3F9E]  }
0x1a: {  	s8 =	sadd.s32 $0xFFFFE003, lr  }
0x1b: {  	s9 =	sadd.s32 $0xFFFFFEF7, lr;
	s5 =	simm.s32 $0xFFFFFFFF;
	p2 =	slt.u32 s8, $0xFFFFF086  }
0x1c: {  	p1 =	slt.u32 s9, $0xF7A;
	s5 =	simm.s32 @!p2 $0x0  }
0x1d: {  	s5 =	simm.s32 @p1 $0x1;
	p0 =	seq.s32 s7, s2  }
0x1e: {  	s7 =	smul.u32 @!p0 $0xF7A, s2;
	p2 =	seq.s32 @!p0 s5, $0x0  }
0x1f: {  	s9 =	smul.u32 $0xF7A, s1;
	s8 =	simm.s32 @!p0 $0x1BF5;
	p2 =	por !p2, p0  }
0x20: {  	[sflag:s8] =	ssyncset.s32 @!p0 $0xFFFFF086;
	s6 =	sadd.s32 @!p0 s3, s7;
	s7 =	simm.s32 @!p0 $0x108  }
0x21: {  	s3 =	sadd.s32 s3, s9;
	s6 =	sadd.s32 @!p0 $0x88, s6;
	s7 =	simm.s32 @p2 $0x1082  }
0x22: {  	[simem:s7], [sflag:s8] =	dma.local @!p0 [hbm:s6], $0xF7A  }
0x23: {  	s9 =	sor.u32 $0xD0000000, s2;
	s6 =	simm.s32 $0x108;
	_ =	swait.ge @!p0 [sflag:s8], $0x0  }
0x24: {  	s3 =	sadd.s32 $0x88, s3;
	s6 =	simm.s32 @!p1 $0x1082;
	[sflag:s4] =	ssyncset.s32 $0xFFFFF086  }
0x25: {  	[simem:s6], [sflag:s4] =	dma.local [hbm:s3], $0xF7A  }
0x26: {  	[smem:$0x3F9E] =	sst s1;
	(tag) =	ssettag s2;
	_ =	strace s9  }
0x27: {  	s1 =	sld [smem:$0x3FAE]  }
0x28: {  	s2 =	sld [smem:$0x3FAF]  }
0x29: {  	s4 =	sld [smem:$0x3FB1]  }
0x2a: {  	p0 =	seq.s32 s5, $0x0;
	s5 =	sld [smem:$0x3FB2]  }
0x2b: {  	s6 =	sld [smem:$0x3FB3]  }
0x2c: {  	s7 =	sld [smem:$0x3FB4]  }
0x2d: {  	s3 =	simm.s32 $0x108;
	s8 =	sld [smem:$0x3FB5]  }
0x2e: {  	s3 =	simm.s32 @!p0 $0x1082;
	s9 =	sld [smem:$0x3FB6]  }
0x2f: {  	lr =	sadd.s32 s0, s3;
	s0 =	sld [smem:$0x3FAD]  }
0x30: {  	s3 =	sld [smem:$0x3FB0]  }
0x31: {  	[smem:$0x3FB9] =	sst s10  }
0x32: {  	s10 =	sld [smem:$0x3FB7];
	_ =	sdelay $0x3  }
0x33: {  	p0 =	seq.s32 s10, $0x1;
	s10 =	sld [smem:$0x3FB9];
	_ =	sdelay $0x3  }
0x34: {  	[smem:$0x3FB9] =	sst s10  }
0x35: {  	s10 =	sld [smem:$0x3FB8];
	_ =	sdelay $0x3  }
0x36: {  	p1 =	seq.s32 s10, $0x1;
	s10 =	sld [smem:$0x3FB9];
	_ =	sdelay $0x3  }
0x37: {  	[smem:$0x3FB9] =	sst s10  }
0x38: {  	s10 =	sld [smem:$0x3FBA]  }
0x39: {  	_ = 	snop;
	(pc) =	sbr.ind lr, $3  }
0x3a: {  	_ = 	snop  }
0x3b: {  	_ = 	snop  }
0x3c: {  	p2 =	seq.s32 s10, $0x1;
	s10 =	sld [smem:$0x3FB9]  }
0x3d: {  	_ =	shalt  }
0x3e: {  	_ =	shalt  }
0x3f: {  	_ =	shalt  }
0x40: {  	_ =	shalt  }
0x41: {  	_ =	shalt  }
0x42: {  	_ =	shalt  }
0x43: {  	_ =	shalt  }
0x44: {  	_ =	shalt  }
0x45: {  	_ =	shalt  }
0x46: {  	_ =	shalt  }
0x47: {  	_ =	shalt  }
0x48: {  	_ =	shalt  }
0x49: {  	_ =	shalt  }
0x4a: {  	_ =	shalt  }
0x4b: {  	_ =	shalt  }
0x4c: {  	_ =	shalt  }
0x4d: {  	_ =	shalt  }
0x4e: {  	_ =	shalt  }
0x4f: {  	_ =	shalt  }
0x50: {  	_ =	shalt  }
0x51: {  	_ =	shalt  }
0x52: {  	_ =	shalt  }
0x53: {  	_ =	shalt  }
0x54: {  	_ =	shalt  }
0x55: {  	_ =	shalt  }
0x56: {  	_ =	shalt  }
0x57: {  	_ =	shalt  }
0x58: {  	_ =	shalt  }
0x59: {  	_ =	shalt  }
0x5a: {  	_ =	shalt  }
0x5b: {  	_ =	shalt  }
0x5c: {  	_ =	shalt  }
0x5d: {  	_ =	shalt  }
0x5e: {  	_ =	shalt  }
0x5f: {  	_ =	shalt  }
0x60: {  	_ =	shalt  }
0x61: {  	_ =	shalt  }
0x62: {  	_ =	shalt  }
0x63: {  	_ =	shalt  }
0x64: {  	_ =	shalt  }
0x65: {  	_ =	shalt  }
0x66: {  	_ =	shalt  }
0x67: {  	_ =	shalt  }
0x68: {  	_ =	shalt  }
0x69: {  	_ =	shalt  }
0x6a: {  	_ =	shalt  }
0x6b: {  	_ =	shalt  }
0x6c: {  	_ =	shalt  }
0x6d: {  	_ =	shalt  }
0x6e: {  	_ =	shalt  }
0x6f: {  	_ =	shalt  }
0x70: {  	_ =	shalt  }
0x71: {  	_ =	shalt  }
0x72: {  	_ =	shalt  }
0x73: {  	_ =	shalt  }
0x74: {  	_ =	shalt  }
0x75: {  	_ =	shalt  }
0x76: {  	_ =	shalt  }
0x77: {  	_ =	shalt  }
0x78: {  	_ =	shalt  }
0x79: {  	_ =	shalt  }
0x7a: {  	_ =	shalt  }
0x7b: {  	_ =	shalt  }
0x7c: {  	_ =	shalt  }
0x7d: {  	_ =	shalt  }
0x7e: {  	_ =	shalt  }
0x7f: {  	_ =	shalt  }
0x80: {  	_ =	shalt  }
0x81: {  	_ =	shalt  }
0x82: {  	_ =	shalt  }
0x83: {  	_ =	shalt  }
0x84: {  	_ =	shalt  }
0x85: {  	_ =	shalt  }
0x86: {  	_ =	shalt  }
0x87: {  	_ =	shalt  }
.Lfunc_end0:
.L_simem_size_0:
called_computation_lowered:
.L_overlay_start_0:
0x88: {  	s2 =	sld [smem:$0x3FD9]  }
0x89: {  	s3 =	sld [smem:$0x3FFE];
	_ =	sdelay $0x1  }
0x8a: {  	s1 =	srdreg.scid  }
0x8b: {  	s0 =	sand.u32 $0x1, s1  }
0x8c: {  	s17 =	sshll.u32 s0, $0xA;
	s2 =	sadd.s32 s3, s2  }
0x8d: {  	s2 =	sadd.s32 s2, s17  }
0x8e: {  	[smem:$0x3FC5] =	sst s2  }
0x8f: {  	_ = 	snop  }
0x90: {  	s2 =	sld [smem:$0x3FC7]  }
0x91: {  	s18 =	sld [smem:$0x3FD0];
	(tm) =	ssettm $0x1  }
0x92: {  	s4 =	sld [smem:$0x3FFB];
	_ =	sdelay $0x3  }
0x93: {  	_ =	strace s4  }
0x94: {  	s4 =	sld [smem:$0x3FFC];
	_ =	sdelay $0x3  }
0x95: {  	_ =	strace s4  }
0x96: {  	s4 =	sld [smem:$0x3FFD];
	_ =	sdelay $0x3  }
0x97: {  	_ =	strace s4  }
0x98: {  	_ =	strace $0x8FFFFFFF  }
0x99: {  	s19 =	sld [smem:$0x3FDB];
	_ =	sdelay $0x1  }
0x9a: {  	s5 =	simm.s32 $_scs_section_size  }
0x9b: {  	s6 =	simm.s32 $_size__tile_overlayer_lowered;
	s7 =	simm.s32 $_tile_overlayer_lowered  }
0x9c: {  	s22 =	simm.s32 $0x1BFF;
	s21 =	sshll.u32 s7, $0x1;
	s4 =	sadd.s32 s5, s19  }
0x9d: {  	s8 =	simm.s32 $0x0;
	s20 =	sshll.u32 s6, $0x1;
	s6 =	sadd.s32 s21, s4  }
0x9e: {  	[timem:s8], [sflag:s22] =	dma.local [hbm:s6], s20  }
0x9f: {  	_ =	swait.ge [sflag:s22], s20  }
0xa0: {  	s5 =	ssub.s32 $0x0, s20;
	[sflag:s22] =	ssyncset.done $0x0  }
0xa1: {  	[sflag:s22] =	ssyncadd.s32 s5;
	_ =	sdelay $0x1  }
0xa2: {  	s23 =	simm.s32 $0x1B8B  }
0xa3: {  	_ =	swait.ge [sflag:s23], $0x1  }
0xa4: {  	[sflag:s23] =	ssyncset.done $0x0  }
0xa5: {  	s25 =	simm.s32 $0x1B8E;
	s24 =	sld [smem:$0x3FFE];
	[sflag:s23] =	ssyncadd.s32 $0xFFFFFFFF  }
0xa6: {  	s26 =	simm.s32 $execute0_lowered;
	[smem:$0x3FD2] =	sst s25  }
0xa7: {  	s6 =	sshll.u32 s26, $0x1;
	_ =	strace $0x80000046;
	[dreg:$0x1] =	wrdreg $0xFFFFFFFF  }
0xa8: {  	s28 =	simm.s32 $_size_execute0_lowered;
	s4 =	sadd.s32 s4, s6;
	[dreg:$0x0] =	wrdreg $0x0  }
0xa9: {  	s6 =	sshll.u32 s28, $0x1;
	[dreg:$0x2] =	wrdreg s4  }
0xaa: {  	[dreg:$0x3] =	wrdreg s6  }
0xab: {  	[dreg:$0x4] =	wrdreg $0xC0  }
0xac: {  	_ =	task [dreg:s8], $0x5FFFF  }
0xad: {  	[dreg:$0x1] =	wrdreg $0xFFFFFFFF  }
0xae: {  	[dreg:$0x0] =	wrdreg $0x60  }
0xaf: {  	[dreg:$0x2] =	wrdreg s18  }
0xb0: {  	[dreg:$0x3] =	wrdreg s24  }
0xb1: {  	[dreg:$0x4] =	wrdreg s2  }
0xb2: {  	[dreg:$0x5] =	wrdreg $0x8C200  }
0xb3: {  	[dreg:$0x6] =	wrdreg $0x9  }
0xb4: {  	_ =	task.clear_ibuf [dreg:s8], $0x7FFFF;
	_ =	strace $0x90000046  }
0xb5: {  	s29 =	simm.s32 $0x9;
	_ =	strace $0x80000048  }
0xb6: {  	_ =	swait.ge [sflag:s29], $0x1  }
0xb7: {  	[sflag:s29] =	ssyncadd.s32 $0xFFFFFFFF  }
0xb8: {  	_ =	strace $0x90000048  }
0xb9: {  	_ =	sfence  }
0xba: {  	s30 =	sld [smem:$0x0];
	_ =	sdelay $0x2  }
0xbb: {  	s31 =	sshll.u32 s1, $0xD;
	s1 =	sshrl.u32 s1, $0x2  }
0xbc: {  	s3 =	sand.u32 $0x4000, s31;
	s1 =	sadd.s32 s1, s30  }
0xbd: {  	s0 =	sor.u32 s3, s0;
	s1 =	sshll.u32 s1, $0x11  }
0xbe: {  	s0 =	sor.u32 s1, s0  }
0xbf: {  	s0 =	sadd.s32 $0x8F2B, s0  }
0xc0: {  	[sflag:s0] =	ssyncadd.remote.s32 $0x1  }
0xc1: {  	_ =	sfence.sel $0xFFFF  }
0xc2: {  	[dreg:$0x0] =	wrdreg $0xFFFFFFFF;
	(pc) =	sbr.abs _section_cstart, $3  }
0xc3: {  	[dreg:$0x1] =	wrdreg $0xFFFFFFFF  }
0xc4: {  	_ =	task.clear_ibuf [dreg:s8], $0x2FFFF;
	_ =	strace $0x9FFFFFFF  }
0xc5: {  	(tm) =	ssettm $0x7FFFFFFF  }
tec
execute0_lowered:
.L_overlay_start_1:
0x0: {  	(tag) =	ssettag $0x1  }
0x1: {  	s0 =	rddreg [dreg:$0x1];
	s1 =	srdreg.scid  }
0x2: {  	s2 =	stileid.u32;
	s3 =	rddreg [dreg:$0x3]  }
0x3: {  	s10 =	simm.s32 $0x3;
	s12 =	simm.s32 $0x50;
	s20 =	simm.s32 $0x6400  }
0x4: {  	s22 =	simm.s32 $0x6E00;
	s24 =	simm.s32 $0x7800;
	s26 =	simm.s32 $0x8200  }
0x5: {  	s28 =	simm.s32 $0x1;
	s30 =	simm.s32 $0x3C00;
	s13 =	simm.s32 $0x5A00  }
0x6: {  	s14 =	simm.s32 $0x2;
	s15 =	simm.s32 $0x12C0;
	s16 =	simm.s32 $0x1310  }
0x7: {  	s17 =	simm.s32 $0x1360;
	s18 =	simm.s32 $0x13B0;
	s19 =	simm.s32 $0x0  }
0x8: {  	s1 =	sand.u32 $0x1, s1;
	s4 =	sshll.u32 s2, $0x1;
	p0 =	sne.s32 s2, $0x0  }
0x9: {  	s2 =	simm.s32 $0x5000;
	s11 =	sor.u32 s1, s4;
	s4 =	simm.s32 $0x0  }
0xa: {  	s1 =	ssub.s32 $0x2, s1;
	s9 =	sshrl.u32 @!p0 s3, $0x3;
	s5 =	smul.u32 $0x280, s11  }
0xb: {  	[smem:$0x7FF] =	sst s4;
	s6 =	smul.u32 $0x500, s11;
	s7 =	sshrl.u32 s1, $0x1  }
0xc: {  	p1 =	seq.s32 s11, $0x1F;
	s11 =	simm.s32 $0x1270;
	_ =	strace $0x80000047  }
0xd: {  	s1 =	ssub.s32 s1, s7;
	s7 =	sadd.s32 $0xF100, s0;
	s5 =	sadd.s32 s5, s0  }
0xe: {  	s6 =	sadd.s32 s6, s0;
	s8 =	smax.u32 s1, $0x1;
	s1 =	simm.s32 $0x4600  }
0xf: {  	s0 =	simm.s32 $0x1220;
	s5 =	sadd.s32 $0x600, s5;
	s6 =	sadd.s32 $0x5600, s6  }
.LBB2_1:
0x10: {  	s21 =	simm.s32 @!p0 $0x1C03;
	s23 =	rddreg [dreg:$0x0]  }
0x11: {  	[spmem:s9], [sflag:s21] =	dma.local @!p0 [hbm:s23], $0x9C40  }
0x12: {  	s21 =	simm.s32 @!p0 $0x3  }
0x13: {  	_ =	swait.ge @!p0 [sflag:s21], $0x9C40  }
0x14: {  	[sflag:s21] =	ssyncset.done @!p0 $0x0  }
0x15: {  	[sflag:s21] =	ssyncadd.s32 @!p0 $0xFFFF63C0  }
0x16: {  	[tilespmem:s4], [sflag:$0x3] =	stream.linear.gather [hbm4b:s5+s4], $0x1400, $0x38;
	[tilespmem:$0xDA40] =	vst v63  }
0x17: {  	_ =	swait.ge [sflag:s10], $0x1400  }
0x18: {  	[sflag:s10] =	ssyncset.done $0x0  }
0x19: {  	[sflag:s10] =	ssyncadd.s32 $0xFFFFEC00  }
0x1a: {  	s25 =	simm.s32 $0x8C00;
	s23 =	rddreg [dreg:$0x2]  }
0x1b: {  	[tilespmem:s25], [sflag:$0x3] =	stream.linear.gather [hbm4b:s23+s4], $0x20, $0x38;
	[tilespmem:$0xDA40] =	vst v63  }
0x1c: {  	_ =	swait.ge [sflag:s10], $0x20  }
0x1d: {  	[sflag:s10] =	ssyncset.done $0x0  }
0x1e: {  	[sflag:s10] =	ssyncadd.s32 $0xFFFFFFE0  }
0x1f: {  	s29 =	simm.s32 $0x1400;
	[bflag:$0x0] =	sbarrier.arrive $0xFFFF  }
0x20: {  	[tilespmem:s29], [sflag:$0x1] =	stream.indirect.gather [spmem:s3], $0x20, s4, s12, $0xb8;
	[tilespmem:$0xDA40] =	vst v63  }
0x21: {  	s31 =	simm.s32 $0x1E00  }
0x22: {  	[tilespmem:s31], [sflag:$0x1] =	stream.indirect.gather [spmem:s3], $0x20, s12, s12, $0xb8;
	[tilespmem:$0xDA40] =	vst v63  }
0x23: {  	s23 =	simm.s32 $0xA0;
	s25 =	simm.s32 $0x2800  }
0x24: {  	[tilespmem:s25], [sflag:$0x1] =	stream.indirect.gather [spmem:s3], $0x20, s23, s12, $0xb8;
	[tilespmem:$0xDA40] =	vst v63  }
0x25: {  	s29 =	simm.s32 $0xF0;
	s31 =	simm.s32 $0x3200  }
0x26: {  	[tilespmem:s31], [sflag:$0x1] =	stream.indirect.gather [spmem:s3], $0x20, s29, s12, $0xb8;
	[tilespmem:$0xDA40] =	vst v63  }
0x27: {  	s23 =	simm.s32 $0x140  }
0x28: {  	[tilespmem:s20], [sflag:$0x2] =	stream.indirect.gather [spmem:s3], $0x20, s23, s12, $0xb8;
	[tilespmem:$0xDA40] =	vst v63  }
0x29: {  	s25 =	simm.s32 $0x190  }
0x2a: {  	[tilespmem:s22], [sflag:$0x2] =	stream.indirect.gather [spmem:s3], $0x20, s25, s12, $0xb8;
	[tilespmem:$0xDA40] =	vst v63  }
0x2b: {  	s29 =	simm.s32 $0x1E0  }
0x2c: {  	[tilespmem:s24], [sflag:$0x2] =	stream.indirect.gather [spmem:s3], $0x20, s29, s12, $0xb8;
	[tilespmem:$0xDA40] =	vst v63  }
0x2d: {  	s31 =	simm.s32 $0x230  }
0x2e: {  	[tilespmem:s26], [sflag:$0x2] =	stream.indirect.gather [spmem:s3], $0x20, s31, s12, $0xb8;
	[tilespmem:$0xDA40] =	vst v63  }
0x2f: {  	_ =	swait.ge [sflag:s28], $0xA00  }
0x30: {  	[sflag:s28] =	ssyncset.done $0x0  }
0x31: {  	[sflag:s28] =	ssyncadd.s32 $0xFFFFF600  }
0x32: {  	_ =	swait.ge [sflag:s28], $0xA00  }
0x33: {  	[sflag:s28] =	ssyncset.done $0x0  }
0x34: {  	[sflag:s28] =	ssyncadd.s32 $0xFFFFF600  }
0x35: {  	_ =	swait.ge [sflag:s28], $0xA00  }
0x36: {  	[sflag:s28] =	ssyncset.done $0x0  }
0x37: {  	[sflag:s28] =	ssyncadd.s32 $0xFFFFF600  }
0x38: {  	_ =	swait.ge [sflag:s28], $0xA00  }
0x39: {  	[sflag:s28] =	ssyncset.done $0x0  }
0x3a: {  	s23 =	simm.s32 $0x280;
	[sflag:s28] =	ssyncadd.s32 $0xFFFFF600  }
0x3b: {  	[tilespmem:s30], [sflag:$0x1] =	stream.indirect.gather [spmem:s3], $0x20, s23, s12, $0xb8;
	[tilespmem:$0xDA40] =	vst v63  }
0x3c: {  	s25 =	simm.s32 $0x2D0  }
0x3d: {  	[tilespmem:s1], [sflag:$0x1] =	stream.indirect.gather [spmem:s3], $0x20, s25, s12, $0xb8;
	[tilespmem:$0xDA40] =	vst v63  }
0x3e: {  	s29 =	simm.s32 $0x320  }
0x3f: {  	[tilespmem:s2], [sflag:$0x1] =	stream.indirect.gather [spmem:s3], $0x20, s29, s12, $0xb8;
	[tilespmem:$0xDA40] =	vst v63  }
0x40: {  	s31 =	simm.s32 $0x370  }
0x41: {  	[tilespmem:s13], [sflag:$0x1] =	stream.indirect.gather [spmem:s3], $0x20, s31, s12, $0xb8;
	[tilespmem:$0xDA40] =	vst v63  }
0x42: {  	_ =	swait.ge [sflag:s14], $0xA00  }
0x43: {  	[sflag:s14] =	ssyncset.done $0x0  }
0x44: {  	[sflag:s14] =	ssyncadd.s32 $0xFFFFF600  }
0x45: {  	_ =	swait.ge [sflag:s14], $0xA00  }
0x46: {  	[sflag:s14] =	ssyncset.done $0x0  }
0x47: {  	[sflag:s14] =	ssyncadd.s32 $0xFFFFF600  }
0x48: {  	_ =	swait.ge [sflag:s14], $0xA00  }
0x49: {  	[sflag:s14] =	ssyncset.done $0x0  }
0x4a: {  	[sflag:s14] =	ssyncadd.s32 $0xFFFFF600  }
0x4b: {  	_ =	swait.ge [sflag:s14], $0xA00  }
0x4c: {  	[sflag:s14] =	ssyncset.done $0x0  }
0x4d: {  	s21 =	simm.s32 $0x0;
	[sflag:s14] =	ssyncadd.s32 $0xFFFFF600  }
0x4e: {  	v0 =	vld [tilespmem:s21+$0x64F0]  }
0x4f: {  	v1 =	vld [tilespmem:s21+$0x6400]  }
0x50: {  	v2 =	vld [tilespmem:s21+$0x6410]  }
0x51: {  	v3 =	vld [tilespmem:s21+$0x6420]  }
0x52: {  	v4 =	vld [tilespmem:s21+$0x6430]  }
0x53: {  	v5 =	vld [tilespmem:s21+$0x6440]  }
0x54: {  	v6 =	vld [tilespmem:s21+$0x6450]  }
0x55: {  	v7 =	vld [tilespmem:s21+$0x6460]  }
0x56: {  	v8 =	vld [tilespmem:s21+$0x6470]  }
0x57: {  	v9 =	vld [tilespmem:s21+$0x6480]  }
0x58: {  	v10 =	vld [tilespmem:s21+$0x6490]  }
0x59: {  	v11 =	vld [tilespmem:s21+$0x64A0]  }
0x5a: {  	v12 =	vld [tilespmem:s21+$0x64B0]  }
0x5b: {  	v13 =	vld [tilespmem:s21+$0x64C0]  }
0x5c: {  	v14 =	vld [tilespmem:s21+$0x64D0]  }
0x5d: {  	[tilespmem:s21+$0x14F0] =	vst.add.f32.msk $0xffff, v0  }
0x5e: {  	v0 =	vld [tilespmem:s21+$0x64E0]  }
0x5f: {  	[tilespmem:s21+$0x1400] =	vst.add.f32.msk $0xffff, v1  }
0x60: {  	[tilespmem:s21+$0x1410] =	vst.add.f32.msk $0xffff, v2  }
0x61: {  	[tilespmem:s21+$0x1420] =	vst.add.f32.msk $0xffff, v3  }
0x62: {  	[tilespmem:s21+$0x1430] =	vst.add.f32.msk $0xffff, v4  }
0x63: {  	[tilespmem:s21+$0x1440] =	vst.add.f32.msk $0xffff, v5  }
0x64: {  	[tilespmem:s21+$0x1450] =	vst.add.f32.msk $0xffff, v6  }
0x65: {  	[tilespmem:s21+$0x1460] =	vst.add.f32.msk $0xffff, v7  }
0x66: {  	[tilespmem:s21+$0x1470] =	vst.add.f32.msk $0xffff, v8  }
0x67: {  	[tilespmem:s21+$0x1480] =	vst.add.f32.msk $0xffff, v9  }
0x68: {  	[tilespmem:s21+$0x1490] =	vst.add.f32.msk $0xffff, v10  }
0x69: {  	[tilespmem:s21+$0x14A0] =	vst.add.f32.msk $0xffff, v11  }
0x6a: {  	[tilespmem:s21+$0x14B0] =	vst.add.f32.msk $0xffff, v12  }
0x6b: {  	[tilespmem:s21+$0x14C0] =	vst.add.f32.msk $0xffff, v13  }
0x6c: {  	s23 =	simm.s32 $0x0;
	s25 =	simm.s32 $0x400;
	[tilespmem:s21+$0x14D0] =	vst.add.f32.msk $0xffff, v14  }
.LBB2_2:
0x6d: {  	s23 =	sadd.s32 $0x8, s23;
	[tilespmem:s21+$0x14E0] =	vst.add.f32.msk $0xffff, v0;
	s21 =	sshra.s32 s25, $0x2  }
0x6e: {  	v0 =	vld [tilespmem:s21+$0x64F0];
	p2 =	slt.u32 s23, $0x138  }
0x6f: {  	v1 =	vld [tilespmem:s21+$0x6400]  }
0x70: {  	v2 =	vld [tilespmem:s21+$0x6410]  }
0x71: {  	v3 =	vld [tilespmem:s21+$0x6420]  }
0x72: {  	v4 =	vld [tilespmem:s21+$0x6430]  }
0x73: {  	[tilespmem:s21+$0x14F0] =	vst.add.f32.msk $0xffff, v0  }
0x74: {  	v5 =	vld [tilespmem:s21+$0x6440]  }
0x75: {  	v6 =	vld [tilespmem:s21+$0x6450]  }
0x76: {  	v7 =	vld [tilespmem:s21+$0x6460]  }
0x77: {  	v8 =	vld [tilespmem:s21+$0x6470]  }
0x78: {  	v9 =	vld [tilespmem:s21+$0x6480]  }
0x79: {  	v10 =	vld [tilespmem:s21+$0x6490]  }
0x7a: {  	v11 =	vld [tilespmem:s21+$0x64A0]  }
0x7b: {  	v12 =	vld [tilespmem:s21+$0x64B0]  }
0x7c: {  	v13 =	vld [tilespmem:s21+$0x64C0]  }
0x7d: {  	v14 =	vld [tilespmem:s21+$0x64D0]  }
0x7e: {  	v0 =	vld [tilespmem:s21+$0x64E0]  }
0x7f: {  	[tilespmem:s21+$0x1400] =	vst.add.f32.msk $0xffff, v1  }
0x80: {  	[tilespmem:s21+$0x1410] =	vst.add.f32.msk $0xffff, v2  }
0x81: {  	[tilespmem:s21+$0x1420] =	vst.add.f32.msk $0xffff, v3  }
0x82: {  	[tilespmem:s21+$0x1430] =	vst.add.f32.msk $0xffff, v4  }
0x83: {  	[tilespmem:s21+$0x1440] =	vst.add.f32.msk $0xffff, v5  }
0x84: {  	[tilespmem:s21+$0x1450] =	vst.add.f32.msk $0xffff, v6  }
0x85: {  	[tilespmem:s21+$0x1460] =	vst.add.f32.msk $0xffff, v7  }
0x86: {  	[tilespmem:s21+$0x1470] =	vst.add.f32.msk $0xffff, v8  }
0x87: {  	[tilespmem:s21+$0x1480] =	vst.add.f32.msk $0xffff, v9  }
.Ltmp0:
0x88: {  	[tilespmem:s21+$0x1490] =	vst.add.f32.msk $0xffff, v10;
	(pc) =	sbr.rel @p2 .LBB2_2-.Ltmp0, $4  }
0x89: {  	[tilespmem:s21+$0x14A0] =	vst.add.f32.msk $0xffff, v11  }
0x8a: {  	[tilespmem:s21+$0x14B0] =	vst.add.f32.msk $0xffff, v12  }
0x8b: {  	[tilespmem:s21+$0x14C0] =	vst.add.f32.msk $0xffff, v13  }
0x8c: {  	s25 =	sadd.s32 $0x400, s25;
	[tilespmem:s21+$0x14D0] =	vst.add.f32.msk $0xffff, v14  }
0x8d: {  	[tilespmem:s21+$0x14E0] =	vst.add.f32.msk $0xffff, v0;
	s23 =	simm.s32 $0x3C0  }
0x8e: {  	[tilespmem:s20], [sflag:$0x2] =	stream.indirect.gather [spmem:s3], $0x20, s23, s12, $0xb8;
	[tilespmem:$0xDA40] =	vst v63  }
0x8f: {  	s25 =	simm.s32 $0x410  }
0x90: {  	[tilespmem:s22], [sflag:$0x2] =	stream.indirect.gather [spmem:s3], $0x20, s25, s12, $0xb8;
	[tilespmem:$0xDA40] =	vst v63  }
0x91: {  	s29 =	simm.s32 $0x460  }
0x92: {  	[tilespmem:s24], [sflag:$0x2] =	stream.indirect.gather [spmem:s3], $0x20, s29, s12, $0xb8;
	[tilespmem:$0xDA40] =	vst v63  }
0x93: {  	s31 =	simm.s32 $0x4B0  }
0x94: {  	[tilespmem:s26], [sflag:$0x2] =	stream.indirect.gather [spmem:s3], $0x20, s31, s12, $0xb8;
	[tilespmem:$0xDA40] =	vst v63  }
0x95: {  	_ =	swait.ge [sflag:s28], $0xA00  }
0x96: {  	[sflag:s28] =	ssyncset.done $0x0  }
0x97: {  	[sflag:s28] =	ssyncadd.s32 $0xFFFFF600  }
0x98: {  	_ =	swait.ge [sflag:s28], $0xA00  }
0x99: {  	[sflag:s28] =	ssyncset.done $0x0  }
0x9a: {  	[sflag:s28] =	ssyncadd.s32 $0xFFFFF600  }
0x9b: {  	_ =	swait.ge [sflag:s28], $0xA00  }
0x9c: {  	[sflag:s28] =	ssyncset.done $0x0  }
0x9d: {  	[sflag:s28] =	ssyncadd.s32 $0xFFFFF600  }
0x9e: {  	_ =	swait.ge [sflag:s28], $0xA00  }
0x9f: {  	[sflag:s28] =	ssyncset.done $0x0  }
0xa0: {  	s21 =	simm.s32 $0x0;
	[sflag:s28] =	ssyncadd.s32 $0xFFFFF600  }
0xa1: {  	v0 =	vld [tilespmem:s21+$0x3CF0]  }
0xa2: {  	v1 =	vld [tilespmem:s21+$0x3C00]  }
0xa3: {  	v2 =	vld [tilespmem:s21+$0x3C10]  }
0xa4: {  	v3 =	vld [tilespmem:s21+$0x3C20]  }
0xa5: {  	v4 =	vld [tilespmem:s21+$0x3C30]  }
0xa6: {  	v5 =	vld [tilespmem:s21+$0x3C40]  }
0xa7: {  	v6 =	vld [tilespmem:s21+$0x3C50]  }
0xa8: {  	v7 =	vld [tilespmem:s21+$0x3C60]  }
0xa9: {  	v8 =	vld [tilespmem:s21+$0x3C70]  }
0xaa: {  	v9 =	vld [tilespmem:s21+$0x3C80]  }
0xab: {  	v10 =	vld [tilespmem:s21+$0x3C90]  }
0xac: {  	v11 =	vld [tilespmem:s21+$0x3CA0]  }
0xad: {  	v12 =	vld [tilespmem:s21+$0x3CB0]  }
0xae: {  	v13 =	vld [tilespmem:s21+$0x3CC0]  }
0xaf: {  	v14 =	vld [tilespmem:s21+$0x3CD0]  }
0xb0: {  	[tilespmem:s21+$0x14F0] =	vst.add.f32.msk $0xffff, v0  }
0xb1: {  	v0 =	vld [tilespmem:s21+$0x3CE0]  }
0xb2: {  	[tilespmem:s21+$0x1400] =	vst.add.f32.msk $0xffff, v1  }
0xb3: {  	[tilespmem:s21+$0x1410] =	vst.add.f32.msk $0xffff, v2  }
0xb4: {  	[tilespmem:s21+$0x1420] =	vst.add.f32.msk $0xffff, v3  }
0xb5: {  	[tilespmem:s21+$0x1430] =	vst.add.f32.msk $0xffff, v4  }
0xb6: {  	[tilespmem:s21+$0x1440] =	vst.add.f32.msk $0xffff, v5  }
0xb7: {  	[tilespmem:s21+$0x1450] =	vst.add.f32.msk $0xffff, v6  }
0xb8: {  	[tilespmem:s21+$0x1460] =	vst.add.f32.msk $0xffff, v7  }
0xb9: {  	[tilespmem:s21+$0x1470] =	vst.add.f32.msk $0xffff, v8  }
0xba: {  	[tilespmem:s21+$0x1480] =	vst.add.f32.msk $0xffff, v9  }
0xbb: {  	[tilespmem:s21+$0x1490] =	vst.add.f32.msk $0xffff, v10  }
0xbc: {  	[tilespmem:s21+$0x14A0] =	vst.add.f32.msk $0xffff, v11  }
0xbd: {  	[tilespmem:s21+$0x14B0] =	vst.add.f32.msk $0xffff, v12  }
0xbe: {  	[tilespmem:s21+$0x14C0] =	vst.add.f32.msk $0xffff, v13  }
0xbf: {  	s23 =	simm.s32 $0x0;
	s25 =	simm.s32 $0x400;
	[tilespmem:s21+$0x14D0] =	vst.add.f32.msk $0xffff, v14  }
.LBB2_4:
0xc0: {  	s23 =	sadd.s32 $0x8, s23;
	[tilespmem:s21+$0x14E0] =	vst.add.f32.msk $0xffff, v0;
	s21 =	sshra.s32 s25, $0x2  }
0xc1: {  	v0 =	vld [tilespmem:s21+$0x3CF0];
	p2 =	slt.u32 s23, $0x138  }
0xc2: {  	v1 =	vld [tilespmem:s21+$0x3C00]  }
0xc3: {  	v2 =	vld [tilespmem:s21+$0x3C10]  }
0xc4: {  	v3 =	vld [tilespmem:s21+$0x3C20]  }
0xc5: {  	v4 =	vld [tilespmem:s21+$0x3C30]  }
0xc6: {  	[tilespmem:s21+$0x14F0] =	vst.add.f32.msk $0xffff, v0  }
0xc7: {  	v5 =	vld [tilespmem:s21+$0x3C40]  }
0xc8: {  	v6 =	vld [tilespmem:s21+$0x3C50]  }
0xc9: {  	v7 =	vld [tilespmem:s21+$0x3C60]  }
0xca: {  	v8 =	vld [tilespmem:s21+$0x3C70]  }
0xcb: {  	v9 =	vld [tilespmem:s21+$0x3C80]  }
0xcc: {  	v10 =	vld [tilespmem:s21+$0x3C90]  }
0xcd: {  	v11 =	vld [tilespmem:s21+$0x3CA0]  }
0xce: {  	v12 =	vld [tilespmem:s21+$0x3CB0]  }
0xcf: {  	v13 =	vld [tilespmem:s21+$0x3CC0]  }
0xd0: {  	v14 =	vld [tilespmem:s21+$0x3CD0]  }
0xd1: {  	v0 =	vld [tilespmem:s21+$0x3CE0]  }
0xd2: {  	[tilespmem:s21+$0x1400] =	vst.add.f32.msk $0xffff, v1  }
0xd3: {  	[tilespmem:s21+$0x1410] =	vst.add.f32.msk $0xffff, v2  }
0xd4: {  	[tilespmem:s21+$0x1420] =	vst.add.f32.msk $0xffff, v3  }
0xd5: {  	[tilespmem:s21+$0x1430] =	vst.add.f32.msk $0xffff, v4  }
0xd6: {  	[tilespmem:s21+$0x1440] =	vst.add.f32.msk $0xffff, v5  }
0xd7: {  	[tilespmem:s21+$0x1450] =	vst.add.f32.msk $0xffff, v6  }
0xd8: {  	[tilespmem:s21+$0x1460] =	vst.add.f32.msk $0xffff, v7  }
0xd9: {  	[tilespmem:s21+$0x1470] =	vst.add.f32.msk $0xffff, v8  }
0xda: {  	[tilespmem:s21+$0x1480] =	vst.add.f32.msk $0xffff, v9  }
.Ltmp1:
0xdb: {  	[tilespmem:s21+$0x1490] =	vst.add.f32.msk $0xffff, v10;
	(pc) =	sbr.rel @p2 .LBB2_4-.Ltmp1, $4  }
0xdc: {  	[tilespmem:s21+$0x14A0] =	vst.add.f32.msk $0xffff, v11  }
0xdd: {  	[tilespmem:s21+$0x14B0] =	vst.add.f32.msk $0xffff, v12  }
0xde: {  	[tilespmem:s21+$0x14C0] =	vst.add.f32.msk $0xffff, v13  }
0xdf: {  	s25 =	sadd.s32 $0x400, s25;
	[tilespmem:s21+$0x14D0] =	vst.add.f32.msk $0xffff, v14  }
0xe0: {  	[tilespmem:s21+$0x14E0] =	vst.add.f32.msk $0xffff, v0;
	s23 =	simm.s32 $0x500  }
0xe1: {  	[tilespmem:s30], [sflag:$0x1] =	stream.indirect.gather [spmem:s3], $0x20, s23, s12, $0xb8;
	[tilespmem:$0xDA40] =	vst v63  }
0xe2: {  	s25 =	simm.s32 $0x550  }
0xe3: {  	[tilespmem:s1], [sflag:$0x1] =	stream.indirect.gather [spmem:s3], $0x20, s25, s12, $0xb8;
	[tilespmem:$0xDA40] =	vst v63  }
0xe4: {  	s29 =	simm.s32 $0x5A0  }
0xe5: {  	[tilespmem:s2], [sflag:$0x1] =	stream.indirect.gather [spmem:s3], $0x20, s29, s12, $0xb8;
	[tilespmem:$0xDA40] =	vst v63  }
0xe6: {  	s31 =	simm.s32 $0x5F0  }
0xe7: {  	[tilespmem:s13], [sflag:$0x1] =	stream.indirect.gather [spmem:s3], $0x20, s31, s12, $0xb8;
	[tilespmem:$0xDA40] =	vst v63  }
0xe8: {  	_ =	swait.ge [sflag:s14], $0xA00  }
0xe9: {  	[sflag:s14] =	ssyncset.done $0x0  }
0xea: {  	[sflag:s14] =	ssyncadd.s32 $0xFFFFF600  }
0xeb: {  	_ =	swait.ge [sflag:s14], $0xA00  }
0xec: {  	[sflag:s14] =	ssyncset.done $0x0  }
0xed: {  	[sflag:s14] =	ssyncadd.s32 $0xFFFFF600  }
0xee: {  	_ =	swait.ge [sflag:s14], $0xA00  }
0xef: {  	[sflag:s14] =	ssyncset.done $0x0  }
0xf0: {  	[sflag:s14] =	ssyncadd.s32 $0xFFFFF600  }
0xf1: {  	_ =	swait.ge [sflag:s14], $0xA00  }
0xf2: {  	[sflag:s14] =	ssyncset.done $0x0  }
0xf3: {  	s21 =	simm.s32 $0x0;
	[sflag:s14] =	ssyncadd.s32 $0xFFFFF600  }
0xf4: {  	v0 =	vld [tilespmem:s21+$0x64F0]  }
0xf5: {  	v1 =	vld [tilespmem:s21+$0x6400]  }
0xf6: {  	v2 =	vld [tilespmem:s21+$0x6410]  }
0xf7: {  	v3 =	vld [tilespmem:s21+$0x6420]  }
0xf8: {  	v4 =	vld [tilespmem:s21+$0x6430]  }
0xf9: {  	v5 =	vld [tilespmem:s21+$0x6440]  }
0xfa: {  	v6 =	vld [tilespmem:s21+$0x6450]  }
0xfb: {  	v7 =	vld [tilespmem:s21+$0x6460]  }
0xfc: {  	v8 =	vld [tilespmem:s21+$0x6470]  }
0xfd: {  	v9 =	vld [tilespmem:s21+$0x6480]  }
0xfe: {  	v10 =	vld [tilespmem:s21+$0x6490]  }
0xff: {  	v11 =	vld [tilespmem:s21+$0x64A0]  }
0x100: {  	v12 =	vld [tilespmem:s21+$0x64B0]  }
0x101: {  	v13 =	vld [tilespmem:s21+$0x64C0]  }
0x102: {  	v14 =	vld [tilespmem:s21+$0x64D0]  }
0x103: {  	[tilespmem:s21+$0x14F0] =	vst.add.f32.msk $0xffff, v0  }
0x104: {  	v0 =	vld [tilespmem:s21+$0x64E0]  }
0x105: {  	[tilespmem:s21+$0x1400] =	vst.add.f32.msk $0xffff, v1  }
0x106: {  	[tilespmem:s21+$0x1410] =	vst.add.f32.msk $0xffff, v2  }
0x107: {  	[tilespmem:s21+$0x1420] =	vst.add.f32.msk $0xffff, v3  }
0x108: {  	[tilespmem:s21+$0x1430] =	vst.add.f32.msk $0xffff, v4  }
0x109: {  	[tilespmem:s21+$0x1440] =	vst.add.f32.msk $0xffff, v5  }
0x10a: {  	[tilespmem:s21+$0x1450] =	vst.add.f32.msk $0xffff, v6  }
0x10b: {  	[tilespmem:s21+$0x1460] =	vst.add.f32.msk $0xffff, v7  }
0x10c: {  	[tilespmem:s21+$0x1470] =	vst.add.f32.msk $0xffff, v8  }
0x10d: {  	[tilespmem:s21+$0x1480] =	vst.add.f32.msk $0xffff, v9  }
0x10e: {  	[tilespmem:s21+$0x1490] =	vst.add.f32.msk $0xffff, v10  }
0x10f: {  	[tilespmem:s21+$0x14A0] =	vst.add.f32.msk $0xffff, v11  }
0x110: {  	[tilespmem:s21+$0x14B0] =	vst.add.f32.msk $0xffff, v12  }
0x111: {  	[tilespmem:s21+$0x14C0] =	vst.add.f32.msk $0xffff, v13  }
0x112: {  	s23 =	simm.s32 $0x0;
	s25 =	simm.s32 $0x400;
	[tilespmem:s21+$0x14D0] =	vst.add.f32.msk $0xffff, v14  }
.LBB2_6:
0x113: {  	s23 =	sadd.s32 $0x8, s23;
	[tilespmem:s21+$0x14E0] =	vst.add.f32.msk $0xffff, v0;
	s21 =	sshra.s32 s25, $0x2  }
0x114: {  	v0 =	vld [tilespmem:s21+$0x64F0];
	p2 =	slt.u32 s23, $0x138  }
0x115: {  	v1 =	vld [tilespmem:s21+$0x6400]  }
0x116: {  	v2 =	vld [tilespmem:s21+$0x6410]  }
0x117: {  	v3 =	vld [tilespmem:s21+$0x6420]  }
0x118: {  	v4 =	vld [tilespmem:s21+$0x6430]  }
0x119: {  	[tilespmem:s21+$0x14F0] =	vst.add.f32.msk $0xffff, v0  }
0x11a: {  	v5 =	vld [tilespmem:s21+$0x6440]  }
0x11b: {  	v6 =	vld [tilespmem:s21+$0x6450]  }
0x11c: {  	v7 =	vld [tilespmem:s21+$0x6460]  }
0x11d: {  	v8 =	vld [tilespmem:s21+$0x6470]  }
0x11e: {  	v9 =	vld [tilespmem:s21+$0x6480]  }
0x11f: {  	v10 =	vld [tilespmem:s21+$0x6490]  }
0x120: {  	v11 =	vld [tilespmem:s21+$0x64A0]  }
0x121: {  	v12 =	vld [tilespmem:s21+$0x64B0]  }
0x122: {  	v13 =	vld [tilespmem:s21+$0x64C0]  }
0x123: {  	v14 =	vld [tilespmem:s21+$0x64D0]  }
0x124: {  	v0 =	vld [tilespmem:s21+$0x64E0]  }
0x125: {  	[tilespmem:s21+$0x1400] =	vst.add.f32.msk $0xffff, v1  }
0x126: {  	[tilespmem:s21+$0x1410] =	vst.add.f32.msk $0xffff, v2  }
0x127: {  	[tilespmem:s21+$0x1420] =	vst.add.f32.msk $0xffff, v3  }
0x128: {  	[tilespmem:s21+$0x1430] =	vst.add.f32.msk $0xffff, v4  }
0x129: {  	[tilespmem:s21+$0x1440] =	vst.add.f32.msk $0xffff, v5  }
0x12a: {  	[tilespmem:s21+$0x1450] =	vst.add.f32.msk $0xffff, v6  }
0x12b: {  	[tilespmem:s21+$0x1460] =	vst.add.f32.msk $0xffff, v7  }
0x12c: {  	[tilespmem:s21+$0x1470] =	vst.add.f32.msk $0xffff, v8  }
0x12d: {  	[tilespmem:s21+$0x1480] =	vst.add.f32.msk $0xffff, v9  }
.Ltmp2:
0x12e: {  	[tilespmem:s21+$0x1490] =	vst.add.f32.msk $0xffff, v10;
	(pc) =	sbr.rel @p2 .LBB2_6-.Ltmp2, $4  }
0x12f: {  	[tilespmem:s21+$0x14A0] =	vst.add.f32.msk $0xffff, v11  }
0x130: {  	[tilespmem:s21+$0x14B0] =	vst.add.f32.msk $0xffff, v12  }
0x131: {  	[tilespmem:s21+$0x14C0] =	vst.add.f32.msk $0xffff, v13  }
0x132: {  	s25 =	sadd.s32 $0x400, s25;
	[tilespmem:s21+$0x14D0] =	vst.add.f32.msk $0xffff, v14  }
0x133: {  	[tilespmem:s21+$0x14E0] =	vst.add.f32.msk $0xffff, v0;
	s23 =	simm.s32 $0x640  }
0x134: {  	[tilespmem:s20], [sflag:$0x2] =	stream.indirect.gather [spmem:s3], $0x20, s23, s12, $0xb8;
	[tilespmem:$0xDA40] =	vst v63  }
0x135: {  	s25 =	simm.s32 $0x690  }
0x136: {  	[tilespmem:s22], [sflag:$0x2] =	stream.indirect.gather [spmem:s3], $0x20, s25, s12, $0xb8;
	[tilespmem:$0xDA40] =	vst v63  }
0x137: {  	s29 =	simm.s32 $0x6E0  }
0x138: {  	[tilespmem:s24], [sflag:$0x2] =	stream.indirect.gather [spmem:s3], $0x20, s29, s12, $0xb8;
	[tilespmem:$0xDA40] =	vst v63  }
0x139: {  	s31 =	simm.s32 $0x730  }
0x13a: {  	[tilespmem:s26], [sflag:$0x2] =	stream.indirect.gather [spmem:s3], $0x20, s31, s12, $0xb8;
	[tilespmem:$0xDA40] =	vst v63  }
0x13b: {  	_ =	swait.ge [sflag:s28], $0xA00  }
0x13c: {  	[sflag:s28] =	ssyncset.done $0x0  }
0x13d: {  	[sflag:s28] =	ssyncadd.s32 $0xFFFFF600  }
0x13e: {  	_ =	swait.ge [sflag:s28], $0xA00  }
0x13f: {  	[sflag:s28] =	ssyncset.done $0x0  }
0x140: {  	[sflag:s28] =	ssyncadd.s32 $0xFFFFF600  }
0x141: {  	_ =	swait.ge [sflag:s28], $0xA00  }
0x142: {  	[sflag:s28] =	ssyncset.done $0x0  }
0x143: {  	[sflag:s28] =	ssyncadd.s32 $0xFFFFF600  }
0x144: {  	_ =	swait.ge [sflag:s28], $0xA00  }
0x145: {  	[sflag:s28] =	ssyncset.done $0x0  }
0x146: {  	s21 =	simm.s32 $0x0;
	[sflag:s28] =	ssyncadd.s32 $0xFFFFF600  }
0x147: {  	v0 =	vld [tilespmem:s21+$0x3CF0]  }
0x148: {  	v1 =	vld [tilespmem:s21+$0x3C00]  }
0x149: {  	v2 =	vld [tilespmem:s21+$0x3C10]  }
0x14a: {  	v3 =	vld [tilespmem:s21+$0x3C20]  }
0x14b: {  	v4 =	vld [tilespmem:s21+$0x3C30]  }
0x14c: {  	v5 =	vld [tilespmem:s21+$0x3C40]  }
0x14d: {  	v6 =	vld [tilespmem:s21+$0x3C50]  }
0x14e: {  	v7 =	vld [tilespmem:s21+$0x3C60]  }
0x14f: {  	v8 =	vld [tilespmem:s21+$0x3C70]  }
0x150: {  	v9 =	vld [tilespmem:s21+$0x3C80]  }
0x151: {  	v10 =	vld [tilespmem:s21+$0x3C90]  }
0x152: {  	v11 =	vld [tilespmem:s21+$0x3CA0]  }
0x153: {  	v12 =	vld [tilespmem:s21+$0x3CB0]  }
0x154: {  	v13 =	vld [tilespmem:s21+$0x3CC0]  }
0x155: {  	v14 =	vld [tilespmem:s21+$0x3CD0]  }
0x156: {  	[tilespmem:s21+$0x14F0] =	vst.add.f32.msk $0xffff, v0  }
0x157: {  	v0 =	vld [tilespmem:s21+$0x3CE0]  }
0x158: {  	[tilespmem:s21+$0x1400] =	vst.add.f32.msk $0xffff, v1  }
0x159: {  	[tilespmem:s21+$0x1410] =	vst.add.f32.msk $0xffff, v2  }
0x15a: {  	[tilespmem:s21+$0x1420] =	vst.add.f32.msk $0xffff, v3  }
0x15b: {  	[tilespmem:s21+$0x1430] =	vst.add.f32.msk $0xffff, v4  }
0x15c: {  	[tilespmem:s21+$0x1440] =	vst.add.f32.msk $0xffff, v5  }
0x15d: {  	[tilespmem:s21+$0x1450] =	vst.add.f32.msk $0xffff, v6  }
0x15e: {  	[tilespmem:s21+$0x1460] =	vst.add.f32.msk $0xffff, v7  }
0x15f: {  	[tilespmem:s21+$0x1470] =	vst.add.f32.msk $0xffff, v8  }
0x160: {  	[tilespmem:s21+$0x1480] =	vst.add.f32.msk $0xffff, v9  }
0x161: {  	[tilespmem:s21+$0x1490] =	vst.add.f32.msk $0xffff, v10  }
0x162: {  	[tilespmem:s21+$0x14A0] =	vst.add.f32.msk $0xffff, v11  }
0x163: {  	[tilespmem:s21+$0x14B0] =	vst.add.f32.msk $0xffff, v12  }
0x164: {  	[tilespmem:s21+$0x14C0] =	vst.add.f32.msk $0xffff, v13  }
0x165: {  	s23 =	simm.s32 $0x0;
	s25 =	simm.s32 $0x400;
	[tilespmem:s21+$0x14D0] =	vst.add.f32.msk $0xffff, v14  }
.LBB2_8:
0x166: {  	s23 =	sadd.s32 $0x8, s23;
	[tilespmem:s21+$0x14E0] =	vst.add.f32.msk $0xffff, v0;
	s21 =	sshra.s32 s25, $0x2  }
0x167: {  	v0 =	vld [tilespmem:s21+$0x3CF0];
	p2 =	slt.u32 s23, $0x138  }
0x168: {  	v1 =	vld [tilespmem:s21+$0x3C00]  }
0x169: {  	v2 =	vld [tilespmem:s21+$0x3C10]  }
0x16a: {  	v3 =	vld [tilespmem:s21+$0x3C20]  }
0x16b: {  	v4 =	vld [tilespmem:s21+$0x3C30]  }
0x16c: {  	[tilespmem:s21+$0x14F0] =	vst.add.f32.msk $0xffff, v0  }
0x16d: {  	v5 =	vld [tilespmem:s21+$0x3C40]  }
0x16e: {  	v6 =	vld [tilespmem:s21+$0x3C50]  }
0x16f: {  	v7 =	vld [tilespmem:s21+$0x3C60]  }
0x170: {  	v8 =	vld [tilespmem:s21+$0x3C70]  }
0x171: {  	v9 =	vld [tilespmem:s21+$0x3C80]  }
0x172: {  	v10 =	vld [tilespmem:s21+$0x3C90]  }
0x173: {  	v11 =	vld [tilespmem:s21+$0x3CA0]  }
0x174: {  	v12 =	vld [tilespmem:s21+$0x3CB0]  }
0x175: {  	v13 =	vld [tilespmem:s21+$0x3CC0]  }
0x176: {  	v14 =	vld [tilespmem:s21+$0x3CD0]  }
0x177: {  	v0 =	vld [tilespmem:s21+$0x3CE0]  }
0x178: {  	[tilespmem:s21+$0x1400] =	vst.add.f32.msk $0xffff, v1  }
0x179: {  	[tilespmem:s21+$0x1410] =	vst.add.f32.msk $0xffff, v2  }
0x17a: {  	[tilespmem:s21+$0x1420] =	vst.add.f32.msk $0xffff, v3  }
0x17b: {  	[tilespmem:s21+$0x1430] =	vst.add.f32.msk $0xffff, v4  }
0x17c: {  	[tilespmem:s21+$0x1440] =	vst.add.f32.msk $0xffff, v5  }
0x17d: {  	[tilespmem:s21+$0x1450] =	vst.add.f32.msk $0xffff, v6  }
0x17e: {  	[tilespmem:s21+$0x1460] =	vst.add.f32.msk $0xffff, v7  }
0x17f: {  	[tilespmem:s21+$0x1470] =	vst.add.f32.msk $0xffff, v8  }
0x180: {  	[tilespmem:s21+$0x1480] =	vst.add.f32.msk $0xffff, v9  }
.Ltmp3:
0x181: {  	[tilespmem:s21+$0x1490] =	vst.add.f32.msk $0xffff, v10;
	(pc) =	sbr.rel @p2 .LBB2_8-.Ltmp3, $4  }
0x182: {  	[tilespmem:s21+$0x14A0] =	vst.add.f32.msk $0xffff, v11  }
0x183: {  	[tilespmem:s21+$0x14B0] =	vst.add.f32.msk $0xffff, v12  }
0x184: {  	[tilespmem:s21+$0x14C0] =	vst.add.f32.msk $0xffff, v13  }
0x185: {  	s25 =	sadd.s32 $0x400, s25;
	[tilespmem:s21+$0x14D0] =	vst.add.f32.msk $0xffff, v14  }
0x186: {  	[tilespmem:s21+$0x14E0] =	vst.add.f32.msk $0xffff, v0;
	s23 =	simm.s32 $0x780  }
0x187: {  	[tilespmem:s30], [sflag:$0x1] =	stream.indirect.gather [spmem:s3], $0x20, s23, s12, $0xb8;
	[tilespmem:$0xDA40] =	vst v63  }
0x188: {  	s25 =	simm.s32 $0x7D0  }
0x189: {  	[tilespmem:s1], [sflag:$0x1] =	stream.indirect.gather [spmem:s3], $0x20, s25, s12, $0xb8;
	[tilespmem:$0xDA40] =	vst v63  }
0x18a: {  	s29 =	simm.s32 $0x820  }
0x18b: {  	[tilespmem:s2], [sflag:$0x1] =	stream.indirect.gather [spmem:s3], $0x20, s29, s12, $0xb8;
	[tilespmem:$0xDA40] =	vst v63  }
0x18c: {  	s31 =	simm.s32 $0x870  }
0x18d: {  	[tilespmem:s13], [sflag:$0x1] =	stream.indirect.gather [spmem:s3], $0x20, s31, s12, $0xb8;
	[tilespmem:$0xDA40] =	vst v63  }
0x18e: {  	_ =	swait.ge [sflag:s14], $0xA00  }
0x18f: {  	[sflag:s14] =	ssyncset.done $0x0  }
0x190: {  	[sflag:s14] =	ssyncadd.s32 $0xFFFFF600  }
0x191: {  	_ =	swait.ge [sflag:s14], $0xA00  }
0x192: {  	[sflag:s14] =	ssyncset.done $0x0  }
0x193: {  	[sflag:s14] =	ssyncadd.s32 $0xFFFFF600  }
0x194: {  	_ =	swait.ge [sflag:s14], $0xA00  }
0x195: {  	[sflag:s14] =	ssyncset.done $0x0  }
0x196: {  	[sflag:s14] =	ssyncadd.s32 $0xFFFFF600  }
0x197: {  	_ =	swait.ge [sflag:s14], $0xA00  }
0x198: {  	[sflag:s14] =	ssyncset.done $0x0  }
0x199: {  	s21 =	simm.s32 $0x0;
	[sflag:s14] =	ssyncadd.s32 $0xFFFFF600  }
0x19a: {  	v0 =	vld [tilespmem:s21+$0x64F0]  }
0x19b: {  	v1 =	vld [tilespmem:s21+$0x6400]  }
0x19c: {  	v2 =	vld [tilespmem:s21+$0x6410]  }
0x19d: {  	v3 =	vld [tilespmem:s21+$0x6420]  }
0x19e: {  	v4 =	vld [tilespmem:s21+$0x6430]  }
0x19f: {  	v5 =	vld [tilespmem:s21+$0x6440]  }
0x1a0: {  	v6 =	vld [tilespmem:s21+$0x6450]  }
0x1a1: {  	v7 =	vld [tilespmem:s21+$0x6460]  }
0x1a2: {  	v8 =	vld [tilespmem:s21+$0x6470]  }
0x1a3: {  	v9 =	vld [tilespmem:s21+$0x6480]  }
0x1a4: {  	v10 =	vld [tilespmem:s21+$0x6490]  }
0x1a5: {  	v11 =	vld [tilespmem:s21+$0x64A0]  }
0x1a6: {  	v12 =	vld [tilespmem:s21+$0x64B0]  }
0x1a7: {  	v13 =	vld [tilespmem:s21+$0x64C0]  }
0x1a8: {  	v14 =	vld [tilespmem:s21+$0x64D0]  }
0x1a9: {  	[tilespmem:s21+$0x14F0] =	vst.add.f32.msk $0xffff, v0  }
0x1aa: {  	v0 =	vld [tilespmem:s21+$0x64E0]  }
0x1ab: {  	[tilespmem:s21+$0x1400] =	vst.add.f32.msk $0xffff, v1  }
0x1ac: {  	[tilespmem:s21+$0x1410] =	vst.add.f32.msk $0xffff, v2  }
0x1ad: {  	[tilespmem:s21+$0x1420] =	vst.add.f32.msk $0xffff, v3  }
0x1ae: {  	[tilespmem:s21+$0x1430] =	vst.add.f32.msk $0xffff, v4  }
0x1af: {  	[tilespmem:s21+$0x1440] =	vst.add.f32.msk $0xffff, v5  }
0x1b0: {  	[tilespmem:s21+$0x1450] =	vst.add.f32.msk $0xffff, v6  }
0x1b1: {  	[tilespmem:s21+$0x1460] =	vst.add.f32.msk $0xffff, v7  }
0x1b2: {  	[tilespmem:s21+$0x1470] =	vst.add.f32.msk $0xffff, v8  }
0x1b3: {  	[tilespmem:s21+$0x1480] =	vst.add.f32.msk $0xffff, v9  }
0x1b4: {  	[tilespmem:s21+$0x1490] =	vst.add.f32.msk $0xffff, v10  }
0x1b5: {  	[tilespmem:s21+$0x14A0] =	vst.add.f32.msk $0xffff, v11  }
0x1b6: {  	[tilespmem:s21+$0x14B0] =	vst.add.f32.msk $0xffff, v12  }
0x1b7: {  	[tilespmem:s21+$0x14C0] =	vst.add.f32.msk $0xffff, v13  }
0x1b8: {  	s23 =	simm.s32 $0x0;
	s25 =	simm.s32 $0x400;
	[tilespmem:s21+$0x14D0] =	vst.add.f32.msk $0xffff, v14  }
.LBB2_10:
0x1b9: {  	s23 =	sadd.s32 $0x8, s23;
	[tilespmem:s21+$0x14E0] =	vst.add.f32.msk $0xffff, v0;
	s21 =	sshra.s32 s25, $0x2  }
0x1ba: {  	v0 =	vld [tilespmem:s21+$0x64F0];
	p2 =	slt.u32 s23, $0x138  }
0x1bb: {  	v1 =	vld [tilespmem:s21+$0x6400]  }
0x1bc: {  	v2 =	vld [tilespmem:s21+$0x6410]  }
0x1bd: {  	v3 =	vld [tilespmem:s21+$0x6420]  }
0x1be: {  	v4 =	vld [tilespmem:s21+$0x6430]  }
0x1bf: {  	[tilespmem:s21+$0x14F0] =	vst.add.f32.msk $0xffff, v0  }
0x1c0: {  	v5 =	vld [tilespmem:s21+$0x6440]  }
0x1c1: {  	v6 =	vld [tilespmem:s21+$0x6450]  }
0x1c2: {  	v7 =	vld [tilespmem:s21+$0x6460]  }
0x1c3: {  	v8 =	vld [tilespmem:s21+$0x6470]  }
0x1c4: {  	v9 =	vld [tilespmem:s21+$0x6480]  }
0x1c5: {  	v10 =	vld [tilespmem:s21+$0x6490]  }
0x1c6: {  	v11 =	vld [tilespmem:s21+$0x64A0]  }
0x1c7: {  	v12 =	vld [tilespmem:s21+$0x64B0]  }
0x1c8: {  	v13 =	vld [tilespmem:s21+$0x64C0]  }
0x1c9: {  	v14 =	vld [tilespmem:s21+$0x64D0]  }
0x1ca: {  	v0 =	vld [tilespmem:s21+$0x64E0]  }
0x1cb: {  	[tilespmem:s21+$0x1400] =	vst.add.f32.msk $0xffff, v1  }
0x1cc: {  	[tilespmem:s21+$0x1410] =	vst.add.f32.msk $0xffff, v2  }
0x1cd: {  	[tilespmem:s21+$0x1420] =	vst.add.f32.msk $0xffff, v3  }
0x1ce: {  	[tilespmem:s21+$0x1430] =	vst.add.f32.msk $0xffff, v4  }
0x1cf: {  	[tilespmem:s21+$0x1440] =	vst.add.f32.msk $0xffff, v5  }
0x1d0: {  	[tilespmem:s21+$0x1450] =	vst.add.f32.msk $0xffff, v6  }
0x1d1: {  	[tilespmem:s21+$0x1460] =	vst.add.f32.msk $0xffff, v7  }
0x1d2: {  	[tilespmem:s21+$0x1470] =	vst.add.f32.msk $0xffff, v8  }
0x1d3: {  	[tilespmem:s21+$0x1480] =	vst.add.f32.msk $0xffff, v9  }
.Ltmp4:
0x1d4: {  	[tilespmem:s21+$0x1490] =	vst.add.f32.msk $0xffff, v10;
	(pc) =	sbr.rel @p2 .LBB2_10-.Ltmp4, $4  }
0x1d5: {  	[tilespmem:s21+$0x14A0] =	vst.add.f32.msk $0xffff, v11  }
0x1d6: {  	[tilespmem:s21+$0x14B0] =	vst.add.f32.msk $0xffff, v12  }
0x1d7: {  	[tilespmem:s21+$0x14C0] =	vst.add.f32.msk $0xffff, v13  }
0x1d8: {  	s25 =	sadd.s32 $0x400, s25;
	[tilespmem:s21+$0x14D0] =	vst.add.f32.msk $0xffff, v14  }
0x1d9: {  	[tilespmem:s21+$0x14E0] =	vst.add.f32.msk $0xffff, v0;
	s23 =	simm.s32 $0x8C0  }
0x1da: {  	[tilespmem:s20], [sflag:$0x2] =	stream.indirect.gather [spmem:s3], $0x20, s23, s12, $0xb8;
	[tilespmem:$0xDA40] =	vst v63  }
0x1db: {  	s25 =	simm.s32 $0x910  }
0x1dc: {  	[tilespmem:s22], [sflag:$0x2] =	stream.indirect.gather [spmem:s3], $0x20, s25, s12, $0xb8;
	[tilespmem:$0xDA40] =	vst v63  }
0x1dd: {  	s29 =	simm.s32 $0x960  }
0x1de: {  	[tilespmem:s24], [sflag:$0x2] =	stream.indirect.gather [spmem:s3], $0x20, s29, s12, $0xb8;
	[tilespmem:$0xDA40] =	vst v63  }
0x1df: {  	s31 =	simm.s32 $0x9B0  }
0x1e0: {  	[tilespmem:s26], [sflag:$0x2] =	stream.indirect.gather [spmem:s3], $0x20, s31, s12, $0xb8;
	[tilespmem:$0xDA40] =	vst v63  }
0x1e1: {  	_ =	swait.ge [sflag:s28], $0xA00  }
0x1e2: {  	[sflag:s28] =	ssyncset.done $0x0  }
0x1e3: {  	[sflag:s28] =	ssyncadd.s32 $0xFFFFF600  }
0x1e4: {  	_ =	swait.ge [sflag:s28], $0xA00  }
0x1e5: {  	[sflag:s28] =	ssyncset.done $0x0  }
0x1e6: {  	[sflag:s28] =	ssyncadd.s32 $0xFFFFF600  }
0x1e7: {  	_ =	swait.ge [sflag:s28], $0xA00  }
0x1e8: {  	[sflag:s28] =	ssyncset.done $0x0  }
0x1e9: {  	[sflag:s28] =	ssyncadd.s32 $0xFFFFF600  }
0x1ea: {  	_ =	swait.ge [sflag:s28], $0xA00  }
0x1eb: {  	[sflag:s28] =	ssyncset.done $0x0  }
0x1ec: {  	s21 =	simm.s32 $0x0;
	[sflag:s28] =	ssyncadd.s32 $0xFFFFF600  }
0x1ed: {  	v0 =	vld [tilespmem:s21+$0x3CF0]  }
0x1ee: {  	v1 =	vld [tilespmem:s21+$0x3C00]  }
0x1ef: {  	v2 =	vld [tilespmem:s21+$0x3C10]  }
0x1f0: {  	v3 =	vld [tilespmem:s21+$0x3C20]  }
0x1f1: {  	v4 =	vld [tilespmem:s21+$0x3C30]  }
0x1f2: {  	v5 =	vld [tilespmem:s21+$0x3C40]  }
0x1f3: {  	v6 =	vld [tilespmem:s21+$0x3C50]  }
0x1f4: {  	v7 =	vld [tilespmem:s21+$0x3C60]  }
0x1f5: {  	v8 =	vld [tilespmem:s21+$0x3C70]  }
0x1f6: {  	v9 =	vld [tilespmem:s21+$0x3C80]  }
0x1f7: {  	v10 =	vld [tilespmem:s21+$0x3C90]  }
0x1f8: {  	v11 =	vld [tilespmem:s21+$0x3CA0]  }
0x1f9: {  	v12 =	vld [tilespmem:s21+$0x3CB0]  }
0x1fa: {  	v13 =	vld [tilespmem:s21+$0x3CC0]  }
0x1fb: {  	v14 =	vld [tilespmem:s21+$0x3CD0]  }
0x1fc: {  	[tilespmem:s21+$0x14F0] =	vst.add.f32.msk $0xffff, v0  }
0x1fd: {  	v0 =	vld [tilespmem:s21+$0x3CE0]  }
0x1fe: {  	[tilespmem:s21+$0x1400] =	vst.add.f32.msk $0xffff, v1  }
0x1ff: {  	[tilespmem:s21+$0x1410] =	vst.add.f32.msk $0xffff, v2  }
0x200: {  	[tilespmem:s21+$0x1420] =	vst.add.f32.msk $0xffff, v3  }
0x201: {  	[tilespmem:s21+$0x1430] =	vst.add.f32.msk $0xffff, v4  }
0x202: {  	[tilespmem:s21+$0x1440] =	vst.add.f32.msk $0xffff, v5  }
0x203: {  	[tilespmem:s21+$0x1450] =	vst.add.f32.msk $0xffff, v6  }
0x204: {  	[tilespmem:s21+$0x1460] =	vst.add.f32.msk $0xffff, v7  }
0x205: {  	[tilespmem:s21+$0x1470] =	vst.add.f32.msk $0xffff, v8  }
0x206: {  	[tilespmem:s21+$0x1480] =	vst.add.f32.msk $0xffff, v9  }
0x207: {  	[tilespmem:s21+$0x1490] =	vst.add.f32.msk $0xffff, v10  }
0x208: {  	[tilespmem:s21+$0x14A0] =	vst.add.f32.msk $0xffff, v11  }
0x209: {  	[tilespmem:s21+$0x14B0] =	vst.add.f32.msk $0xffff, v12  }
0x20a: {  	[tilespmem:s21+$0x14C0] =	vst.add.f32.msk $0xffff, v13  }
0x20b: {  	s23 =	simm.s32 $0x0;
	s25 =	simm.s32 $0x400;
	[tilespmem:s21+$0x14D0] =	vst.add.f32.msk $0xffff, v14  }
.LBB2_12:
0x20c: {  	s23 =	sadd.s32 $0x8, s23;
	[tilespmem:s21+$0x14E0] =	vst.add.f32.msk $0xffff, v0;
	s21 =	sshra.s32 s25, $0x2  }
0x20d: {  	v0 =	vld [tilespmem:s21+$0x3CF0];
	p2 =	slt.u32 s23, $0x138  }
0x20e: {  	v1 =	vld [tilespmem:s21+$0x3C00]  }
0x20f: {  	v2 =	vld [tilespmem:s21+$0x3C10]  }
0x210: {  	v3 =	vld [tilespmem:s21+$0x3C20]  }
0x211: {  	v4 =	vld [tilespmem:s21+$0x3C30]  }
0x212: {  	[tilespmem:s21+$0x14F0] =	vst.add.f32.msk $0xffff, v0  }
0x213: {  	v5 =	vld [tilespmem:s21+$0x3C40]  }
0x214: {  	v6 =	vld [tilespmem:s21+$0x3C50]  }
0x215: {  	v7 =	vld [tilespmem:s21+$0x3C60]  }
0x216: {  	v8 =	vld [tilespmem:s21+$0x3C70]  }
0x217: {  	v9 =	vld [tilespmem:s21+$0x3C80]  }
0x218: {  	v10 =	vld [tilespmem:s21+$0x3C90]  }
0x219: {  	v11 =	vld [tilespmem:s21+$0x3CA0]  }
0x21a: {  	v12 =	vld [tilespmem:s21+$0x3CB0]  }
0x21b: {  	v13 =	vld [tilespmem:s21+$0x3CC0]  }
0x21c: {  	v14 =	vld [tilespmem:s21+$0x3CD0]  }
0x21d: {  	v0 =	vld [tilespmem:s21+$0x3CE0]  }
0x21e: {  	[tilespmem:s21+$0x1400] =	vst.add.f32.msk $0xffff, v1  }
0x21f: {  	[tilespmem:s21+$0x1410] =	vst.add.f32.msk $0xffff, v2  }
0x220: {  	[tilespmem:s21+$0x1420] =	vst.add.f32.msk $0xffff, v3  }
0x221: {  	[tilespmem:s21+$0x1430] =	vst.add.f32.msk $0xffff, v4  }
0x222: {  	[tilespmem:s21+$0x1440] =	vst.add.f32.msk $0xffff, v5  }
0x223: {  	[tilespmem:s21+$0x1450] =	vst.add.f32.msk $0xffff, v6  }
0x224: {  	[tilespmem:s21+$0x1460] =	vst.add.f32.msk $0xffff, v7  }
0x225: {  	[tilespmem:s21+$0x1470] =	vst.add.f32.msk $0xffff, v8  }
0x226: {  	[tilespmem:s21+$0x1480] =	vst.add.f32.msk $0xffff, v9  }
.Ltmp5:
0x227: {  	[tilespmem:s21+$0x1490] =	vst.add.f32.msk $0xffff, v10;
	(pc) =	sbr.rel @p2 .LBB2_12-.Ltmp5, $4  }
0x228: {  	[tilespmem:s21+$0x14A0] =	vst.add.f32.msk $0xffff, v11  }
0x229: {  	[tilespmem:s21+$0x14B0] =	vst.add.f32.msk $0xffff, v12  }
0x22a: {  	[tilespmem:s21+$0x14C0] =	vst.add.f32.msk $0xffff, v13  }
0x22b: {  	s25 =	sadd.s32 $0x400, s25;
	[tilespmem:s21+$0x14D0] =	vst.add.f32.msk $0xffff, v14  }
0x22c: {  	[tilespmem:s21+$0x14E0] =	vst.add.f32.msk $0xffff, v0;
	s23 =	simm.s32 $0xA00  }
0x22d: {  	[tilespmem:s30], [sflag:$0x1] =	stream.indirect.gather [spmem:s3], $0x20, s23, s12, $0xb8;
	[tilespmem:$0xDA40] =	vst v63  }
0x22e: {  	s25 =	simm.s32 $0xA50  }
0x22f: {  	[tilespmem:s1], [sflag:$0x1] =	stream.indirect.gather [spmem:s3], $0x20, s25, s12, $0xb8;
	[tilespmem:$0xDA40] =	vst v63  }
0x230: {  	s29 =	simm.s32 $0xAA0  }
0x231: {  	[tilespmem:s2], [sflag:$0x1] =	stream.indirect.gather [spmem:s3], $0x20, s29, s12, $0xb8;
	[tilespmem:$0xDA40] =	vst v63  }
0x232: {  	s31 =	simm.s32 $0xAF0  }
0x233: {  	[tilespmem:s13], [sflag:$0x1] =	stream.indirect.gather [spmem:s3], $0x20, s31, s12, $0xb8;
	[tilespmem:$0xDA40] =	vst v63  }
0x234: {  	_ =	swait.ge [sflag:s14], $0xA00  }
0x235: {  	[sflag:s14] =	ssyncset.done $0x0  }
0x236: {  	[sflag:s14] =	ssyncadd.s32 $0xFFFFF600  }
0x237: {  	_ =	swait.ge [sflag:s14], $0xA00  }
0x238: {  	[sflag:s14] =	ssyncset.done $0x0  }
0x239: {  	[sflag:s14] =	ssyncadd.s32 $0xFFFFF600  }
0x23a: {  	_ =	swait.ge [sflag:s14], $0xA00  }
0x23b: {  	[sflag:s14] =	ssyncset.done $0x0  }
0x23c: {  	[sflag:s14] =	ssyncadd.s32 $0xFFFFF600  }
0x23d: {  	_ =	swait.ge [sflag:s14], $0xA00  }
0x23e: {  	[sflag:s14] =	ssyncset.done $0x0  }
0x23f: {  	s21 =	simm.s32 $0x0;
	[sflag:s14] =	ssyncadd.s32 $0xFFFFF600  }
0x240: {  	v0 =	vld [tilespmem:s21+$0x64F0]  }
0x241: {  	v1 =	vld [tilespmem:s21+$0x6400]  }
0x242: {  	v2 =	vld [tilespmem:s21+$0x6410]  }
0x243: {  	v3 =	vld [tilespmem:s21+$0x6420]  }
0x244: {  	v4 =	vld [tilespmem:s21+$0x6430]  }
0x245: {  	v5 =	vld [tilespmem:s21+$0x6440]  }
0x246: {  	v6 =	vld [tilespmem:s21+$0x6450]  }
0x247: {  	v7 =	vld [tilespmem:s21+$0x6460]  }
0x248: {  	v8 =	vld [tilespmem:s21+$0x6470]  }
0x249: {  	v9 =	vld [tilespmem:s21+$0x6480]  }
0x24a: {  	v10 =	vld [tilespmem:s21+$0x6490]  }
0x24b: {  	v11 =	vld [tilespmem:s21+$0x64A0]  }
0x24c: {  	v12 =	vld [tilespmem:s21+$0x64B0]  }
0x24d: {  	v13 =	vld [tilespmem:s21+$0x64C0]  }
0x24e: {  	v14 =	vld [tilespmem:s21+$0x64D0]  }
0x24f: {  	[tilespmem:s21+$0x14F0] =	vst.add.f32.msk $0xffff, v0  }
0x250: {  	v0 =	vld [tilespmem:s21+$0x64E0]  }
0x251: {  	[tilespmem:s21+$0x1400] =	vst.add.f32.msk $0xffff, v1  }
0x252: {  	[tilespmem:s21+$0x1410] =	vst.add.f32.msk $0xffff, v2  }
0x253: {  	[tilespmem:s21+$0x1420] =	vst.add.f32.msk $0xffff, v3  }
0x254: {  	[tilespmem:s21+$0x1430] =	vst.add.f32.msk $0xffff, v4  }
0x255: {  	[tilespmem:s21+$0x1440] =	vst.add.f32.msk $0xffff, v5  }
0x256: {  	[tilespmem:s21+$0x1450] =	vst.add.f32.msk $0xffff, v6  }
0x257: {  	[tilespmem:s21+$0x1460] =	vst.add.f32.msk $0xffff, v7  }
0x258: {  	[tilespmem:s21+$0x1470] =	vst.add.f32.msk $0xffff, v8  }
0x259: {  	[tilespmem:s21+$0x1480] =	vst.add.f32.msk $0xffff, v9  }
0x25a: {  	[tilespmem:s21+$0x1490] =	vst.add.f32.msk $0xffff, v10  }
0x25b: {  	[tilespmem:s21+$0x14A0] =	vst.add.f32.msk $0xffff, v11  }
0x25c: {  	[tilespmem:s21+$0x14B0] =	vst.add.f32.msk $0xffff, v12  }
0x25d: {  	[tilespmem:s21+$0x14C0] =	vst.add.f32.msk $0xffff, v13  }
0x25e: {  	s23 =	simm.s32 $0x0;
	s25 =	simm.s32 $0x400;
	[tilespmem:s21+$0x14D0] =	vst.add.f32.msk $0xffff, v14  }
.LBB2_14:
0x25f: {  	s23 =	sadd.s32 $0x8, s23;
	[tilespmem:s21+$0x14E0] =	vst.add.f32.msk $0xffff, v0;
	s21 =	sshra.s32 s25, $0x2  }
0x260: {  	v0 =	vld [tilespmem:s21+$0x64F0];
	p2 =	slt.u32 s23, $0x138  }
0x261: {  	v1 =	vld [tilespmem:s21+$0x6400]  }
0x262: {  	v2 =	vld [tilespmem:s21+$0x6410]  }
0x263: {  	v3 =	vld [tilespmem:s21+$0x6420]  }
0x264: {  	v4 =	vld [tilespmem:s21+$0x6430]  }
0x265: {  	[tilespmem:s21+$0x14F0] =	vst.add.f32.msk $0xffff, v0  }
0x266: {  	v5 =	vld [tilespmem:s21+$0x6440]  }
0x267: {  	v6 =	vld [tilespmem:s21+$0x6450]  }
0x268: {  	v7 =	vld [tilespmem:s21+$0x6460]  }
0x269: {  	v8 =	vld [tilespmem:s21+$0x6470]  }
0x26a: {  	v9 =	vld [tilespmem:s21+$0x6480]  }
0x26b: {  	v10 =	vld [tilespmem:s21+$0x6490]  }
0x26c: {  	v11 =	vld [tilespmem:s21+$0x64A0]  }
0x26d: {  	v12 =	vld [tilespmem:s21+$0x64B0]  }
0x26e: {  	v13 =	vld [tilespmem:s21+$0x64C0]  }
0x26f: {  	v14 =	vld [tilespmem:s21+$0x64D0]  }
0x270: {  	v0 =	vld [tilespmem:s21+$0x64E0]  }
0x271: {  	[tilespmem:s21+$0x1400] =	vst.add.f32.msk $0xffff, v1  }
0x272: {  	[tilespmem:s21+$0x1410] =	vst.add.f32.msk $0xffff, v2  }
0x273: {  	[tilespmem:s21+$0x1420] =	vst.add.f32.msk $0xffff, v3  }
0x274: {  	[tilespmem:s21+$0x1430] =	vst.add.f32.msk $0xffff, v4  }
0x275: {  	[tilespmem:s21+$0x1440] =	vst.add.f32.msk $0xffff, v5  }
0x276: {  	[tilespmem:s21+$0x1450] =	vst.add.f32.msk $0xffff, v6  }
0x277: {  	[tilespmem:s21+$0x1460] =	vst.add.f32.msk $0xffff, v7  }
0x278: {  	[tilespmem:s21+$0x1470] =	vst.add.f32.msk $0xffff, v8  }
0x279: {  	[tilespmem:s21+$0x1480] =	vst.add.f32.msk $0xffff, v9  }
.Ltmp6:
0x27a: {  	[tilespmem:s21+$0x1490] =	vst.add.f32.msk $0xffff, v10;
	(pc) =	sbr.rel @p2 .LBB2_14-.Ltmp6, $4  }
0x27b: {  	[tilespmem:s21+$0x14A0] =	vst.add.f32.msk $0xffff, v11  }
0x27c: {  	[tilespmem:s21+$0x14B0] =	vst.add.f32.msk $0xffff, v12  }
0x27d: {  	[tilespmem:s21+$0x14C0] =	vst.add.f32.msk $0xffff, v13  }
0x27e: {  	s25 =	sadd.s32 $0x400, s25;
	[tilespmem:s21+$0x14D0] =	vst.add.f32.msk $0xffff, v14  }
0x27f: {  	[tilespmem:s21+$0x14E0] =	vst.add.f32.msk $0xffff, v0;
	s23 =	simm.s32 $0xB40  }
0x280: {  	[tilespmem:s20], [sflag:$0x2] =	stream.indirect.gather [spmem:s3], $0x20, s23, s12, $0xb8;
	[tilespmem:$0xDA40] =	vst v63  }
0x281: {  	s25 =	simm.s32 $0xB90  }
0x282: {  	[tilespmem:s22], [sflag:$0x2] =	stream.indirect.gather [spmem:s3], $0x20, s25, s12, $0xb8;
	[tilespmem:$0xDA40] =	vst v63  }
0x283: {  	s29 =	simm.s32 $0xBE0  }
0x284: {  	[tilespmem:s24], [sflag:$0x2] =	stream.indirect.gather [spmem:s3], $0x20, s29, s12, $0xb8;
	[tilespmem:$0xDA40] =	vst v63  }
0x285: {  	s31 =	simm.s32 $0xC30  }
0x286: {  	[tilespmem:s26], [sflag:$0x2] =	stream.indirect.gather [spmem:s3], $0x20, s31, s12, $0xb8;
	[tilespmem:$0xDA40] =	vst v63  }
0x287: {  	_ =	swait.ge [sflag:s28], $0xA00  }
0x288: {  	[sflag:s28] =	ssyncset.done $0x0  }
0x289: {  	[sflag:s28] =	ssyncadd.s32 $0xFFFFF600  }
0x28a: {  	_ =	swait.ge [sflag:s28], $0xA00  }
0x28b: {  	[sflag:s28] =	ssyncset.done $0x0  }
0x28c: {  	[sflag:s28] =	ssyncadd.s32 $0xFFFFF600  }
0x28d: {  	_ =	swait.ge [sflag:s28], $0xA00  }
0x28e: {  	[sflag:s28] =	ssyncset.done $0x0  }
0x28f: {  	[sflag:s28] =	ssyncadd.s32 $0xFFFFF600  }
0x290: {  	_ =	swait.ge [sflag:s28], $0xA00  }
0x291: {  	[sflag:s28] =	ssyncset.done $0x0  }
0x292: {  	s21 =	simm.s32 $0x0;
	[sflag:s28] =	ssyncadd.s32 $0xFFFFF600  }
0x293: {  	v0 =	vld [tilespmem:s21+$0x3CF0]  }
0x294: {  	v1 =	vld [tilespmem:s21+$0x3C00]  }
0x295: {  	v2 =	vld [tilespmem:s21+$0x3C10]  }
0x296: {  	v3 =	vld [tilespmem:s21+$0x3C20]  }
0x297: {  	v4 =	vld [tilespmem:s21+$0x3C30]  }
0x298: {  	v5 =	vld [tilespmem:s21+$0x3C40]  }
0x299: {  	v6 =	vld [tilespmem:s21+$0x3C50]  }
0x29a: {  	v7 =	vld [tilespmem:s21+$0x3C60]  }
0x29b: {  	v8 =	vld [tilespmem:s21+$0x3C70]  }
0x29c: {  	v9 =	vld [tilespmem:s21+$0x3C80]  }
0x29d: {  	v10 =	vld [tilespmem:s21+$0x3C90]  }
0x29e: {  	v11 =	vld [tilespmem:s21+$0x3CA0]  }
0x29f: {  	v12 =	vld [tilespmem:s21+$0x3CB0]  }
0x2a0: {  	v13 =	vld [tilespmem:s21+$0x3CC0]  }
0x2a1: {  	v14 =	vld [tilespmem:s21+$0x3CD0]  }
0x2a2: {  	[tilespmem:s21+$0x14F0] =	vst.add.f32.msk $0xffff, v0  }
0x2a3: {  	v0 =	vld [tilespmem:s21+$0x3CE0]  }
0x2a4: {  	[tilespmem:s21+$0x1400] =	vst.add.f32.msk $0xffff, v1  }
0x2a5: {  	[tilespmem:s21+$0x1410] =	vst.add.f32.msk $0xffff, v2  }
0x2a6: {  	[tilespmem:s21+$0x1420] =	vst.add.f32.msk $0xffff, v3  }
0x2a7: {  	[tilespmem:s21+$0x1430] =	vst.add.f32.msk $0xffff, v4  }
0x2a8: {  	[tilespmem:s21+$0x1440] =	vst.add.f32.msk $0xffff, v5  }
0x2a9: {  	[tilespmem:s21+$0x1450] =	vst.add.f32.msk $0xffff, v6  }
0x2aa: {  	[tilespmem:s21+$0x1460] =	vst.add.f32.msk $0xffff, v7  }
0x2ab: {  	[tilespmem:s21+$0x1470] =	vst.add.f32.msk $0xffff, v8  }
0x2ac: {  	[tilespmem:s21+$0x1480] =	vst.add.f32.msk $0xffff, v9  }
0x2ad: {  	[tilespmem:s21+$0x1490] =	vst.add.f32.msk $0xffff, v10  }
0x2ae: {  	[tilespmem:s21+$0x14A0] =	vst.add.f32.msk $0xffff, v11  }
0x2af: {  	[tilespmem:s21+$0x14B0] =	vst.add.f32.msk $0xffff, v12  }
0x2b0: {  	[tilespmem:s21+$0x14C0] =	vst.add.f32.msk $0xffff, v13  }
0x2b1: {  	s23 =	simm.s32 $0x0;
	s25 =	simm.s32 $0x400;
	[tilespmem:s21+$0x14D0] =	vst.add.f32.msk $0xffff, v14  }
.LBB2_16:
0x2b2: {  	s23 =	sadd.s32 $0x8, s23;
	[tilespmem:s21+$0x14E0] =	vst.add.f32.msk $0xffff, v0;
	s21 =	sshra.s32 s25, $0x2  }
0x2b3: {  	v0 =	vld [tilespmem:s21+$0x3CF0];
	p2 =	slt.u32 s23, $0x138  }
0x2b4: {  	v1 =	vld [tilespmem:s21+$0x3C00]  }
0x2b5: {  	v2 =	vld [tilespmem:s21+$0x3C10]  }
0x2b6: {  	v3 =	vld [tilespmem:s21+$0x3C20]  }
0x2b7: {  	v4 =	vld [tilespmem:s21+$0x3C30]  }
0x2b8: {  	[tilespmem:s21+$0x14F0] =	vst.add.f32.msk $0xffff, v0  }
0x2b9: {  	v5 =	vld [tilespmem:s21+$0x3C40]  }
0x2ba: {  	v6 =	vld [tilespmem:s21+$0x3C50]  }
0x2bb: {  	v7 =	vld [tilespmem:s21+$0x3C60]  }
0x2bc: {  	v8 =	vld [tilespmem:s21+$0x3C70]  }
0x2bd: {  	v9 =	vld [tilespmem:s21+$0x3C80]  }
0x2be: {  	v10 =	vld [tilespmem:s21+$0x3C90]  }
0x2bf: {  	v11 =	vld [tilespmem:s21+$0x3CA0]  }
0x2c0: {  	v12 =	vld [tilespmem:s21+$0x3CB0]  }
0x2c1: {  	v13 =	vld [tilespmem:s21+$0x3CC0]  }
0x2c2: {  	v14 =	vld [tilespmem:s21+$0x3CD0]  }
0x2c3: {  	v0 =	vld [tilespmem:s21+$0x3CE0]  }
0x2c4: {  	[tilespmem:s21+$0x1400] =	vst.add.f32.msk $0xffff, v1  }
0x2c5: {  	[tilespmem:s21+$0x1410] =	vst.add.f32.msk $0xffff, v2  }
0x2c6: {  	[tilespmem:s21+$0x1420] =	vst.add.f32.msk $0xffff, v3  }
0x2c7: {  	[tilespmem:s21+$0x1430] =	vst.add.f32.msk $0xffff, v4  }
0x2c8: {  	[tilespmem:s21+$0x1440] =	vst.add.f32.msk $0xffff, v5  }
0x2c9: {  	[tilespmem:s21+$0x1450] =	vst.add.f32.msk $0xffff, v6  }
0x2ca: {  	[tilespmem:s21+$0x1460] =	vst.add.f32.msk $0xffff, v7  }
0x2cb: {  	[tilespmem:s21+$0x1470] =	vst.add.f32.msk $0xffff, v8  }
0x2cc: {  	[tilespmem:s21+$0x1480] =	vst.add.f32.msk $0xffff, v9  }
.Ltmp7:
0x2cd: {  	[tilespmem:s21+$0x1490] =	vst.add.f32.msk $0xffff, v10;
	(pc) =	sbr.rel @p2 .LBB2_16-.Ltmp7, $4  }
0x2ce: {  	[tilespmem:s21+$0x14A0] =	vst.add.f32.msk $0xffff, v11  }
0x2cf: {  	[tilespmem:s21+$0x14B0] =	vst.add.f32.msk $0xffff, v12  }
0x2d0: {  	[tilespmem:s21+$0x14C0] =	vst.add.f32.msk $0xffff, v13  }
0x2d1: {  	s25 =	sadd.s32 $0x400, s25;
	[tilespmem:s21+$0x14D0] =	vst.add.f32.msk $0xffff, v14  }
0x2d2: {  	[tilespmem:s21+$0x14E0] =	vst.add.f32.msk $0xffff, v0;
	s23 =	simm.s32 $0xC80  }
0x2d3: {  	[tilespmem:s30], [sflag:$0x1] =	stream.indirect.gather [spmem:s3], $0x20, s23, s12, $0xb8;
	[tilespmem:$0xDA40] =	vst v63  }
0x2d4: {  	s25 =	simm.s32 $0xCD0  }
0x2d5: {  	[tilespmem:s1], [sflag:$0x1] =	stream.indirect.gather [spmem:s3], $0x20, s25, s12, $0xb8;
	[tilespmem:$0xDA40] =	vst v63  }
0x2d6: {  	s29 =	simm.s32 $0xD20  }
0x2d7: {  	[tilespmem:s2], [sflag:$0x1] =	stream.indirect.gather [spmem:s3], $0x20, s29, s12, $0xb8;
	[tilespmem:$0xDA40] =	vst v63  }
0x2d8: {  	s31 =	simm.s32 $0xD70  }
0x2d9: {  	[tilespmem:s13], [sflag:$0x1] =	stream.indirect.gather [spmem:s3], $0x20, s31, s12, $0xb8;
	[tilespmem:$0xDA40] =	vst v63  }
0x2da: {  	_ =	swait.ge [sflag:s14], $0xA00  }
0x2db: {  	[sflag:s14] =	ssyncset.done $0x0  }
0x2dc: {  	[sflag:s14] =	ssyncadd.s32 $0xFFFFF600  }
0x2dd: {  	_ =	swait.ge [sflag:s14], $0xA00  }
0x2de: {  	[sflag:s14] =	ssyncset.done $0x0  }
0x2df: {  	[sflag:s14] =	ssyncadd.s32 $0xFFFFF600  }
0x2e0: {  	_ =	swait.ge [sflag:s14], $0xA00  }
0x2e1: {  	[sflag:s14] =	ssyncset.done $0x0  }
0x2e2: {  	[sflag:s14] =	ssyncadd.s32 $0xFFFFF600  }
0x2e3: {  	_ =	swait.ge [sflag:s14], $0xA00  }
0x2e4: {  	[sflag:s14] =	ssyncset.done $0x0  }
0x2e5: {  	s21 =	simm.s32 $0x0;
	[sflag:s14] =	ssyncadd.s32 $0xFFFFF600  }
0x2e6: {  	v0 =	vld [tilespmem:s21+$0x64F0]  }
0x2e7: {  	v1 =	vld [tilespmem:s21+$0x6400]  }
0x2e8: {  	v2 =	vld [tilespmem:s21+$0x6410]  }
0x2e9: {  	v3 =	vld [tilespmem:s21+$0x6420]  }
0x2ea: {  	v4 =	vld [tilespmem:s21+$0x6430]  }
0x2eb: {  	v5 =	vld [tilespmem:s21+$0x6440]  }
0x2ec: {  	v6 =	vld [tilespmem:s21+$0x6450]  }
0x2ed: {  	v7 =	vld [tilespmem:s21+$0x6460]  }
0x2ee: {  	v8 =	vld [tilespmem:s21+$0x6470]  }
0x2ef: {  	v9 =	vld [tilespmem:s21+$0x6480]  }
0x2f0: {  	v10 =	vld [tilespmem:s21+$0x6490]  }
0x2f1: {  	v11 =	vld [tilespmem:s21+$0x64A0]  }
0x2f2: {  	v12 =	vld [tilespmem:s21+$0x64B0]  }
0x2f3: {  	v13 =	vld [tilespmem:s21+$0x64C0]  }
0x2f4: {  	v14 =	vld [tilespmem:s21+$0x64D0]  }
0x2f5: {  	[tilespmem:s21+$0x14F0] =	vst.add.f32.msk $0xffff, v0  }
0x2f6: {  	v0 =	vld [tilespmem:s21+$0x64E0]  }
0x2f7: {  	[tilespmem:s21+$0x1400] =	vst.add.f32.msk $0xffff, v1  }
0x2f8: {  	[tilespmem:s21+$0x1410] =	vst.add.f32.msk $0xffff, v2  }
0x2f9: {  	[tilespmem:s21+$0x1420] =	vst.add.f32.msk $0xffff, v3  }
0x2fa: {  	[tilespmem:s21+$0x1430] =	vst.add.f32.msk $0xffff, v4  }
0x2fb: {  	[tilespmem:s21+$0x1440] =	vst.add.f32.msk $0xffff, v5  }
0x2fc: {  	[tilespmem:s21+$0x1450] =	vst.add.f32.msk $0xffff, v6  }
0x2fd: {  	[tilespmem:s21+$0x1460] =	vst.add.f32.msk $0xffff, v7  }
0x2fe: {  	[tilespmem:s21+$0x1470] =	vst.add.f32.msk $0xffff, v8  }
0x2ff: {  	[tilespmem:s21+$0x1480] =	vst.add.f32.msk $0xffff, v9  }
0x300: {  	[tilespmem:s21+$0x1490] =	vst.add.f32.msk $0xffff, v10  }
0x301: {  	[tilespmem:s21+$0x14A0] =	vst.add.f32.msk $0xffff, v11  }
0x302: {  	[tilespmem:s21+$0x14B0] =	vst.add.f32.msk $0xffff, v12  }
0x303: {  	[tilespmem:s21+$0x14C0] =	vst.add.f32.msk $0xffff, v13  }
0x304: {  	s23 =	simm.s32 $0x0;
	s25 =	simm.s32 $0x400;
	[tilespmem:s21+$0x14D0] =	vst.add.f32.msk $0xffff, v14  }
.LBB2_18:
0x305: {  	s23 =	sadd.s32 $0x8, s23;
	[tilespmem:s21+$0x14E0] =	vst.add.f32.msk $0xffff, v0;
	s21 =	sshra.s32 s25, $0x2  }
0x306: {  	v0 =	vld [tilespmem:s21+$0x64F0];
	p2 =	slt.u32 s23, $0x138  }
0x307: {  	v1 =	vld [tilespmem:s21+$0x6400]  }
0x308: {  	v2 =	vld [tilespmem:s21+$0x6410]  }
0x309: {  	v3 =	vld [tilespmem:s21+$0x6420]  }
0x30a: {  	v4 =	vld [tilespmem:s21+$0x6430]  }
0x30b: {  	[tilespmem:s21+$0x14F0] =	vst.add.f32.msk $0xffff, v0  }
0x30c: {  	v5 =	vld [tilespmem:s21+$0x6440]  }
0x30d: {  	v6 =	vld [tilespmem:s21+$0x6450]  }
0x30e: {  	v7 =	vld [tilespmem:s21+$0x6460]  }
0x30f: {  	v8 =	vld [tilespmem:s21+$0x6470]  }
0x310: {  	v9 =	vld [tilespmem:s21+$0x6480]  }
0x311: {  	v10 =	vld [tilespmem:s21+$0x6490]  }
0x312: {  	v11 =	vld [tilespmem:s21+$0x64A0]  }
0x313: {  	v12 =	vld [tilespmem:s21+$0x64B0]  }
0x314: {  	v13 =	vld [tilespmem:s21+$0x64C0]  }
0x315: {  	v14 =	vld [tilespmem:s21+$0x64D0]  }
0x316: {  	v0 =	vld [tilespmem:s21+$0x64E0]  }
0x317: {  	[tilespmem:s21+$0x1400] =	vst.add.f32.msk $0xffff, v1  }
0x318: {  	[tilespmem:s21+$0x1410] =	vst.add.f32.msk $0xffff, v2  }
0x319: {  	[tilespmem:s21+$0x1420] =	vst.add.f32.msk $0xffff, v3  }
0x31a: {  	[tilespmem:s21+$0x1430] =	vst.add.f32.msk $0xffff, v4  }
0x31b: {  	[tilespmem:s21+$0x1440] =	vst.add.f32.msk $0xffff, v5  }
0x31c: {  	[tilespmem:s21+$0x1450] =	vst.add.f32.msk $0xffff, v6  }
0x31d: {  	[tilespmem:s21+$0x1460] =	vst.add.f32.msk $0xffff, v7  }
0x31e: {  	[tilespmem:s21+$0x1470] =	vst.add.f32.msk $0xffff, v8  }
0x31f: {  	[tilespmem:s21+$0x1480] =	vst.add.f32.msk $0xffff, v9  }
.Ltmp8:
0x320: {  	[tilespmem:s21+$0x1490] =	vst.add.f32.msk $0xffff, v10;
	(pc) =	sbr.rel @p2 .LBB2_18-.Ltmp8, $4  }
0x321: {  	[tilespmem:s21+$0x14A0] =	vst.add.f32.msk $0xffff, v11  }
0x322: {  	[tilespmem:s21+$0x14B0] =	vst.add.f32.msk $0xffff, v12  }
0x323: {  	[tilespmem:s21+$0x14C0] =	vst.add.f32.msk $0xffff, v13  }
0x324: {  	s25 =	sadd.s32 $0x400, s25;
	[tilespmem:s21+$0x14D0] =	vst.add.f32.msk $0xffff, v14  }
0x325: {  	[tilespmem:s21+$0x14E0] =	vst.add.f32.msk $0xffff, v0;
	s23 =	simm.s32 $0xDC0  }
0x326: {  	[tilespmem:s20], [sflag:$0x2] =	stream.indirect.gather [spmem:s3], $0x20, s23, s12, $0xb8;
	[tilespmem:$0xDA40] =	vst v63  }
0x327: {  	s25 =	simm.s32 $0xE10  }
0x328: {  	[tilespmem:s22], [sflag:$0x2] =	stream.indirect.gather [spmem:s3], $0x20, s25, s12, $0xb8;
	[tilespmem:$0xDA40] =	vst v63  }
0x329: {  	s29 =	simm.s32 $0xE60  }
0x32a: {  	[tilespmem:s24], [sflag:$0x2] =	stream.indirect.gather [spmem:s3], $0x20, s29, s12, $0xb8;
	[tilespmem:$0xDA40] =	vst v63  }
0x32b: {  	s31 =	simm.s32 $0xEB0  }
0x32c: {  	[tilespmem:s26], [sflag:$0x2] =	stream.indirect.gather [spmem:s3], $0x20, s31, s12, $0xb8;
	[tilespmem:$0xDA40] =	vst v63  }
0x32d: {  	_ =	swait.ge [sflag:s28], $0xA00  }
0x32e: {  	[sflag:s28] =	ssyncset.done $0x0  }
0x32f: {  	[sflag:s28] =	ssyncadd.s32 $0xFFFFF600  }
0x330: {  	_ =	swait.ge [sflag:s28], $0xA00  }
0x331: {  	[sflag:s28] =	ssyncset.done $0x0  }
0x332: {  	[sflag:s28] =	ssyncadd.s32 $0xFFFFF600  }
0x333: {  	_ =	swait.ge [sflag:s28], $0xA00  }
0x334: {  	[sflag:s28] =	ssyncset.done $0x0  }
0x335: {  	[sflag:s28] =	ssyncadd.s32 $0xFFFFF600  }
0x336: {  	_ =	swait.ge [sflag:s28], $0xA00  }
0x337: {  	[sflag:s28] =	ssyncset.done $0x0  }
0x338: {  	s21 =	simm.s32 $0x0;
	[sflag:s28] =	ssyncadd.s32 $0xFFFFF600  }
0x339: {  	v0 =	vld [tilespmem:s21+$0x3CF0]  }
0x33a: {  	v1 =	vld [tilespmem:s21+$0x3C00]  }
0x33b: {  	v2 =	vld [tilespmem:s21+$0x3C10]  }
0x33c: {  	v3 =	vld [tilespmem:s21+$0x3C20]  }
0x33d: {  	v4 =	vld [tilespmem:s21+$0x3C30]  }
0x33e: {  	v5 =	vld [tilespmem:s21+$0x3C40]  }
0x33f: {  	v6 =	vld [tilespmem:s21+$0x3C50]  }
0x340: {  	v7 =	vld [tilespmem:s21+$0x3C60]  }
0x341: {  	v8 =	vld [tilespmem:s21+$0x3C70]  }
0x342: {  	v9 =	vld [tilespmem:s21+$0x3C80]  }
0x343: {  	v10 =	vld [tilespmem:s21+$0x3C90]  }
0x344: {  	v11 =	vld [tilespmem:s21+$0x3CA0]  }
0x345: {  	v12 =	vld [tilespmem:s21+$0x3CB0]  }
0x346: {  	v13 =	vld [tilespmem:s21+$0x3CC0]  }
0x347: {  	v14 =	vld [tilespmem:s21+$0x3CD0]  }
0x348: {  	[tilespmem:s21+$0x14F0] =	vst.add.f32.msk $0xffff, v0  }
0x349: {  	v0 =	vld [tilespmem:s21+$0x3CE0]  }
0x34a: {  	[tilespmem:s21+$0x1400] =	vst.add.f32.msk $0xffff, v1  }
0x34b: {  	[tilespmem:s21+$0x1410] =	vst.add.f32.msk $0xffff, v2  }
0x34c: {  	[tilespmem:s21+$0x1420] =	vst.add.f32.msk $0xffff, v3  }
0x34d: {  	[tilespmem:s21+$0x1430] =	vst.add.f32.msk $0xffff, v4  }
0x34e: {  	[tilespmem:s21+$0x1440] =	vst.add.f32.msk $0xffff, v5  }
0x34f: {  	[tilespmem:s21+$0x1450] =	vst.add.f32.msk $0xffff, v6  }
0x350: {  	[tilespmem:s21+$0x1460] =	vst.add.f32.msk $0xffff, v7  }
0x351: {  	[tilespmem:s21+$0x1470] =	vst.add.f32.msk $0xffff, v8  }
0x352: {  	[tilespmem:s21+$0x1480] =	vst.add.f32.msk $0xffff, v9  }
0x353: {  	[tilespmem:s21+$0x1490] =	vst.add.f32.msk $0xffff, v10  }
0x354: {  	[tilespmem:s21+$0x14A0] =	vst.add.f32.msk $0xffff, v11  }
0x355: {  	[tilespmem:s21+$0x14B0] =	vst.add.f32.msk $0xffff, v12  }
0x356: {  	[tilespmem:s21+$0x14C0] =	vst.add.f32.msk $0xffff, v13  }
0x357: {  	s23 =	simm.s32 $0x0;
	s25 =	simm.s32 $0x400;
	[tilespmem:s21+$0x14D0] =	vst.add.f32.msk $0xffff, v14  }
.LBB2_20:
0x358: {  	s23 =	sadd.s32 $0x8, s23;
	[tilespmem:s21+$0x14E0] =	vst.add.f32.msk $0xffff, v0;
	s21 =	sshra.s32 s25, $0x2  }
0x359: {  	v0 =	vld [tilespmem:s21+$0x3CF0];
	p2 =	slt.u32 s23, $0x138  }
0x35a: {  	v1 =	vld [tilespmem:s21+$0x3C00]  }
0x35b: {  	v2 =	vld [tilespmem:s21+$0x3C10]  }
0x35c: {  	v3 =	vld [tilespmem:s21+$0x3C20]  }
0x35d: {  	v4 =	vld [tilespmem:s21+$0x3C30]  }
0x35e: {  	[tilespmem:s21+$0x14F0] =	vst.add.f32.msk $0xffff, v0  }
0x35f: {  	v5 =	vld [tilespmem:s21+$0x3C40]  }
0x360: {  	v6 =	vld [tilespmem:s21+$0x3C50]  }
0x361: {  	v7 =	vld [tilespmem:s21+$0x3C60]  }
0x362: {  	v8 =	vld [tilespmem:s21+$0x3C70]  }
0x363: {  	v9 =	vld [tilespmem:s21+$0x3C80]  }
0x364: {  	v10 =	vld [tilespmem:s21+$0x3C90]  }
0x365: {  	v11 =	vld [tilespmem:s21+$0x3CA0]  }
0x366: {  	v12 =	vld [tilespmem:s21+$0x3CB0]  }
0x367: {  	v13 =	vld [tilespmem:s21+$0x3CC0]  }
0x368: {  	v14 =	vld [tilespmem:s21+$0x3CD0]  }
0x369: {  	v0 =	vld [tilespmem:s21+$0x3CE0]  }
0x36a: {  	[tilespmem:s21+$0x1400] =	vst.add.f32.msk $0xffff, v1  }
0x36b: {  	[tilespmem:s21+$0x1410] =	vst.add.f32.msk $0xffff, v2  }
0x36c: {  	[tilespmem:s21+$0x1420] =	vst.add.f32.msk $0xffff, v3  }
0x36d: {  	[tilespmem:s21+$0x1430] =	vst.add.f32.msk $0xffff, v4  }
0x36e: {  	[tilespmem:s21+$0x1440] =	vst.add.f32.msk $0xffff, v5  }
0x36f: {  	[tilespmem:s21+$0x1450] =	vst.add.f32.msk $0xffff, v6  }
0x370: {  	[tilespmem:s21+$0x1460] =	vst.add.f32.msk $0xffff, v7  }
0x371: {  	[tilespmem:s21+$0x1470] =	vst.add.f32.msk $0xffff, v8  }
0x372: {  	[tilespmem:s21+$0x1480] =	vst.add.f32.msk $0xffff, v9  }
.Ltmp9:
0x373: {  	[tilespmem:s21+$0x1490] =	vst.add.f32.msk $0xffff, v10;
	(pc) =	sbr.rel @p2 .LBB2_20-.Ltmp9, $4  }
0x374: {  	[tilespmem:s21+$0x14A0] =	vst.add.f32.msk $0xffff, v11  }
0x375: {  	[tilespmem:s21+$0x14B0] =	vst.add.f32.msk $0xffff, v12  }
0x376: {  	[tilespmem:s21+$0x14C0] =	vst.add.f32.msk $0xffff, v13  }
0x377: {  	s25 =	sadd.s32 $0x400, s25;
	[tilespmem:s21+$0x14D0] =	vst.add.f32.msk $0xffff, v14  }
0x378: {  	[tilespmem:s21+$0x14E0] =	vst.add.f32.msk $0xffff, v0;
	s23 =	simm.s32 $0xF00  }
0x379: {  	[tilespmem:s30], [sflag:$0x1] =	stream.indirect.gather [spmem:s3], $0x20, s23, s12, $0xb8;
	[tilespmem:$0xDA40] =	vst v63  }
0x37a: {  	s25 =	simm.s32 $0xF50  }
0x37b: {  	[tilespmem:s1], [sflag:$0x1] =	stream.indirect.gather [spmem:s3], $0x20, s25, s12, $0xb8;
	[tilespmem:$0xDA40] =	vst v63  }
0x37c: {  	s29 =	simm.s32 $0xFA0  }
0x37d: {  	[tilespmem:s2], [sflag:$0x1] =	stream.indirect.gather [spmem:s3], $0x20, s29, s12, $0xb8;
	[tilespmem:$0xDA40] =	vst v63  }
0x37e: {  	s31 =	simm.s32 $0xFF0  }
0x37f: {  	[tilespmem:s13], [sflag:$0x1] =	stream.indirect.gather [spmem:s3], $0x20, s31, s12, $0xb8;
	[tilespmem:$0xDA40] =	vst v63  }
0x380: {  	_ =	swait.ge [sflag:s14], $0xA00  }
0x381: {  	[sflag:s14] =	ssyncset.done $0x0  }
0x382: {  	[sflag:s14] =	ssyncadd.s32 $0xFFFFF600  }
0x383: {  	_ =	swait.ge [sflag:s14], $0xA00  }
0x384: {  	[sflag:s14] =	ssyncset.done $0x0  }
0x385: {  	[sflag:s14] =	ssyncadd.s32 $0xFFFFF600  }
0x386: {  	_ =	swait.ge [sflag:s14], $0xA00  }
0x387: {  	[sflag:s14] =	ssyncset.done $0x0  }
0x388: {  	[sflag:s14] =	ssyncadd.s32 $0xFFFFF600  }
0x389: {  	_ =	swait.ge [sflag:s14], $0xA00  }
0x38a: {  	[sflag:s14] =	ssyncset.done $0x0  }
0x38b: {  	s21 =	simm.s32 $0x0;
	[sflag:s14] =	ssyncadd.s32 $0xFFFFF600  }
0x38c: {  	v0 =	vld [tilespmem:s21+$0x64F0]  }
0x38d: {  	v1 =	vld [tilespmem:s21+$0x6400]  }
0x38e: {  	v2 =	vld [tilespmem:s21+$0x6410]  }
0x38f: {  	v3 =	vld [tilespmem:s21+$0x6420]  }
0x390: {  	v4 =	vld [tilespmem:s21+$0x6430]  }
0x391: {  	v5 =	vld [tilespmem:s21+$0x6440]  }
0x392: {  	v6 =	vld [tilespmem:s21+$0x6450]  }
0x393: {  	v7 =	vld [tilespmem:s21+$0x6460]  }
0x394: {  	v8 =	vld [tilespmem:s21+$0x6470]  }
0x395: {  	v9 =	vld [tilespmem:s21+$0x6480]  }
0x396: {  	v10 =	vld [tilespmem:s21+$0x6490]  }
0x397: {  	v11 =	vld [tilespmem:s21+$0x64A0]  }
0x398: {  	v12 =	vld [tilespmem:s21+$0x64B0]  }
0x399: {  	v13 =	vld [tilespmem:s21+$0x64C0]  }
0x39a: {  	v14 =	vld [tilespmem:s21+$0x64D0]  }
0x39b: {  	[tilespmem:s21+$0x14F0] =	vst.add.f32.msk $0xffff, v0  }
0x39c: {  	v0 =	vld [tilespmem:s21+$0x64E0]  }
0x39d: {  	[tilespmem:s21+$0x1400] =	vst.add.f32.msk $0xffff, v1  }
0x39e: {  	[tilespmem:s21+$0x1410] =	vst.add.f32.msk $0xffff, v2  }
0x39f: {  	[tilespmem:s21+$0x1420] =	vst.add.f32.msk $0xffff, v3  }
0x3a0: {  	[tilespmem:s21+$0x1430] =	vst.add.f32.msk $0xffff, v4  }
0x3a1: {  	[tilespmem:s21+$0x1440] =	vst.add.f32.msk $0xffff, v5  }
0x3a2: {  	[tilespmem:s21+$0x1450] =	vst.add.f32.msk $0xffff, v6  }
0x3a3: {  	[tilespmem:s21+$0x1460] =	vst.add.f32.msk $0xffff, v7  }
0x3a4: {  	[tilespmem:s21+$0x1470] =	vst.add.f32.msk $0xffff, v8  }
0x3a5: {  	[tilespmem:s21+$0x1480] =	vst.add.f32.msk $0xffff, v9  }
0x3a6: {  	[tilespmem:s21+$0x1490] =	vst.add.f32.msk $0xffff, v10  }
0x3a7: {  	[tilespmem:s21+$0x14A0] =	vst.add.f32.msk $0xffff, v11  }
0x3a8: {  	[tilespmem:s21+$0x14B0] =	vst.add.f32.msk $0xffff, v12  }
0x3a9: {  	[tilespmem:s21+$0x14C0] =	vst.add.f32.msk $0xffff, v13  }
0x3aa: {  	s23 =	simm.s32 $0x0;
	s25 =	simm.s32 $0x400;
	[tilespmem:s21+$0x14D0] =	vst.add.f32.msk $0xffff, v14  }
.LBB2_22:
0x3ab: {  	s23 =	sadd.s32 $0x8, s23;
	[tilespmem:s21+$0x14E0] =	vst.add.f32.msk $0xffff, v0;
	s21 =	sshra.s32 s25, $0x2  }
0x3ac: {  	v0 =	vld [tilespmem:s21+$0x64F0];
	p2 =	slt.u32 s23, $0x138  }
0x3ad: {  	v1 =	vld [tilespmem:s21+$0x6400]  }
0x3ae: {  	v2 =	vld [tilespmem:s21+$0x6410]  }
0x3af: {  	v3 =	vld [tilespmem:s21+$0x6420]  }
0x3b0: {  	v4 =	vld [tilespmem:s21+$0x6430]  }
0x3b1: {  	[tilespmem:s21+$0x14F0] =	vst.add.f32.msk $0xffff, v0  }
0x3b2: {  	v5 =	vld [tilespmem:s21+$0x6440]  }
0x3b3: {  	v6 =	vld [tilespmem:s21+$0x6450]  }
0x3b4: {  	v7 =	vld [tilespmem:s21+$0x6460]  }
0x3b5: {  	v8 =	vld [tilespmem:s21+$0x6470]  }
0x3b6: {  	v9 =	vld [tilespmem:s21+$0x6480]  }
0x3b7: {  	v10 =	vld [tilespmem:s21+$0x6490]  }
0x3b8: {  	v11 =	vld [tilespmem:s21+$0x64A0]  }
0x3b9: {  	v12 =	vld [tilespmem:s21+$0x64B0]  }
0x3ba: {  	v13 =	vld [tilespmem:s21+$0x64C0]  }
0x3bb: {  	v14 =	vld [tilespmem:s21+$0x64D0]  }
0x3bc: {  	v0 =	vld [tilespmem:s21+$0x64E0]  }
0x3bd: {  	[tilespmem:s21+$0x1400] =	vst.add.f32.msk $0xffff, v1  }
0x3be: {  	[tilespmem:s21+$0x1410] =	vst.add.f32.msk $0xffff, v2  }
0x3bf: {  	[tilespmem:s21+$0x1420] =	vst.add.f32.msk $0xffff, v3  }
0x3c0: {  	[tilespmem:s21+$0x1430] =	vst.add.f32.msk $0xffff, v4  }
0x3c1: {  	[tilespmem:s21+$0x1440] =	vst.add.f32.msk $0xffff, v5  }
0x3c2: {  	[tilespmem:s21+$0x1450] =	vst.add.f32.msk $0xffff, v6  }
0x3c3: {  	[tilespmem:s21+$0x1460] =	vst.add.f32.msk $0xffff, v7  }
0x3c4: {  	[tilespmem:s21+$0x1470] =	vst.add.f32.msk $0xffff, v8  }
0x3c5: {  	[tilespmem:s21+$0x1480] =	vst.add.f32.msk $0xffff, v9  }
.Ltmp10:
0x3c6: {  	[tilespmem:s21+$0x1490] =	vst.add.f32.msk $0xffff, v10;
	(pc) =	sbr.rel @p2 .LBB2_22-.Ltmp10, $4  }
0x3c7: {  	[tilespmem:s21+$0x14A0] =	vst.add.f32.msk $0xffff, v11  }
0x3c8: {  	[tilespmem:s21+$0x14B0] =	vst.add.f32.msk $0xffff, v12  }
0x3c9: {  	[tilespmem:s21+$0x14C0] =	vst.add.f32.msk $0xffff, v13  }
0x3ca: {  	s25 =	sadd.s32 $0x400, s25;
	[tilespmem:s21+$0x14D0] =	vst.add.f32.msk $0xffff, v14  }
0x3cb: {  	[tilespmem:s21+$0x14E0] =	vst.add.f32.msk $0xffff, v0;
	s23 =	simm.s32 $0x1040  }
0x3cc: {  	[tilespmem:s20], [sflag:$0x2] =	stream.indirect.gather [spmem:s3], $0x20, s23, s12, $0xb8;
	[tilespmem:$0xDA40] =	vst v63  }
0x3cd: {  	s25 =	simm.s32 $0x1090  }
0x3ce: {  	[tilespmem:s22], [sflag:$0x2] =	stream.indirect.gather [spmem:s3], $0x20, s25, s12, $0xb8;
	[tilespmem:$0xDA40] =	vst v63  }
0x3cf: {  	s29 =	simm.s32 $0x10E0  }
0x3d0: {  	[tilespmem:s24], [sflag:$0x2] =	stream.indirect.gather [spmem:s3], $0x20, s29, s12, $0xb8;
	[tilespmem:$0xDA40] =	vst v63  }
0x3d1: {  	s31 =	simm.s32 $0x1130  }
0x3d2: {  	[tilespmem:s26], [sflag:$0x2] =	stream.indirect.gather [spmem:s3], $0x20, s31, s12, $0xb8;
	[tilespmem:$0xDA40] =	vst v63  }
0x3d3: {  	_ =	swait.ge [sflag:s28], $0xA00  }
0x3d4: {  	[sflag:s28] =	ssyncset.done $0x0  }
0x3d5: {  	[sflag:s28] =	ssyncadd.s32 $0xFFFFF600  }
0x3d6: {  	_ =	swait.ge [sflag:s28], $0xA00  }
0x3d7: {  	[sflag:s28] =	ssyncset.done $0x0  }
0x3d8: {  	[sflag:s28] =	ssyncadd.s32 $0xFFFFF600  }
0x3d9: {  	_ =	swait.ge [sflag:s28], $0xA00  }
0x3da: {  	[sflag:s28] =	ssyncset.done $0x0  }
0x3db: {  	[sflag:s28] =	ssyncadd.s32 $0xFFFFF600  }
0x3dc: {  	_ =	swait.ge [sflag:s28], $0xA00  }
0x3dd: {  	[sflag:s28] =	ssyncset.done $0x0  }
0x3de: {  	s21 =	simm.s32 $0x0;
	[sflag:s28] =	ssyncadd.s32 $0xFFFFF600  }
0x3df: {  	v0 =	vld [tilespmem:s21+$0x3CF0]  }
0x3e0: {  	v1 =	vld [tilespmem:s21+$0x3C00]  }
0x3e1: {  	v2 =	vld [tilespmem:s21+$0x3C10]  }
0x3e2: {  	v3 =	vld [tilespmem:s21+$0x3C20]  }
0x3e3: {  	v4 =	vld [tilespmem:s21+$0x3C30]  }
0x3e4: {  	v5 =	vld [tilespmem:s21+$0x3C40]  }
0x3e5: {  	v6 =	vld [tilespmem:s21+$0x3C50]  }
0x3e6: {  	v7 =	vld [tilespmem:s21+$0x3C60]  }
0x3e7: {  	v8 =	vld [tilespmem:s21+$0x3C70]  }
0x3e8: {  	v9 =	vld [tilespmem:s21+$0x3C80]  }
0x3e9: {  	v10 =	vld [tilespmem:s21+$0x3C90]  }
0x3ea: {  	v11 =	vld [tilespmem:s21+$0x3CA0]  }
0x3eb: {  	v12 =	vld [tilespmem:s21+$0x3CB0]  }
0x3ec: {  	v13 =	vld [tilespmem:s21+$0x3CC0]  }
0x3ed: {  	v14 =	vld [tilespmem:s21+$0x3CD0]  }
0x3ee: {  	[tilespmem:s21+$0x14F0] =	vst.add.f32.msk $0xffff, v0  }
0x3ef: {  	v0 =	vld [tilespmem:s21+$0x3CE0]  }
0x3f0: {  	[tilespmem:s21+$0x1400] =	vst.add.f32.msk $0xffff, v1  }
0x3f1: {  	[tilespmem:s21+$0x1410] =	vst.add.f32.msk $0xffff, v2  }
0x3f2: {  	[tilespmem:s21+$0x1420] =	vst.add.f32.msk $0xffff, v3  }
0x3f3: {  	[tilespmem:s21+$0x1430] =	vst.add.f32.msk $0xffff, v4  }
0x3f4: {  	[tilespmem:s21+$0x1440] =	vst.add.f32.msk $0xffff, v5  }
0x3f5: {  	[tilespmem:s21+$0x1450] =	vst.add.f32.msk $0xffff, v6  }
0x3f6: {  	[tilespmem:s21+$0x1460] =	vst.add.f32.msk $0xffff, v7  }
0x3f7: {  	[tilespmem:s21+$0x1470] =	vst.add.f32.msk $0xffff, v8  }
0x3f8: {  	[tilespmem:s21+$0x1480] =	vst.add.f32.msk $0xffff, v9  }
0x3f9: {  	[tilespmem:s21+$0x1490] =	vst.add.f32.msk $0xffff, v10  }
0x3fa: {  	[tilespmem:s21+$0x14A0] =	vst.add.f32.msk $0xffff, v11  }
0x3fb: {  	[tilespmem:s21+$0x14B0] =	vst.add.f32.msk $0xffff, v12  }
0x3fc: {  	[tilespmem:s21+$0x14C0] =	vst.add.f32.msk $0xffff, v13  }
0x3fd: {  	s23 =	simm.s32 $0x0;
	s25 =	simm.s32 $0x400;
	[tilespmem:s21+$0x14D0] =	vst.add.f32.msk $0xffff, v14  }
.LBB2_24:
0x3fe: {  	s23 =	sadd.s32 $0x8, s23;
	[tilespmem:s21+$0x14E0] =	vst.add.f32.msk $0xffff, v0;
	s21 =	sshra.s32 s25, $0x2  }
0x3ff: {  	v0 =	vld [tilespmem:s21+$0x3CF0];
	p2 =	slt.u32 s23, $0x138  }
0x400: {  	v1 =	vld [tilespmem:s21+$0x3C00]  }
0x401: {  	v2 =	vld [tilespmem:s21+$0x3C10]  }
0x402: {  	v3 =	vld [tilespmem:s21+$0x3C20]  }
0x403: {  	v4 =	vld [tilespmem:s21+$0x3C30]  }
0x404: {  	[tilespmem:s21+$0x14F0] =	vst.add.f32.msk $0xffff, v0  }
0x405: {  	v5 =	vld [tilespmem:s21+$0x3C40]  }
0x406: {  	v6 =	vld [tilespmem:s21+$0x3C50]  }
0x407: {  	v7 =	vld [tilespmem:s21+$0x3C60]  }
0x408: {  	v8 =	vld [tilespmem:s21+$0x3C70]  }
0x409: {  	v9 =	vld [tilespmem:s21+$0x3C80]  }
0x40a: {  	v10 =	vld [tilespmem:s21+$0x3C90]  }
0x40b: {  	v11 =	vld [tilespmem:s21+$0x3CA0]  }
0x40c: {  	v12 =	vld [tilespmem:s21+$0x3CB0]  }
0x40d: {  	v13 =	vld [tilespmem:s21+$0x3CC0]  }
0x40e: {  	v14 =	vld [tilespmem:s21+$0x3CD0]  }
0x40f: {  	v0 =	vld [tilespmem:s21+$0x3CE0]  }
0x410: {  	[tilespmem:s21+$0x1400] =	vst.add.f32.msk $0xffff, v1  }
0x411: {  	[tilespmem:s21+$0x1410] =	vst.add.f32.msk $0xffff, v2  }
0x412: {  	[tilespmem:s21+$0x1420] =	vst.add.f32.msk $0xffff, v3  }
0x413: {  	[tilespmem:s21+$0x1430] =	vst.add.f32.msk $0xffff, v4  }
0x414: {  	[tilespmem:s21+$0x1440] =	vst.add.f32.msk $0xffff, v5  }
0x415: {  	[tilespmem:s21+$0x1450] =	vst.add.f32.msk $0xffff, v6  }
0x416: {  	[tilespmem:s21+$0x1460] =	vst.add.f32.msk $0xffff, v7  }
0x417: {  	[tilespmem:s21+$0x1470] =	vst.add.f32.msk $0xffff, v8  }
0x418: {  	[tilespmem:s21+$0x1480] =	vst.add.f32.msk $0xffff, v9  }
.Ltmp11:
0x419: {  	[tilespmem:s21+$0x1490] =	vst.add.f32.msk $0xffff, v10;
	(pc) =	sbr.rel @p2 .LBB2_24-.Ltmp11, $4  }
0x41a: {  	[tilespmem:s21+$0x14A0] =	vst.add.f32.msk $0xffff, v11  }
0x41b: {  	[tilespmem:s21+$0x14B0] =	vst.add.f32.msk $0xffff, v12  }
0x41c: {  	[tilespmem:s21+$0x14C0] =	vst.add.f32.msk $0xffff, v13  }
0x41d: {  	s25 =	sadd.s32 $0x400, s25;
	[tilespmem:s21+$0x14D0] =	vst.add.f32.msk $0xffff, v14  }
0x41e: {  	[tilespmem:s21+$0x14E0] =	vst.add.f32.msk $0xffff, v0;
	s29 =	simm.s32 $0x1180  }
0x41f: {  	[tilespmem:s30], [sflag:$0x1] =	stream.indirect.gather [spmem:s3], $0x20, s29, s12, $0xb8;
	[tilespmem:$0xDA40] =	vst v63  }
0x420: {  	s31 =	simm.s32 $0x11D0  }
0x421: {  	[tilespmem:s1], [sflag:$0x1] =	stream.indirect.gather [spmem:s3], $0x20, s31, s12, $0xb8;
	[tilespmem:$0xDA40] =	vst v63  }
0x422: {  	_ = 	snop  }
0x423: {  	[tilespmem:s2], [sflag:$0x1] =	stream.indirect.gather [spmem:s3], $0x20, s0, s12, $0xb8;
	[tilespmem:$0xDA40] =	vst v63  }
0x424: {  	_ = 	snop  }
0x425: {  	[tilespmem:s13], [sflag:$0x1] =	stream.indirect.gather [spmem:s3], $0x20, s11, s12, $0xb8;
	[tilespmem:$0xDA40] =	vst v63  }
0x426: {  	_ =	swait.ge [sflag:s14], $0xA00  }
0x427: {  	[sflag:s14] =	ssyncset.done $0x0  }
0x428: {  	[sflag:s14] =	ssyncadd.s32 $0xFFFFF600  }
0x429: {  	_ =	swait.ge [sflag:s14], $0xA00  }
0x42a: {  	[sflag:s14] =	ssyncset.done $0x0  }
0x42b: {  	[sflag:s14] =	ssyncadd.s32 $0xFFFFF600  }
0x42c: {  	_ =	swait.ge [sflag:s14], $0xA00  }
0x42d: {  	[sflag:s14] =	ssyncset.done $0x0  }
0x42e: {  	[sflag:s14] =	ssyncadd.s32 $0xFFFFF600  }
0x42f: {  	_ =	swait.ge [sflag:s14], $0xA00  }
0x430: {  	[sflag:s14] =	ssyncset.done $0x0  }
0x431: {  	s21 =	simm.s32 $0x0;
	[sflag:s14] =	ssyncadd.s32 $0xFFFFF600  }
0x432: {  	v0 =	vld [tilespmem:s21+$0x64F0]  }
0x433: {  	v1 =	vld [tilespmem:s21+$0x6400]  }
0x434: {  	v2 =	vld [tilespmem:s21+$0x6410]  }
0x435: {  	v3 =	vld [tilespmem:s21+$0x6420]  }
0x436: {  	v4 =	vld [tilespmem:s21+$0x6430]  }
0x437: {  	v5 =	vld [tilespmem:s21+$0x6440]  }
0x438: {  	v6 =	vld [tilespmem:s21+$0x6450]  }
0x439: {  	v7 =	vld [tilespmem:s21+$0x6460]  }
0x43a: {  	v8 =	vld [tilespmem:s21+$0x6470]  }
0x43b: {  	v9 =	vld [tilespmem:s21+$0x6480]  }
0x43c: {  	v10 =	vld [tilespmem:s21+$0x6490]  }
0x43d: {  	v11 =	vld [tilespmem:s21+$0x64A0]  }
0x43e: {  	v12 =	vld [tilespmem:s21+$0x64B0]  }
0x43f: {  	v13 =	vld [tilespmem:s21+$0x64C0]  }
0x440: {  	v14 =	vld [tilespmem:s21+$0x64D0]  }
0x441: {  	[tilespmem:s21+$0x14F0] =	vst.add.f32.msk $0xffff, v0  }
0x442: {  	v0 =	vld [tilespmem:s21+$0x64E0]  }
0x443: {  	[tilespmem:s21+$0x1400] =	vst.add.f32.msk $0xffff, v1  }
0x444: {  	[tilespmem:s21+$0x1410] =	vst.add.f32.msk $0xffff, v2  }
0x445: {  	[tilespmem:s21+$0x1420] =	vst.add.f32.msk $0xffff, v3  }
0x446: {  	[tilespmem:s21+$0x1430] =	vst.add.f32.msk $0xffff, v4  }
0x447: {  	[tilespmem:s21+$0x1440] =	vst.add.f32.msk $0xffff, v5  }
0x448: {  	[tilespmem:s21+$0x1450] =	vst.add.f32.msk $0xffff, v6  }
0x449: {  	[tilespmem:s21+$0x1460] =	vst.add.f32.msk $0xffff, v7  }
0x44a: {  	[tilespmem:s21+$0x1470] =	vst.add.f32.msk $0xffff, v8  }
0x44b: {  	[tilespmem:s21+$0x1480] =	vst.add.f32.msk $0xffff, v9  }
0x44c: {  	[tilespmem:s21+$0x1490] =	vst.add.f32.msk $0xffff, v10  }
0x44d: {  	[tilespmem:s21+$0x14A0] =	vst.add.f32.msk $0xffff, v11  }
0x44e: {  	[tilespmem:s21+$0x14B0] =	vst.add.f32.msk $0xffff, v12  }
0x44f: {  	[tilespmem:s21+$0x14C0] =	vst.add.f32.msk $0xffff, v13  }
0x450: {  	s23 =	simm.s32 $0x0;
	s25 =	simm.s32 $0x400;
	[tilespmem:s21+$0x14D0] =	vst.add.f32.msk $0xffff, v14  }
.LBB2_26:
0x451: {  	s23 =	sadd.s32 $0x8, s23;
	[tilespmem:s21+$0x14E0] =	vst.add.f32.msk $0xffff, v0;
	s21 =	sshra.s32 s25, $0x2  }
0x452: {  	v0 =	vld [tilespmem:s21+$0x64F0];
	p2 =	slt.u32 s23, $0x138  }
0x453: {  	v1 =	vld [tilespmem:s21+$0x6400]  }
0x454: {  	v2 =	vld [tilespmem:s21+$0x6410]  }
0x455: {  	v3 =	vld [tilespmem:s21+$0x6420]  }
0x456: {  	v4 =	vld [tilespmem:s21+$0x6430]  }
0x457: {  	[tilespmem:s21+$0x14F0] =	vst.add.f32.msk $0xffff, v0  }
0x458: {  	v5 =	vld [tilespmem:s21+$0x6440]  }
0x459: {  	v6 =	vld [tilespmem:s21+$0x6450]  }
0x45a: {  	v7 =	vld [tilespmem:s21+$0x6460]  }
0x45b: {  	v8 =	vld [tilespmem:s21+$0x6470]  }
0x45c: {  	v9 =	vld [tilespmem:s21+$0x6480]  }
0x45d: {  	v10 =	vld [tilespmem:s21+$0x6490]  }
0x45e: {  	v11 =	vld [tilespmem:s21+$0x64A0]  }
0x45f: {  	v12 =	vld [tilespmem:s21+$0x64B0]  }
0x460: {  	v13 =	vld [tilespmem:s21+$0x64C0]  }
0x461: {  	v14 =	vld [tilespmem:s21+$0x64D0]  }
0x462: {  	v0 =	vld [tilespmem:s21+$0x64E0]  }
0x463: {  	[tilespmem:s21+$0x1400] =	vst.add.f32.msk $0xffff, v1  }
0x464: {  	[tilespmem:s21+$0x1410] =	vst.add.f32.msk $0xffff, v2  }
0x465: {  	[tilespmem:s21+$0x1420] =	vst.add.f32.msk $0xffff, v3  }
0x466: {  	[tilespmem:s21+$0x1430] =	vst.add.f32.msk $0xffff, v4  }
0x467: {  	[tilespmem:s21+$0x1440] =	vst.add.f32.msk $0xffff, v5  }
0x468: {  	[tilespmem:s21+$0x1450] =	vst.add.f32.msk $0xffff, v6  }
0x469: {  	[tilespmem:s21+$0x1460] =	vst.add.f32.msk $0xffff, v7  }
0x46a: {  	[tilespmem:s21+$0x1470] =	vst.add.f32.msk $0xffff, v8  }
0x46b: {  	[tilespmem:s21+$0x1480] =	vst.add.f32.msk $0xffff, v9  }
.Ltmp12:
0x46c: {  	[tilespmem:s21+$0x1490] =	vst.add.f32.msk $0xffff, v10;
	(pc) =	sbr.rel @p2 .LBB2_26-.Ltmp12, $4  }
0x46d: {  	[tilespmem:s21+$0x14A0] =	vst.add.f32.msk $0xffff, v11  }
0x46e: {  	[tilespmem:s21+$0x14B0] =	vst.add.f32.msk $0xffff, v12  }
0x46f: {  	[tilespmem:s21+$0x14C0] =	vst.add.f32.msk $0xffff, v13  }
0x470: {  	s25 =	sadd.s32 $0x400, s25;
	[tilespmem:s21+$0x14D0] =	vst.add.f32.msk $0xffff, v14  }
0x471: {  	[tilespmem:s21+$0x14E0] =	vst.add.f32.msk $0xffff, v0  }
0x472: {  	[tilespmem:s20], [sflag:$0x2] =	stream.indirect.gather [spmem:s3], $0x20, s15, s12, $0xb8;
	[tilespmem:$0xDA40] =	vst v63  }
0x473: {  	_ = 	snop  }
0x474: {  	[tilespmem:s22], [sflag:$0x2] =	stream.indirect.gather [spmem:s3], $0x20, s16, s12, $0xb8;
	[tilespmem:$0xDA40] =	vst v63  }
0x475: {  	_ = 	snop  }
0x476: {  	[tilespmem:s24], [sflag:$0x2] =	stream.indirect.gather [spmem:s3], $0x20, s17, s12, $0xb8;
	[tilespmem:$0xDA40] =	vst v63  }
0x477: {  	_ = 	snop  }
0x478: {  	[tilespmem:s26], [sflag:$0x2] =	stream.indirect.gather [spmem:s3], $0x20, s18, s12, $0xb8;
	[tilespmem:$0xDA40] =	vst v63  }
0x479: {  	_ =	swait.ge [sflag:s28], $0xA00  }
0x47a: {  	[sflag:s28] =	ssyncset.done $0x0  }
0x47b: {  	[sflag:s28] =	ssyncadd.s32 $0xFFFFF600  }
0x47c: {  	_ =	swait.ge [sflag:s28], $0xA00  }
0x47d: {  	[sflag:s28] =	ssyncset.done $0x0  }
0x47e: {  	[sflag:s28] =	ssyncadd.s32 $0xFFFFF600  }
0x47f: {  	_ =	swait.ge [sflag:s28], $0xA00  }
0x480: {  	[sflag:s28] =	ssyncset.done $0x0  }
0x481: {  	[sflag:s28] =	ssyncadd.s32 $0xFFFFF600  }
0x482: {  	_ =	swait.ge [sflag:s28], $0xA00  }
0x483: {  	[sflag:s28] =	ssyncset.done $0x0  }
0x484: {  	s21 =	simm.s32 $0x0;
	[sflag:s28] =	ssyncadd.s32 $0xFFFFF600  }
0x485: {  	v0 =	vld [tilespmem:s21+$0x3CF0]  }
0x486: {  	v1 =	vld [tilespmem:s21+$0x3C00]  }
0x487: {  	v2 =	vld [tilespmem:s21+$0x3C10]  }
0x488: {  	v3 =	vld [tilespmem:s21+$0x3C20]  }
0x489: {  	v4 =	vld [tilespmem:s21+$0x3C30]  }
0x48a: {  	v5 =	vld [tilespmem:s21+$0x3C40]  }
0x48b: {  	v6 =	vld [tilespmem:s21+$0x3C50]  }
0x48c: {  	v7 =	vld [tilespmem:s21+$0x3C60]  }
0x48d: {  	v8 =	vld [tilespmem:s21+$0x3C70]  }
0x48e: {  	v9 =	vld [tilespmem:s21+$0x3C80]  }
0x48f: {  	v10 =	vld [tilespmem:s21+$0x3C90]  }
0x490: {  	v11 =	vld [tilespmem:s21+$0x3CA0]  }
0x491: {  	v12 =	vld [tilespmem:s21+$0x3CB0]  }
0x492: {  	v13 =	vld [tilespmem:s21+$0x3CC0]  }
0x493: {  	v14 =	vld [tilespmem:s21+$0x3CD0]  }
0x494: {  	[tilespmem:s21+$0x14F0] =	vst.add.f32.msk $0xffff, v0  }
0x495: {  	v0 =	vld [tilespmem:s21+$0x3CE0]  }
0x496: {  	[tilespmem:s21+$0x1400] =	vst.add.f32.msk $0xffff, v1  }
0x497: {  	[tilespmem:s21+$0x1410] =	vst.add.f32.msk $0xffff, v2  }
0x498: {  	[tilespmem:s21+$0x1420] =	vst.add.f32.msk $0xffff, v3  }
0x499: {  	[tilespmem:s21+$0x1430] =	vst.add.f32.msk $0xffff, v4  }
0x49a: {  	[tilespmem:s21+$0x1440] =	vst.add.f32.msk $0xffff, v5  }
0x49b: {  	[tilespmem:s21+$0x1450] =	vst.add.f32.msk $0xffff, v6  }
0x49c: {  	[tilespmem:s21+$0x1460] =	vst.add.f32.msk $0xffff, v7  }
0x49d: {  	[tilespmem:s21+$0x1470] =	vst.add.f32.msk $0xffff, v8  }
0x49e: {  	[tilespmem:s21+$0x1480] =	vst.add.f32.msk $0xffff, v9  }
0x49f: {  	[tilespmem:s21+$0x1490] =	vst.add.f32.msk $0xffff, v10  }
0x4a0: {  	[tilespmem:s21+$0x14A0] =	vst.add.f32.msk $0xffff, v11  }
0x4a1: {  	[tilespmem:s21+$0x14B0] =	vst.add.f32.msk $0xffff, v12  }
0x4a2: {  	[tilespmem:s21+$0x14C0] =	vst.add.f32.msk $0xffff, v13  }
0x4a3: {  	s23 =	simm.s32 $0x0;
	s25 =	simm.s32 $0x400;
	[tilespmem:s21+$0x14D0] =	vst.add.f32.msk $0xffff, v14  }
.LBB2_28:
0x4a4: {  	s23 =	sadd.s32 $0x8, s23;
	[tilespmem:s21+$0x14E0] =	vst.add.f32.msk $0xffff, v0;
	s21 =	sshra.s32 s25, $0x2  }
0x4a5: {  	v0 =	vld [tilespmem:s21+$0x3CF0];
	p2 =	slt.u32 s23, $0x138  }
0x4a6: {  	v1 =	vld [tilespmem:s21+$0x3C00]  }
0x4a7: {  	v2 =	vld [tilespmem:s21+$0x3C10]  }
0x4a8: {  	v3 =	vld [tilespmem:s21+$0x3C20]  }
0x4a9: {  	v4 =	vld [tilespmem:s21+$0x3C30]  }
0x4aa: {  	[tilespmem:s21+$0x14F0] =	vst.add.f32.msk $0xffff, v0  }
0x4ab: {  	v5 =	vld [tilespmem:s21+$0x3C40]  }
0x4ac: {  	v6 =	vld [tilespmem:s21+$0x3C50]  }
0x4ad: {  	v7 =	vld [tilespmem:s21+$0x3C60]  }
0x4ae: {  	v8 =	vld [tilespmem:s21+$0x3C70]  }
0x4af: {  	v9 =	vld [tilespmem:s21+$0x3C80]  }
0x4b0: {  	v10 =	vld [tilespmem:s21+$0x3C90]  }
0x4b1: {  	v11 =	vld [tilespmem:s21+$0x3CA0]  }
0x4b2: {  	v12 =	vld [tilespmem:s21+$0x3CB0]  }
0x4b3: {  	v13 =	vld [tilespmem:s21+$0x3CC0]  }
0x4b4: {  	v14 =	vld [tilespmem:s21+$0x3CD0]  }
0x4b5: {  	v0 =	vld [tilespmem:s21+$0x3CE0]  }
0x4b6: {  	[tilespmem:s21+$0x1400] =	vst.add.f32.msk $0xffff, v1  }
0x4b7: {  	[tilespmem:s21+$0x1410] =	vst.add.f32.msk $0xffff, v2  }
0x4b8: {  	[tilespmem:s21+$0x1420] =	vst.add.f32.msk $0xffff, v3  }
0x4b9: {  	[tilespmem:s21+$0x1430] =	vst.add.f32.msk $0xffff, v4  }
0x4ba: {  	[tilespmem:s21+$0x1440] =	vst.add.f32.msk $0xffff, v5  }
0x4bb: {  	[tilespmem:s21+$0x1450] =	vst.add.f32.msk $0xffff, v6  }
0x4bc: {  	[tilespmem:s21+$0x1460] =	vst.add.f32.msk $0xffff, v7  }
0x4bd: {  	[tilespmem:s21+$0x1470] =	vst.add.f32.msk $0xffff, v8  }
0x4be: {  	[tilespmem:s21+$0x1480] =	vst.add.f32.msk $0xffff, v9  }
.Ltmp13:
0x4bf: {  	[tilespmem:s21+$0x1490] =	vst.add.f32.msk $0xffff, v10;
	(pc) =	sbr.rel @p2 .LBB2_28-.Ltmp13, $4  }
0x4c0: {  	[tilespmem:s21+$0x14A0] =	vst.add.f32.msk $0xffff, v11  }
0x4c1: {  	[tilespmem:s21+$0x14B0] =	vst.add.f32.msk $0xffff, v12  }
0x4c2: {  	[tilespmem:s21+$0x14C0] =	vst.add.f32.msk $0xffff, v13  }
0x4c3: {  	s25 =	sadd.s32 $0x400, s25;
	[tilespmem:s21+$0x14D0] =	vst.add.f32.msk $0xffff, v14  }
0x4c4: {  	[tilespmem:s21+$0x14E0] =	vst.add.f32.msk $0xffff, v0  }
0x4c5: {  	_ =	swait.ge [sflag:s14], $0xA00  }
0x4c6: {  	[sflag:s14] =	ssyncset.done $0x0  }
0x4c7: {  	[sflag:s14] =	ssyncadd.s32 $0xFFFFF600  }
0x4c8: {  	_ =	swait.ge [sflag:s14], $0xA00  }
0x4c9: {  	[sflag:s14] =	ssyncset.done $0x0  }
0x4ca: {  	[sflag:s14] =	ssyncadd.s32 $0xFFFFF600  }
0x4cb: {  	_ =	swait.ge [sflag:s14], $0xA00  }
0x4cc: {  	[sflag:s14] =	ssyncset.done $0x0  }
0x4cd: {  	[sflag:s14] =	ssyncadd.s32 $0xFFFFF600  }
0x4ce: {  	_ =	swait.ge [sflag:s14], $0xA00  }
0x4cf: {  	[sflag:s14] =	ssyncset.done $0x0  }
0x4d0: {  	s25 =	simm.s32 $0x0;
	[sflag:s14] =	ssyncadd.s32 $0xFFFFF600  }
0x4d1: {  	v0 =	vld [tilespmem:s25+$0x64F0]  }
0x4d2: {  	v1 =	vld [tilespmem:s25+$0x6400]  }
0x4d3: {  	v2 =	vld [tilespmem:s25+$0x6410]  }
0x4d4: {  	v3 =	vld [tilespmem:s25+$0x6420]  }
0x4d5: {  	v4 =	vld [tilespmem:s25+$0x6430]  }
0x4d6: {  	v5 =	vld [tilespmem:s25+$0x6440]  }
0x4d7: {  	v6 =	vld [tilespmem:s25+$0x6450]  }
0x4d8: {  	v7 =	vld [tilespmem:s25+$0x6460]  }
0x4d9: {  	v8 =	vld [tilespmem:s25+$0x6470]  }
0x4da: {  	v9 =	vld [tilespmem:s25+$0x6480]  }
0x4db: {  	v10 =	vld [tilespmem:s25+$0x6490]  }
0x4dc: {  	v11 =	vld [tilespmem:s25+$0x64A0]  }
0x4dd: {  	v12 =	vld [tilespmem:s25+$0x64B0]  }
0x4de: {  	v13 =	vld [tilespmem:s25+$0x64C0]  }
0x4df: {  	v14 =	vld [tilespmem:s25+$0x64D0]  }
0x4e0: {  	[tilespmem:s25+$0x14F0] =	vst.add.f32.msk $0xffff, v0  }
0x4e1: {  	v0 =	vld [tilespmem:s25+$0x64E0]  }
0x4e2: {  	[tilespmem:s25+$0x1400] =	vst.add.f32.msk $0xffff, v1  }
0x4e3: {  	[tilespmem:s25+$0x1410] =	vst.add.f32.msk $0xffff, v2  }
0x4e4: {  	[tilespmem:s25+$0x1420] =	vst.add.f32.msk $0xffff, v3  }
0x4e5: {  	[tilespmem:s25+$0x1430] =	vst.add.f32.msk $0xffff, v4  }
0x4e6: {  	[tilespmem:s25+$0x1440] =	vst.add.f32.msk $0xffff, v5  }
0x4e7: {  	[tilespmem:s25+$0x1450] =	vst.add.f32.msk $0xffff, v6  }
0x4e8: {  	[tilespmem:s25+$0x1460] =	vst.add.f32.msk $0xffff, v7  }
0x4e9: {  	[tilespmem:s25+$0x1470] =	vst.add.f32.msk $0xffff, v8  }
0x4ea: {  	[tilespmem:s25+$0x1480] =	vst.add.f32.msk $0xffff, v9  }
0x4eb: {  	[tilespmem:s25+$0x1490] =	vst.add.f32.msk $0xffff, v10  }
0x4ec: {  	[tilespmem:s25+$0x14A0] =	vst.add.f32.msk $0xffff, v11  }
0x4ed: {  	[tilespmem:s25+$0x14B0] =	vst.add.f32.msk $0xffff, v12  }
0x4ee: {  	s29 =	simm.s32 $0x0;
	[tilespmem:s25+$0x14C0] =	vst.add.f32.msk $0xffff, v13  }
0x4ef: {  	s23 =	simm.s32 $0x1480;
	s21 =	simm.s32 $0x3C80;
	s31 =	simm.s32 $0x400;
	[tilespmem:s25+$0x14D0] =	vst.add.f32.msk $0xffff, v14  }
.LBB2_30:
0x4f0: {  	s29 =	sadd.s32 $0x8, s29;
	[tilespmem:s25+$0x14E0] =	vst.add.f32.msk $0xffff, v0;
	s25 =	sshra.s32 s31, $0x2  }
0x4f1: {  	v0 =	vld [tilespmem:s25+$0x64F0];
	p2 =	slt.u32 s29, $0x138  }
0x4f2: {  	v1 =	vld [tilespmem:s25+$0x6400]  }
0x4f3: {  	v2 =	vld [tilespmem:s25+$0x6410]  }
0x4f4: {  	v3 =	vld [tilespmem:s25+$0x6420]  }
0x4f5: {  	v4 =	vld [tilespmem:s25+$0x6430]  }
0x4f6: {  	[tilespmem:s25+$0x14F0] =	vst.add.f32.msk $0xffff, v0  }
0x4f7: {  	v5 =	vld [tilespmem:s25+$0x6440]  }
0x4f8: {  	v6 =	vld [tilespmem:s25+$0x6450]  }
0x4f9: {  	v7 =	vld [tilespmem:s25+$0x6460]  }
0x4fa: {  	v8 =	vld [tilespmem:s25+$0x6470]  }
0x4fb: {  	v9 =	vld [tilespmem:s25+$0x6480]  }
0x4fc: {  	v10 =	vld [tilespmem:s25+$0x6490]  }
0x4fd: {  	v11 =	vld [tilespmem:s25+$0x64A0]  }
0x4fe: {  	v12 =	vld [tilespmem:s25+$0x64B0]  }
0x4ff: {  	v13 =	vld [tilespmem:s25+$0x64C0]  }
0x500: {  	v14 =	vld [tilespmem:s25+$0x64D0]  }
0x501: {  	v0 =	vld [tilespmem:s25+$0x64E0]  }
0x502: {  	[tilespmem:s25+$0x1400] =	vst.add.f32.msk $0xffff, v1  }
0x503: {  	[tilespmem:s25+$0x1410] =	vst.add.f32.msk $0xffff, v2  }
0x504: {  	[tilespmem:s25+$0x1420] =	vst.add.f32.msk $0xffff, v3  }
0x505: {  	[tilespmem:s25+$0x1430] =	vst.add.f32.msk $0xffff, v4  }
0x506: {  	[tilespmem:s25+$0x1440] =	vst.add.f32.msk $0xffff, v5  }
0x507: {  	[tilespmem:s25+$0x1450] =	vst.add.f32.msk $0xffff, v6  }
0x508: {  	[tilespmem:s25+$0x1460] =	vst.add.f32.msk $0xffff, v7  }
0x509: {  	[tilespmem:s25+$0x1470] =	vst.add.f32.msk $0xffff, v8  }
0x50a: {  	[tilespmem:s25+$0x1480] =	vst.add.f32.msk $0xffff, v9  }
.Ltmp14:
0x50b: {  	[tilespmem:s25+$0x1490] =	vst.add.f32.msk $0xffff, v10;
	(pc) =	sbr.rel @p2 .LBB2_30-.Ltmp14, $4  }
0x50c: {  	[tilespmem:s25+$0x14A0] =	vst.add.f32.msk $0xffff, v11  }
0x50d: {  	[tilespmem:s25+$0x14B0] =	vst.add.f32.msk $0xffff, v12  }
0x50e: {  	[tilespmem:s25+$0x14C0] =	vst.add.f32.msk $0xffff, v13  }
0x50f: {  	s31 =	sadd.s32 $0x400, s31;
	[tilespmem:s25+$0x14D0] =	vst.add.f32.msk $0xffff, v14  }
0x510: {  	[tilespmem:s25+$0x14E0] =	vst.add.f32.msk $0xffff, v0  }
0x511: {  	v0 =	vld [tilespmem:s23+$0x60]  }
0x512: {  	v1 =	vld [tilespmem:s23+$0xFFFFFFA0]  }
0x513: {  	v2 =	vld [tilespmem:$0x8C00]  }
0x514: {  	v3 =	vld [tilespmem:s23+$0xFFFFFFC0]  }
0x515: {  	v4 =	vld [tilespmem:s23+$0xFFFFFFE0]  }
0x516: {  	v5 =	vld [tilespmem:s23+$0x0];
	v0 =	vmul.f32 $6.250000000e-02, v0  }
0x517: {  	v6 =	vld [tilespmem:s23+$0x20];
	v1 =	vmul.f32 $6.250000000e-02, v1  }
0x518: {  	v7 =	vld [tilespmem:s23+$0x40];
	v0 =	vadd.f32 v0, v2  }
0x519: {  	v8 =	vld [tilespmem:s23+$0xFFFFFF80];
	v3 =	vmul.f32 $6.250000000e-02, v3;
	v1 =	vadd.f32 v1, v2  }
0x51a: {  	v4 =	vmul.f32 $6.250000000e-02, v4;
	v0 =	vmax.f32 v0, $0.0e+00  }
0x51b: {  	v5 =	vmul.f32 $6.250000000e-02, v5;
	v3 =	vadd.f32 v3, v2;
	v1 =	vmax.f32 v1, $0.0e+00;
	[tilespmem:s21+$0x60] =	vst v0  }
0x51c: {  	[tilespmem:s21+$0xFFFFFFA0] =	vst v1;
	v0 =	vadd.f32 v4, v2;
	v1 =	vmul.f32 $6.250000000e-02, v6;
	v4 =	vld [tilespmem:s23+$0x70]  }
0x51d: {  	v5 =	vadd.f32 v5, v2;
	v3 =	vmax.f32 v3, $0.0e+00;
	v6 =	vmul.f32 $6.250000000e-02, v7;
	v9 =	vld [tilespmem:s23+$0xFFFFFFB0]  }
0x51e: {  	v7 =	vmul.f32 $6.250000000e-02, v8;
	[tilespmem:s21+$0xFFFFFFC0] =	vst v3;
	v3 =	vld [tilespmem:$0x8C10];
	v0 =	vmax.f32 v0, $0.0e+00;
	v1 =	vadd.f32 v1, v2  }
0x51f: {  	v8 =	vld [tilespmem:s23+$0xFFFFFFD0];
	[tilespmem:s21+$0xFFFFFFE0] =	vst v0;
	v0 =	vmax.f32 v5, $0.0e+00;
	v5 =	vadd.f32 v6, v2  }
0x520: {  	v2 =	vadd.f32 v2, v7;
	v10 =	vld [tilespmem:s23+$0xFFFFFFF0];
	[tilespmem:s21+$0x0] =	vst v0;
	v0 =	vmax.f32 v1, $0.0e+00  }
0x521: {  	v1 =	vld [tilespmem:s23+$0x10];
	[tilespmem:s21+$0x20] =	vst v0;
	v0 =	vmax.f32 v5, $0.0e+00  }
0x522: {  	v2 =	vmax.f32 v2, $0.0e+00;
	v11 =	vld [tilespmem:s23+$0x30];
	[tilespmem:s21+$0x40] =	vst v0  }
0x523: {  	[tilespmem:s21+$0xFFFFFF80] =	vst v2;
	v0 =	vld [tilespmem:s23+$0x50]  }
0x524: {  	v4 =	vmul.f32 $6.250000000e-02, v4;
	v12 =	vld [tilespmem:s23+$0xFFFFFF90]  }
0x525: {  	v7 =	vld [tilespmem:$0x8C10]  }
0x526: {  	v2 =	vmul.f32 $6.250000000e-02, v9;
	v6 =	vld [tilespmem:$0x8C10];
	v4 =	vadd.f32 v3, v4  }
0x527: {  	v5 =	vmul.f32 $6.250000000e-02, v8;
	v9 =	vld [tilespmem:$0x8C10];
	v3 =	vmul.f32 $6.250000000e-02, v10  }
0x528: {  	v8 =	vld [tilespmem:$0x8C10];
	v10 =	vmax.f32 v4, $0.0e+00;
	v4 =	vmul.f32 $6.250000000e-02, v1;
	v1 =	vmul.f32 $6.250000000e-02, v11  }
0x529: {  	s25 =	simm.s32 $0x0;
	s29 =	simm.s32 $0x1580;
	s23 =	simm.s32 $0x3C80;
	[tilespmem:s21+$0x70] =	vst v10;
	v10 =	vld [tilespmem:$0x8C10];
	v0 =	vmul.f32 $6.250000000e-02, v0;
	v11 =	vmul.f32 $6.250000000e-02, v12  }
.LBB2_32:
0x52a: {  	v12 =	vld [tilespmem:s29+$0x60];
	s25 =	sadd.s32 $0x8, s25  }
0x52b: {  	v13 =	vld [tilespmem:s29+$0xFFFFFFA0];
	p2 =	slt.u32 s25, $0x138;
	v6 =	vadd.f32 v6, v11;
	v2 =	vadd.f32 v7, v2  }
0x52c: {  	v7 =	vld [tilespmem:$0x8C00];
	v5 =	vadd.f32 v9, v5  }
0x52d: {  	v9 =	vld [tilespmem:s29+$0xFFFFFFC0];
	v6 =	vmax.f32 v6, $0.0e+00;
	v2 =	vmax.f32 v2, $0.0e+00;
	v3 =	vadd.f32 v8, v3  }
0x52e: {  	v8 =	vld [tilespmem:s29+$0xFFFFFFE0];
	[tilespmem:s21+$0xFFFFFF90] =	vst v6;
	v5 =	vmax.f32 v5, $0.0e+00;
	v4 =	vadd.f32 v10, v4  }
0x52f: {  	v6 =	vld [tilespmem:s29+$0x0];
	v10 =	vmul.f32 $6.250000000e-02, v12;
	[tilespmem:s21+$0xFFFFFFB0] =	vst v2;
	v2 =	vmax.f32 v3, $0.0e+00  }
0x530: {  	v3 =	vmul.f32 $6.250000000e-02, v13;
	v11 =	vld [tilespmem:s29+$0x20];
	[tilespmem:s21+$0xFFFFFFD0] =	vst v5;
	v4 =	vmax.f32 v4, $0.0e+00  }
0x531: {  	v5 =	vld [tilespmem:s29+$0x40];
	v10 =	vadd.f32 v10, v7;
	[tilespmem:s21+$0xFFFFFFF0] =	vst v2  }
0x532: {  	v2 =	vld [tilespmem:s29+$0xFFFFFF80];
	v3 =	vadd.f32 v3, v7;
	v9 =	vmul.f32 $6.250000000e-02, v9;
	[tilespmem:s21+$0x10] =	vst v4  }
0x533: {  	s21 =	sadd.s32 $0x100, s21;
	v4 =	vmul.f32 $6.250000000e-02, v8;
	v8 =	vmax.f32 v10, $0.0e+00;
	v10 =	vld [tilespmem:$0x8C10]  }
0x534: {  	v3 =	vmax.f32 v3, $0.0e+00;
	v9 =	vadd.f32 v9, v7;
	v6 =	vmul.f32 $6.250000000e-02, v6;
	[tilespmem:s21+$0x60] =	vst v8;
	v8 =	vld [tilespmem:$0x8C10]  }
0x535: {  	[tilespmem:s21+$0xFFFFFFA0] =	vst v3;
	v3 =	vadd.f32 v4, v7;
	v4 =	vmul.f32 $6.250000000e-02, v11;
	v11 =	vld [tilespmem:s29+$0x70]  }
0x536: {  	v12 =	vld [tilespmem:s29+$0xFFFFFFB0];
	v9 =	vmax.f32 v9, $0.0e+00;
	v6 =	vadd.f32 v6, v7;
	v5 =	vmul.f32 $6.250000000e-02, v5  }
0x537: {  	v2 =	vmul.f32 $6.250000000e-02, v2;
	[tilespmem:s21+$0xFFFFFFC0] =	vst v9;
	v3 =	vmax.f32 v3, $0.0e+00;
	v4 =	vadd.f32 v4, v7;
	v9 =	vld [tilespmem:$0x8C10]  }
0x538: {  	v13 =	vld [tilespmem:s29+$0xFFFFFFD0];
	[tilespmem:s21+$0xFFFFFFE0] =	vst v3;
	v3 =	vmax.f32 v6, $0.0e+00;
	v5 =	vadd.f32 v5, v7;
	v1 =	vadd.f32 v10, v1  }
0x539: {  	v2 =	vadd.f32 v7, v2;
	v7 =	vld [tilespmem:s29+$0xFFFFFFF0];
	[tilespmem:s21+$0x0] =	vst v3;
	v3 =	vmax.f32 v4, $0.0e+00;
	v0 =	vadd.f32 v8, v0  }
0x53a: {  	v4 =	vld [tilespmem:s29+$0x10];
	[tilespmem:s21+$0x20] =	vst v3;
	v3 =	vmax.f32 v5, $0.0e+00;
	v5 =	vmul.f32 $6.250000000e-02, v11;
	v1 =	vmax.f32 v1, $0.0e+00  }
0x53b: {  	v6 =	vmax.f32 v2, $0.0e+00;
	v2 =	vmul.f32 $6.250000000e-02, v12;
	v8 =	vld [tilespmem:s29+$0x30];
	[tilespmem:s21+$0x40] =	vst v3;
	v0 =	vmax.f32 v0, $0.0e+00  }
0x53c: {  	[tilespmem:s21+$0xFFFFFF80] =	vst v6;
	v10 =	vld [tilespmem:s29+$0x50];
	v9 =	vadd.f32 v9, v5  }
0x53d: {  	v11 =	vld [tilespmem:s29+$0xFFFFFF90];
	v5 =	vmul.f32 $6.250000000e-02, v13;
	[tilespmem:s23+$0x30] =	vst v1  }
.Ltmp15:
0x53e: {  	v6 =	vld [tilespmem:$0x8C10];
	v3 =	vmul.f32 $6.250000000e-02, v7;
	v1 =	vmax.f32 v9, $0.0e+00;
	[tilespmem:s23+$0x50] =	vst v0;
	s23 =	smov.u32 s21;
	(pc) =	sbr.rel @p2 .LBB2_32-.Ltmp15, $4  }
0x53f: {  	v7 =	vld [tilespmem:$0x8C10];
	v4 =	vmul.f32 $6.250000000e-02, v4;
	[tilespmem:s21+$0x70] =	vst v1  }
0x540: {  	v9 =	vld [tilespmem:$0x8C10];
	v1 =	vmul.f32 $6.250000000e-02, v8  }
0x541: {  	v8 =	vld [tilespmem:$0x8C10];
	v0 =	vmul.f32 $6.250000000e-02, v10  }
0x542: {  	s29 =	sadd.s32 $0x100, s29;
	v11 =	vmul.f32 $6.250000000e-02, v11;
	v10 =	vld [tilespmem:$0x8C10]  }
0x543: {  	_ = 	snop  }
0x544: {  	v60 =	vld [tilespmem:$0x8C10];
	v6 =	vadd.f32 v6, v11  }
0x545: {  	v61 =	vld [tilespmem:$0x8C10];
	v2 =	vadd.f32 v7, v2  }
0x546: {  	v5 =	vadd.f32 v9, v5;
	v6 =	vmax.f32 v6, $0.0e+00  }
0x547: {  	v2 =	vmax.f32 v2, $0.0e+00;
	v3 =	vadd.f32 v8, v3;
	[tilespmem:s21+$0xFFFFFF90] =	vst v6  }
0x548: {  	v5 =	vmax.f32 v5, $0.0e+00;
	v4 =	vadd.f32 v10, v4;
	[tilespmem:s21+$0xFFFFFFB0] =	vst v2  }
0x549: {  	v62 =	vmax.f32 v3, $0.0e+00;
	[tilespmem:s21+$0xFFFFFFD0] =	vst v5;
	v1 =	vadd.f32 v60, v1  }
0x54a: {  	v0 =	vadd.f32 v61, v0;
	v63 =	vmax.f32 v4, $0.0e+00;
	[tilespmem:s21+$0xFFFFFFF0] =	vst v62  }
0x54b: {  	[tilespmem:s21+$0x10] =	vst v63;
	v1 =	vmax.f32 v1, $0.0e+00  }
0x54c: {  	v0 =	vmax.f32 v0, $0.0e+00;
	[tilespmem:s23+$0x30] =	vst v1  }
0x54d: {  	s21 =	simm.s32 @p1 $0x0;
	[tilespmem:s23+$0x50] =	vst v0;
	s23 =	simm.s32 @p1 $0x3C00  }
0x54e: {  	[hbm4b:s7+s21] =	stream.linear.scatter @p1 [tilespmem:s23], [sflag:$0x3], $0xA00, $0x38;
	[tilespmem:$0xDA40] =	vst v63  }
0x54f: {  	s21 =	simm.s32 @p1 $0x3  }
0x550: {  	s19 =	sadd.s32 $0x1, s19;
	_ =	swait.ge @p1 [sflag:s21], $0xA00  }
0x551: {  	p2 =	sne.s32 s19, s8;
	[sflag:s21] =	ssyncset.done @p1 $0x0  }
0x552: {  	s23 =	simm.s32 @!p1 $0x3C00;
	[sflag:s21] =	ssyncadd.s32 @p1 $0xFFFFF600;
	s21 =	simm.s32 @!p1 $0x0  }
0x553: {  	[hbm4b:s6+s21] =	stream.linear.scatter @!p1 [tilespmem:s23], [sflag:$0x3], $0x2800, $0x38;
	[tilespmem:$0xDA40] =	vst v63  }
.Ltmp16:
0x554: {  	_ = 	snop;
	(pc) =	sbr.rel @p2 .LBB2_1-.Ltmp16, $4  }
0x555: {  	s21 =	simm.s32 @!p1 $0x3  }
0x556: {  	_ =	swait.ge @!p1 [sflag:s21], $0x2800  }
0x557: {  	[sflag:s21] =	ssyncset.done @!p1 $0x0  }
0x558: {  	[sflag:s21] =	ssyncadd.s32 @!p1 $0xFFFFD800  }
0x559: {  	_ =	sfence.sel $0x180000  }
0x55a: {  	[bflag:$0x0] =	sbarrier.arrive $0xFFFF  }
0x55b: {  	_ =	strace $0x90000047  }
0x55c: {  	[bflag:$0x2] =	sbarrier.arrive $0xFFFF  }
0x55d: {  	s0 =	rddreg [dreg:$0x4]  }
0x55e: {  	s0 =	sadd.s32 @!p0 $0x100000, s0  }
0x55f: {  	[sflag:s0] =	ssyncadd.tile.s32 @!p0 $0x1;
	_ =	shalt  }
.Lfunc_end2:
_tile_overlayer_lowered:
.L_overlay_start_2:
0x560: {  	(tag) =	ssettag $0x2  }
0x561: {  	s0 =	rddreg [dreg:$0x0];
	s2 =	stileid.u32  }
0x562: {  	s1 =	rddreg [dreg:$0x1];
	p0 =	sne.s32 s2, $0x0  }
0x563: {  	s3 =	rddreg [dreg:$0x2];
	[bflag:$0x3] =	sbarrier.arrive $0xFFFF;
	s2 =	simm.s32 @!p0 $0x1C03  }
0x564: {  	[timem:s3], [sflag:s2] =	dma.local @!p0 [hbm:s0], s1  }
0x565: {  	s0 =	simm.s32 @!p0 $0x3  }
0x566: {  	_ =	swait.ge @!p0 [sflag:s0], s1  }
0x567: {  	s1 =	ssub.s32 @!p0 $0x0, s1;
	[sflag:s0] =	ssyncset.done @!p0 $0x0  }
0x568: {  	[sflag:s0] =	ssyncadd.s32 @!p0 s1  }
0x569: {  	[bflag:$0x3] =	sbarrier.arrive $0xFFFF  }
0x56a: {  	_ =	shalt  }

</sc_bundles>
